<compile_context>
chip_gen: v7x
topology: tpu7x:2x2x1
jax: 0.10.2.dev20260603
libtpu: 0.0.44.dev20260713+nightly
codegen_flags: <defaults>
</compile_context>

<pallas_src>
import jax
import jax.numpy as jnp
from jax import lax
from jax.experimental import pallas as pl
from jax.experimental.pallas import tpu as pltpu
from jax.experimental.pallas import tpu_sc as plsc

N = 10000
NP = 10240
D = 128
DW = 128
NC = 2
NS = 16
NW = NC * NS
CH = 128
CPWH0 = 56
CPWH1 = 23
HMAX = CPWH0
CPW = 80
CHD = 128
E_PAD = NS * 2 * (CPWH0 + CPWH1) * CH
ACCR = 10112
ARS = ACCR // NS

_MESH = plsc.VectorSubcoreMesh(core_axis_name="c", subcore_axis_name="s")


def _agg_body(h_hbm, src_hbm, dst_hbm, agg_out, src_v, dst_v, rows0, rows1,
              acc, gsem0, gsem1, ssem0, ssem1):
  c = lax.axis_index("c")
  s = lax.axis_index("s")
  w = s * NC + c
  z16 = jnp.zeros((16,), jnp.float32)

  def zero_rows(k, carry):
    rows0[k // 8, pl.ds((k % 8) * 16, 16)] = z16
    return carry
  lax.fori_loop(0, CH * 8, zero_rows, 0)
  for k in range(-(-ARS // CH)):
    nr = min(CH, ARS - k * CH)
    pltpu.sync_copy(rows0.at[pl.ds(0, nr)],
                    acc.at[pl.ds(s * ARS + k * CH, nr)])
  plsc.subcore_barrier()

  def run_pipelined():
    for half in range(2):
      pltpu.sync_copy(src_hbm.at[w, half], src_v)
      pltpu.sync_copy(dst_hbm.at[w, half], dst_v)
      pltpu.async_copy(h_hbm.at[src_v.at[0]], rows0, gsem0)
      pltpu.async_copy(h_hbm.at[src_v.at[1]], rows1, gsem1)

      def pair(j, carry):
        i0 = 2 * j
        i1 = i0 + 1
        pltpu.make_async_copy(h_hbm.at[src_v.at[i0]], rows0, gsem0).wait()
        pltpu.async_copy(rows0, acc.at[dst_v.at[i0]], ssem0, add=True)
        pltpu.make_async_copy(h_hbm.at[src_v.at[i1]], rows1, gsem1).wait()
        pltpu.async_copy(rows1, acc.at[dst_v.at[i1]], ssem1, add=True)
        pltpu.make_async_copy(rows0, acc.at[dst_v.at[i0]], ssem0).wait()
        pltpu.async_copy(h_hbm.at[src_v.at[i0 + 2]], rows0, gsem0)
        pltpu.make_async_copy(rows1, acc.at[dst_v.at[i1]], ssem1).wait()
        pltpu.async_copy(h_hbm.at[src_v.at[i1 + 2]], rows1, gsem1)
        return carry
      lax.fori_loop(0, CPWH0 // 2 - 1, pair, 0)

      pltpu.make_async_copy(h_hbm.at[src_v.at[CPWH0 - 2]], rows0,
                            gsem0).wait()
      pltpu.async_copy(rows0, acc.at[dst_v.at[CPWH0 - 2]], ssem0, add=True)
      pltpu.make_async_copy(h_hbm.at[src_v.at[CPWH0 - 1]], rows1,
                            gsem1).wait()
      pltpu.async_copy(rows1, acc.at[dst_v.at[CPWH0 - 1]], ssem1, add=True)
      pltpu.make_async_copy(rows0, acc.at[dst_v.at[CPWH0 - 2]], ssem0).wait()
      pltpu.make_async_copy(rows1, acc.at[dst_v.at[CPWH0 - 1]], ssem1).wait()
    return 0

  def run_serial():
    for half in range(2):
      pltpu.sync_copy(src_hbm.at[w, half], src_v)
      pltpu.sync_copy(dst_hbm.at[w, half], dst_v)

      def step(i, carry):
        pltpu.async_copy(h_hbm.at[src_v.at[i]], rows0, gsem0).wait()
        pltpu.sync_copy(rows0, acc.at[dst_v.at[i]], add=True)
        return carry
      lax.fori_loop(0, CPWH1, step, 0)
    return 0

  lax.cond(c == 0, run_pipelined, run_serial)

  plsc.subcore_barrier()
  pltpu.sync_copy(acc.at[pl.ds(s * ARS, ARS)],
                  agg_out.at[c, pl.ds(s * ARS, ARS)])


_agg = pl.kernel(
    _agg_body,
    out_type=[jax.ShapeDtypeStruct((NC, NP, D), jnp.float32)],
    mesh=_MESH,
    scratch_types=[
        pltpu.VMEM((HMAX, CH), jnp.int32),
        pltpu.VMEM((HMAX, CH), jnp.int32),
        pltpu.VMEM((CH, D), jnp.float32),
        pltpu.VMEM((CH, D), jnp.float32),
        pltpu.VMEM_SHARED((ACCR, D), jnp.float32),
        pltpu.SemaphoreType.DMA,
        pltpu.SemaphoreType.DMA,
        pltpu.SemaphoreType.DMA,
        pltpu.SemaphoreType.DMA,
    ],
)


def _deg_body(dst_hbm, deg_out, dst_v, ones_v, dacc, ssem0, ssem1):
  c = lax.axis_index("c")
  s = lax.axis_index("s")
  w = s * NC + c
  z16 = jnp.zeros((16,), jnp.float32)
  o16 = jnp.ones((16,), jnp.float32)

  def zero_ones(k, carry):
    ones_v[k // 8, pl.ds((k % 8) * 16, 16)] = z16
    return carry
  lax.fori_loop(0, CHD * (DW // 16), zero_ones, 0)
  for k in range(-(-ARS // CHD)):
    nr = min(CHD, ARS - k * CHD)
    pltpu.sync_copy(ones_v.at[pl.ds(0, nr)],
                    dacc.at[pl.ds(s * ARS + k * CHD, nr)])

  def fill_ones(k, carry):
    ones_v[k // 8, pl.ds((k % 8) * 16, 16)] = o16
    return carry
  lax.fori_loop(0, CHD * (DW // 16), fill_ones, 0)

  pltpu.sync_copy(dst_hbm.at[w], dst_v)
  plsc.subcore_barrier()

  pltpu.async_copy(ones_v, dacc.at[dst_v.at[0]], ssem0, add=True)
  pltpu.async_copy(ones_v, dacc.at[dst_v.at[1]], ssem1, add=True)

  def pair(j, carry):
    i0 = 2 * j
    pltpu.make_async_copy(ones_v, dacc.at[dst_v.at[i0]], ssem0).wait()
    pltpu.async_copy(ones_v, dacc.at[dst_v.at[i0 + 2]], ssem0, add=True)
    pltpu.make_async_copy(ones_v, dacc.at[dst_v.at[i0 + 1]], ssem1).wait()
    pltpu.async_copy(ones_v, dacc.at[dst_v.at[i0 + 3]], ssem1, add=True)
    return carry
  lax.fori_loop(0, CPW // 2 - 1, pair, 0)
  pltpu.make_async_copy(ones_v, dacc.at[dst_v.at[CPW - 2]], ssem0).wait()
  pltpu.make_async_copy(ones_v, dacc.at[dst_v.at[CPW - 1]], ssem1).wait()

  plsc.subcore_barrier()
  pltpu.sync_copy(dacc.at[pl.ds(s * ARS, ARS)],
                  deg_out.at[c, pl.ds(s * ARS, ARS)])


_deg = pl.kernel(
    _deg_body,
    out_type=[jax.ShapeDtypeStruct((NC, NP, DW), jnp.float32)],
    mesh=_MESH,
    scratch_types=[
        pltpu.VMEM((CPW, CHD), jnp.int32),
        pltpu.VMEM((CHD, DW), jnp.float32),
        pltpu.VMEM_SHARED((ACCR, DW), jnp.float32),
        pltpu.SemaphoreType.DMA,
        pltpu.SemaphoreType.DMA,
    ],
)

BR = 2048


def _dense_body(h, pp, dp, ws, wn, bb, gg, be, out):
  deg = dp[0, :, 0] + dp[1, :, 0] + 1.0
  agg = (pp[0] + pp[1] + h[...]) / deg[:, None]
  y = (jnp.dot(h[...], ws[...], preferred_element_type=jnp.float32)
       + jnp.dot(agg, wn[...], preferred_element_type=jnp.float32)
       + bb[...])
  mu = jnp.mean(y, axis=-1, keepdims=True)
  yc = y - mu
  var = jnp.mean(yc * yc, axis=-1, keepdims=True)
  yn = yc * lax.rsqrt(var + 1e-5) * gg[...] + be[...]
  out[...] = jnp.where(yn > 0, yn, jnp.exp(jnp.minimum(yn, 0.0)) - 1.0)


_dense = pl.pallas_call(
    _dense_body,
    grid=(NP // BR,),
    in_specs=[
        pl.BlockSpec((BR, D), lambda r: (r, 0)),
        pl.BlockSpec((NC, BR, D), lambda r: (0, r, 0)),
        pl.BlockSpec((NC, BR, DW), lambda r: (0, r, 0)),
        pl.BlockSpec((D, D), lambda r: (0, 0)),
        pl.BlockSpec((D, D), lambda r: (0, 0)),
        pl.BlockSpec((1, D), lambda r: (0, 0)),
        pl.BlockSpec((1, D), lambda r: (0, 0)),
        pl.BlockSpec((1, D), lambda r: (0, 0)),
    ],
    out_specs=pl.BlockSpec((BR, D), lambda r: (r, 0)),
    out_shape=jax.ShapeDtypeStruct((NP, D), jnp.float32),
)


def kernel(x, edge_index, W_self0, W_nbr0, b0, gamma0, beta0,
           W_self1, W_nbr1, b1, gamma1, beta1,
           W_self2, W_nbr2, b2, gamma2, beta2):
  e = edge_index.shape[1]
  pad = E_PAD - e
  src = jnp.concatenate([edge_index[0], jnp.zeros((pad,), jnp.int32)])
  dst = jnp.concatenate([edge_index[1], jnp.full((pad,), N, jnp.int32)])
  pad_deg = NW * CPW * CHD - e
  dstp_flat = jnp.concatenate(
      [edge_index[1], jnp.full((pad_deg,), N, jnp.int32)]).reshape(NW, CPW, CHD)

  e0 = NS * 2 * CPWH0 * CH

  def _slabs(a):
    a0 = a[:e0].reshape(NS, 1, 2, CPWH0, CH)
    a1 = a[e0:].reshape(NS, 1, 2, CPWH1, CH)
    a1 = jnp.pad(a1, ((0, 0), (0, 0), (0, 0), (0, HMAX - CPWH1), (0, 0)))
    return jnp.concatenate([a0, a1], axis=1).reshape(NW, 2, HMAX, CH)

  srcp = _slabs(src)
  dstp = _slabs(dst)

  params = [(W_self0, W_nbr0, b0, gamma0, beta0),
            (W_self1, W_nbr1, b1, gamma1, beta1),
            (W_self2, W_nbr2, b2, gamma2, beta2)]

  h = jnp.pad(x, ((0, NP - N), (0, 0)))
  (dp,) = _deg(dstp_flat)
  for ws, wn, bb, gg, be in params:
    (parts,) = _agg(h, srcp, dstp)
    h = _dense(h, parts, dp, ws, wn,
               bb.reshape(1, D), gg.reshape(1, D), be.reshape(1, D))
  return h[:N]

# --- scband reference (transcript-rebuilt; emitter-appended) ---
"""Pipeline reference for scband-multi-scale-hgpsl-9208409883079 (READ-ONLY COPY).

The authoritative reference and input builder live on the scoring server;
editing this copy changes nothing except your own understanding.
"""

import jax, jax.numpy as jnp
import numpy as np

N = 10000
E = 320000
D = 128
L = 3

def _layer_norm(h, g, b):
    m = jnp.mean(h, axis=-1, keepdims=True)
    v = jnp.var(h, axis=-1, keepdims=True)
    return (h - m) / jnp.sqrt(v + 1e-5) * g + b

def setup_inputs(seed: int = 0) -> dict:
    key = jax.random.key(seed)
    inp = {}
    inp['x'] = jax.random.normal(jax.random.fold_in(key, 0), (N, D), dtype=jnp.float32)
    inp['edge_index'] = jax.random.randint(jax.random.fold_in(key, 1), (2, E), 0, N, dtype=jnp.int32)
    for l in range(L):
        inp['W_self%d' % l] = jax.random.normal(jax.random.fold_in(key, 10 + 3 * l), (D, D), dtype=jnp.float32) * (1.0 / np.sqrt(D))
        inp['W_nbr%d' % l] = jax.random.normal(jax.random.fold_in(key, 11 + 3 * l), (D, D), dtype=jnp.float32) * (1.0 / np.sqrt(D))
        inp['b%d' % l] = jnp.zeros((D,), dtype=jnp.float32)
        inp['gamma%d' % l] = jnp.ones((D,), dtype=jnp.float32)
        inp['beta%d' % l] = jnp.zeros((D,), dtype=jnp.float32)
    return inp

def _forward(x, edge_index, params):
    src = edge_index[0]
    dst = edge_index[1]
    n = x.shape[0]
    # self-loop contributes 1 to each node's degree (dgl.add_self_loop in original)
    deg = jnp.zeros((n,), dtype=x.dtype).at[dst].add(1.0) + 1.0
    h = x
    for (W_self, W_nbr, b, g, be) in params:
        msg = jnp.take(h, src, axis=0)
        agg = jnp.zeros_like(h).at[dst].add(msg)
        agg = (agg + h) / deg[:, None]
        h = h @ W_self + agg @ W_nbr + b
        h = _layer_norm(h, g, be)
        h = jax.nn.elu(h)
    return h

def reference(x, edge_index, W_self0, W_nbr0, b0, gamma0, beta0, W_self1, W_nbr1, b1, gamma1, beta1, W_self2, W_nbr2, b2, gamma2, beta2):
    params = [(W_self0, W_nbr0, b0, gamma0, beta0),
              (W_self1, W_nbr1, b1, gamma1, beta1),
              (W_self2, W_nbr2, b2, gamma2, beta2)]
    return _forward(x, edge_index, params)

if __name__ == "__main__":
    import jax
    _d = setup_inputs()
    print(jax.jit(kernel)(*tuple(_d.values())))

</pallas_src>

<mosaic_0001>
#map = affine_map<(d0, d1) -> (0, 0, 0)>
module attributes {stable_mosaic.version = 14 : i64} {
  func.func @_deg_body(%arg0: i32, %arg1: i32, %arg2: memref<32x80x128xi32, #tpu.memory_space<hbm>>, %arg3: memref<2x10240x128xf32, #tpu.memory_space<hbm>>, %arg4: memref<80x128xi32, #tpu.memory_space<vmem>>, %arg5: memref<128x128xf32, #tpu.memory_space<vmem>>, %arg6: memref<10112x128xf32, #tpu.memory_space<vmem_shared>>, %arg7: memref<!tpu.dma_semaphore, #tpu.memory_space<semaphore_mem>>, %arg8: memref<!tpu.dma_semaphore, #tpu.memory_space<semaphore_mem>>) attributes {dimension_semantics = [#tpu.dimension_semantics<core_parallel>, #tpu.dimension_semantics<subcore_parallel>], iteration_bounds = array<i64: 2, 16>, scalar_prefetch = 0 : i64, scratch_operands = 5 : i64, tpu.core_type = #tpu.core_type<sc_vector_subcore>, window_params = [{transform_indices = #map}, {transform_indices = #map}]} {
    %mul3A = arith.constant 2 : i32
    %mul3A_0 = arith.muli %arg1, %mul3A : i32
    %add3A = arith.addi %mul3A_0, %arg0 : i32
    %broadcast_in_dim3A = arith.constant 0.000000e+00 : f32
    %broadcast_in_dim3A_1 = vector.broadcast %broadcast_in_dim3A : f32 to vector<16xf32>
    %broadcast_in_dim3A_2 = arith.constant 1.000000e+00 : f32
    %broadcast_in_dim3A_3 = vector.broadcast %broadcast_in_dim3A_2 : f32 to vector<16xf32>
    %scan3A = arith.constant 0 : i32
    %scan3A_4 = arith.constant 0 : i32
    %scan3A_5 = arith.constant 1024 : i32
    %scan3A_6 = arith.addi %scan3A_4, %scan3A_5 : i32
    %scan3A_7 = arith.constant 1 : i32
    scf.for %scan3A_72 = %scan3A_4 to %scan3A_6 step %scan3A_7  : i32 {
      %jit3A = arith.constant 8 : i32
      %div3A = arith.divsi %scan3A_72, %jit3A : i32
      %sign3A = arith.constant 0 : i32
      %sign3A_73 = arith.cmpi sgt, %scan3A_72, %sign3A : i32
      %sign3A_74 = arith.extui %sign3A_73 : i1 to i32
      %sign3A_75 = arith.constant 0 : i32
      %sign3A_76 = arith.cmpi slt, %scan3A_72, %sign3A_75 : i32
      %sign3A_77 = arith.extui %sign3A_76 : i1 to i32
      %sign3A_78 = arith.subi %sign3A_74, %sign3A_77 : i32
      %sign3A_79 = arith.constant 0 : i32
      %sign3A_80 = arith.cmpi sgt, %jit3A, %sign3A_79 : i32
      %sign3A_81 = arith.extui %sign3A_80 : i1 to i32
      %sign3A_82 = arith.constant 0 : i32
      %sign3A_83 = arith.cmpi slt, %jit3A, %sign3A_82 : i32
      %sign3A_84 = arith.extui %sign3A_83 : i1 to i32
      %sign3A_85 = arith.subi %sign3A_81, %sign3A_84 : i32
      %ne3A = arith.cmpi ne, %sign3A_78, %sign3A_85 : i32
      %rem3A = arith.remsi %scan3A_72, %jit3A : i32
      %ne3A_86 = arith.constant 0 : i32
      %ne3A_87 = arith.cmpi ne, %rem3A, %ne3A_86 : i32
      %and3A = arith.andi %ne3A, %ne3A_87 : i1
      %sub3A = arith.constant 1 : i32
      %sub3A_88 = arith.subi %div3A, %sub3A : i32
      %select_n3A = arith.select %and3A, %sub3A_88, %div3A : i32
      %jit3A_89 = arith.constant 8 : i32
      %eq3A = arith.constant 0 : i32
      %eq3A_90 = arith.cmpi eq, %jit3A_89, %eq3A : i32
      %jit3A_91 = arith.constant 1 : i32
      %select_n3A_92 = arith.select %eq3A_90, %jit3A_91, %jit3A_89 : i32
      %rem3A_93 = arith.remsi %scan3A_72, %select_n3A_92 : i32
      %ne3A_94 = arith.constant 0 : i32
      %ne3A_95 = arith.cmpi ne, %rem3A_93, %ne3A_94 : i32
      %lt3A = arith.constant 0 : i32
      %lt3A_96 = arith.cmpi slt, %rem3A_93, %lt3A : i32
      %lt3A_97 = arith.constant 0 : i32
      %lt3A_98 = arith.cmpi slt, %select_n3A_92, %lt3A_97 : i32
      %ne3A_99 = arith.xori %lt3A_96, %lt3A_98 : i1
      %and3A_100 = arith.andi %ne3A_99, %ne3A_95 : i1
      %add3A_101 = arith.addi %rem3A_93, %select_n3A_92 : i32
      %select_n3A_102 = arith.select %and3A_100, %add3A_101, %rem3A_93 : i32
      %mul3A_103 = arith.constant 16 : i32
      %mul3A_104 = arith.muli %select_n3A_102, %mul3A_103 : i32
      %swap3A = arith.index_cast %select_n3A : i32 to index
      %swap3A_105 = arith.index_cast %mul3A_104 : i32 to index
      %swap3A_106 = tpu.vector_load %arg5[%swap3A, %swap3A_105] {strides = array<i32>} : memref<128x128xf32, #tpu.memory_space<vmem>>, vector<1x16xf32>,
      %swap3A_107 = vector.shape_cast %swap3A_106 : vector<1x16xf32> to vector<16xf32>
      %swap3A_108 = vector.shape_cast %broadcast_in_dim3A_1 : vector<16xf32> to vector<1x16xf32>
      tpu.vector_store %arg5[%swap3A, %swap3A_105], %swap3A_108 {strides = array<i32>} : memref<128x128xf32, #tpu.memory_space<vmem>>, vector<1x16xf32>,
    }
    %scan3A_8 = arith.constant 1024 : i32
    %mul3A_9 = arith.constant 632 : i32
    %mul3A_10 = arith.muli %arg1, %mul3A_9 : i32
    %add3A_11 = arith.constant 0 : i32
    %add3A_12 = arith.addi %mul3A_10, %add3A_11 : i32
    "tpu.region"() ({
      %run_scoped3A = tpu.sem_alloc : memref<!tpu.dma_semaphore, #tpu.memory_space<semaphore_mem>>
      %dma_start3A_72 = arith.constant 0 : i32
      %dma_start3A_73 = arith.constant 0 : i32
      %dma_start3A_74 = tpu.memref_slice %arg5[%dma_start3A_72, %dma_start3A_73] : memref<128x128xf32, #tpu.memory_space<vmem>> -> memref<128x128xf32, #tpu.memory_space<vmem>>
      %dma_start3A_75 = arith.constant 0 : i32
      %dma_start3A_76 = tpu.memref_slice %arg6[%add3A_12, %dma_start3A_75] : memref<10112x128xf32, #tpu.memory_space<vmem_shared>> -> memref<128x128xf32, #tpu.memory_space<vmem_shared>>
      %dma_start3A_77 = arith.constant 0 : i32
      %dma_start3A_78 = tpu.memref_slice %arg6[%add3A_12, %dma_start3A_77] : memref<10112x128xf32, #tpu.memory_space<vmem_shared>> -> memref<128x128xf32, #tpu.memory_space<vmem_shared>>
      %dma_start3A_79 = arith.constant 0 : i32
      %dma_start3A_80 = arith.constant 0 : i32
      %dma_start3A_81 = tpu.memref_slice %arg5[%dma_start3A_79, %dma_start3A_80] : memref<128x128xf32, #tpu.memory_space<vmem>> -> memref<128x128xf32, #tpu.memory_space<vmem>>
      tpu.enqueue_dma source(%dma_start3A_81 : memref<128x128xf32, #tpu.memory_space<vmem>>) target(%dma_start3A_78 : memref<128x128xf32, #tpu.memory_space<vmem_shared>>) target_semaphore(%run_scoped3A : memref<!tpu.dma_semaphore, #tpu.memory_space<semaphore_mem>>)
      %dma_wait3A_82 = arith.constant 0 : i32
      %dma_wait3A_83 = arith.constant 0 : i32
      %dma_wait3A_84 = tpu.memref_slice %arg5[%dma_wait3A_82, %dma_wait3A_83] : memref<128x128xf32, #tpu.memory_space<vmem>> -> memref<128x128xf32, #tpu.memory_space<vmem>>
      %dma_wait3A_85 = arith.constant 0 : i32
      %dma_wait3A_86 = tpu.memref_slice %arg6[%add3A_12, %dma_wait3A_85] : memref<10112x128xf32, #tpu.memory_space<vmem_shared>> -> memref<128x128xf32, #tpu.memory_space<vmem_shared>>
      %dma_wait3A_87 = arith.constant 0 : i32
      %dma_wait3A_88 = tpu.memref_slice %arg6[%add3A_12, %dma_wait3A_87] : memref<10112x128xf32, #tpu.memory_space<vmem_shared>> -> memref<128x128xf32, #tpu.memory_space<vmem_shared>>
      %dma_wait3A_89 = arith.constant 0 : i32
      %dma_wait3A_90 = arith.constant 0 : i32
      %dma_wait3A_91 = tpu.memref_slice %arg5[%dma_wait3A_89, %dma_wait3A_90] : memref<128x128xf32, #tpu.memory_space<vmem>> -> memref<128x128xf32, #tpu.memory_space<vmem>>
      tpu.wait_dma2 semaphore(%run_scoped3A : memref<!tpu.dma_semaphore, #tpu.memory_space<semaphore_mem>>) src(%dma_wait3A_91 : memref<128x128xf32, #tpu.memory_space<vmem>>) dst(%dma_wait3A_88 : memref<128x128xf32, #tpu.memory_space<vmem_shared>>)
      tpu.yield
    }) : () -> ()
    %mul3A_13 = arith.constant 632 : i32
    %mul3A_14 = arith.muli %arg1, %mul3A_13 : i32
    %add3A_15 = arith.constant 128 : i32
    %add3A_16 = arith.addi %mul3A_14, %add3A_15 : i32
    "tpu.region"() ({
      %run_scoped3A = tpu.sem_alloc : memref<!tpu.dma_semaphore, #tpu.memory_space<semaphore_mem>>
      %dma_start3A_72 = arith.constant 0 : i32
      %dma_start3A_73 = arith.constant 0 : i32
      %dma_start3A_74 = tpu.memref_slice %arg5[%dma_start3A_72, %dma_start3A_73] : memref<128x128xf32, #tpu.memory_space<vmem>> -> memref<128x128xf32, #tpu.memory_space<vmem>>
      %dma_start3A_75 = arith.constant 0 : i32
      %dma_start3A_76 = tpu.memref_slice %arg6[%add3A_16, %dma_start3A_75] : memref<10112x128xf32, #tpu.memory_space<vmem_shared>> -> memref<128x128xf32, #tpu.memory_space<vmem_shared>>
      %dma_start3A_77 = arith.constant 0 : i32
      %dma_start3A_78 = tpu.memref_slice %arg6[%add3A_16, %dma_start3A_77] : memref<10112x128xf32, #tpu.memory_space<vmem_shared>> -> memref<128x128xf32, #tpu.memory_space<vmem_shared>>
      %dma_start3A_79 = arith.constant 0 : i32
      %dma_start3A_80 = arith.constant 0 : i32
      %dma_start3A_81 = tpu.memref_slice %arg5[%dma_start3A_79, %dma_start3A_80] : memref<128x128xf32, #tpu.memory_space<vmem>> -> memref<128x128xf32, #tpu.memory_space<vmem>>
      tpu.enqueue_dma source(%dma_start3A_81 : memref<128x128xf32, #tpu.memory_space<vmem>>) target(%dma_start3A_78 : memref<128x128xf32, #tpu.memory_space<vmem_shared>>) target_semaphore(%run_scoped3A : memref<!tpu.dma_semaphore, #tpu.memory_space<semaphore_mem>>)
      %dma_wait3A_82 = arith.constant 0 : i32
      %dma_wait3A_83 = arith.constant 0 : i32
      %dma_wait3A_84 = tpu.memref_slice %arg5[%dma_wait3A_82, %dma_wait3A_83] : memref<128x128xf32, #tpu.memory_space<vmem>> -> memref<128x128xf32, #tpu.memory_space<vmem>>
      %dma_wait3A_85 = arith.constant 0 : i32
      %dma_wait3A_86 = tpu.memref_slice %arg6[%add3A_16, %dma_wait3A_85] : memref<10112x128xf32, #tpu.memory_space<vmem_shared>> -> memref<128x128xf32, #tpu.memory_space<vmem_shared>>
      %dma_wait3A_87 = arith.constant 0 : i32
      %dma_wait3A_88 = tpu.memref_slice %arg6[%add3A_16, %dma_wait3A_87] : memref<10112x128xf32, #tpu.memory_space<vmem_shared>> -> memref<128x128xf32, #tpu.memory_space<vmem_shared>>
      %dma_wait3A_89 = arith.constant 0 : i32
      %dma_wait3A_90 = arith.constant 0 : i32
      %dma_wait3A_91 = tpu.memref_slice %arg5[%dma_wait3A_89, %dma_wait3A_90] : memref<128x128xf32, #tpu.memory_space<vmem>> -> memref<128x128xf32, #tpu.memory_space<vmem>>
      tpu.wait_dma2 semaphore(%run_scoped3A : memref<!tpu.dma_semaphore, #tpu.memory_space<semaphore_mem>>) src(%dma_wait3A_91 : memref<128x128xf32, #tpu.memory_space<vmem>>) dst(%dma_wait3A_88 : memref<128x128xf32, #tpu.memory_space<vmem_shared>>)
      tpu.yield
    }) : () -> ()
    %mul3A_17 = arith.constant 632 : i32
    %mul3A_18 = arith.muli %arg1, %mul3A_17 : i32
    %add3A_19 = arith.constant 256 : i32
    %add3A_20 = arith.addi %mul3A_18, %add3A_19 : i32
    "tpu.region"() ({
      %run_scoped3A = tpu.sem_alloc : memref<!tpu.dma_semaphore, #tpu.memory_space<semaphore_mem>>
      %dma_start3A_72 = arith.constant 0 : i32
      %dma_start3A_73 = arith.constant 0 : i32
      %dma_start3A_74 = tpu.memref_slice %arg5[%dma_start3A_72, %dma_start3A_73] : memref<128x128xf32, #tpu.memory_space<vmem>> -> memref<128x128xf32, #tpu.memory_space<vmem>>
      %dma_start3A_75 = arith.constant 0 : i32
      %dma_start3A_76 = tpu.memref_slice %arg6[%add3A_20, %dma_start3A_75] : memref<10112x128xf32, #tpu.memory_space<vmem_shared>> -> memref<128x128xf32, #tpu.memory_space<vmem_shared>>
      %dma_start3A_77 = arith.constant 0 : i32
      %dma_start3A_78 = tpu.memref_slice %arg6[%add3A_20, %dma_start3A_77] : memref<10112x128xf32, #tpu.memory_space<vmem_shared>> -> memref<128x128xf32, #tpu.memory_space<vmem_shared>>
      %dma_start3A_79 = arith.constant 0 : i32
      %dma_start3A_80 = arith.constant 0 : i32
      %dma_start3A_81 = tpu.memref_slice %arg5[%dma_start3A_79, %dma_start3A_80] : memref<128x128xf32, #tpu.memory_space<vmem>> -> memref<128x128xf32, #tpu.memory_space<vmem>>
      tpu.enqueue_dma source(%dma_start3A_81 : memref<128x128xf32, #tpu.memory_space<vmem>>) target(%dma_start3A_78 : memref<128x128xf32, #tpu.memory_space<vmem_shared>>) target_semaphore(%run_scoped3A : memref<!tpu.dma_semaphore, #tpu.memory_space<semaphore_mem>>)
      %dma_wait3A_82 = arith.constant 0 : i32
      %dma_wait3A_83 = arith.constant 0 : i32
      %dma_wait3A_84 = tpu.memref_slice %arg5[%dma_wait3A_82, %dma_wait3A_83] : memref<128x128xf32, #tpu.memory_space<vmem>> -> memref<128x128xf32, #tpu.memory_space<vmem>>
      %dma_wait3A_85 = arith.constant 0 : i32
      %dma_wait3A_86 = tpu.memref_slice %arg6[%add3A_20, %dma_wait3A_85] : memref<10112x128xf32, #tpu.memory_space<vmem_shared>> -> memref<128x128xf32, #tpu.memory_space<vmem_shared>>
      %dma_wait3A_87 = arith.constant 0 : i32
      %dma_wait3A_88 = tpu.memref_slice %arg6[%add3A_20, %dma_wait3A_87] : memref<10112x128xf32, #tpu.memory_space<vmem_shared>> -> memref<128x128xf32, #tpu.memory_space<vmem_shared>>
      %dma_wait3A_89 = arith.constant 0 : i32
      %dma_wait3A_90 = arith.constant 0 : i32
      %dma_wait3A_91 = tpu.memref_slice %arg5[%dma_wait3A_89, %dma_wait3A_90] : memref<128x128xf32, #tpu.memory_space<vmem>> -> memref<128x128xf32, #tpu.memory_space<vmem>>
      tpu.wait_dma2 semaphore(%run_scoped3A : memref<!tpu.dma_semaphore, #tpu.memory_space<semaphore_mem>>) src(%dma_wait3A_91 : memref<128x128xf32, #tpu.memory_space<vmem>>) dst(%dma_wait3A_88 : memref<128x128xf32, #tpu.memory_space<vmem_shared>>)
      tpu.yield
    }) : () -> ()
    %mul3A_21 = arith.constant 632 : i32
    %mul3A_22 = arith.muli %arg1, %mul3A_21 : i32
    %add3A_23 = arith.constant 384 : i32
    %add3A_24 = arith.addi %mul3A_22, %add3A_23 : i32
    "tpu.region"() ({
      %run_scoped3A = tpu.sem_alloc : memref<!tpu.dma_semaphore, #tpu.memory_space<semaphore_mem>>
      %dma_start3A_72 = arith.constant 0 : i32
      %dma_start3A_73 = arith.constant 0 : i32
      %dma_start3A_74 = tpu.memref_slice %arg5[%dma_start3A_72, %dma_start3A_73] : memref<128x128xf32, #tpu.memory_space<vmem>> -> memref<128x128xf32, #tpu.memory_space<vmem>>
      %dma_start3A_75 = arith.constant 0 : i32
      %dma_start3A_76 = tpu.memref_slice %arg6[%add3A_24, %dma_start3A_75] : memref<10112x128xf32, #tpu.memory_space<vmem_shared>> -> memref<128x128xf32, #tpu.memory_space<vmem_shared>>
      %dma_start3A_77 = arith.constant 0 : i32
      %dma_start3A_78 = tpu.memref_slice %arg6[%add3A_24, %dma_start3A_77] : memref<10112x128xf32, #tpu.memory_space<vmem_shared>> -> memref<128x128xf32, #tpu.memory_space<vmem_shared>>
      %dma_start3A_79 = arith.constant 0 : i32
      %dma_start3A_80 = arith.constant 0 : i32
      %dma_start3A_81 = tpu.memref_slice %arg5[%dma_start3A_79, %dma_start3A_80] : memref<128x128xf32, #tpu.memory_space<vmem>> -> memref<128x128xf32, #tpu.memory_space<vmem>>
      tpu.enqueue_dma source(%dma_start3A_81 : memref<128x128xf32, #tpu.memory_space<vmem>>) target(%dma_start3A_78 : memref<128x128xf32, #tpu.memory_space<vmem_shared>>) target_semaphore(%run_scoped3A : memref<!tpu.dma_semaphore, #tpu.memory_space<semaphore_mem>>)
      %dma_wait3A_82 = arith.constant 0 : i32
      %dma_wait3A_83 = arith.constant 0 : i32
      %dma_wait3A_84 = tpu.memref_slice %arg5[%dma_wait3A_82, %dma_wait3A_83] : memref<128x128xf32, #tpu.memory_space<vmem>> -> memref<128x128xf32, #tpu.memory_space<vmem>>
      %dma_wait3A_85 = arith.constant 0 : i32
      %dma_wait3A_86 = tpu.memref_slice %arg6[%add3A_24, %dma_wait3A_85] : memref<10112x128xf32, #tpu.memory_space<vmem_shared>> -> memref<128x128xf32, #tpu.memory_space<vmem_shared>>
      %dma_wait3A_87 = arith.constant 0 : i32
      %dma_wait3A_88 = tpu.memref_slice %arg6[%add3A_24, %dma_wait3A_87] : memref<10112x128xf32, #tpu.memory_space<vmem_shared>> -> memref<128x128xf32, #tpu.memory_space<vmem_shared>>
      %dma_wait3A_89 = arith.constant 0 : i32
      %dma_wait3A_90 = arith.constant 0 : i32
      %dma_wait3A_91 = tpu.memref_slice %arg5[%dma_wait3A_89, %dma_wait3A_90] : memref<128x128xf32, #tpu.memory_space<vmem>> -> memref<128x128xf32, #tpu.memory_space<vmem>>
      tpu.wait_dma2 semaphore(%run_scoped3A : memref<!tpu.dma_semaphore, #tpu.memory_space<semaphore_mem>>) src(%dma_wait3A_91 : memref<128x128xf32, #tpu.memory_space<vmem>>) dst(%dma_wait3A_88 : memref<128x128xf32, #tpu.memory_space<vmem_shared>>)
      tpu.yield
    }) : () -> ()
    %mul3A_25 = arith.constant 632 : i32
    %mul3A_26 = arith.muli %arg1, %mul3A_25 : i32
    %add3A_27 = arith.constant 512 : i32
    %add3A_28 = arith.addi %mul3A_26, %add3A_27 : i32
    "tpu.region"() ({
      %run_scoped3A = tpu.sem_alloc : memref<!tpu.dma_semaphore, #tpu.memory_space<semaphore_mem>>
      %dma_start3A_72 = arith.constant 0 : i32
      %dma_start3A_73 = arith.constant 0 : i32
      %dma_start3A_74 = tpu.memref_slice %arg5[%dma_start3A_72, %dma_start3A_73] : memref<128x128xf32, #tpu.memory_space<vmem>> -> memref<120x128xf32, #tpu.memory_space<vmem>>
      %dma_start3A_75 = arith.constant 0 : i32
      %dma_start3A_76 = tpu.memref_slice %arg6[%add3A_28, %dma_start3A_75] : memref<10112x128xf32, #tpu.memory_space<vmem_shared>> -> memref<120x128xf32, #tpu.memory_space<vmem_shared>>
      %dma_start3A_77 = arith.constant 0 : i32
      %dma_start3A_78 = tpu.memref_slice %arg6[%add3A_28, %dma_start3A_77] : memref<10112x128xf32, #tpu.memory_space<vmem_shared>> -> memref<120x128xf32, #tpu.memory_space<vmem_shared>>
      %dma_start3A_79 = arith.constant 0 : i32
      %dma_start3A_80 = arith.constant 0 : i32
      %dma_start3A_81 = tpu.memref_slice %arg5[%dma_start3A_79, %dma_start3A_80] : memref<128x128xf32, #tpu.memory_space<vmem>> -> memref<120x128xf32, #tpu.memory_space<vmem>>
      tpu.enqueue_dma source(%dma_start3A_81 : memref<120x128xf32, #tpu.memory_space<vmem>>) target(%dma_start3A_78 : memref<120x128xf32, #tpu.memory_space<vmem_shared>>) target_semaphore(%run_scoped3A : memref<!tpu.dma_semaphore, #tpu.memory_space<semaphore_mem>>)
      %dma_wait3A_82 = arith.constant 0 : i32
      %dma_wait3A_83 = arith.constant 0 : i32
      %dma_wait3A_84 = tpu.memref_slice %arg5[%dma_wait3A_82, %dma_wait3A_83] : memref<128x128xf32, #tpu.memory_space<vmem>> -> memref<120x128xf32, #tpu.memory_space<vmem>>
      %dma_wait3A_85 = arith.constant 0 : i32
      %dma_wait3A_86 = tpu.memref_slice %arg6[%add3A_28, %dma_wait3A_85] : memref<10112x128xf32, #tpu.memory_space<vmem_shared>> -> memref<120x128xf32, #tpu.memory_space<vmem_shared>>
      %dma_wait3A_87 = arith.constant 0 : i32
      %dma_wait3A_88 = tpu.memref_slice %arg6[%add3A_28, %dma_wait3A_87] : memref<10112x128xf32, #tpu.memory_space<vmem_shared>> -> memref<120x128xf32, #tpu.memory_space<vmem_shared>>
      %dma_wait3A_89 = arith.constant 0 : i32
      %dma_wait3A_90 = arith.constant 0 : i32
      %dma_wait3A_91 = tpu.memref_slice %arg5[%dma_wait3A_89, %dma_wait3A_90] : memref<128x128xf32, #tpu.memory_space<vmem>> -> memref<120x128xf32, #tpu.memory_space<vmem>>
      tpu.wait_dma2 semaphore(%run_scoped3A : memref<!tpu.dma_semaphore, #tpu.memory_space<semaphore_mem>>) src(%dma_wait3A_91 : memref<120x128xf32, #tpu.memory_space<vmem>>) dst(%dma_wait3A_88 : memref<120x128xf32, #tpu.memory_space<vmem_shared>>)
      tpu.yield
    }) : () -> ()
    %scan3A_29 = arith.constant 0 : i32
    %scan3A_30 = arith.constant 0 : i32
    %scan3A_31 = arith.constant 1024 : i32
    %scan3A_32 = arith.addi %scan3A_30, %scan3A_31 : i32
    %scan3A_33 = arith.constant 1 : i32
    scf.for %scan3A_72 = %scan3A_30 to %scan3A_32 step %scan3A_33  : i32 {
      %jit3A = arith.constant 8 : i32
      %div3A = arith.divsi %scan3A_72, %jit3A : i32
      %sign3A = arith.constant 0 : i32
      %sign3A_73 = arith.cmpi sgt, %scan3A_72, %sign3A : i32
      %sign3A_74 = arith.extui %sign3A_73 : i1 to i32
      %sign3A_75 = arith.constant 0 : i32
      %sign3A_76 = arith.cmpi slt, %scan3A_72, %sign3A_75 : i32
      %sign3A_77 = arith.extui %sign3A_76 : i1 to i32
      %sign3A_78 = arith.subi %sign3A_74, %sign3A_77 : i32
      %sign3A_79 = arith.constant 0 : i32
      %sign3A_80 = arith.cmpi sgt, %jit3A, %sign3A_79 : i32
      %sign3A_81 = arith.extui %sign3A_80 : i1 to i32
      %sign3A_82 = arith.constant 0 : i32
      %sign3A_83 = arith.cmpi slt, %jit3A, %sign3A_82 : i32
      %sign3A_84 = arith.extui %sign3A_83 : i1 to i32
      %sign3A_85 = arith.subi %sign3A_81, %sign3A_84 : i32
      %ne3A = arith.cmpi ne, %sign3A_78, %sign3A_85 : i32
      %rem3A = arith.remsi %scan3A_72, %jit3A : i32
      %ne3A_86 = arith.constant 0 : i32
      %ne3A_87 = arith.cmpi ne, %rem3A, %ne3A_86 : i32
      %and3A = arith.andi %ne3A, %ne3A_87 : i1
      %sub3A = arith.constant 1 : i32
      %sub3A_88 = arith.subi %div3A, %sub3A : i32
      %select_n3A = arith.select %and3A, %sub3A_88, %div3A : i32
      %jit3A_89 = arith.constant 8 : i32
      %eq3A = arith.constant 0 : i32
      %eq3A_90 = arith.cmpi eq, %jit3A_89, %eq3A : i32
      %jit3A_91 = arith.constant 1 : i32
      %select_n3A_92 = arith.select %eq3A_90, %jit3A_91, %jit3A_89 : i32
      %rem3A_93 = arith.remsi %scan3A_72, %select_n3A_92 : i32
      %ne3A_94 = arith.constant 0 : i32
      %ne3A_95 = arith.cmpi ne, %rem3A_93, %ne3A_94 : i32
      %lt3A = arith.constant 0 : i32
      %lt3A_96 = arith.cmpi slt, %rem3A_93, %lt3A : i32
      %lt3A_97 = arith.constant 0 : i32
      %lt3A_98 = arith.cmpi slt, %select_n3A_92, %lt3A_97 : i32
      %ne3A_99 = arith.xori %lt3A_96, %lt3A_98 : i1
      %and3A_100 = arith.andi %ne3A_99, %ne3A_95 : i1
      %add3A_101 = arith.addi %rem3A_93, %select_n3A_92 : i32
      %select_n3A_102 = arith.select %and3A_100, %add3A_101, %rem3A_93 : i32
      %mul3A_103 = arith.constant 16 : i32
      %mul3A_104 = arith.muli %select_n3A_102, %mul3A_103 : i32
      %swap3A = arith.index_cast %select_n3A : i32 to index
      %swap3A_105 = arith.index_cast %mul3A_104 : i32 to index
      %swap3A_106 = tpu.vector_load %arg5[%swap3A, %swap3A_105] {strides = array<i32>} : memref<128x128xf32, #tpu.memory_space<vmem>>, vector<1x16xf32>,
      %swap3A_107 = vector.shape_cast %swap3A_106 : vector<1x16xf32> to vector<16xf32>
      %swap3A_108 = vector.shape_cast %broadcast_in_dim3A_3 : vector<16xf32> to vector<1x16xf32>
      tpu.vector_store %arg5[%swap3A, %swap3A_105], %swap3A_108 {strides = array<i32>} : memref<128x128xf32, #tpu.memory_space<vmem>>, vector<1x16xf32>,
    }
    %scan3A_34 = arith.constant 1024 : i32
    "tpu.region"() ({
      %run_scoped3A = tpu.sem_alloc : memref<!tpu.dma_semaphore, #tpu.memory_space<semaphore_mem>>
      %dma_start3A_72 = arith.constant 0 : i32
      %dma_start3A_73 = arith.constant 0 : i32
      %dma_start3A_74 = tpu.memref_slice %arg2[%add3A, %dma_start3A_72, %dma_start3A_73] : memref<32x80x128xi32, #tpu.memory_space<hbm>> -> memref<1x80x128xi32, #tpu.memory_space<hbm>>
      %dma_start3A_75 = tpu.memref_squeeze %dma_start3A_74 : memref<1x80x128xi32, #tpu.memory_space<hbm>> -> memref<80x128xi32, #tpu.memory_space<hbm>>
      %dma_start3A_76 = arith.constant 0 : i32
      %dma_start3A_77 = arith.constant 0 : i32
      %dma_start3A_78 = tpu.memref_slice %arg2[%add3A, %dma_start3A_76, %dma_start3A_77] : memref<32x80x128xi32, #tpu.memory_space<hbm>> -> memref<1x80x128xi32, #tpu.memory_space<hbm>>
      %dma_start3A_79 = tpu.memref_squeeze %dma_start3A_78 : memref<1x80x128xi32, #tpu.memory_space<hbm>> -> memref<80x128xi32, #tpu.memory_space<hbm>>
      tpu.enqueue_dma source(%dma_start3A_79 : memref<80x128xi32, #tpu.memory_space<hbm>>) target(%arg4 : memref<80x128xi32, #tpu.memory_space<vmem>>) target_semaphore(%run_scoped3A : memref<!tpu.dma_semaphore, #tpu.memory_space<semaphore_mem>>)
      %dma_wait3A_80 = arith.constant 0 : i32
      %dma_wait3A_81 = arith.constant 0 : i32
      %dma_wait3A_82 = tpu.memref_slice %arg2[%add3A, %dma_wait3A_80, %dma_wait3A_81] : memref<32x80x128xi32, #tpu.memory_space<hbm>> -> memref<1x80x128xi32, #tpu.memory_space<hbm>>
      %dma_wait3A_83 = tpu.memref_squeeze %dma_wait3A_82 : memref<1x80x128xi32, #tpu.memory_space<hbm>> -> memref<80x128xi32, #tpu.memory_space<hbm>>
      %dma_wait3A_84 = arith.constant 0 : i32
      %dma_wait3A_85 = arith.constant 0 : i32
      %dma_wait3A_86 = tpu.memref_slice %arg2[%add3A, %dma_wait3A_84, %dma_wait3A_85] : memref<32x80x128xi32, #tpu.memory_space<hbm>> -> memref<1x80x128xi32, #tpu.memory_space<hbm>>
      %dma_wait3A_87 = tpu.memref_squeeze %dma_wait3A_86 : memref<1x80x128xi32, #tpu.memory_space<hbm>> -> memref<80x128xi32, #tpu.memory_space<hbm>>
      tpu.wait_dma2 semaphore(%run_scoped3A : memref<!tpu.dma_semaphore, #tpu.memory_space<semaphore_mem>>) src(%dma_wait3A_87 : memref<80x128xi32, #tpu.memory_space<hbm>>) dst(%arg4 : memref<80x128xi32, #tpu.memory_space<vmem>>)
      tpu.yield
    }) : () -> ()
    %barrier3A = arith.constant 0 : index
    tpu.barrier barrier_id(%barrier3A)
    %dma_start3A = arith.constant 0 : i32
    %dma_start3A_35 = arith.constant 0 : i32
    %dma_start3A_36 = tpu.memref_slice %arg4[%dma_start3A, %dma_start3A_35] : memref<80x128xi32, #tpu.memory_space<vmem>> -> memref<1x128xi32, #tpu.memory_space<vmem>>
    %dma_start3A_37 = tpu.memref_squeeze %dma_start3A_36 : memref<1x128xi32, #tpu.memory_space<vmem>> -> memref<128xi32, #tpu.memory_space<vmem>>
    %dma_start3A_38 = arith.constant 0 : i32
    %dma_start3A_39 = arith.constant 0 : i32
    %dma_start3A_40 = tpu.memref_slice %arg6[%dma_start3A_38, %dma_start3A_39] : memref<10112x128xf32, #tpu.memory_space<vmem_shared>> -> memref<10112x128xf32, #tpu.memory_space<vmem_shared>>
    tpu.enqueue_indirect_dma source(%arg5 : memref<128x128xf32, #tpu.memory_space<vmem>>) target(%dma_start3A_40 : memref<10112x128xf32, #tpu.memory_space<vmem_shared>>) offsets(%dma_start3A_37 : memref<128xi32, #tpu.memory_space<vmem>>) semaphore(%arg7 : memref<!tpu.dma_semaphore, #tpu.memory_space<semaphore_mem>>) {add = true}
    %dma_start3A_41 = arith.constant 1 : i32
    %dma_start3A_42 = arith.constant 0 : i32
    %dma_start3A_43 = tpu.memref_slice %arg4[%dma_start3A_41, %dma_start3A_42] : memref<80x128xi32, #tpu.memory_space<vmem>> -> memref<1x128xi32, #tpu.memory_space<vmem>>
    %dma_start3A_44 = tpu.memref_squeeze %dma_start3A_43 : memref<1x128xi32, #tpu.memory_space<vmem>> -> memref<128xi32, #tpu.memory_space<vmem>>
    %dma_start3A_45 = arith.constant 0 : i32
    %dma_start3A_46 = arith.constant 0 : i32
    %dma_start3A_47 = tpu.memref_slice %arg6[%dma_start3A_45, %dma_start3A_46] : memref<10112x128xf32, #tpu.memory_space<vmem_shared>> -> memref<10112x128xf32, #tpu.memory_space<vmem_shared>>
    tpu.enqueue_indirect_dma source(%arg5 : memref<128x128xf32, #tpu.memory_space<vmem>>) target(%dma_start3A_47 : memref<10112x128xf32, #tpu.memory_space<vmem_shared>>) offsets(%dma_start3A_44 : memref<128xi32, #tpu.memory_space<vmem>>) semaphore(%arg8 : memref<!tpu.dma_semaphore, #tpu.memory_space<semaphore_mem>>) {add = true}
    %scan3A_48 = arith.constant 0 : i32
    %scan3A_49 = arith.constant 0 : i32
    %scan3A_50 = arith.constant 39 : i32
    %scan3A_51 = arith.addi %scan3A_49, %scan3A_50 : i32
    %scan3A_52 = arith.constant 1 : i32
    scf.for %scan3A_72 = %scan3A_49 to %scan3A_51 step %scan3A_52  : i32 {
      %mul3A_73 = arith.constant 2 : i32
      %mul3A_74 = arith.muli %mul3A_73, %scan3A_72 : i32
      %dma_wait3A_75 = arith.constant 0 : i32
      %dma_wait3A_76 = tpu.memref_slice %arg4[%mul3A_74, %dma_wait3A_75] : memref<80x128xi32, #tpu.memory_space<vmem>> -> memref<1x128xi32, #tpu.memory_space<vmem>>
      %dma_wait3A_77 = tpu.memref_squeeze %dma_wait3A_76 : memref<1x128xi32, #tpu.memory_space<vmem>> -> memref<128xi32, #tpu.memory_space<vmem>>
      %dma_wait3A_78 = arith.constant 0 : i32
      %dma_wait3A_79 = arith.constant 0 : i32
      %dma_wait3A_80 = tpu.memref_slice %arg6[%dma_wait3A_78, %dma_wait3A_79] : memref<10112x128xf32, #tpu.memory_space<vmem_shared>> -> memref<10112x128xf32, #tpu.memory_space<vmem_shared>>
      tpu.wait_indirect_dma semaphore(%arg7 : memref<!tpu.dma_semaphore, #tpu.memory_space<semaphore_mem>>) src(%arg5 : memref<128x128xf32, #tpu.memory_space<vmem>>) dst(%dma_wait3A_80 : memref<10112x128xf32, #tpu.memory_space<vmem_shared>>)
      %add3A_81 = arith.constant 2 : i32
      %add3A_82 = arith.addi %mul3A_74, %add3A_81 : i32
      %dma_start3A_83 = arith.constant 0 : i32
      %dma_start3A_84 = tpu.memref_slice %arg4[%add3A_82, %dma_start3A_83] : memref<80x128xi32, #tpu.memory_space<vmem>> -> memref<1x128xi32, #tpu.memory_space<vmem>>
      %dma_start3A_85 = tpu.memref_squeeze %dma_start3A_84 : memref<1x128xi32, #tpu.memory_space<vmem>> -> memref<128xi32, #tpu.memory_space<vmem>>
      %dma_start3A_86 = arith.constant 0 : i32
      %dma_start3A_87 = arith.constant 0 : i32
      %dma_start3A_88 = tpu.memref_slice %arg6[%dma_start3A_86, %dma_start3A_87] : memref<10112x128xf32, #tpu.memory_space<vmem_shared>> -> memref<10112x128xf32, #tpu.memory_space<vmem_shared>>
      tpu.enqueue_indirect_dma source(%arg5 : memref<128x128xf32, #tpu.memory_space<vmem>>) target(%dma_start3A_88 : memref<10112x128xf32, #tpu.memory_space<vmem_shared>>) offsets(%dma_start3A_85 : memref<128xi32, #tpu.memory_space<vmem>>) semaphore(%arg7 : memref<!tpu.dma_semaphore, #tpu.memory_space<semaphore_mem>>) {add = true}
      %add3A_89 = arith.constant 1 : i32
      %add3A_90 = arith.addi %mul3A_74, %add3A_89 : i32
      %dma_wait3A_91 = arith.constant 0 : i32
      %dma_wait3A_92 = tpu.memref_slice %arg4[%add3A_90, %dma_wait3A_91] : memref<80x128xi32, #tpu.memory_space<vmem>> -> memref<1x128xi32, #tpu.memory_space<vmem>>
      %dma_wait3A_93 = tpu.memref_squeeze %dma_wait3A_92 : memref<1x128xi32, #tpu.memory_space<vmem>> -> memref<128xi32, #tpu.memory_space<vmem>>
      %dma_wait3A_94 = arith.constant 0 : i32
      %dma_wait3A_95 = arith.constant 0 : i32
      %dma_wait3A_96 = tpu.memref_slice %arg6[%dma_wait3A_94, %dma_wait3A_95] : memref<10112x128xf32, #tpu.memory_space<vmem_shared>> -> memref<10112x128xf32, #tpu.memory_space<vmem_shared>>
      tpu.wait_indirect_dma semaphore(%arg8 : memref<!tpu.dma_semaphore, #tpu.memory_space<semaphore_mem>>) src(%arg5 : memref<128x128xf32, #tpu.memory_space<vmem>>) dst(%dma_wait3A_96 : memref<10112x128xf32, #tpu.memory_space<vmem_shared>>)
      %add3A_97 = arith.constant 3 : i32
      %add3A_98 = arith.addi %mul3A_74, %add3A_97 : i32
      %dma_start3A_99 = arith.constant 0 : i32
      %dma_start3A_100 = tpu.memref_slice %arg4[%add3A_98, %dma_start3A_99] : memref<80x128xi32, #tpu.memory_space<vmem>> -> memref<1x128xi32, #tpu.memory_space<vmem>>
      %dma_start3A_101 = tpu.memref_squeeze %dma_start3A_100 : memref<1x128xi32, #tpu.memory_space<vmem>> -> memref<128xi32, #tpu.memory_space<vmem>>
      %dma_start3A_102 = arith.constant 0 : i32
      %dma_start3A_103 = arith.constant 0 : i32
      %dma_start3A_104 = tpu.memref_slice %arg6[%dma_start3A_102, %dma_start3A_103] : memref<10112x128xf32, #tpu.memory_space<vmem_shared>> -> memref<10112x128xf32, #tpu.memory_space<vmem_shared>>
      tpu.enqueue_indirect_dma source(%arg5 : memref<128x128xf32, #tpu.memory_space<vmem>>) target(%dma_start3A_104 : memref<10112x128xf32, #tpu.memory_space<vmem_shared>>) offsets(%dma_start3A_101 : memref<128xi32, #tpu.memory_space<vmem>>) semaphore(%arg8 : memref<!tpu.dma_semaphore, #tpu.memory_space<semaphore_mem>>) {add = true}
    }
    %scan3A_53 = arith.constant 39 : i32
    %dma_wait3A = arith.constant 78 : i32
    %dma_wait3A_54 = arith.constant 0 : i32
    %dma_wait3A_55 = tpu.memref_slice %arg4[%dma_wait3A, %dma_wait3A_54] : memref<80x128xi32, #tpu.memory_space<vmem>> -> memref<1x128xi32, #tpu.memory_space<vmem>>
    %dma_wait3A_56 = tpu.memref_squeeze %dma_wait3A_55 : memref<1x128xi32, #tpu.memory_space<vmem>> -> memref<128xi32, #tpu.memory_space<vmem>>
    %dma_wait3A_57 = arith.constant 0 : i32
    %dma_wait3A_58 = arith.constant 0 : i32
    %dma_wait3A_59 = tpu.memref_slice %arg6[%dma_wait3A_57, %dma_wait3A_58] : memref<10112x128xf32, #tpu.memory_space<vmem_shared>> -> memref<10112x128xf32, #tpu.memory_space<vmem_shared>>
    tpu.wait_indirect_dma semaphore(%arg7 : memref<!tpu.dma_semaphore, #tpu.memory_space<semaphore_mem>>) src(%arg5 : memref<128x128xf32, #tpu.memory_space<vmem>>) dst(%dma_wait3A_59 : memref<10112x128xf32, #tpu.memory_space<vmem_shared>>)
    %dma_wait3A_60 = arith.constant 79 : i32
    %dma_wait3A_61 = arith.constant 0 : i32
    %dma_wait3A_62 = tpu.memref_slice %arg4[%dma_wait3A_60, %dma_wait3A_61] : memref<80x128xi32, #tpu.memory_space<vmem>> -> memref<1x128xi32, #tpu.memory_space<vmem>>
    %dma_wait3A_63 = tpu.memref_squeeze %dma_wait3A_62 : memref<1x128xi32, #tpu.memory_space<vmem>> -> memref<128xi32, #tpu.memory_space<vmem>>
    %dma_wait3A_64 = arith.constant 0 : i32
    %dma_wait3A_65 = arith.constant 0 : i32
    %dma_wait3A_66 = tpu.memref_slice %arg6[%dma_wait3A_64, %dma_wait3A_65] : memref<10112x128xf32, #tpu.memory_space<vmem_shared>> -> memref<10112x128xf32, #tpu.memory_space<vmem_shared>>
    tpu.wait_indirect_dma semaphore(%arg8 : memref<!tpu.dma_semaphore, #tpu.memory_space<semaphore_mem>>) src(%arg5 : memref<128x128xf32, #tpu.memory_space<vmem>>) dst(%dma_wait3A_66 : memref<10112x128xf32, #tpu.memory_space<vmem_shared>>)
    %barrier3A_67 = arith.constant 0 : index
    tpu.barrier barrier_id(%barrier3A_67)
    %mul3A_68 = arith.constant 632 : i32
    %mul3A_69 = arith.muli %arg1, %mul3A_68 : i32
    %mul3A_70 = arith.constant 632 : i32
    %mul3A_71 = arith.muli %arg1, %mul3A_70 : i32
    "tpu.region"() ({
      %run_scoped3A = tpu.sem_alloc : memref<!tpu.dma_semaphore, #tpu.memory_space<semaphore_mem>>
      %dma_start3A_72 = arith.constant 0 : i32
      %dma_start3A_73 = tpu.memref_slice %arg3[%arg0, %mul3A_71, %dma_start3A_72] : memref<2x10240x128xf32, #tpu.memory_space<hbm>> -> memref<1x632x128xf32, #tpu.memory_space<hbm>>
      %dma_start3A_74 = tpu.memref_squeeze %dma_start3A_73 : memref<1x632x128xf32, #tpu.memory_space<hbm>> -> memref<632x128xf32, #tpu.memory_space<hbm>>
      %dma_start3A_75 = arith.constant 0 : i32
      %dma_start3A_76 = tpu.memref_slice %arg6[%mul3A_69, %dma_start3A_75] : memref<10112x128xf32, #tpu.memory_space<vmem_shared>> -> memref<632x128xf32, #tpu.memory_space<vmem_shared>>
      tpu.enqueue_dma source(%dma_start3A_76 : memref<632x128xf32, #tpu.memory_space<vmem_shared>>) target(%dma_start3A_74 : memref<632x128xf32, #tpu.memory_space<hbm>>) target_semaphore(%run_scoped3A : memref<!tpu.dma_semaphore, #tpu.memory_space<semaphore_mem>>)
      %dma_wait3A_77 = arith.constant 0 : i32
      %dma_wait3A_78 = tpu.memref_slice %arg3[%arg0, %mul3A_71, %dma_wait3A_77] : memref<2x10240x128xf32, #tpu.memory_space<hbm>> -> memref<1x632x128xf32, #tpu.memory_space<hbm>>
      %dma_wait3A_79 = tpu.memref_squeeze %dma_wait3A_78 : memref<1x632x128xf32, #tpu.memory_space<hbm>> -> memref<632x128xf32, #tpu.memory_space<hbm>>
      %dma_wait3A_80 = arith.constant 0 : i32
      %dma_wait3A_81 = tpu.memref_slice %arg6[%mul3A_69, %dma_wait3A_80] : memref<10112x128xf32, #tpu.memory_space<vmem_shared>> -> memref<632x128xf32, #tpu.memory_space<vmem_shared>>
      tpu.wait_dma2 semaphore(%run_scoped3A : memref<!tpu.dma_semaphore, #tpu.memory_space<semaphore_mem>>) src(%dma_wait3A_81 : memref<632x128xf32, #tpu.memory_space<vmem_shared>>) dst(%dma_wait3A_79 : memref<632x128xf32, #tpu.memory_space<hbm>>)
      tpu.yield
    }) : () -> ()
    return
  }
}

#map = affine_map<(d0, d1) -> (0, 0)>
#map1 = affine_map<(d0, d1) -> (0, 0, 0, 0)>
#map2 = affine_map<(d0, d1) -> (0, 0, 0)>
module attributes {stable_mosaic.version = 14 : i64} {
  func.func @_agg_body(%arg0: i32, %arg1: i32, %arg2: memref<10240x128xf32, #tpu.memory_space<hbm>>, %arg3: memref<32x2x56x128xi32, #tpu.memory_space<hbm>>, %arg4: memref<32x2x56x128xi32, #tpu.memory_space<hbm>>, %arg5: memref<2x10240x128xf32, #tpu.memory_space<hbm>>, %arg6: memref<56x128xi32, #tpu.memory_space<vmem>>, %arg7: memref<56x128xi32, #tpu.memory_space<vmem>>, %arg8: memref<128x128xf32, #tpu.memory_space<vmem>>, %arg9: memref<128x128xf32, #tpu.memory_space<vmem>>, %arg10: memref<10112x128xf32, #tpu.memory_space<vmem_shared>>, %arg11: memref<!tpu.dma_semaphore, #tpu.memory_space<semaphore_mem>>, %arg12: memref<!tpu.dma_semaphore, #tpu.memory_space<semaphore_mem>>, %arg13: memref<!tpu.dma_semaphore, #tpu.memory_space<semaphore_mem>>, %arg14: memref<!tpu.dma_semaphore, #tpu.memory_space<semaphore_mem>>) attributes {dimension_semantics = [#tpu.dimension_semantics<core_parallel>, #tpu.dimension_semantics<subcore_parallel>], iteration_bounds = array<i64: 2, 16>, scalar_prefetch = 0 : i64, scratch_operands = 9 : i64, tpu.core_type = #tpu.core_type<sc_vector_subcore>, window_params = [{transform_indices = #map}, {transform_indices = #map1}, {transform_indices = #map1}, {transform_indices = #map2}]} {
    %mul3A = arith.constant 2 : i32
    %mul3A_0 = arith.muli %arg1, %mul3A : i32
    %add3A = arith.addi %mul3A_0, %arg0 : i32
    %broadcast_in_dim3A = arith.constant 0.000000e+00 : f32
    %broadcast_in_dim3A_1 = vector.broadcast %broadcast_in_dim3A : f32 to vector<16xf32>
    %scan3A = arith.constant 0 : i32
    %scan3A_2 = arith.constant 0 : i32
    %scan3A_3 = arith.constant 1024 : i32
    %scan3A_4 = arith.addi %scan3A_2, %scan3A_3 : i32
    %scan3A_5 = arith.constant 1 : i32
    scf.for %scan3A_35 = %scan3A_2 to %scan3A_4 step %scan3A_5  : i32 {
      %jit3A = arith.constant 8 : i32
      %div3A = arith.divsi %scan3A_35, %jit3A : i32
      %sign3A = arith.constant 0 : i32
      %sign3A_36 = arith.cmpi sgt, %scan3A_35, %sign3A : i32
      %sign3A_37 = arith.extui %sign3A_36 : i1 to i32
      %sign3A_38 = arith.constant 0 : i32
      %sign3A_39 = arith.cmpi slt, %scan3A_35, %sign3A_38 : i32
      %sign3A_40 = arith.extui %sign3A_39 : i1 to i32
      %sign3A_41 = arith.subi %sign3A_37, %sign3A_40 : i32
      %sign3A_42 = arith.constant 0 : i32
      %sign3A_43 = arith.cmpi sgt, %jit3A, %sign3A_42 : i32
      %sign3A_44 = arith.extui %sign3A_43 : i1 to i32
      %sign3A_45 = arith.constant 0 : i32
      %sign3A_46 = arith.cmpi slt, %jit3A, %sign3A_45 : i32
      %sign3A_47 = arith.extui %sign3A_46 : i1 to i32
      %sign3A_48 = arith.subi %sign3A_44, %sign3A_47 : i32
      %ne3A = arith.cmpi ne, %sign3A_41, %sign3A_48 : i32
      %rem3A = arith.remsi %scan3A_35, %jit3A : i32
      %ne3A_49 = arith.constant 0 : i32
      %ne3A_50 = arith.cmpi ne, %rem3A, %ne3A_49 : i32
      %and3A = arith.andi %ne3A, %ne3A_50 : i1
      %sub3A = arith.constant 1 : i32
      %sub3A_51 = arith.subi %div3A, %sub3A : i32
      %select_n3A = arith.select %and3A, %sub3A_51, %div3A : i32
      %jit3A_52 = arith.constant 8 : i32
      %eq3A_53 = arith.constant 0 : i32
      %eq3A_54 = arith.cmpi eq, %jit3A_52, %eq3A_53 : i32
      %jit3A_55 = arith.constant 1 : i32
      %select_n3A_56 = arith.select %eq3A_54, %jit3A_55, %jit3A_52 : i32
      %rem3A_57 = arith.remsi %scan3A_35, %select_n3A_56 : i32
      %ne3A_58 = arith.constant 0 : i32
      %ne3A_59 = arith.cmpi ne, %rem3A_57, %ne3A_58 : i32
      %lt3A = arith.constant 0 : i32
      %lt3A_60 = arith.cmpi slt, %rem3A_57, %lt3A : i32
      %lt3A_61 = arith.constant 0 : i32
      %lt3A_62 = arith.cmpi slt, %select_n3A_56, %lt3A_61 : i32
      %ne3A_63 = arith.xori %lt3A_60, %lt3A_62 : i1
      %and3A_64 = arith.andi %ne3A_63, %ne3A_59 : i1
      %add3A_65 = arith.addi %rem3A_57, %select_n3A_56 : i32
      %select_n3A_66 = arith.select %and3A_64, %add3A_65, %rem3A_57 : i32
      %mul3A_67 = arith.constant 16 : i32
      %mul3A_68 = arith.muli %select_n3A_66, %mul3A_67 : i32
      %swap3A = arith.index_cast %select_n3A : i32 to index
      %swap3A_69 = arith.index_cast %mul3A_68 : i32 to index
      %swap3A_70 = tpu.vector_load %arg8[%swap3A, %swap3A_69] {strides = array<i32>} : memref<128x128xf32, #tpu.memory_space<vmem>>, vector<1x16xf32>,
      %swap3A_71 = vector.shape_cast %swap3A_70 : vector<1x16xf32> to vector<16xf32>
      %swap3A_72 = vector.shape_cast %broadcast_in_dim3A_1 : vector<16xf32> to vector<1x16xf32>
      tpu.vector_store %arg8[%swap3A, %swap3A_69], %swap3A_72 {strides = array<i32>} : memref<128x128xf32, #tpu.memory_space<vmem>>, vector<1x16xf32>,
    }
    %scan3A_6 = arith.constant 1024 : i32
    %mul3A_7 = arith.constant 632 : i32
    %mul3A_8 = arith.muli %arg1, %mul3A_7 : i32
    %add3A_9 = arith.constant 0 : i32
    %add3A_10 = arith.addi %mul3A_8, %add3A_9 : i32
    "tpu.region"() ({
      %run_scoped3A = tpu.sem_alloc : memref<!tpu.dma_semaphore, #tpu.memory_space<semaphore_mem>>
      %dma_start3A = arith.constant 0 : i32
      %dma_start3A_35 = arith.constant 0 : i32
      %dma_start3A_36 = tpu.memref_slice %arg8[%dma_start3A, %dma_start3A_35] : memref<128x128xf32, #tpu.memory_space<vmem>> -> memref<128x128xf32, #tpu.memory_space<vmem>>
      %dma_start3A_37 = arith.constant 0 : i32
      %dma_start3A_38 = tpu.memref_slice %arg10[%add3A_10, %dma_start3A_37] : memref<10112x128xf32, #tpu.memory_space<vmem_shared>> -> memref<128x128xf32, #tpu.memory_space<vmem_shared>>
      %dma_start3A_39 = arith.constant 0 : i32
      %dma_start3A_40 = tpu.memref_slice %arg10[%add3A_10, %dma_start3A_39] : memref<10112x128xf32, #tpu.memory_space<vmem_shared>> -> memref<128x128xf32, #tpu.memory_space<vmem_shared>>
      %dma_start3A_41 = arith.constant 0 : i32
      %dma_start3A_42 = arith.constant 0 : i32
      %dma_start3A_43 = tpu.memref_slice %arg8[%dma_start3A_41, %dma_start3A_42] : memref<128x128xf32, #tpu.memory_space<vmem>> -> memref<128x128xf32, #tpu.memory_space<vmem>>
      tpu.enqueue_dma source(%dma_start3A_43 : memref<128x128xf32, #tpu.memory_space<vmem>>) target(%dma_start3A_40 : memref<128x128xf32, #tpu.memory_space<vmem_shared>>) target_semaphore(%run_scoped3A : memref<!tpu.dma_semaphore, #tpu.memory_space<semaphore_mem>>)
      %dma_wait3A = arith.constant 0 : i32
      %dma_wait3A_44 = arith.constant 0 : i32
      %dma_wait3A_45 = tpu.memref_slice %arg8[%dma_wait3A, %dma_wait3A_44] : memref<128x128xf32, #tpu.memory_space<vmem>> -> memref<128x128xf32, #tpu.memory_space<vmem>>
      %dma_wait3A_46 = arith.constant 0 : i32
      %dma_wait3A_47 = tpu.memref_slice %arg10[%add3A_10, %dma_wait3A_46] : memref<10112x128xf32, #tpu.memory_space<vmem_shared>> -> memref<128x128xf32, #tpu.memory_space<vmem_shared>>
      %dma_wait3A_48 = arith.constant 0 : i32
      %dma_wait3A_49 = tpu.memref_slice %arg10[%add3A_10, %dma_wait3A_48] : memref<10112x128xf32, #tpu.memory_space<vmem_shared>> -> memref<128x128xf32, #tpu.memory_space<vmem_shared>>
      %dma_wait3A_50 = arith.constant 0 : i32
      %dma_wait3A_51 = arith.constant 0 : i32
      %dma_wait3A_52 = tpu.memref_slice %arg8[%dma_wait3A_50, %dma_wait3A_51] : memref<128x128xf32, #tpu.memory_space<vmem>> -> memref<128x128xf32, #tpu.memory_space<vmem>>
      tpu.wait_dma2 semaphore(%run_scoped3A : memref<!tpu.dma_semaphore, #tpu.memory_space<semaphore_mem>>) src(%dma_wait3A_52 : memref<128x128xf32, #tpu.memory_space<vmem>>) dst(%dma_wait3A_49 : memref<128x128xf32, #tpu.memory_space<vmem_shared>>)
      tpu.yield
    }) : () -> ()
    %mul3A_11 = arith.constant 632 : i32
    %mul3A_12 = arith.muli %arg1, %mul3A_11 : i32
    %add3A_13 = arith.constant 128 : i32
    %add3A_14 = arith.addi %mul3A_12, %add3A_13 : i32
    "tpu.region"() ({
      %run_scoped3A = tpu.sem_alloc : memref<!tpu.dma_semaphore, #tpu.memory_space<semaphore_mem>>
      %dma_start3A = arith.constant 0 : i32
      %dma_start3A_35 = arith.constant 0 : i32
      %dma_start3A_36 = tpu.memref_slice %arg8[%dma_start3A, %dma_start3A_35] : memref<128x128xf32, #tpu.memory_space<vmem>> -> memref<128x128xf32, #tpu.memory_space<vmem>>
      %dma_start3A_37 = arith.constant 0 : i32
      %dma_start3A_38 = tpu.memref_slice %arg10[%add3A_14, %dma_start3A_37] : memref<10112x128xf32, #tpu.memory_space<vmem_shared>> -> memref<128x128xf32, #tpu.memory_space<vmem_shared>>
      %dma_start3A_39 = arith.constant 0 : i32
      %dma_start3A_40 = tpu.memref_slice %arg10[%add3A_14, %dma_start3A_39] : memref<10112x128xf32, #tpu.memory_space<vmem_shared>> -> memref<128x128xf32, #tpu.memory_space<vmem_shared>>
      %dma_start3A_41 = arith.constant 0 : i32
      %dma_start3A_42 = arith.constant 0 : i32
      %dma_start3A_43 = tpu.memref_slice %arg8[%dma_start3A_41, %dma_start3A_42] : memref<128x128xf32, #tpu.memory_space<vmem>> -> memref<128x128xf32, #tpu.memory_space<vmem>>
      tpu.enqueue_dma source(%dma_start3A_43 : memref<128x128xf32, #tpu.memory_space<vmem>>) target(%dma_start3A_40 : memref<128x128xf32, #tpu.memory_space<vmem_shared>>) target_semaphore(%run_scoped3A : memref<!tpu.dma_semaphore, #tpu.memory_space<semaphore_mem>>)
      %dma_wait3A = arith.constant 0 : i32
      %dma_wait3A_44 = arith.constant 0 : i32
      %dma_wait3A_45 = tpu.memref_slice %arg8[%dma_wait3A, %dma_wait3A_44] : memref<128x128xf32, #tpu.memory_space<vmem>> -> memref<128x128xf32, #tpu.memory_space<vmem>>
      %dma_wait3A_46 = arith.constant 0 : i32
      %dma_wait3A_47 = tpu.memref_slice %arg10[%add3A_14, %dma_wait3A_46] : memref<10112x128xf32, #tpu.memory_space<vmem_shared>> -> memref<128x128xf32, #tpu.memory_space<vmem_shared>>
      %dma_wait3A_48 = arith.constant 0 : i32
      %dma_wait3A_49 = tpu.memref_slice %arg10[%add3A_14, %dma_wait3A_48] : memref<10112x128xf32, #tpu.memory_space<vmem_shared>> -> memref<128x128xf32, #tpu.memory_space<vmem_shared>>
      %dma_wait3A_50 = arith.constant 0 : i32
      %dma_wait3A_51 = arith.constant 0 : i32
      %dma_wait3A_52 = tpu.memref_slice %arg8[%dma_wait3A_50, %dma_wait3A_51] : memref<128x128xf32, #tpu.memory_space<vmem>> -> memref<128x128xf32, #tpu.memory_space<vmem>>
      tpu.wait_dma2 semaphore(%run_scoped3A : memref<!tpu.dma_semaphore, #tpu.memory_space<semaphore_mem>>) src(%dma_wait3A_52 : memref<128x128xf32, #tpu.memory_space<vmem>>) dst(%dma_wait3A_49 : memref<128x128xf32, #tpu.memory_space<vmem_shared>>)
      tpu.yield
    }) : () -> ()
    %mul3A_15 = arith.constant 632 : i32
    %mul3A_16 = arith.muli %arg1, %mul3A_15 : i32
    %add3A_17 = arith.constant 256 : i32
    %add3A_18 = arith.addi %mul3A_16, %add3A_17 : i32
    "tpu.region"() ({
      %run_scoped3A = tpu.sem_alloc : memref<!tpu.dma_semaphore, #tpu.memory_space<semaphore_mem>>
      %dma_start3A = arith.constant 0 : i32
      %dma_start3A_35 = arith.constant 0 : i32
      %dma_start3A_36 = tpu.memref_slice %arg8[%dma_start3A, %dma_start3A_35] : memref<128x128xf32, #tpu.memory_space<vmem>> -> memref<128x128xf32, #tpu.memory_space<vmem>>
      %dma_start3A_37 = arith.constant 0 : i32
      %dma_start3A_38 = tpu.memref_slice %arg10[%add3A_18, %dma_start3A_37] : memref<10112x128xf32, #tpu.memory_space<vmem_shared>> -> memref<128x128xf32, #tpu.memory_space<vmem_shared>>
      %dma_start3A_39 = arith.constant 0 : i32
      %dma_start3A_40 = tpu.memref_slice %arg10[%add3A_18, %dma_start3A_39] : memref<10112x128xf32, #tpu.memory_space<vmem_shared>> -> memref<128x128xf32, #tpu.memory_space<vmem_shared>>
      %dma_start3A_41 = arith.constant 0 : i32
      %dma_start3A_42 = arith.constant 0 : i32
      %dma_start3A_43 = tpu.memref_slice %arg8[%dma_start3A_41, %dma_start3A_42] : memref<128x128xf32, #tpu.memory_space<vmem>> -> memref<128x128xf32, #tpu.memory_space<vmem>>
      tpu.enqueue_dma source(%dma_start3A_43 : memref<128x128xf32, #tpu.memory_space<vmem>>) target(%dma_start3A_40 : memref<128x128xf32, #tpu.memory_space<vmem_shared>>) target_semaphore(%run_scoped3A : memref<!tpu.dma_semaphore, #tpu.memory_space<semaphore_mem>>)
      %dma_wait3A = arith.constant 0 : i32
      %dma_wait3A_44 = arith.constant 0 : i32
      %dma_wait3A_45 = tpu.memref_slice %arg8[%dma_wait3A, %dma_wait3A_44] : memref<128x128xf32, #tpu.memory_space<vmem>> -> memref<128x128xf32, #tpu.memory_space<vmem>>
      %dma_wait3A_46 = arith.constant 0 : i32
      %dma_wait3A_47 = tpu.memref_slice %arg10[%add3A_18, %dma_wait3A_46] : memref<10112x128xf32, #tpu.memory_space<vmem_shared>> -> memref<128x128xf32, #tpu.memory_space<vmem_shared>>
      %dma_wait3A_48 = arith.constant 0 : i32
      %dma_wait3A_49 = tpu.memref_slice %arg10[%add3A_18, %dma_wait3A_48] : memref<10112x128xf32, #tpu.memory_space<vmem_shared>> -> memref<128x128xf32, #tpu.memory_space<vmem_shared>>
      %dma_wait3A_50 = arith.constant 0 : i32
      %dma_wait3A_51 = arith.constant 0 : i32
      %dma_wait3A_52 = tpu.memref_slice %arg8[%dma_wait3A_50, %dma_wait3A_51] : memref<128x128xf32, #tpu.memory_space<vmem>> -> memref<128x128xf32, #tpu.memory_space<vmem>>
      tpu.wait_dma2 semaphore(%run_scoped3A : memref<!tpu.dma_semaphore, #tpu.memory_space<semaphore_mem>>) src(%dma_wait3A_52 : memref<128x128xf32, #tpu.memory_space<vmem>>) dst(%dma_wait3A_49 : memref<128x128xf32, #tpu.memory_space<vmem_shared>>)
      tpu.yield
    }) : () -> ()
    %mul3A_19 = arith.constant 632 : i32
    %mul3A_20 = arith.muli %arg1, %mul3A_19 : i32
    %add3A_21 = arith.constant 384 : i32
    %add3A_22 = arith.addi %mul3A_20, %add3A_21 : i32
    "tpu.region"() ({
      %run_scoped3A = tpu.sem_alloc : memref<!tpu.dma_semaphore, #tpu.memory_space<semaphore_mem>>
      %dma_start3A = arith.constant 0 : i32
      %dma_start3A_35 = arith.constant 0 : i32
      %dma_start3A_36 = tpu.memref_slice %arg8[%dma_start3A, %dma_start3A_35] : memref<128x128xf32, #tpu.memory_space<vmem>> -> memref<128x128xf32, #tpu.memory_space<vmem>>
      %dma_start3A_37 = arith.constant 0 : i32
      %dma_start3A_38 = tpu.memref_slice %arg10[%add3A_22, %dma_start3A_37] : memref<10112x128xf32, #tpu.memory_space<vmem_shared>> -> memref<128x128xf32, #tpu.memory_space<vmem_shared>>
      %dma_start3A_39 = arith.constant 0 : i32
      %dma_start3A_40 = tpu.memref_slice %arg10[%add3A_22, %dma_start3A_39] : memref<10112x128xf32, #tpu.memory_space<vmem_shared>> -> memref<128x128xf32, #tpu.memory_space<vmem_shared>>
      %dma_start3A_41 = arith.constant 0 : i32
      %dma_start3A_42 = arith.constant 0 : i32
      %dma_start3A_43 = tpu.memref_slice %arg8[%dma_start3A_41, %dma_start3A_42] : memref<128x128xf32, #tpu.memory_space<vmem>> -> memref<128x128xf32, #tpu.memory_space<vmem>>
      tpu.enqueue_dma source(%dma_start3A_43 : memref<128x128xf32, #tpu.memory_space<vmem>>) target(%dma_start3A_40 : memref<128x128xf32, #tpu.memory_space<vmem_shared>>) target_semaphore(%run_scoped3A : memref<!tpu.dma_semaphore, #tpu.memory_space<semaphore_mem>>)
      %dma_wait3A = arith.constant 0 : i32
      %dma_wait3A_44 = arith.constant 0 : i32
      %dma_wait3A_45 = tpu.memref_slice %arg8[%dma_wait3A, %dma_wait3A_44] : memref<128x128xf32, #tpu.memory_space<vmem>> -> memref<128x128xf32, #tpu.memory_space<vmem>>
      %dma_wait3A_46 = arith.constant 0 : i32
      %dma_wait3A_47 = tpu.memref_slice %arg10[%add3A_22, %dma_wait3A_46] : memref<10112x128xf32, #tpu.memory_space<vmem_shared>> -> memref<128x128xf32, #tpu.memory_space<vmem_shared>>
      %dma_wait3A_48 = arith.constant 0 : i32
      %dma_wait3A_49 = tpu.memref_slice %arg10[%add3A_22, %dma_wait3A_48] : memref<10112x128xf32, #tpu.memory_space<vmem_shared>> -> memref<128x128xf32, #tpu.memory_space<vmem_shared>>
      %dma_wait3A_50 = arith.constant 0 : i32
      %dma_wait3A_51 = arith.constant 0 : i32
      %dma_wait3A_52 = tpu.memref_slice %arg8[%dma_wait3A_50, %dma_wait3A_51] : memref<128x128xf32, #tpu.memory_space<vmem>> -> memref<128x128xf32, #tpu.memory_space<vmem>>
      tpu.wait_dma2 semaphore(%run_scoped3A : memref<!tpu.dma_semaphore, #tpu.memory_space<semaphore_mem>>) src(%dma_wait3A_52 : memref<128x128xf32, #tpu.memory_space<vmem>>) dst(%dma_wait3A_49 : memref<128x128xf32, #tpu.memory_space<vmem_shared>>)
      tpu.yield
    }) : () -> ()
    %mul3A_23 = arith.constant 632 : i32
    %mul3A_24 = arith.muli %arg1, %mul3A_23 : i32
    %add3A_25 = arith.constant 512 : i32
    %add3A_26 = arith.addi %mul3A_24, %add3A_25 : i32
    "tpu.region"() ({
      %run_scoped3A = tpu.sem_alloc : memref<!tpu.dma_semaphore, #tpu.memory_space<semaphore_mem>>
      %dma_start3A = arith.constant 0 : i32
      %dma_start3A_35 = arith.constant 0 : i32
      %dma_start3A_36 = tpu.memref_slice %arg8[%dma_start3A, %dma_start3A_35] : memref<128x128xf32, #tpu.memory_space<vmem>> -> memref<120x128xf32, #tpu.memory_space<vmem>>
      %dma_start3A_37 = arith.constant 0 : i32
      %dma_start3A_38 = tpu.memref_slice %arg10[%add3A_26, %dma_start3A_37] : memref<10112x128xf32, #tpu.memory_space<vmem_shared>> -> memref<120x128xf32, #tpu.memory_space<vmem_shared>>
      %dma_start3A_39 = arith.constant 0 : i32
      %dma_start3A_40 = tpu.memref_slice %arg10[%add3A_26, %dma_start3A_39] : memref<10112x128xf32, #tpu.memory_space<vmem_shared>> -> memref<120x128xf32, #tpu.memory_space<vmem_shared>>
      %dma_start3A_41 = arith.constant 0 : i32
      %dma_start3A_42 = arith.constant 0 : i32
      %dma_start3A_43 = tpu.memref_slice %arg8[%dma_start3A_41, %dma_start3A_42] : memref<128x128xf32, #tpu.memory_space<vmem>> -> memref<120x128xf32, #tpu.memory_space<vmem>>
      tpu.enqueue_dma source(%dma_start3A_43 : memref<120x128xf32, #tpu.memory_space<vmem>>) target(%dma_start3A_40 : memref<120x128xf32, #tpu.memory_space<vmem_shared>>) target_semaphore(%run_scoped3A : memref<!tpu.dma_semaphore, #tpu.memory_space<semaphore_mem>>)
      %dma_wait3A = arith.constant 0 : i32
      %dma_wait3A_44 = arith.constant 0 : i32
      %dma_wait3A_45 = tpu.memref_slice %arg8[%dma_wait3A, %dma_wait3A_44] : memref<128x128xf32, #tpu.memory_space<vmem>> -> memref<120x128xf32, #tpu.memory_space<vmem>>
      %dma_wait3A_46 = arith.constant 0 : i32
      %dma_wait3A_47 = tpu.memref_slice %arg10[%add3A_26, %dma_wait3A_46] : memref<10112x128xf32, #tpu.memory_space<vmem_shared>> -> memref<120x128xf32, #tpu.memory_space<vmem_shared>>
      %dma_wait3A_48 = arith.constant 0 : i32
      %dma_wait3A_49 = tpu.memref_slice %arg10[%add3A_26, %dma_wait3A_48] : memref<10112x128xf32, #tpu.memory_space<vmem_shared>> -> memref<120x128xf32, #tpu.memory_space<vmem_shared>>
      %dma_wait3A_50 = arith.constant 0 : i32
      %dma_wait3A_51 = arith.constant 0 : i32
      %dma_wait3A_52 = tpu.memref_slice %arg8[%dma_wait3A_50, %dma_wait3A_51] : memref<128x128xf32, #tpu.memory_space<vmem>> -> memref<120x128xf32, #tpu.memory_space<vmem>>
      tpu.wait_dma2 semaphore(%run_scoped3A : memref<!tpu.dma_semaphore, #tpu.memory_space<semaphore_mem>>) src(%dma_wait3A_52 : memref<120x128xf32, #tpu.memory_space<vmem>>) dst(%dma_wait3A_49 : memref<120x128xf32, #tpu.memory_space<vmem_shared>>)
      tpu.yield
    }) : () -> ()
    %barrier3A = arith.constant 0 : index
    tpu.barrier barrier_id(%barrier3A)
    %eq3A = arith.constant 0 : i32
    %eq3A_27 = arith.cmpi eq, %arg0, %eq3A : i32
    %convert_element_type3A = arith.extui %eq3A_27 : i1 to i32
    %cond3A = arith.constant 0 : i32
    %cond3A_28 = arith.cmpi ne, %convert_element_type3A, %cond3A : i32
    %cond3A_29 = scf.if %cond3A_28 -> (i32) {
      %run_scoped3A = arith.constant 0 : i32
      "tpu.region"() ({
        %run_scoped3A_161 = tpu.sem_alloc : memref<!tpu.dma_semaphore, #tpu.memory_space<semaphore_mem>>
        %dma_start3A_162 = arith.constant 0 : i32
        %dma_start3A_163 = arith.constant 0 : i32
        %dma_start3A_164 = tpu.memref_slice %arg3[%add3A, %run_scoped3A, %dma_start3A_162, %dma_start3A_163] : memref<32x2x56x128xi32, #tpu.memory_space<hbm>> -> memref<1x1x56x128xi32, #tpu.memory_space<hbm>>
        %dma_start3A_165 = tpu.memref_squeeze %dma_start3A_164 : memref<1x1x56x128xi32, #tpu.memory_space<hbm>> -> memref<56x128xi32, #tpu.memory_space<hbm>>
        %dma_start3A_166 = arith.constant 0 : i32
        %dma_start3A_167 = arith.constant 0 : i32
        %dma_start3A_168 = tpu.memref_slice %arg3[%add3A, %run_scoped3A, %dma_start3A_166, %dma_start3A_167] : memref<32x2x56x128xi32, #tpu.memory_space<hbm>> -> memref<1x1x56x128xi32, #tpu.memory_space<hbm>>
        %dma_start3A_169 = tpu.memref_squeeze %dma_start3A_168 : memref<1x1x56x128xi32, #tpu.memory_space<hbm>> -> memref<56x128xi32, #tpu.memory_space<hbm>>
        tpu.enqueue_dma source(%dma_start3A_169 : memref<56x128xi32, #tpu.memory_space<hbm>>) target(%arg6 : memref<56x128xi32, #tpu.memory_space<vmem>>) target_semaphore(%run_scoped3A_161 : memref<!tpu.dma_semaphore, #tpu.memory_space<semaphore_mem>>)
        %dma_wait3A_170 = arith.constant 0 : i32
        %dma_wait3A_171 = arith.constant 0 : i32
        %dma_wait3A_172 = tpu.memref_slice %arg3[%add3A, %run_scoped3A, %dma_wait3A_170, %dma_wait3A_171] : memref<32x2x56x128xi32, #tpu.memory_space<hbm>> -> memref<1x1x56x128xi32, #tpu.memory_space<hbm>>
        %dma_wait3A_173 = tpu.memref_squeeze %dma_wait3A_172 : memref<1x1x56x128xi32, #tpu.memory_space<hbm>> -> memref<56x128xi32, #tpu.memory_space<hbm>>
        %dma_wait3A_174 = arith.constant 0 : i32
        %dma_wait3A_175 = arith.constant 0 : i32
        %dma_wait3A_176 = tpu.memref_slice %arg3[%add3A, %run_scoped3A, %dma_wait3A_174, %dma_wait3A_175] : memref<32x2x56x128xi32, #tpu.memory_space<hbm>> -> memref<1x1x56x128xi32, #tpu.memory_space<hbm>>
        %dma_wait3A_177 = tpu.memref_squeeze %dma_wait3A_176 : memref<1x1x56x128xi32, #tpu.memory_space<hbm>> -> memref<56x128xi32, #tpu.memory_space<hbm>>
        tpu.wait_dma2 semaphore(%run_scoped3A_161 : memref<!tpu.dma_semaphore, #tpu.memory_space<semaphore_mem>>) src(%dma_wait3A_177 : memref<56x128xi32, #tpu.memory_space<hbm>>) dst(%arg6 : memref<56x128xi32, #tpu.memory_space<vmem>>)
        tpu.yield
      }) : () -> ()
      %run_scoped3A_35 = arith.constant 0 : i32
      "tpu.region"() ({
        %run_scoped3A_161 = tpu.sem_alloc : memref<!tpu.dma_semaphore, #tpu.memory_space<semaphore_mem>>
        %dma_start3A_162 = arith.constant 0 : i32
        %dma_start3A_163 = arith.constant 0 : i32
        %dma_start3A_164 = tpu.memref_slice %arg4[%add3A, %run_scoped3A_35, %dma_start3A_162, %dma_start3A_163] : memref<32x2x56x128xi32, #tpu.memory_space<hbm>> -> memref<1x1x56x128xi32, #tpu.memory_space<hbm>>
        %dma_start3A_165 = tpu.memref_squeeze %dma_start3A_164 : memref<1x1x56x128xi32, #tpu.memory_space<hbm>> -> memref<56x128xi32, #tpu.memory_space<hbm>>
        %dma_start3A_166 = arith.constant 0 : i32
        %dma_start3A_167 = arith.constant 0 : i32
        %dma_start3A_168 = tpu.memref_slice %arg4[%add3A, %run_scoped3A_35, %dma_start3A_166, %dma_start3A_167] : memref<32x2x56x128xi32, #tpu.memory_space<hbm>> -> memref<1x1x56x128xi32, #tpu.memory_space<hbm>>
        %dma_start3A_169 = tpu.memref_squeeze %dma_start3A_168 : memref<1x1x56x128xi32, #tpu.memory_space<hbm>> -> memref<56x128xi32, #tpu.memory_space<hbm>>
        tpu.enqueue_dma source(%dma_start3A_169 : memref<56x128xi32, #tpu.memory_space<hbm>>) target(%arg7 : memref<56x128xi32, #tpu.memory_space<vmem>>) target_semaphore(%run_scoped3A_161 : memref<!tpu.dma_semaphore, #tpu.memory_space<semaphore_mem>>)
        %dma_wait3A_170 = arith.constant 0 : i32
        %dma_wait3A_171 = arith.constant 0 : i32
        %dma_wait3A_172 = tpu.memref_slice %arg4[%add3A, %run_scoped3A_35, %dma_wait3A_170, %dma_wait3A_171] : memref<32x2x56x128xi32, #tpu.memory_space<hbm>> -> memref<1x1x56x128xi32, #tpu.memory_space<hbm>>
        %dma_wait3A_173 = tpu.memref_squeeze %dma_wait3A_172 : memref<1x1x56x128xi32, #tpu.memory_space<hbm>> -> memref<56x128xi32, #tpu.memory_space<hbm>>
        %dma_wait3A_174 = arith.constant 0 : i32
        %dma_wait3A_175 = arith.constant 0 : i32
        %dma_wait3A_176 = tpu.memref_slice %arg4[%add3A, %run_scoped3A_35, %dma_wait3A_174, %dma_wait3A_175] : memref<32x2x56x128xi32, #tpu.memory_space<hbm>> -> memref<1x1x56x128xi32, #tpu.memory_space<hbm>>
        %dma_wait3A_177 = tpu.memref_squeeze %dma_wait3A_176 : memref<1x1x56x128xi32, #tpu.memory_space<hbm>> -> memref<56x128xi32, #tpu.memory_space<hbm>>
        tpu.wait_dma2 semaphore(%run_scoped3A_161 : memref<!tpu.dma_semaphore, #tpu.memory_space<semaphore_mem>>) src(%dma_wait3A_177 : memref<56x128xi32, #tpu.memory_space<hbm>>) dst(%arg7 : memref<56x128xi32, #tpu.memory_space<vmem>>)
        tpu.yield
      }) : () -> ()
      %dma_start3A = arith.constant 0 : i32
      %dma_start3A_36 = arith.constant 0 : i32
      %dma_start3A_37 = tpu.memref_slice %arg6[%dma_start3A, %dma_start3A_36] : memref<56x128xi32, #tpu.memory_space<vmem>> -> memref<1x128xi32, #tpu.memory_space<vmem>>
      %dma_start3A_38 = tpu.memref_squeeze %dma_start3A_37 : memref<1x128xi32, #tpu.memory_space<vmem>> -> memref<128xi32, #tpu.memory_space<vmem>>
      %dma_start3A_39 = arith.constant 0 : i32
      %dma_start3A_40 = arith.constant 0 : i32
      %dma_start3A_41 = tpu.memref_slice %arg2[%dma_start3A_39, %dma_start3A_40] : memref<10240x128xf32, #tpu.memory_space<hbm>> -> memref<10240x128xf32, #tpu.memory_space<hbm>>
      tpu.enqueue_indirect_dma source(%dma_start3A_41 : memref<10240x128xf32, #tpu.memory_space<hbm>>) target(%arg8 : memref<128x128xf32, #tpu.memory_space<vmem>>) offsets(%dma_start3A_38 : memref<128xi32, #tpu.memory_space<vmem>>) semaphore(%arg11 : memref<!tpu.dma_semaphore, #tpu.memory_space<semaphore_mem>>)
      %dma_start3A_42 = arith.constant 1 : i32
      %dma_start3A_43 = arith.constant 0 : i32
      %dma_start3A_44 = tpu.memref_slice %arg6[%dma_start3A_42, %dma_start3A_43] : memref<56x128xi32, #tpu.memory_space<vmem>> -> memref<1x128xi32, #tpu.memory_space<vmem>>
      %dma_start3A_45 = tpu.memref_squeeze %dma_start3A_44 : memref<1x128xi32, #tpu.memory_space<vmem>> -> memref<128xi32, #tpu.memory_space<vmem>>
      %dma_start3A_46 = arith.constant 0 : i32
      %dma_start3A_47 = arith.constant 0 : i32
      %dma_start3A_48 = tpu.memref_slice %arg2[%dma_start3A_46, %dma_start3A_47] : memref<10240x128xf32, #tpu.memory_space<hbm>> -> memref<10240x128xf32, #tpu.memory_space<hbm>>
      tpu.enqueue_indirect_dma source(%dma_start3A_48 : memref<10240x128xf32, #tpu.memory_space<hbm>>) target(%arg9 : memref<128x128xf32, #tpu.memory_space<vmem>>) offsets(%dma_start3A_45 : memref<128xi32, #tpu.memory_space<vmem>>) semaphore(%arg12 : memref<!tpu.dma_semaphore, #tpu.memory_space<semaphore_mem>>)
      %scan3A_49 = arith.constant 0 : i32
      %scan3A_50 = arith.constant 0 : i32
      %scan3A_51 = arith.constant 27 : i32
      %scan3A_52 = arith.addi %scan3A_50, %scan3A_51 : i32
      %scan3A_53 = arith.constant 1 : i32
      scf.for %scan3A_161 = %scan3A_50 to %scan3A_52 step %scan3A_53  : i32 {
        %mul3A_162 = arith.constant 2 : i32
        %mul3A_163 = arith.muli %mul3A_162, %scan3A_161 : i32
        %add3A_164 = arith.constant 1 : i32
        %add3A_165 = arith.addi %mul3A_163, %add3A_164 : i32
        %dma_wait3A_166 = arith.constant 0 : i32
        %dma_wait3A_167 = tpu.memref_slice %arg6[%mul3A_163, %dma_wait3A_166] : memref<56x128xi32, #tpu.memory_space<vmem>> -> memref<1x128xi32, #tpu.memory_space<vmem>>
        %dma_wait3A_168 = tpu.memref_squeeze %dma_wait3A_167 : memref<1x128xi32, #tpu.memory_space<vmem>> -> memref<128xi32, #tpu.memory_space<vmem>>
        %dma_wait3A_169 = arith.constant 0 : i32
        %dma_wait3A_170 = arith.constant 0 : i32
        %dma_wait3A_171 = tpu.memref_slice %arg2[%dma_wait3A_169, %dma_wait3A_170] : memref<10240x128xf32, #tpu.memory_space<hbm>> -> memref<10240x128xf32, #tpu.memory_space<hbm>>
        tpu.wait_indirect_dma semaphore(%arg11 : memref<!tpu.dma_semaphore, #tpu.memory_space<semaphore_mem>>) src(%dma_wait3A_171 : memref<10240x128xf32, #tpu.memory_space<hbm>>) dst(%arg8 : memref<128x128xf32, #tpu.memory_space<vmem>>)
        %dma_start3A_172 = arith.constant 0 : i32
        %dma_start3A_173 = tpu.memref_slice %arg7[%mul3A_163, %dma_start3A_172] : memref<56x128xi32, #tpu.memory_space<vmem>> -> memref<1x128xi32, #tpu.memory_space<vmem>>
        %dma_start3A_174 = tpu.memref_squeeze %dma_start3A_173 : memref<1x128xi32, #tpu.memory_space<vmem>> -> memref<128xi32, #tpu.memory_space<vmem>>
        %dma_start3A_175 = arith.constant 0 : i32
        %dma_start3A_176 = arith.constant 0 : i32
        %dma_start3A_177 = tpu.memref_slice %arg10[%dma_start3A_175, %dma_start3A_176] : memref<10112x128xf32, #tpu.memory_space<vmem_shared>> -> memref<10112x128xf32, #tpu.memory_space<vmem_shared>>
        tpu.enqueue_indirect_dma source(%arg8 : memref<128x128xf32, #tpu.memory_space<vmem>>) target(%dma_start3A_177 : memref<10112x128xf32, #tpu.memory_space<vmem_shared>>) offsets(%dma_start3A_174 : memref<128xi32, #tpu.memory_space<vmem>>) semaphore(%arg13 : memref<!tpu.dma_semaphore, #tpu.memory_space<semaphore_mem>>) {add = true}
        %dma_wait3A_178 = arith.constant 0 : i32
        %dma_wait3A_179 = tpu.memref_slice %arg6[%add3A_165, %dma_wait3A_178] : memref<56x128xi32, #tpu.memory_space<vmem>> -> memref<1x128xi32, #tpu.memory_space<vmem>>
        %dma_wait3A_180 = tpu.memref_squeeze %dma_wait3A_179 : memref<1x128xi32, #tpu.memory_space<vmem>> -> memref<128xi32, #tpu.memory_space<vmem>>
        %dma_wait3A_181 = arith.constant 0 : i32
        %dma_wait3A_182 = arith.constant 0 : i32
        %dma_wait3A_183 = tpu.memref_slice %arg2[%dma_wait3A_181, %dma_wait3A_182] : memref<10240x128xf32, #tpu.memory_space<hbm>> -> memref<10240x128xf32, #tpu.memory_space<hbm>>
        tpu.wait_indirect_dma semaphore(%arg12 : memref<!tpu.dma_semaphore, #tpu.memory_space<semaphore_mem>>) src(%dma_wait3A_183 : memref<10240x128xf32, #tpu.memory_space<hbm>>) dst(%arg9 : memref<128x128xf32, #tpu.memory_space<vmem>>)
        %dma_start3A_184 = arith.constant 0 : i32
        %dma_start3A_185 = tpu.memref_slice %arg7[%add3A_165, %dma_start3A_184] : memref<56x128xi32, #tpu.memory_space<vmem>> -> memref<1x128xi32, #tpu.memory_space<vmem>>
        %dma_start3A_186 = tpu.memref_squeeze %dma_start3A_185 : memref<1x128xi32, #tpu.memory_space<vmem>> -> memref<128xi32, #tpu.memory_space<vmem>>
        %dma_start3A_187 = arith.constant 0 : i32
        %dma_start3A_188 = arith.constant 0 : i32
        %dma_start3A_189 = tpu.memref_slice %arg10[%dma_start3A_187, %dma_start3A_188] : memref<10112x128xf32, #tpu.memory_space<vmem_shared>> -> memref<10112x128xf32, #tpu.memory_space<vmem_shared>>
        tpu.enqueue_indirect_dma source(%arg9 : memref<128x128xf32, #tpu.memory_space<vmem>>) target(%dma_start3A_189 : memref<10112x128xf32, #tpu.memory_space<vmem_shared>>) offsets(%dma_start3A_186 : memref<128xi32, #tpu.memory_space<vmem>>) semaphore(%arg14 : memref<!tpu.dma_semaphore, #tpu.memory_space<semaphore_mem>>) {add = true}
        %dma_wait3A_190 = arith.constant 0 : i32
        %dma_wait3A_191 = tpu.memref_slice %arg7[%mul3A_163, %dma_wait3A_190] : memref<56x128xi32, #tpu.memory_space<vmem>> -> memref<1x128xi32, #tpu.memory_space<vmem>>
        %dma_wait3A_192 = tpu.memref_squeeze %dma_wait3A_191 : memref<1x128xi32, #tpu.memory_space<vmem>> -> memref<128xi32, #tpu.memory_space<vmem>>
        %dma_wait3A_193 = arith.constant 0 : i32
        %dma_wait3A_194 = arith.constant 0 : i32
        %dma_wait3A_195 = tpu.memref_slice %arg10[%dma_wait3A_193, %dma_wait3A_194] : memref<10112x128xf32, #tpu.memory_space<vmem_shared>> -> memref<10112x128xf32, #tpu.memory_space<vmem_shared>>
        tpu.wait_indirect_dma semaphore(%arg13 : memref<!tpu.dma_semaphore, #tpu.memory_space<semaphore_mem>>) src(%arg8 : memref<128x128xf32, #tpu.memory_space<vmem>>) dst(%dma_wait3A_195 : memref<10112x128xf32, #tpu.memory_space<vmem_shared>>)
        %add3A_196 = arith.constant 2 : i32
        %add3A_197 = arith.addi %mul3A_163, %add3A_196 : i32
        %dma_start3A_198 = arith.constant 0 : i32
        %dma_start3A_199 = tpu.memref_slice %arg6[%add3A_197, %dma_start3A_198] : memref<56x128xi32, #tpu.memory_space<vmem>> -> memref<1x128xi32, #tpu.memory_space<vmem>>
        %dma_start3A_200 = tpu.memref_squeeze %dma_start3A_199 : memref<1x128xi32, #tpu.memory_space<vmem>> -> memref<128xi32, #tpu.memory_space<vmem>>
        %dma_start3A_201 = arith.constant 0 : i32
        %dma_start3A_202 = arith.constant 0 : i32
        %dma_start3A_203 = tpu.memref_slice %arg2[%dma_start3A_201, %dma_start3A_202] : memref<10240x128xf32, #tpu.memory_space<hbm>> -> memref<10240x128xf32, #tpu.memory_space<hbm>>
        tpu.enqueue_indirect_dma source(%dma_start3A_203 : memref<10240x128xf32, #tpu.memory_space<hbm>>) target(%arg8 : memref<128x128xf32, #tpu.memory_space<vmem>>) offsets(%dma_start3A_200 : memref<128xi32, #tpu.memory_space<vmem>>) semaphore(%arg11 : memref<!tpu.dma_semaphore, #tpu.memory_space<semaphore_mem>>)
        %dma_wait3A_204 = arith.constant 0 : i32
        %dma_wait3A_205 = tpu.memref_slice %arg7[%add3A_165, %dma_wait3A_204] : memref<56x128xi32, #tpu.memory_space<vmem>> -> memref<1x128xi32, #tpu.memory_space<vmem>>
        %dma_wait3A_206 = tpu.memref_squeeze %dma_wait3A_205 : memref<1x128xi32, #tpu.memory_space<vmem>> -> memref<128xi32, #tpu.memory_space<vmem>>
        %dma_wait3A_207 = arith.constant 0 : i32
        %dma_wait3A_208 = arith.constant 0 : i32
        %dma_wait3A_209 = tpu.memref_slice %arg10[%dma_wait3A_207, %dma_wait3A_208] : memref<10112x128xf32, #tpu.memory_space<vmem_shared>> -> memref<10112x128xf32, #tpu.memory_space<vmem_shared>>
        tpu.wait_indirect_dma semaphore(%arg14 : memref<!tpu.dma_semaphore, #tpu.memory_space<semaphore_mem>>) src(%arg9 : memref<128x128xf32, #tpu.memory_space<vmem>>) dst(%dma_wait3A_209 : memref<10112x128xf32, #tpu.memory_space<vmem_shared>>)
        %add3A_210 = arith.constant 2 : i32
        %add3A_211 = arith.addi %add3A_165, %add3A_210 : i32
        %dma_start3A_212 = arith.constant 0 : i32
        %dma_start3A_213 = tpu.memref_slice %arg6[%add3A_211, %dma_start3A_212] : memref<56x128xi32, #tpu.memory_space<vmem>> -> memref<1x128xi32, #tpu.memory_space<vmem>>
        %dma_start3A_214 = tpu.memref_squeeze %dma_start3A_213 : memref<1x128xi32, #tpu.memory_space<vmem>> -> memref<128xi32, #tpu.memory_space<vmem>>
        %dma_start3A_215 = arith.constant 0 : i32
        %dma_start3A_216 = arith.constant 0 : i32
        %dma_start3A_217 = tpu.memref_slice %arg2[%dma_start3A_215, %dma_start3A_216] : memref<10240x128xf32, #tpu.memory_space<hbm>> -> memref<10240x128xf32, #tpu.memory_space<hbm>>
        tpu.enqueue_indirect_dma source(%dma_start3A_217 : memref<10240x128xf32, #tpu.memory_space<hbm>>) target(%arg9 : memref<128x128xf32, #tpu.memory_space<vmem>>) offsets(%dma_start3A_214 : memref<128xi32, #tpu.memory_space<vmem>>) semaphore(%arg12 : memref<!tpu.dma_semaphore, #tpu.memory_space<semaphore_mem>>)
      }
      %scan3A_54 = arith.constant 27 : i32
      %dma_wait3A = arith.constant 54 : i32
      %dma_wait3A_55 = arith.constant 0 : i32
      %dma_wait3A_56 = tpu.memref_slice %arg6[%dma_wait3A, %dma_wait3A_55] : memref<56x128xi32, #tpu.memory_space<vmem>> -> memref<1x128xi32, #tpu.memory_space<vmem>>
      %dma_wait3A_57 = tpu.memref_squeeze %dma_wait3A_56 : memref<1x128xi32, #tpu.memory_space<vmem>> -> memref<128xi32, #tpu.memory_space<vmem>>
      %dma_wait3A_58 = arith.constant 0 : i32
      %dma_wait3A_59 = arith.constant 0 : i32
      %dma_wait3A_60 = tpu.memref_slice %arg2[%dma_wait3A_58, %dma_wait3A_59] : memref<10240x128xf32, #tpu.memory_space<hbm>> -> memref<10240x128xf32, #tpu.memory_space<hbm>>
      tpu.wait_indirect_dma semaphore(%arg11 : memref<!tpu.dma_semaphore, #tpu.memory_space<semaphore_mem>>) src(%dma_wait3A_60 : memref<10240x128xf32, #tpu.memory_space<hbm>>) dst(%arg8 : memref<128x128xf32, #tpu.memory_space<vmem>>)
      %dma_start3A_61 = arith.constant 54 : i32
      %dma_start3A_62 = arith.constant 0 : i32
      %dma_start3A_63 = tpu.memref_slice %arg7[%dma_start3A_61, %dma_start3A_62] : memref<56x128xi32, #tpu.memory_space<vmem>> -> memref<1x128xi32, #tpu.memory_space<vmem>>
      %dma_start3A_64 = tpu.memref_squeeze %dma_start3A_63 : memref<1x128xi32, #tpu.memory_space<vmem>> -> memref<128xi32, #tpu.memory_space<vmem>>
      %dma_start3A_65 = arith.constant 0 : i32
      %dma_start3A_66 = arith.constant 0 : i32
      %dma_start3A_67 = tpu.memref_slice %arg10[%dma_start3A_65, %dma_start3A_66] : memref<10112x128xf32, #tpu.memory_space<vmem_shared>> -> memref<10112x128xf32, #tpu.memory_space<vmem_shared>>
      tpu.enqueue_indirect_dma source(%arg8 : memref<128x128xf32, #tpu.memory_space<vmem>>) target(%dma_start3A_67 : memref<10112x128xf32, #tpu.memory_space<vmem_shared>>) offsets(%dma_start3A_64 : memref<128xi32, #tpu.memory_space<vmem>>) semaphore(%arg13 : memref<!tpu.dma_semaphore, #tpu.memory_space<semaphore_mem>>) {add = true}
      %dma_wait3A_68 = arith.constant 55 : i32
      %dma_wait3A_69 = arith.constant 0 : i32
      %dma_wait3A_70 = tpu.memref_slice %arg6[%dma_wait3A_68, %dma_wait3A_69] : memref<56x128xi32, #tpu.memory_space<vmem>> -> memref<1x128xi32, #tpu.memory_space<vmem>>
      %dma_wait3A_71 = tpu.memref_squeeze %dma_wait3A_70 : memref<1x128xi32, #tpu.memory_space<vmem>> -> memref<128xi32, #tpu.memory_space<vmem>>
      %dma_wait3A_72 = arith.constant 0 : i32
      %dma_wait3A_73 = arith.constant 0 : i32
      %dma_wait3A_74 = tpu.memref_slice %arg2[%dma_wait3A_72, %dma_wait3A_73] : memref<10240x128xf32, #tpu.memory_space<hbm>> -> memref<10240x128xf32, #tpu.memory_space<hbm>>
      tpu.wait_indirect_dma semaphore(%arg12 : memref<!tpu.dma_semaphore, #tpu.memory_space<semaphore_mem>>) src(%dma_wait3A_74 : memref<10240x128xf32, #tpu.memory_space<hbm>>) dst(%arg9 : memref<128x128xf32, #tpu.memory_space<vmem>>)
      %dma_start3A_75 = arith.constant 55 : i32
      %dma_start3A_76 = arith.constant 0 : i32
      %dma_start3A_77 = tpu.memref_slice %arg7[%dma_start3A_75, %dma_start3A_76] : memref<56x128xi32, #tpu.memory_space<vmem>> -> memref<1x128xi32, #tpu.memory_space<vmem>>
      %dma_start3A_78 = tpu.memref_squeeze %dma_start3A_77 : memref<1x128xi32, #tpu.memory_space<vmem>> -> memref<128xi32, #tpu.memory_space<vmem>>
      %dma_start3A_79 = arith.constant 0 : i32
      %dma_start3A_80 = arith.constant 0 : i32
      %dma_start3A_81 = tpu.memref_slice %arg10[%dma_start3A_79, %dma_start3A_80] : memref<10112x128xf32, #tpu.memory_space<vmem_shared>> -> memref<10112x128xf32, #tpu.memory_space<vmem_shared>>
      tpu.enqueue_indirect_dma source(%arg9 : memref<128x128xf32, #tpu.memory_space<vmem>>) target(%dma_start3A_81 : memref<10112x128xf32, #tpu.memory_space<vmem_shared>>) offsets(%dma_start3A_78 : memref<128xi32, #tpu.memory_space<vmem>>) semaphore(%arg14 : memref<!tpu.dma_semaphore, #tpu.memory_space<semaphore_mem>>) {add = true}
      %dma_wait3A_82 = arith.constant 54 : i32
      %dma_wait3A_83 = arith.constant 0 : i32
      %dma_wait3A_84 = tpu.memref_slice %arg7[%dma_wait3A_82, %dma_wait3A_83] : memref<56x128xi32, #tpu.memory_space<vmem>> -> memref<1x128xi32, #tpu.memory_space<vmem>>
      %dma_wait3A_85 = tpu.memref_squeeze %dma_wait3A_84 : memref<1x128xi32, #tpu.memory_space<vmem>> -> memref<128xi32, #tpu.memory_space<vmem>>
      %dma_wait3A_86 = arith.constant 0 : i32
      %dma_wait3A_87 = arith.constant 0 : i32
      %dma_wait3A_88 = tpu.memref_slice %arg10[%dma_wait3A_86, %dma_wait3A_87] : memref<10112x128xf32, #tpu.memory_space<vmem_shared>> -> memref<10112x128xf32, #tpu.memory_space<vmem_shared>>
      tpu.wait_indirect_dma semaphore(%arg13 : memref<!tpu.dma_semaphore, #tpu.memory_space<semaphore_mem>>) src(%arg8 : memref<128x128xf32, #tpu.memory_space<vmem>>) dst(%dma_wait3A_88 : memref<10112x128xf32, #tpu.memory_space<vmem_shared>>)
      %dma_wait3A_89 = arith.constant 55 : i32
      %dma_wait3A_90 = arith.constant 0 : i32
      %dma_wait3A_91 = tpu.memref_slice %arg7[%dma_wait3A_89, %dma_wait3A_90] : memref<56x128xi32, #tpu.memory_space<vmem>> -> memref<1x128xi32, #tpu.memory_space<vmem>>
      %dma_wait3A_92 = tpu.memref_squeeze %dma_wait3A_91 : memref<1x128xi32, #tpu.memory_space<vmem>> -> memref<128xi32, #tpu.memory_space<vmem>>
      %dma_wait3A_93 = arith.constant 0 : i32
      %dma_wait3A_94 = arith.constant 0 : i32
      %dma_wait3A_95 = tpu.memref_slice %arg10[%dma_wait3A_93, %dma_wait3A_94] : memref<10112x128xf32, #tpu.memory_space<vmem_shared>> -> memref<10112x128xf32, #tpu.memory_space<vmem_shared>>
      tpu.wait_indirect_dma semaphore(%arg14 : memref<!tpu.dma_semaphore, #tpu.memory_space<semaphore_mem>>) src(%arg9 : memref<128x128xf32, #tpu.memory_space<vmem>>) dst(%dma_wait3A_95 : memref<10112x128xf32, #tpu.memory_space<vmem_shared>>)
      %run_scoped3A_96 = arith.constant 1 : i32
      "tpu.region"() ({
        %run_scoped3A_161 = tpu.sem_alloc : memref<!tpu.dma_semaphore, #tpu.memory_space<semaphore_mem>>
        %dma_start3A_162 = arith.constant 0 : i32
        %dma_start3A_163 = arith.constant 0 : i32
        %dma_start3A_164 = tpu.memref_slice %arg3[%add3A, %run_scoped3A_96, %dma_start3A_162, %dma_start3A_163] : memref<32x2x56x128xi32, #tpu.memory_space<hbm>> -> memref<1x1x56x128xi32, #tpu.memory_space<hbm>>
        %dma_start3A_165 = tpu.memref_squeeze %dma_start3A_164 : memref<1x1x56x128xi32, #tpu.memory_space<hbm>> -> memref<56x128xi32, #tpu.memory_space<hbm>>
        %dma_start3A_166 = arith.constant 0 : i32
        %dma_start3A_167 = arith.constant 0 : i32
        %dma_start3A_168 = tpu.memref_slice %arg3[%add3A, %run_scoped3A_96, %dma_start3A_166, %dma_start3A_167] : memref<32x2x56x128xi32, #tpu.memory_space<hbm>> -> memref<1x1x56x128xi32, #tpu.memory_space<hbm>>
        %dma_start3A_169 = tpu.memref_squeeze %dma_start3A_168 : memref<1x1x56x128xi32, #tpu.memory_space<hbm>> -> memref<56x128xi32, #tpu.memory_space<hbm>>
        tpu.enqueue_dma source(%dma_start3A_169 : memref<56x128xi32, #tpu.memory_space<hbm>>) target(%arg6 : memref<56x128xi32, #tpu.memory_space<vmem>>) target_semaphore(%run_scoped3A_161 : memref<!tpu.dma_semaphore, #tpu.memory_space<semaphore_mem>>)
        %dma_wait3A_170 = arith.constant 0 : i32
        %dma_wait3A_171 = arith.constant 0 : i32
        %dma_wait3A_172 = tpu.memref_slice %arg3[%add3A, %run_scoped3A_96, %dma_wait3A_170, %dma_wait3A_171] : memref<32x2x56x128xi32, #tpu.memory_space<hbm>> -> memref<1x1x56x128xi32, #tpu.memory_space<hbm>>
        %dma_wait3A_173 = tpu.memref_squeeze %dma_wait3A_172 : memref<1x1x56x128xi32, #tpu.memory_space<hbm>> -> memref<56x128xi32, #tpu.memory_space<hbm>>
        %dma_wait3A_174 = arith.constant 0 : i32
        %dma_wait3A_175 = arith.constant 0 : i32
        %dma_wait3A_176 = tpu.memref_slice %arg3[%add3A, %run_scoped3A_96, %dma_wait3A_174, %dma_wait3A_175] : memref<32x2x56x128xi32, #tpu.memory_space<hbm>> -> memref<1x1x56x128xi32, #tpu.memory_space<hbm>>
        %dma_wait3A_177 = tpu.memref_squeeze %dma_wait3A_176 : memref<1x1x56x128xi32, #tpu.memory_space<hbm>> -> memref<56x128xi32, #tpu.memory_space<hbm>>
        tpu.wait_dma2 semaphore(%run_scoped3A_161 : memref<!tpu.dma_semaphore, #tpu.memory_space<semaphore_mem>>) src(%dma_wait3A_177 : memref<56x128xi32, #tpu.memory_space<hbm>>) dst(%arg6 : memref<56x128xi32, #tpu.memory_space<vmem>>)
        tpu.yield
      }) : () -> ()
      %run_scoped3A_97 = arith.constant 1 : i32
      "tpu.region"() ({
        %run_scoped3A_161 = tpu.sem_alloc : memref<!tpu.dma_semaphore, #tpu.memory_space<semaphore_mem>>
        %dma_start3A_162 = arith.constant 0 : i32
        %dma_start3A_163 = arith.constant 0 : i32
        %dma_start3A_164 = tpu.memref_slice %arg4[%add3A, %run_scoped3A_97, %dma_start3A_162, %dma_start3A_163] : memref<32x2x56x128xi32, #tpu.memory_space<hbm>> -> memref<1x1x56x128xi32, #tpu.memory_space<hbm>>
        %dma_start3A_165 = tpu.memref_squeeze %dma_start3A_164 : memref<1x1x56x128xi32, #tpu.memory_space<hbm>> -> memref<56x128xi32, #tpu.memory_space<hbm>>
        %dma_start3A_166 = arith.constant 0 : i32
        %dma_start3A_167 = arith.constant 0 : i32
        %dma_start3A_168 = tpu.memref_slice %arg4[%add3A, %run_scoped3A_97, %dma_start3A_166, %dma_start3A_167] : memref<32x2x56x128xi32, #tpu.memory_space<hbm>> -> memref<1x1x56x128xi32, #tpu.memory_space<hbm>>
        %dma_start3A_169 = tpu.memref_squeeze %dma_start3A_168 : memref<1x1x56x128xi32, #tpu.memory_space<hbm>> -> memref<56x128xi32, #tpu.memory_space<hbm>>
        tpu.enqueue_dma source(%dma_start3A_169 : memref<56x128xi32, #tpu.memory_space<hbm>>) target(%arg7 : memref<56x128xi32, #tpu.memory_space<vmem>>) target_semaphore(%run_scoped3A_161 : memref<!tpu.dma_semaphore, #tpu.memory_space<semaphore_mem>>)
        %dma_wait3A_170 = arith.constant 0 : i32
        %dma_wait3A_171 = arith.constant 0 : i32
        %dma_wait3A_172 = tpu.memref_slice %arg4[%add3A, %run_scoped3A_97, %dma_wait3A_170, %dma_wait3A_171] : memref<32x2x56x128xi32, #tpu.memory_space<hbm>> -> memref<1x1x56x128xi32, #tpu.memory_space<hbm>>
        %dma_wait3A_173 = tpu.memref_squeeze %dma_wait3A_172 : memref<1x1x56x128xi32, #tpu.memory_space<hbm>> -> memref<56x128xi32, #tpu.memory_space<hbm>>
        %dma_wait3A_174 = arith.constant 0 : i32
        %dma_wait3A_175 = arith.constant 0 : i32
        %dma_wait3A_176 = tpu.memref_slice %arg4[%add3A, %run_scoped3A_97, %dma_wait3A_174, %dma_wait3A_175] : memref<32x2x56x128xi32, #tpu.memory_space<hbm>> -> memref<1x1x56x128xi32, #tpu.memory_space<hbm>>
        %dma_wait3A_177 = tpu.memref_squeeze %dma_wait3A_176 : memref<1x1x56x128xi32, #tpu.memory_space<hbm>> -> memref<56x128xi32, #tpu.memory_space<hbm>>
        tpu.wait_dma2 semaphore(%run_scoped3A_161 : memref<!tpu.dma_semaphore, #tpu.memory_space<semaphore_mem>>) src(%dma_wait3A_177 : memref<56x128xi32, #tpu.memory_space<hbm>>) dst(%arg7 : memref<56x128xi32, #tpu.memory_space<vmem>>)
        tpu.yield
      }) : () -> ()
      %dma_start3A_98 = arith.constant 0 : i32
      %dma_start3A_99 = arith.constant 0 : i32
      %dma_start3A_100 = tpu.memref_slice %arg6[%dma_start3A_98, %dma_start3A_99] : memref<56x128xi32, #tpu.memory_space<vmem>> -> memref<1x128xi32, #tpu.memory_space<vmem>>
      %dma_start3A_101 = tpu.memref_squeeze %dma_start3A_100 : memref<1x128xi32, #tpu.memory_space<vmem>> -> memref<128xi32, #tpu.memory_space<vmem>>
      %dma_start3A_102 = arith.constant 0 : i32
      %dma_start3A_103 = arith.constant 0 : i32
      %dma_start3A_104 = tpu.memref_slice %arg2[%dma_start3A_102, %dma_start3A_103] : memref<10240x128xf32, #tpu.memory_space<hbm>> -> memref<10240x128xf32, #tpu.memory_space<hbm>>
      tpu.enqueue_indirect_dma source(%dma_start3A_104 : memref<10240x128xf32, #tpu.memory_space<hbm>>) target(%arg8 : memref<128x128xf32, #tpu.memory_space<vmem>>) offsets(%dma_start3A_101 : memref<128xi32, #tpu.memory_space<vmem>>) semaphore(%arg11 : memref<!tpu.dma_semaphore, #tpu.memory_space<semaphore_mem>>)
      %dma_start3A_105 = arith.constant 1 : i32
      %dma_start3A_106 = arith.constant 0 : i32
      %dma_start3A_107 = tpu.memref_slice %arg6[%dma_start3A_105, %dma_start3A_106] : memref<56x128xi32, #tpu.memory_space<vmem>> -> memref<1x128xi32, #tpu.memory_space<vmem>>
      %dma_start3A_108 = tpu.memref_squeeze %dma_start3A_107 : memref<1x128xi32, #tpu.memory_space<vmem>> -> memref<128xi32, #tpu.memory_space<vmem>>
      %dma_start3A_109 = arith.constant 0 : i32
      %dma_start3A_110 = arith.constant 0 : i32
      %dma_start3A_111 = tpu.memref_slice %arg2[%dma_start3A_109, %dma_start3A_110] : memref<10240x128xf32, #tpu.memory_space<hbm>> -> memref<10240x128xf32, #tpu.memory_space<hbm>>
      tpu.enqueue_indirect_dma source(%dma_start3A_111 : memref<10240x128xf32, #tpu.memory_space<hbm>>) target(%arg9 : memref<128x128xf32, #tpu.memory_space<vmem>>) offsets(%dma_start3A_108 : memref<128xi32, #tpu.memory_space<vmem>>) semaphore(%arg12 : memref<!tpu.dma_semaphore, #tpu.memory_space<semaphore_mem>>)
      %scan3A_112 = arith.constant 0 : i32
      %scan3A_113 = arith.constant 0 : i32
      %scan3A_114 = arith.constant 27 : i32
      %scan3A_115 = arith.addi %scan3A_113, %scan3A_114 : i32
      %scan3A_116 = arith.constant 1 : i32
      scf.for %scan3A_161 = %scan3A_113 to %scan3A_115 step %scan3A_116  : i32 {
        %mul3A_162 = arith.constant 2 : i32
        %mul3A_163 = arith.muli %mul3A_162, %scan3A_161 : i32
        %add3A_164 = arith.constant 1 : i32
        %add3A_165 = arith.addi %mul3A_163, %add3A_164 : i32
        %dma_wait3A_166 = arith.constant 0 : i32
        %dma_wait3A_167 = tpu.memref_slice %arg6[%mul3A_163, %dma_wait3A_166] : memref<56x128xi32, #tpu.memory_space<vmem>> -> memref<1x128xi32, #tpu.memory_space<vmem>>
        %dma_wait3A_168 = tpu.memref_squeeze %dma_wait3A_167 : memref<1x128xi32, #tpu.memory_space<vmem>> -> memref<128xi32, #tpu.memory_space<vmem>>
        %dma_wait3A_169 = arith.constant 0 : i32
        %dma_wait3A_170 = arith.constant 0 : i32
        %dma_wait3A_171 = tpu.memref_slice %arg2[%dma_wait3A_169, %dma_wait3A_170] : memref<10240x128xf32, #tpu.memory_space<hbm>> -> memref<10240x128xf32, #tpu.memory_space<hbm>>
        tpu.wait_indirect_dma semaphore(%arg11 : memref<!tpu.dma_semaphore, #tpu.memory_space<semaphore_mem>>) src(%dma_wait3A_171 : memref<10240x128xf32, #tpu.memory_space<hbm>>) dst(%arg8 : memref<128x128xf32, #tpu.memory_space<vmem>>)
        %dma_start3A_172 = arith.constant 0 : i32
        %dma_start3A_173 = tpu.memref_slice %arg7[%mul3A_163, %dma_start3A_172] : memref<56x128xi32, #tpu.memory_space<vmem>> -> memref<1x128xi32, #tpu.memory_space<vmem>>
        %dma_start3A_174 = tpu.memref_squeeze %dma_start3A_173 : memref<1x128xi32, #tpu.memory_space<vmem>> -> memref<128xi32, #tpu.memory_space<vmem>>
        %dma_start3A_175 = arith.constant 0 : i32
        %dma_start3A_176 = arith.constant 0 : i32
        %dma_start3A_177 = tpu.memref_slice %arg10[%dma_start3A_175, %dma_start3A_176] : memref<10112x128xf32, #tpu.memory_space<vmem_shared>> -> memref<10112x128xf32, #tpu.memory_space<vmem_shared>>
        tpu.enqueue_indirect_dma source(%arg8 : memref<128x128xf32, #tpu.memory_space<vmem>>) target(%dma_start3A_177 : memref<10112x128xf32, #tpu.memory_space<vmem_shared>>) offsets(%dma_start3A_174 : memref<128xi32, #tpu.memory_space<vmem>>) semaphore(%arg13 : memref<!tpu.dma_semaphore, #tpu.memory_space<semaphore_mem>>) {add = true}
        %dma_wait3A_178 = arith.constant 0 : i32
        %dma_wait3A_179 = tpu.memref_slice %arg6[%add3A_165, %dma_wait3A_178] : memref<56x128xi32, #tpu.memory_space<vmem>> -> memref<1x128xi32, #tpu.memory_space<vmem>>
        %dma_wait3A_180 = tpu.memref_squeeze %dma_wait3A_179 : memref<1x128xi32, #tpu.memory_space<vmem>> -> memref<128xi32, #tpu.memory_space<vmem>>
        %dma_wait3A_181 = arith.constant 0 : i32
        %dma_wait3A_182 = arith.constant 0 : i32
        %dma_wait3A_183 = tpu.memref_slice %arg2[%dma_wait3A_181, %dma_wait3A_182] : memref<10240x128xf32, #tpu.memory_space<hbm>> -> memref<10240x128xf32, #tpu.memory_space<hbm>>
        tpu.wait_indirect_dma semaphore(%arg12 : memref<!tpu.dma_semaphore, #tpu.memory_space<semaphore_mem>>) src(%dma_wait3A_183 : memref<10240x128xf32, #tpu.memory_space<hbm>>) dst(%arg9 : memref<128x128xf32, #tpu.memory_space<vmem>>)
        %dma_start3A_184 = arith.constant 0 : i32
        %dma_start3A_185 = tpu.memref_slice %arg7[%add3A_165, %dma_start3A_184] : memref<56x128xi32, #tpu.memory_space<vmem>> -> memref<1x128xi32, #tpu.memory_space<vmem>>
        %dma_start3A_186 = tpu.memref_squeeze %dma_start3A_185 : memref<1x128xi32, #tpu.memory_space<vmem>> -> memref<128xi32, #tpu.memory_space<vmem>>
        %dma_start3A_187 = arith.constant 0 : i32
        %dma_start3A_188 = arith.constant 0 : i32
        %dma_start3A_189 = tpu.memref_slice %arg10[%dma_start3A_187, %dma_start3A_188] : memref<10112x128xf32, #tpu.memory_space<vmem_shared>> -> memref<10112x128xf32, #tpu.memory_space<vmem_shared>>
        tpu.enqueue_indirect_dma source(%arg9 : memref<128x128xf32, #tpu.memory_space<vmem>>) target(%dma_start3A_189 : memref<10112x128xf32, #tpu.memory_space<vmem_shared>>) offsets(%dma_start3A_186 : memref<128xi32, #tpu.memory_space<vmem>>) semaphore(%arg14 : memref<!tpu.dma_semaphore, #tpu.memory_space<semaphore_mem>>) {add = true}
        %dma_wait3A_190 = arith.constant 0 : i32
        %dma_wait3A_191 = tpu.memref_slice %arg7[%mul3A_163, %dma_wait3A_190] : memref<56x128xi32, #tpu.memory_space<vmem>> -> memref<1x128xi32, #tpu.memory_space<vmem>>
        %dma_wait3A_192 = tpu.memref_squeeze %dma_wait3A_191 : memref<1x128xi32, #tpu.memory_space<vmem>> -> memref<128xi32, #tpu.memory_space<vmem>>
        %dma_wait3A_193 = arith.constant 0 : i32
        %dma_wait3A_194 = arith.constant 0 : i32
        %dma_wait3A_195 = tpu.memref_slice %arg10[%dma_wait3A_193, %dma_wait3A_194] : memref<10112x128xf32, #tpu.memory_space<vmem_shared>> -> memref<10112x128xf32, #tpu.memory_space<vmem_shared>>
        tpu.wait_indirect_dma semaphore(%arg13 : memref<!tpu.dma_semaphore, #tpu.memory_space<semaphore_mem>>) src(%arg8 : memref<128x128xf32, #tpu.memory_space<vmem>>) dst(%dma_wait3A_195 : memref<10112x128xf32, #tpu.memory_space<vmem_shared>>)
        %add3A_196 = arith.constant 2 : i32
        %add3A_197 = arith.addi %mul3A_163, %add3A_196 : i32
        %dma_start3A_198 = arith.constant 0 : i32
        %dma_start3A_199 = tpu.memref_slice %arg6[%add3A_197, %dma_start3A_198] : memref<56x128xi32, #tpu.memory_space<vmem>> -> memref<1x128xi32, #tpu.memory_space<vmem>>
        %dma_start3A_200 = tpu.memref_squeeze %dma_start3A_199 : memref<1x128xi32, #tpu.memory_space<vmem>> -> memref<128xi32, #tpu.memory_space<vmem>>
        %dma_start3A_201 = arith.constant 0 : i32
        %dma_start3A_202 = arith.constant 0 : i32
        %dma_start3A_203 = tpu.memref_slice %arg2[%dma_start3A_201, %dma_start3A_202] : memref<10240x128xf32, #tpu.memory_space<hbm>> -> memref<10240x128xf32, #tpu.memory_space<hbm>>
        tpu.enqueue_indirect_dma source(%dma_start3A_203 : memref<10240x128xf32, #tpu.memory_space<hbm>>) target(%arg8 : memref<128x128xf32, #tpu.memory_space<vmem>>) offsets(%dma_start3A_200 : memref<128xi32, #tpu.memory_space<vmem>>) semaphore(%arg11 : memref<!tpu.dma_semaphore, #tpu.memory_space<semaphore_mem>>)
        %dma_wait3A_204 = arith.constant 0 : i32
        %dma_wait3A_205 = tpu.memref_slice %arg7[%add3A_165, %dma_wait3A_204] : memref<56x128xi32, #tpu.memory_space<vmem>> -> memref<1x128xi32, #tpu.memory_space<vmem>>
        %dma_wait3A_206 = tpu.memref_squeeze %dma_wait3A_205 : memref<1x128xi32, #tpu.memory_space<vmem>> -> memref<128xi32, #tpu.memory_space<vmem>>
        %dma_wait3A_207 = arith.constant 0 : i32
        %dma_wait3A_208 = arith.constant 0 : i32
        %dma_wait3A_209 = tpu.memref_slice %arg10[%dma_wait3A_207, %dma_wait3A_208] : memref<10112x128xf32, #tpu.memory_space<vmem_shared>> -> memref<10112x128xf32, #tpu.memory_space<vmem_shared>>
        tpu.wait_indirect_dma semaphore(%arg14 : memref<!tpu.dma_semaphore, #tpu.memory_space<semaphore_mem>>) src(%arg9 : memref<128x128xf32, #tpu.memory_space<vmem>>) dst(%dma_wait3A_209 : memref<10112x128xf32, #tpu.memory_space<vmem_shared>>)
        %add3A_210 = arith.constant 2 : i32
        %add3A_211 = arith.addi %add3A_165, %add3A_210 : i32
        %dma_start3A_212 = arith.constant 0 : i32
        %dma_start3A_213 = tpu.memref_slice %arg6[%add3A_211, %dma_start3A_212] : memref<56x128xi32, #tpu.memory_space<vmem>> -> memref<1x128xi32, #tpu.memory_space<vmem>>
        %dma_start3A_214 = tpu.memref_squeeze %dma_start3A_213 : memref<1x128xi32, #tpu.memory_space<vmem>> -> memref<128xi32, #tpu.memory_space<vmem>>
        %dma_start3A_215 = arith.constant 0 : i32
        %dma_start3A_216 = arith.constant 0 : i32
        %dma_start3A_217 = tpu.memref_slice %arg2[%dma_start3A_215, %dma_start3A_216] : memref<10240x128xf32, #tpu.memory_space<hbm>> -> memref<10240x128xf32, #tpu.memory_space<hbm>>
        tpu.enqueue_indirect_dma source(%dma_start3A_217 : memref<10240x128xf32, #tpu.memory_space<hbm>>) target(%arg9 : memref<128x128xf32, #tpu.memory_space<vmem>>) offsets(%dma_start3A_214 : memref<128xi32, #tpu.memory_space<vmem>>) semaphore(%arg12 : memref<!tpu.dma_semaphore, #tpu.memory_space<semaphore_mem>>)
      }
      %scan3A_117 = arith.constant 27 : i32
      %dma_wait3A_118 = arith.constant 54 : i32
      %dma_wait3A_119 = arith.constant 0 : i32
      %dma_wait3A_120 = tpu.memref_slice %arg6[%dma_wait3A_118, %dma_wait3A_119] : memref<56x128xi32, #tpu.memory_space<vmem>> -> memref<1x128xi32, #tpu.memory_space<vmem>>
      %dma_wait3A_121 = tpu.memref_squeeze %dma_wait3A_120 : memref<1x128xi32, #tpu.memory_space<vmem>> -> memref<128xi32, #tpu.memory_space<vmem>>
      %dma_wait3A_122 = arith.constant 0 : i32
      %dma_wait3A_123 = arith.constant 0 : i32
      %dma_wait3A_124 = tpu.memref_slice %arg2[%dma_wait3A_122, %dma_wait3A_123] : memref<10240x128xf32, #tpu.memory_space<hbm>> -> memref<10240x128xf32, #tpu.memory_space<hbm>>
      tpu.wait_indirect_dma semaphore(%arg11 : memref<!tpu.dma_semaphore, #tpu.memory_space<semaphore_mem>>) src(%dma_wait3A_124 : memref<10240x128xf32, #tpu.memory_space<hbm>>) dst(%arg8 : memref<128x128xf32, #tpu.memory_space<vmem>>)
      %dma_start3A_125 = arith.constant 54 : i32
      %dma_start3A_126 = arith.constant 0 : i32
      %dma_start3A_127 = tpu.memref_slice %arg7[%dma_start3A_125, %dma_start3A_126] : memref<56x128xi32, #tpu.memory_space<vmem>> -> memref<1x128xi32, #tpu.memory_space<vmem>>
      %dma_start3A_128 = tpu.memref_squeeze %dma_start3A_127 : memref<1x128xi32, #tpu.memory_space<vmem>> -> memref<128xi32, #tpu.memory_space<vmem>>
      %dma_start3A_129 = arith.constant 0 : i32
      %dma_start3A_130 = arith.constant 0 : i32
      %dma_start3A_131 = tpu.memref_slice %arg10[%dma_start3A_129, %dma_start3A_130] : memref<10112x128xf32, #tpu.memory_space<vmem_shared>> -> memref<10112x128xf32, #tpu.memory_space<vmem_shared>>
      tpu.enqueue_indirect_dma source(%arg8 : memref<128x128xf32, #tpu.memory_space<vmem>>) target(%dma_start3A_131 : memref<10112x128xf32, #tpu.memory_space<vmem_shared>>) offsets(%dma_start3A_128 : memref<128xi32, #tpu.memory_space<vmem>>) semaphore(%arg13 : memref<!tpu.dma_semaphore, #tpu.memory_space<semaphore_mem>>) {add = true}
      %dma_wait3A_132 = arith.constant 55 : i32
      %dma_wait3A_133 = arith.constant 0 : i32
      %dma_wait3A_134 = tpu.memref_slice %arg6[%dma_wait3A_132, %dma_wait3A_133] : memref<56x128xi32, #tpu.memory_space<vmem>> -> memref<1x128xi32, #tpu.memory_space<vmem>>
      %dma_wait3A_135 = tpu.memref_squeeze %dma_wait3A_134 : memref<1x128xi32, #tpu.memory_space<vmem>> -> memref<128xi32, #tpu.memory_space<vmem>>
      %dma_wait3A_136 = arith.constant 0 : i32
      %dma_wait3A_137 = arith.constant 0 : i32
      %dma_wait3A_138 = tpu.memref_slice %arg2[%dma_wait3A_136, %dma_wait3A_137] : memref<10240x128xf32, #tpu.memory_space<hbm>> -> memref<10240x128xf32, #tpu.memory_space<hbm>>
      tpu.wait_indirect_dma semaphore(%arg12 : memref<!tpu.dma_semaphore, #tpu.memory_space<semaphore_mem>>) src(%dma_wait3A_138 : memref<10240x128xf32, #tpu.memory_space<hbm>>) dst(%arg9 : memref<128x128xf32, #tpu.memory_space<vmem>>)
      %dma_start3A_139 = arith.constant 55 : i32
      %dma_start3A_140 = arith.constant 0 : i32
      %dma_start3A_141 = tpu.memref_slice %arg7[%dma_start3A_139, %dma_start3A_140] : memref<56x128xi32, #tpu.memory_space<vmem>> -> memref<1x128xi32, #tpu.memory_space<vmem>>
      %dma_start3A_142 = tpu.memref_squeeze %dma_start3A_141 : memref<1x128xi32, #tpu.memory_space<vmem>> -> memref<128xi32, #tpu.memory_space<vmem>>
      %dma_start3A_143 = arith.constant 0 : i32
      %dma_start3A_144 = arith.constant 0 : i32
      %dma_start3A_145 = tpu.memref_slice %arg10[%dma_start3A_143, %dma_start3A_144] : memref<10112x128xf32, #tpu.memory_space<vmem_shared>> -> memref<10112x128xf32, #tpu.memory_space<vmem_shared>>
      tpu.enqueue_indirect_dma source(%arg9 : memref<128x128xf32, #tpu.memory_space<vmem>>) target(%dma_start3A_145 : memref<10112x128xf32, #tpu.memory_space<vmem_shared>>) offsets(%dma_start3A_142 : memref<128xi32, #tpu.memory_space<vmem>>) semaphore(%arg14 : memref<!tpu.dma_semaphore, #tpu.memory_space<semaphore_mem>>) {add = true}
      %dma_wait3A_146 = arith.constant 54 : i32
      %dma_wait3A_147 = arith.constant 0 : i32
      %dma_wait3A_148 = tpu.memref_slice %arg7[%dma_wait3A_146, %dma_wait3A_147] : memref<56x128xi32, #tpu.memory_space<vmem>> -> memref<1x128xi32, #tpu.memory_space<vmem>>
      %dma_wait3A_149 = tpu.memref_squeeze %dma_wait3A_148 : memref<1x128xi32, #tpu.memory_space<vmem>> -> memref<128xi32, #tpu.memory_space<vmem>>
      %dma_wait3A_150 = arith.constant 0 : i32
      %dma_wait3A_151 = arith.constant 0 : i32
      %dma_wait3A_152 = tpu.memref_slice %arg10[%dma_wait3A_150, %dma_wait3A_151] : memref<10112x128xf32, #tpu.memory_space<vmem_shared>> -> memref<10112x128xf32, #tpu.memory_space<vmem_shared>>
      tpu.wait_indirect_dma semaphore(%arg13 : memref<!tpu.dma_semaphore, #tpu.memory_space<semaphore_mem>>) src(%arg8 : memref<128x128xf32, #tpu.memory_space<vmem>>) dst(%dma_wait3A_152 : memref<10112x128xf32, #tpu.memory_space<vmem_shared>>)
      %dma_wait3A_153 = arith.constant 55 : i32
      %dma_wait3A_154 = arith.constant 0 : i32
      %dma_wait3A_155 = tpu.memref_slice %arg7[%dma_wait3A_153, %dma_wait3A_154] : memref<56x128xi32, #tpu.memory_space<vmem>> -> memref<1x128xi32, #tpu.memory_space<vmem>>
      %dma_wait3A_156 = tpu.memref_squeeze %dma_wait3A_155 : memref<1x128xi32, #tpu.memory_space<vmem>> -> memref<128xi32, #tpu.memory_space<vmem>>
      %dma_wait3A_157 = arith.constant 0 : i32
      %dma_wait3A_158 = arith.constant 0 : i32
      %dma_wait3A_159 = tpu.memref_slice %arg10[%dma_wait3A_157, %dma_wait3A_158] : memref<10112x128xf32, #tpu.memory_space<vmem_shared>> -> memref<10112x128xf32, #tpu.memory_space<vmem_shared>>
      tpu.wait_indirect_dma semaphore(%arg14 : memref<!tpu.dma_semaphore, #tpu.memory_space<semaphore_mem>>) src(%arg9 : memref<128x128xf32, #tpu.memory_space<vmem>>) dst(%dma_wait3A_159 : memref<10112x128xf32, #tpu.memory_space<vmem_shared>>)
      %cond3A_160 = arith.constant 0 : i32
      scf.yield %cond3A_160 : i32
    } else {
      %run_scoped3A = arith.constant 0 : i32
      "tpu.region"() ({
        %run_scoped3A_51 = tpu.sem_alloc : memref<!tpu.dma_semaphore, #tpu.memory_space<semaphore_mem>>
        %dma_start3A = arith.constant 0 : i32
        %dma_start3A_52 = arith.constant 0 : i32
        %dma_start3A_53 = tpu.memref_slice %arg3[%add3A, %run_scoped3A, %dma_start3A, %dma_start3A_52] : memref<32x2x56x128xi32, #tpu.memory_space<hbm>> -> memref<1x1x56x128xi32, #tpu.memory_space<hbm>>
        %dma_start3A_54 = tpu.memref_squeeze %dma_start3A_53 : memref<1x1x56x128xi32, #tpu.memory_space<hbm>> -> memref<56x128xi32, #tpu.memory_space<hbm>>
        %dma_start3A_55 = arith.constant 0 : i32
        %dma_start3A_56 = arith.constant 0 : i32
        %dma_start3A_57 = tpu.memref_slice %arg3[%add3A, %run_scoped3A, %dma_start3A_55, %dma_start3A_56] : memref<32x2x56x128xi32, #tpu.memory_space<hbm>> -> memref<1x1x56x128xi32, #tpu.memory_space<hbm>>
        %dma_start3A_58 = tpu.memref_squeeze %dma_start3A_57 : memref<1x1x56x128xi32, #tpu.memory_space<hbm>> -> memref<56x128xi32, #tpu.memory_space<hbm>>
        tpu.enqueue_dma source(%dma_start3A_58 : memref<56x128xi32, #tpu.memory_space<hbm>>) target(%arg6 : memref<56x128xi32, #tpu.memory_space<vmem>>) target_semaphore(%run_scoped3A_51 : memref<!tpu.dma_semaphore, #tpu.memory_space<semaphore_mem>>)
        %dma_wait3A = arith.constant 0 : i32
        %dma_wait3A_59 = arith.constant 0 : i32
        %dma_wait3A_60 = tpu.memref_slice %arg3[%add3A, %run_scoped3A, %dma_wait3A, %dma_wait3A_59] : memref<32x2x56x128xi32, #tpu.memory_space<hbm>> -> memref<1x1x56x128xi32, #tpu.memory_space<hbm>>
        %dma_wait3A_61 = tpu.memref_squeeze %dma_wait3A_60 : memref<1x1x56x128xi32, #tpu.memory_space<hbm>> -> memref<56x128xi32, #tpu.memory_space<hbm>>
        %dma_wait3A_62 = arith.constant 0 : i32
        %dma_wait3A_63 = arith.constant 0 : i32
        %dma_wait3A_64 = tpu.memref_slice %arg3[%add3A, %run_scoped3A, %dma_wait3A_62, %dma_wait3A_63] : memref<32x2x56x128xi32, #tpu.memory_space<hbm>> -> memref<1x1x56x128xi32, #tpu.memory_space<hbm>>
        %dma_wait3A_65 = tpu.memref_squeeze %dma_wait3A_64 : memref<1x1x56x128xi32, #tpu.memory_space<hbm>> -> memref<56x128xi32, #tpu.memory_space<hbm>>
        tpu.wait_dma2 semaphore(%run_scoped3A_51 : memref<!tpu.dma_semaphore, #tpu.memory_space<semaphore_mem>>) src(%dma_wait3A_65 : memref<56x128xi32, #tpu.memory_space<hbm>>) dst(%arg6 : memref<56x128xi32, #tpu.memory_space<vmem>>)
        tpu.yield
      }) : () -> ()
      %run_scoped3A_35 = arith.constant 0 : i32
      "tpu.region"() ({
        %run_scoped3A_51 = tpu.sem_alloc : memref<!tpu.dma_semaphore, #tpu.memory_space<semaphore_mem>>
        %dma_start3A = arith.constant 0 : i32
        %dma_start3A_52 = arith.constant 0 : i32
        %dma_start3A_53 = tpu.memref_slice %arg4[%add3A, %run_scoped3A_35, %dma_start3A, %dma_start3A_52] : memref<32x2x56x128xi32, #tpu.memory_space<hbm>> -> memref<1x1x56x128xi32, #tpu.memory_space<hbm>>
        %dma_start3A_54 = tpu.memref_squeeze %dma_start3A_53 : memref<1x1x56x128xi32, #tpu.memory_space<hbm>> -> memref<56x128xi32, #tpu.memory_space<hbm>>
        %dma_start3A_55 = arith.constant 0 : i32
        %dma_start3A_56 = arith.constant 0 : i32
        %dma_start3A_57 = tpu.memref_slice %arg4[%add3A, %run_scoped3A_35, %dma_start3A_55, %dma_start3A_56] : memref<32x2x56x128xi32, #tpu.memory_space<hbm>> -> memref<1x1x56x128xi32, #tpu.memory_space<hbm>>
        %dma_start3A_58 = tpu.memref_squeeze %dma_start3A_57 : memref<1x1x56x128xi32, #tpu.memory_space<hbm>> -> memref<56x128xi32, #tpu.memory_space<hbm>>
        tpu.enqueue_dma source(%dma_start3A_58 : memref<56x128xi32, #tpu.memory_space<hbm>>) target(%arg7 : memref<56x128xi32, #tpu.memory_space<vmem>>) target_semaphore(%run_scoped3A_51 : memref<!tpu.dma_semaphore, #tpu.memory_space<semaphore_mem>>)
        %dma_wait3A = arith.constant 0 : i32
        %dma_wait3A_59 = arith.constant 0 : i32
        %dma_wait3A_60 = tpu.memref_slice %arg4[%add3A, %run_scoped3A_35, %dma_wait3A, %dma_wait3A_59] : memref<32x2x56x128xi32, #tpu.memory_space<hbm>> -> memref<1x1x56x128xi32, #tpu.memory_space<hbm>>
        %dma_wait3A_61 = tpu.memref_squeeze %dma_wait3A_60 : memref<1x1x56x128xi32, #tpu.memory_space<hbm>> -> memref<56x128xi32, #tpu.memory_space<hbm>>
        %dma_wait3A_62 = arith.constant 0 : i32
        %dma_wait3A_63 = arith.constant 0 : i32
        %dma_wait3A_64 = tpu.memref_slice %arg4[%add3A, %run_scoped3A_35, %dma_wait3A_62, %dma_wait3A_63] : memref<32x2x56x128xi32, #tpu.memory_space<hbm>> -> memref<1x1x56x128xi32, #tpu.memory_space<hbm>>
        %dma_wait3A_65 = tpu.memref_squeeze %dma_wait3A_64 : memref<1x1x56x128xi32, #tpu.memory_space<hbm>> -> memref<56x128xi32, #tpu.memory_space<hbm>>
        tpu.wait_dma2 semaphore(%run_scoped3A_51 : memref<!tpu.dma_semaphore, #tpu.memory_space<semaphore_mem>>) src(%dma_wait3A_65 : memref<56x128xi32, #tpu.memory_space<hbm>>) dst(%arg7 : memref<56x128xi32, #tpu.memory_space<vmem>>)
        tpu.yield
      }) : () -> ()
      %scan3A_36 = arith.constant 0 : i32
      %scan3A_37 = arith.constant 0 : i32
      %scan3A_38 = arith.constant 23 : i32
      %scan3A_39 = arith.addi %scan3A_37, %scan3A_38 : i32
      %scan3A_40 = arith.constant 1 : i32
      scf.for %scan3A_51 = %scan3A_37 to %scan3A_39 step %scan3A_40  : i32 {
        %dma_start3A = arith.constant 0 : i32
        %dma_start3A_52 = tpu.memref_slice %arg6[%scan3A_51, %dma_start3A] : memref<56x128xi32, #tpu.memory_space<vmem>> -> memref<1x128xi32, #tpu.memory_space<vmem>>
        %dma_start3A_53 = tpu.memref_squeeze %dma_start3A_52 : memref<1x128xi32, #tpu.memory_space<vmem>> -> memref<128xi32, #tpu.memory_space<vmem>>
        %dma_start3A_54 = arith.constant 0 : i32
        %dma_start3A_55 = arith.constant 0 : i32
        %dma_start3A_56 = tpu.memref_slice %arg2[%dma_start3A_54, %dma_start3A_55] : memref<10240x128xf32, #tpu.memory_space<hbm>> -> memref<10240x128xf32, #tpu.memory_space<hbm>>
        tpu.enqueue_indirect_dma source(%dma_start3A_56 : memref<10240x128xf32, #tpu.memory_space<hbm>>) target(%arg8 : memref<128x128xf32, #tpu.memory_space<vmem>>) offsets(%dma_start3A_53 : memref<128xi32, #tpu.memory_space<vmem>>) semaphore(%arg11 : memref<!tpu.dma_semaphore, #tpu.memory_space<semaphore_mem>>)
        %dma_wait3A = arith.constant 0 : i32
        %dma_wait3A_57 = tpu.memref_slice %arg6[%scan3A_51, %dma_wait3A] : memref<56x128xi32, #tpu.memory_space<vmem>> -> memref<1x128xi32, #tpu.memory_space<vmem>>
        %dma_wait3A_58 = tpu.memref_squeeze %dma_wait3A_57 : memref<1x128xi32, #tpu.memory_space<vmem>> -> memref<128xi32, #tpu.memory_space<vmem>>
        %dma_wait3A_59 = arith.constant 0 : i32
        %dma_wait3A_60 = arith.constant 0 : i32
        %dma_wait3A_61 = tpu.memref_slice %arg2[%dma_wait3A_59, %dma_wait3A_60] : memref<10240x128xf32, #tpu.memory_space<hbm>> -> memref<10240x128xf32, #tpu.memory_space<hbm>>
        tpu.wait_indirect_dma semaphore(%arg11 : memref<!tpu.dma_semaphore, #tpu.memory_space<semaphore_mem>>) src(%dma_wait3A_61 : memref<10240x128xf32, #tpu.memory_space<hbm>>) dst(%arg8 : memref<128x128xf32, #tpu.memory_space<vmem>>)
        "tpu.region"() ({
          %run_scoped3A_62 = tpu.sem_alloc : memref<!tpu.dma_semaphore, #tpu.memory_space<semaphore_mem>>
          %dma_start3A_63 = arith.constant 0 : i32
          %dma_start3A_64 = tpu.memref_slice %arg7[%scan3A_51, %dma_start3A_63] : memref<56x128xi32, #tpu.memory_space<vmem>> -> memref<1x128xi32, #tpu.memory_space<vmem>>
          %dma_start3A_65 = tpu.memref_squeeze %dma_start3A_64 : memref<1x128xi32, #tpu.memory_space<vmem>> -> memref<128xi32, #tpu.memory_space<vmem>>
          %dma_start3A_66 = arith.constant 0 : i32
          %dma_start3A_67 = arith.constant 0 : i32
          %dma_start3A_68 = tpu.memref_slice %arg10[%dma_start3A_66, %dma_start3A_67] : memref<10112x128xf32, #tpu.memory_space<vmem_shared>> -> memref<10112x128xf32, #tpu.memory_space<vmem_shared>>
          tpu.enqueue_indirect_dma source(%arg8 : memref<128x128xf32, #tpu.memory_space<vmem>>) target(%dma_start3A_68 : memref<10112x128xf32, #tpu.memory_space<vmem_shared>>) offsets(%dma_start3A_65 : memref<128xi32, #tpu.memory_space<vmem>>) semaphore(%run_scoped3A_62 : memref<!tpu.dma_semaphore, #tpu.memory_space<semaphore_mem>>) {add = true}
          %dma_wait3A_69 = arith.constant 0 : i32
          %dma_wait3A_70 = tpu.memref_slice %arg7[%scan3A_51, %dma_wait3A_69] : memref<56x128xi32, #tpu.memory_space<vmem>> -> memref<1x128xi32, #tpu.memory_space<vmem>>
          %dma_wait3A_71 = tpu.memref_squeeze %dma_wait3A_70 : memref<1x128xi32, #tpu.memory_space<vmem>> -> memref<128xi32, #tpu.memory_space<vmem>>
          %dma_wait3A_72 = arith.constant 0 : i32
          %dma_wait3A_73 = arith.constant 0 : i32
          %dma_wait3A_74 = tpu.memref_slice %arg10[%dma_wait3A_72, %dma_wait3A_73] : memref<10112x128xf32, #tpu.memory_space<vmem_shared>> -> memref<10112x128xf32, #tpu.memory_space<vmem_shared>>
          tpu.wait_indirect_dma semaphore(%run_scoped3A_62 : memref<!tpu.dma_semaphore, #tpu.memory_space<semaphore_mem>>) src(%arg8 : memref<128x128xf32, #tpu.memory_space<vmem>>) dst(%dma_wait3A_74 : memref<10112x128xf32, #tpu.memory_space<vmem_shared>>)
          tpu.yield
        }) : () -> ()
      }
      %scan3A_41 = arith.constant 23 : i32
      %run_scoped3A_42 = arith.constant 1 : i32
      "tpu.region"() ({
        %run_scoped3A_51 = tpu.sem_alloc : memref<!tpu.dma_semaphore, #tpu.memory_space<semaphore_mem>>
        %dma_start3A = arith.constant 0 : i32
        %dma_start3A_52 = arith.constant 0 : i32
        %dma_start3A_53 = tpu.memref_slice %arg3[%add3A, %run_scoped3A_42, %dma_start3A, %dma_start3A_52] : memref<32x2x56x128xi32, #tpu.memory_space<hbm>> -> memref<1x1x56x128xi32, #tpu.memory_space<hbm>>
        %dma_start3A_54 = tpu.memref_squeeze %dma_start3A_53 : memref<1x1x56x128xi32, #tpu.memory_space<hbm>> -> memref<56x128xi32, #tpu.memory_space<hbm>>
        %dma_start3A_55 = arith.constant 0 : i32
        %dma_start3A_56 = arith.constant 0 : i32
        %dma_start3A_57 = tpu.memref_slice %arg3[%add3A, %run_scoped3A_42, %dma_start3A_55, %dma_start3A_56] : memref<32x2x56x128xi32, #tpu.memory_space<hbm>> -> memref<1x1x56x128xi32, #tpu.memory_space<hbm>>
        %dma_start3A_58 = tpu.memref_squeeze %dma_start3A_57 : memref<1x1x56x128xi32, #tpu.memory_space<hbm>> -> memref<56x128xi32, #tpu.memory_space<hbm>>
        tpu.enqueue_dma source(%dma_start3A_58 : memref<56x128xi32, #tpu.memory_space<hbm>>) target(%arg6 : memref<56x128xi32, #tpu.memory_space<vmem>>) target_semaphore(%run_scoped3A_51 : memref<!tpu.dma_semaphore, #tpu.memory_space<semaphore_mem>>)
        %dma_wait3A = arith.constant 0 : i32
        %dma_wait3A_59 = arith.constant 0 : i32
        %dma_wait3A_60 = tpu.memref_slice %arg3[%add3A, %run_scoped3A_42, %dma_wait3A, %dma_wait3A_59] : memref<32x2x56x128xi32, #tpu.memory_space<hbm>> -> memref<1x1x56x128xi32, #tpu.memory_space<hbm>>
        %dma_wait3A_61 = tpu.memref_squeeze %dma_wait3A_60 : memref<1x1x56x128xi32, #tpu.memory_space<hbm>> -> memref<56x128xi32, #tpu.memory_space<hbm>>
        %dma_wait3A_62 = arith.constant 0 : i32
        %dma_wait3A_63 = arith.constant 0 : i32
        %dma_wait3A_64 = tpu.memref_slice %arg3[%add3A, %run_scoped3A_42, %dma_wait3A_62, %dma_wait3A_63] : memref<32x2x56x128xi32, #tpu.memory_space<hbm>> -> memref<1x1x56x128xi32, #tpu.memory_space<hbm>>
        %dma_wait3A_65 = tpu.memref_squeeze %dma_wait3A_64 : memref<1x1x56x128xi32, #tpu.memory_space<hbm>> -> memref<56x128xi32, #tpu.memory_space<hbm>>
        tpu.wait_dma2 semaphore(%run_scoped3A_51 : memref<!tpu.dma_semaphore, #tpu.memory_space<semaphore_mem>>) src(%dma_wait3A_65 : memref<56x128xi32, #tpu.memory_space<hbm>>) dst(%arg6 : memref<56x128xi32, #tpu.memory_space<vmem>>)
        tpu.yield
      }) : () -> ()
      %run_scoped3A_43 = arith.constant 1 : i32
      "tpu.region"() ({
        %run_scoped3A_51 = tpu.sem_alloc : memref<!tpu.dma_semaphore, #tpu.memory_space<semaphore_mem>>
        %dma_start3A = arith.constant 0 : i32
        %dma_start3A_52 = arith.constant 0 : i32
        %dma_start3A_53 = tpu.memref_slice %arg4[%add3A, %run_scoped3A_43, %dma_start3A, %dma_start3A_52] : memref<32x2x56x128xi32, #tpu.memory_space<hbm>> -> memref<1x1x56x128xi32, #tpu.memory_space<hbm>>
        %dma_start3A_54 = tpu.memref_squeeze %dma_start3A_53 : memref<1x1x56x128xi32, #tpu.memory_space<hbm>> -> memref<56x128xi32, #tpu.memory_space<hbm>>
        %dma_start3A_55 = arith.constant 0 : i32
        %dma_start3A_56 = arith.constant 0 : i32
        %dma_start3A_57 = tpu.memref_slice %arg4[%add3A, %run_scoped3A_43, %dma_start3A_55, %dma_start3A_56] : memref<32x2x56x128xi32, #tpu.memory_space<hbm>> -> memref<1x1x56x128xi32, #tpu.memory_space<hbm>>
        %dma_start3A_58 = tpu.memref_squeeze %dma_start3A_57 : memref<1x1x56x128xi32, #tpu.memory_space<hbm>> -> memref<56x128xi32, #tpu.memory_space<hbm>>
        tpu.enqueue_dma source(%dma_start3A_58 : memref<56x128xi32, #tpu.memory_space<hbm>>) target(%arg7 : memref<56x128xi32, #tpu.memory_space<vmem>>) target_semaphore(%run_scoped3A_51 : memref<!tpu.dma_semaphore, #tpu.memory_space<semaphore_mem>>)
        %dma_wait3A = arith.constant 0 : i32
        %dma_wait3A_59 = arith.constant 0 : i32
        %dma_wait3A_60 = tpu.memref_slice %arg4[%add3A, %run_scoped3A_43, %dma_wait3A, %dma_wait3A_59] : memref<32x2x56x128xi32, #tpu.memory_space<hbm>> -> memref<1x1x56x128xi32, #tpu.memory_space<hbm>>
        %dma_wait3A_61 = tpu.memref_squeeze %dma_wait3A_60 : memref<1x1x56x128xi32, #tpu.memory_space<hbm>> -> memref<56x128xi32, #tpu.memory_space<hbm>>
        %dma_wait3A_62 = arith.constant 0 : i32
        %dma_wait3A_63 = arith.constant 0 : i32
        %dma_wait3A_64 = tpu.memref_slice %arg4[%add3A, %run_scoped3A_43, %dma_wait3A_62, %dma_wait3A_63] : memref<32x2x56x128xi32, #tpu.memory_space<hbm>> -> memref<1x1x56x128xi32, #tpu.memory_space<hbm>>
        %dma_wait3A_65 = tpu.memref_squeeze %dma_wait3A_64 : memref<1x1x56x128xi32, #tpu.memory_space<hbm>> -> memref<56x128xi32, #tpu.memory_space<hbm>>
        tpu.wait_dma2 semaphore(%run_scoped3A_51 : memref<!tpu.dma_semaphore, #tpu.memory_space<semaphore_mem>>) src(%dma_wait3A_65 : memref<56x128xi32, #tpu.memory_space<hbm>>) dst(%arg7 : memref<56x128xi32, #tpu.memory_space<vmem>>)
        tpu.yield
      }) : () -> ()
      %scan3A_44 = arith.constant 0 : i32
      %scan3A_45 = arith.constant 0 : i32
      %scan3A_46 = arith.constant 23 : i32
      %scan3A_47 = arith.addi %scan3A_45, %scan3A_46 : i32
      %scan3A_48 = arith.constant 1 : i32
      scf.for %scan3A_51 = %scan3A_45 to %scan3A_47 step %scan3A_48  : i32 {
        %dma_start3A = arith.constant 0 : i32
        %dma_start3A_52 = tpu.memref_slice %arg6[%scan3A_51, %dma_start3A] : memref<56x128xi32, #tpu.memory_space<vmem>> -> memref<1x128xi32, #tpu.memory_space<vmem>>
        %dma_start3A_53 = tpu.memref_squeeze %dma_start3A_52 : memref<1x128xi32, #tpu.memory_space<vmem>> -> memref<128xi32, #tpu.memory_space<vmem>>
        %dma_start3A_54 = arith.constant 0 : i32
        %dma_start3A_55 = arith.constant 0 : i32
        %dma_start3A_56 = tpu.memref_slice %arg2[%dma_start3A_54, %dma_start3A_55] : memref<10240x128xf32, #tpu.memory_space<hbm>> -> memref<10240x128xf32, #tpu.memory_space<hbm>>
        tpu.enqueue_indirect_dma source(%dma_start3A_56 : memref<10240x128xf32, #tpu.memory_space<hbm>>) target(%arg8 : memref<128x128xf32, #tpu.memory_space<vmem>>) offsets(%dma_start3A_53 : memref<128xi32, #tpu.memory_space<vmem>>) semaphore(%arg11 : memref<!tpu.dma_semaphore, #tpu.memory_space<semaphore_mem>>)
        %dma_wait3A = arith.constant 0 : i32
        %dma_wait3A_57 = tpu.memref_slice %arg6[%scan3A_51, %dma_wait3A] : memref<56x128xi32, #tpu.memory_space<vmem>> -> memref<1x128xi32, #tpu.memory_space<vmem>>
        %dma_wait3A_58 = tpu.memref_squeeze %dma_wait3A_57 : memref<1x128xi32, #tpu.memory_space<vmem>> -> memref<128xi32, #tpu.memory_space<vmem>>
        %dma_wait3A_59 = arith.constant 0 : i32
        %dma_wait3A_60 = arith.constant 0 : i32
        %dma_wait3A_61 = tpu.memref_slice %arg2[%dma_wait3A_59, %dma_wait3A_60] : memref<10240x128xf32, #tpu.memory_space<hbm>> -> memref<10240x128xf32, #tpu.memory_space<hbm>>
        tpu.wait_indirect_dma semaphore(%arg11 : memref<!tpu.dma_semaphore, #tpu.memory_space<semaphore_mem>>) src(%dma_wait3A_61 : memref<10240x128xf32, #tpu.memory_space<hbm>>) dst(%arg8 : memref<128x128xf32, #tpu.memory_space<vmem>>)
        "tpu.region"() ({
          %run_scoped3A_62 = tpu.sem_alloc : memref<!tpu.dma_semaphore, #tpu.memory_space<semaphore_mem>>
          %dma_start3A_63 = arith.constant 0 : i32
          %dma_start3A_64 = tpu.memref_slice %arg7[%scan3A_51, %dma_start3A_63] : memref<56x128xi32, #tpu.memory_space<vmem>> -> memref<1x128xi32, #tpu.memory_space<vmem>>
          %dma_start3A_65 = tpu.memref_squeeze %dma_start3A_64 : memref<1x128xi32, #tpu.memory_space<vmem>> -> memref<128xi32, #tpu.memory_space<vmem>>
          %dma_start3A_66 = arith.constant 0 : i32
          %dma_start3A_67 = arith.constant 0 : i32
          %dma_start3A_68 = tpu.memref_slice %arg10[%dma_start3A_66, %dma_start3A_67] : memref<10112x128xf32, #tpu.memory_space<vmem_shared>> -> memref<10112x128xf32, #tpu.memory_space<vmem_shared>>
          tpu.enqueue_indirect_dma source(%arg8 : memref<128x128xf32, #tpu.memory_space<vmem>>) target(%dma_start3A_68 : memref<10112x128xf32, #tpu.memory_space<vmem_shared>>) offsets(%dma_start3A_65 : memref<128xi32, #tpu.memory_space<vmem>>) semaphore(%run_scoped3A_62 : memref<!tpu.dma_semaphore, #tpu.memory_space<semaphore_mem>>) {add = true}
          %dma_wait3A_69 = arith.constant 0 : i32
          %dma_wait3A_70 = tpu.memref_slice %arg7[%scan3A_51, %dma_wait3A_69] : memref<56x128xi32, #tpu.memory_space<vmem>> -> memref<1x128xi32, #tpu.memory_space<vmem>>
          %dma_wait3A_71 = tpu.memref_squeeze %dma_wait3A_70 : memref<1x128xi32, #tpu.memory_space<vmem>> -> memref<128xi32, #tpu.memory_space<vmem>>
          %dma_wait3A_72 = arith.constant 0 : i32
          %dma_wait3A_73 = arith.constant 0 : i32
          %dma_wait3A_74 = tpu.memref_slice %arg10[%dma_wait3A_72, %dma_wait3A_73] : memref<10112x128xf32, #tpu.memory_space<vmem_shared>> -> memref<10112x128xf32, #tpu.memory_space<vmem_shared>>
          tpu.wait_indirect_dma semaphore(%run_scoped3A_62 : memref<!tpu.dma_semaphore, #tpu.memory_space<semaphore_mem>>) src(%arg8 : memref<128x128xf32, #tpu.memory_space<vmem>>) dst(%dma_wait3A_74 : memref<10112x128xf32, #tpu.memory_space<vmem_shared>>)
          tpu.yield
        }) : () -> ()
      }
      %scan3A_49 = arith.constant 23 : i32
      %cond3A_50 = arith.constant 0 : i32
      scf.yield %cond3A_50 : i32
    }
    %barrier3A_30 = arith.constant 0 : index
    tpu.barrier barrier_id(%barrier3A_30)
    %mul3A_31 = arith.constant 632 : i32
    %mul3A_32 = arith.muli %arg1, %mul3A_31 : i32
    %mul3A_33 = arith.constant 632 : i32
    %mul3A_34 = arith.muli %arg1, %mul3A_33 : i32
    "tpu.region"() ({
      %run_scoped3A = tpu.sem_alloc : memref<!tpu.dma_semaphore, #tpu.memory_space<semaphore_mem>>
      %dma_start3A = arith.constant 0 : i32
      %dma_start3A_35 = tpu.memref_slice %arg5[%arg0, %mul3A_34, %dma_start3A] : memref<2x10240x128xf32, #tpu.memory_space<hbm>> -> memref<1x632x128xf32, #tpu.memory_space<hbm>>
      %dma_start3A_36 = tpu.memref_squeeze %dma_start3A_35 : memref<1x632x128xf32, #tpu.memory_space<hbm>> -> memref<632x128xf32, #tpu.memory_space<hbm>>
      %dma_start3A_37 = arith.constant 0 : i32
      %dma_start3A_38 = tpu.memref_slice %arg10[%mul3A_32, %dma_start3A_37] : memref<10112x128xf32, #tpu.memory_space<vmem_shared>> -> memref<632x128xf32, #tpu.memory_space<vmem_shared>>
      tpu.enqueue_dma source(%dma_start3A_38 : memref<632x128xf32, #tpu.memory_space<vmem_shared>>) target(%dma_start3A_36 : memref<632x128xf32, #tpu.memory_space<hbm>>) target_semaphore(%run_scoped3A : memref<!tpu.dma_semaphore, #tpu.memory_space<semaphore_mem>>)
      %dma_wait3A = arith.constant 0 : i32
      %dma_wait3A_39 = tpu.memref_slice %arg5[%arg0, %mul3A_34, %dma_wait3A] : memref<2x10240x128xf32, #tpu.memory_space<hbm>> -> memref<1x632x128xf32, #tpu.memory_space<hbm>>
      %dma_wait3A_40 = tpu.memref_squeeze %dma_wait3A_39 : memref<1x632x128xf32, #tpu.memory_space<hbm>> -> memref<632x128xf32, #tpu.memory_space<hbm>>
      %dma_wait3A_41 = arith.constant 0 : i32
      %dma_wait3A_42 = tpu.memref_slice %arg10[%mul3A_32, %dma_wait3A_41] : memref<10112x128xf32, #tpu.memory_space<vmem_shared>> -> memref<632x128xf32, #tpu.memory_space<vmem_shared>>
      tpu.wait_dma2 semaphore(%run_scoped3A : memref<!tpu.dma_semaphore, #tpu.memory_space<semaphore_mem>>) src(%dma_wait3A_42 : memref<632x128xf32, #tpu.memory_space<vmem_shared>>) dst(%dma_wait3A_40 : memref<632x128xf32, #tpu.memory_space<hbm>>)
      tpu.yield
    }) : () -> ()
    return
  }
}

#map = affine_map<(d0, d1) -> (0, 0)>
#map1 = affine_map<(d0, d1) -> (0, 0, 0, 0)>
#map2 = affine_map<(d0, d1) -> (0, 0, 0)>
module attributes {stable_mosaic.version = 14 : i64} {
  func.func @_agg_body(%arg0: i32, %arg1: i32, %arg2: memref<10240x128xf32, #tpu.memory_space<hbm>>, %arg3: memref<32x2x56x128xi32, #tpu.memory_space<hbm>>, %arg4: memref<32x2x56x128xi32, #tpu.memory_space<hbm>>, %arg5: memref<2x10240x128xf32, #tpu.memory_space<hbm>>, %arg6: memref<56x128xi32, #tpu.memory_space<vmem>>, %arg7: memref<56x128xi32, #tpu.memory_space<vmem>>, %arg8: memref<128x128xf32, #tpu.memory_space<vmem>>, %arg9: memref<128x128xf32, #tpu.memory_space<vmem>>, %arg10: memref<10112x128xf32, #tpu.memory_space<vmem_shared>>, %arg11: memref<!tpu.dma_semaphore, #tpu.memory_space<semaphore_mem>>, %arg12: memref<!tpu.dma_semaphore, #tpu.memory_space<semaphore_mem>>, %arg13: memref<!tpu.dma_semaphore, #tpu.memory_space<semaphore_mem>>, %arg14: memref<!tpu.dma_semaphore, #tpu.memory_space<semaphore_mem>>) attributes {dimension_semantics = [#tpu.dimension_semantics<core_parallel>, #tpu.dimension_semantics<subcore_parallel>], iteration_bounds = array<i64: 2, 16>, scalar_prefetch = 0 : i64, scratch_operands = 9 : i64, tpu.core_type = #tpu.core_type<sc_vector_subcore>, window_params = [{transform_indices = #map}, {transform_indices = #map1}, {transform_indices = #map1}, {transform_indices = #map2}]} {
    %mul3A = arith.constant 2 : i32
    %mul3A_0 = arith.muli %arg1, %mul3A : i32
    %add3A = arith.addi %mul3A_0, %arg0 : i32
    %broadcast_in_dim3A = arith.constant 0.000000e+00 : f32
    %broadcast_in_dim3A_1 = vector.broadcast %broadcast_in_dim3A : f32 to vector<16xf32>
    %scan3A = arith.constant 0 : i32
    %scan3A_2 = arith.constant 0 : i32
    %scan3A_3 = arith.constant 1024 : i32
    %scan3A_4 = arith.addi %scan3A_2, %scan3A_3 : i32
    %scan3A_5 = arith.constant 1 : i32
    scf.for %scan3A_35 = %scan3A_2 to %scan3A_4 step %scan3A_5  : i32 {
      %jit3A = arith.constant 8 : i32
      %div3A = arith.divsi %scan3A_35, %jit3A : i32
      %sign3A = arith.constant 0 : i32
      %sign3A_36 = arith.cmpi sgt, %scan3A_35, %sign3A : i32
      %sign3A_37 = arith.extui %sign3A_36 : i1 to i32
      %sign3A_38 = arith.constant 0 : i32
      %sign3A_39 = arith.cmpi slt, %scan3A_35, %sign3A_38 : i32
      %sign3A_40 = arith.extui %sign3A_39 : i1 to i32
      %sign3A_41 = arith.subi %sign3A_37, %sign3A_40 : i32
      %sign3A_42 = arith.constant 0 : i32
      %sign3A_43 = arith.cmpi sgt, %jit3A, %sign3A_42 : i32
      %sign3A_44 = arith.extui %sign3A_43 : i1 to i32
      %sign3A_45 = arith.constant 0 : i32
      %sign3A_46 = arith.cmpi slt, %jit3A, %sign3A_45 : i32
      %sign3A_47 = arith.extui %sign3A_46 : i1 to i32
      %sign3A_48 = arith.subi %sign3A_44, %sign3A_47 : i32
      %ne3A = arith.cmpi ne, %sign3A_41, %sign3A_48 : i32
      %rem3A = arith.remsi %scan3A_35, %jit3A : i32
      %ne3A_49 = arith.constant 0 : i32
      %ne3A_50 = arith.cmpi ne, %rem3A, %ne3A_49 : i32
      %and3A = arith.andi %ne3A, %ne3A_50 : i1
      %sub3A = arith.constant 1 : i32
      %sub3A_51 = arith.subi %div3A, %sub3A : i32
      %select_n3A = arith.select %and3A, %sub3A_51, %div3A : i32
      %jit3A_52 = arith.constant 8 : i32
      %eq3A_53 = arith.constant 0 : i32
      %eq3A_54 = arith.cmpi eq, %jit3A_52, %eq3A_53 : i32
      %jit3A_55 = arith.constant 1 : i32
      %select_n3A_56 = arith.select %eq3A_54, %jit3A_55, %jit3A_52 : i32
      %rem3A_57 = arith.remsi %scan3A_35, %select_n3A_56 : i32
      %ne3A_58 = arith.constant 0 : i32
      %ne3A_59 = arith.cmpi ne, %rem3A_57, %ne3A_58 : i32
      %lt3A = arith.constant 0 : i32
      %lt3A_60 = arith.cmpi slt, %rem3A_57, %lt3A : i32
      %lt3A_61 = arith.constant 0 : i32
      %lt3A_62 = arith.cmpi slt, %select_n3A_56, %lt3A_61 : i32
      %ne3A_63 = arith.xori %lt3A_60, %lt3A_62 : i1
      %and3A_64 = arith.andi %ne3A_63, %ne3A_59 : i1
      %add3A_65 = arith.addi %rem3A_57, %select_n3A_56 : i32
      %select_n3A_66 = arith.select %and3A_64, %add3A_65, %rem3A_57 : i32
      %mul3A_67 = arith.constant 16 : i32
      %mul3A_68 = arith.muli %select_n3A_66, %mul3A_67 : i32
      %swap3A = arith.index_cast %select_n3A : i32 to index
      %swap3A_69 = arith.index_cast %mul3A_68 : i32 to index
      %swap3A_70 = tpu.vector_load %arg8[%swap3A, %swap3A_69] {strides = array<i32>} : memref<128x128xf32, #tpu.memory_space<vmem>>, vector<1x16xf32>,
      %swap3A_71 = vector.shape_cast %swap3A_70 : vector<1x16xf32> to vector<16xf32>
      %swap3A_72 = vector.shape_cast %broadcast_in_dim3A_1 : vector<16xf32> to vector<1x16xf32>
      tpu.vector_store %arg8[%swap3A, %swap3A_69], %swap3A_72 {strides = array<i32>} : memref<128x128xf32, #tpu.memory_space<vmem>>, vector<1x16xf32>,
    }
    %scan3A_6 = arith.constant 1024 : i32
    %mul3A_7 = arith.constant 632 : i32
    %mul3A_8 = arith.muli %arg1, %mul3A_7 : i32
    %add3A_9 = arith.constant 0 : i32
    %add3A_10 = arith.addi %mul3A_8, %add3A_9 : i32
    "tpu.region"() ({
      %run_scoped3A = tpu.sem_alloc : memref<!tpu.dma_semaphore, #tpu.memory_space<semaphore_mem>>
      %dma_start3A = arith.constant 0 : i32
      %dma_start3A_35 = arith.constant 0 : i32
      %dma_start3A_36 = tpu.memref_slice %arg8[%dma_start3A, %dma_start3A_35] : memref<128x128xf32, #tpu.memory_space<vmem>> -> memref<128x128xf32, #tpu.memory_space<vmem>>
      %dma_start3A_37 = arith.constant 0 : i32
      %dma_start3A_38 = tpu.memref_slice %arg10[%add3A_10, %dma_start3A_37] : memref<10112x128xf32, #tpu.memory_space<vmem_shared>> -> memref<128x128xf32, #tpu.memory_space<vmem_shared>>
      %dma_start3A_39 = arith.constant 0 : i32
      %dma_start3A_40 = tpu.memref_slice %arg10[%add3A_10, %dma_start3A_39] : memref<10112x128xf32, #tpu.memory_space<vmem_shared>> -> memref<128x128xf32, #tpu.memory_space<vmem_shared>>
      %dma_start3A_41 = arith.constant 0 : i32
      %dma_start3A_42 = arith.constant 0 : i32
      %dma_start3A_43 = tpu.memref_slice %arg8[%dma_start3A_41, %dma_start3A_42] : memref<128x128xf32, #tpu.memory_space<vmem>> -> memref<128x128xf32, #tpu.memory_space<vmem>>
      tpu.enqueue_dma source(%dma_start3A_43 : memref<128x128xf32, #tpu.memory_space<vmem>>) target(%dma_start3A_40 : memref<128x128xf32, #tpu.memory_space<vmem_shared>>) target_semaphore(%run_scoped3A : memref<!tpu.dma_semaphore, #tpu.memory_space<semaphore_mem>>)
      %dma_wait3A = arith.constant 0 : i32
      %dma_wait3A_44 = arith.constant 0 : i32
      %dma_wait3A_45 = tpu.memref_slice %arg8[%dma_wait3A, %dma_wait3A_44] : memref<128x128xf32, #tpu.memory_space<vmem>> -> memref<128x128xf32, #tpu.memory_space<vmem>>
      %dma_wait3A_46 = arith.constant 0 : i32
      %dma_wait3A_47 = tpu.memref_slice %arg10[%add3A_10, %dma_wait3A_46] : memref<10112x128xf32, #tpu.memory_space<vmem_shared>> -> memref<128x128xf32, #tpu.memory_space<vmem_shared>>
      %dma_wait3A_48 = arith.constant 0 : i32
      %dma_wait3A_49 = tpu.memref_slice %arg10[%add3A_10, %dma_wait3A_48] : memref<10112x128xf32, #tpu.memory_space<vmem_shared>> -> memref<128x128xf32, #tpu.memory_space<vmem_shared>>
      %dma_wait3A_50 = arith.constant 0 : i32
      %dma_wait3A_51 = arith.constant 0 : i32
      %dma_wait3A_52 = tpu.memref_slice %arg8[%dma_wait3A_50, %dma_wait3A_51] : memref<128x128xf32, #tpu.memory_space<vmem>> -> memref<128x128xf32, #tpu.memory_space<vmem>>
      tpu.wait_dma2 semaphore(%run_scoped3A : memref<!tpu.dma_semaphore, #tpu.memory_space<semaphore_mem>>) src(%dma_wait3A_52 : memref<128x128xf32, #tpu.memory_space<vmem>>) dst(%dma_wait3A_49 : memref<128x128xf32, #tpu.memory_space<vmem_shared>>)
      tpu.yield
    }) : () -> ()
    %mul3A_11 = arith.constant 632 : i32
    %mul3A_12 = arith.muli %arg1, %mul3A_11 : i32
    %add3A_13 = arith.constant 128 : i32
    %add3A_14 = arith.addi %mul3A_12, %add3A_13 : i32
    "tpu.region"() ({
      %run_scoped3A = tpu.sem_alloc : memref<!tpu.dma_semaphore, #tpu.memory_space<semaphore_mem>>
      %dma_start3A = arith.constant 0 : i32
      %dma_start3A_35 = arith.constant 0 : i32
      %dma_start3A_36 = tpu.memref_slice %arg8[%dma_start3A, %dma_start3A_35] : memref<128x128xf32, #tpu.memory_space<vmem>> -> memref<128x128xf32, #tpu.memory_space<vmem>>
      %dma_start3A_37 = arith.constant 0 : i32
      %dma_start3A_38 = tpu.memref_slice %arg10[%add3A_14, %dma_start3A_37] : memref<10112x128xf32, #tpu.memory_space<vmem_shared>> -> memref<128x128xf32, #tpu.memory_space<vmem_shared>>
      %dma_start3A_39 = arith.constant 0 : i32
      %dma_start3A_40 = tpu.memref_slice %arg10[%add3A_14, %dma_start3A_39] : memref<10112x128xf32, #tpu.memory_space<vmem_shared>> -> memref<128x128xf32, #tpu.memory_space<vmem_shared>>
      %dma_start3A_41 = arith.constant 0 : i32
      %dma_start3A_42 = arith.constant 0 : i32
      %dma_start3A_43 = tpu.memref_slice %arg8[%dma_start3A_41, %dma_start3A_42] : memref<128x128xf32, #tpu.memory_space<vmem>> -> memref<128x128xf32, #tpu.memory_space<vmem>>
      tpu.enqueue_dma source(%dma_start3A_43 : memref<128x128xf32, #tpu.memory_space<vmem>>) target(%dma_start3A_40 : memref<128x128xf32, #tpu.memory_space<vmem_shared>>) target_semaphore(%run_scoped3A : memref<!tpu.dma_semaphore, #tpu.memory_space<semaphore_mem>>)
      %dma_wait3A = arith.constant 0 : i32
      %dma_wait3A_44 = arith.constant 0 : i32
      %dma_wait3A_45 = tpu.memref_slice %arg8[%dma_wait3A, %dma_wait3A_44] : memref<128x128xf32, #tpu.memory_space<vmem>> -> memref<128x128xf32, #tpu.memory_space<vmem>>
      %dma_wait3A_46 = arith.constant 0 : i32
      %dma_wait3A_47 = tpu.memref_slice %arg10[%add3A_14, %dma_wait3A_46] : memref<10112x128xf32, #tpu.memory_space<vmem_shared>> -> memref<128x128xf32, #tpu.memory_space<vmem_shared>>
      %dma_wait3A_48 = arith.constant 0 : i32
      %dma_wait3A_49 = tpu.memref_slice %arg10[%add3A_14, %dma_wait3A_48] : memref<10112x128xf32, #tpu.memory_space<vmem_shared>> -> memref<128x128xf32, #tpu.memory_space<vmem_shared>>
      %dma_wait3A_50 = arith.constant 0 : i32
      %dma_wait3A_51 = arith.constant 0 : i32
      %dma_wait3A_52 = tpu.memref_slice %arg8[%dma_wait3A_50, %dma_wait3A_51] : memref<128x128xf32, #tpu.memory_space<vmem>> -> memref<128x128xf32, #tpu.memory_space<vmem>>
      tpu.wait_dma2 semaphore(%run_scoped3A : memref<!tpu.dma_semaphore, #tpu.memory_space<semaphore_mem>>) src(%dma_wait3A_52 : memref<128x128xf32, #tpu.memory_space<vmem>>) dst(%dma_wait3A_49 : memref<128x128xf32, #tpu.memory_space<vmem_shared>>)
      tpu.yield
    }) : () -> ()
    %mul3A_15 = arith.constant 632 : i32
    %mul3A_16 = arith.muli %arg1, %mul3A_15 : i32
    %add3A_17 = arith.constant 256 : i32
    %add3A_18 = arith.addi %mul3A_16, %add3A_17 : i32
    "tpu.region"() ({
      %run_scoped3A = tpu.sem_alloc : memref<!tpu.dma_semaphore, #tpu.memory_space<semaphore_mem>>
      %dma_start3A = arith.constant 0 : i32
      %dma_start3A_35 = arith.constant 0 : i32
      %dma_start3A_36 = tpu.memref_slice %arg8[%dma_start3A, %dma_start3A_35] : memref<128x128xf32, #tpu.memory_space<vmem>> -> memref<128x128xf32, #tpu.memory_space<vmem>>
      %dma_start3A_37 = arith.constant 0 : i32
      %dma_start3A_38 = tpu.memref_slice %arg10[%add3A_18, %dma_start3A_37] : memref<10112x128xf32, #tpu.memory_space<vmem_shared>> -> memref<128x128xf32, #tpu.memory_space<vmem_shared>>
      %dma_start3A_39 = arith.constant 0 : i32
      %dma_start3A_40 = tpu.memref_slice %arg10[%add3A_18, %dma_start3A_39] : memref<10112x128xf32, #tpu.memory_space<vmem_shared>> -> memref<128x128xf32, #tpu.memory_space<vmem_shared>>
      %dma_start3A_41 = arith.constant 0 : i32
      %dma_start3A_42 = arith.constant 0 : i32
      %dma_start3A_43 = tpu.memref_slice %arg8[%dma_start3A_41, %dma_start3A_42] : memref<128x128xf32, #tpu.memory_space<vmem>> -> memref<128x128xf32, #tpu.memory_space<vmem>>
      tpu.enqueue_dma source(%dma_start3A_43 : memref<128x128xf32, #tpu.memory_space<vmem>>) target(%dma_start3A_40 : memref<128x128xf32, #tpu.memory_space<vmem_shared>>) target_semaphore(%run_scoped3A : memref<!tpu.dma_semaphore, #tpu.memory_space<semaphore_mem>>)
      %dma_wait3A = arith.constant 0 : i32
      %dma_wait3A_44 = arith.constant 0 : i32
      %dma_wait3A_45 = tpu.memref_slice %arg8[%dma_wait3A, %dma_wait3A_44] : memref<128x128xf32, #tpu.memory_space<vmem>> -> memref<128x128xf32, #tpu.memory_space<vmem>>
      %dma_wait3A_46 = arith.constant 0 : i32
      %dma_wait3A_47 = tpu.memref_slice %arg10[%add3A_18, %dma_wait3A_46] : memref<10112x128xf32, #tpu.memory_space<vmem_shared>> -> memref<128x128xf32, #tpu.memory_space<vmem_shared>>
      %dma_wait3A_48 = arith.constant 0 : i32
      %dma_wait3A_49 = tpu.memref_slice %arg10[%add3A_18, %dma_wait3A_48] : memref<10112x128xf32, #tpu.memory_space<vmem_shared>> -> memref<128x128xf32, #tpu.memory_space<vmem_shared>>
      %dma_wait3A_50 = arith.constant 0 : i32
      %dma_wait3A_51 = arith.constant 0 : i32
      %dma_wait3A_52 = tpu.memref_slice %arg8[%dma_wait3A_50, %dma_wait3A_51] : memref<128x128xf32, #tpu.memory_space<vmem>> -> memref<128x128xf32, #tpu.memory_space<vmem>>
      tpu.wait_dma2 semaphore(%run_scoped3A : memref<!tpu.dma_semaphore, #tpu.memory_space<semaphore_mem>>) src(%dma_wait3A_52 : memref<128x128xf32, #tpu.memory_space<vmem>>) dst(%dma_wait3A_49 : memref<128x128xf32, #tpu.memory_space<vmem_shared>>)
      tpu.yield
    }) : () -> ()
    %mul3A_19 = arith.constant 632 : i32
    %mul3A_20 = arith.muli %arg1, %mul3A_19 : i32
    %add3A_21 = arith.constant 384 : i32
    %add3A_22 = arith.addi %mul3A_20, %add3A_21 : i32
    "tpu.region"() ({
      %run_scoped3A = tpu.sem_alloc : memref<!tpu.dma_semaphore, #tpu.memory_space<semaphore_mem>>
      %dma_start3A = arith.constant 0 : i32
      %dma_start3A_35 = arith.constant 0 : i32
      %dma_start3A_36 = tpu.memref_slice %arg8[%dma_start3A, %dma_start3A_35] : memref<128x128xf32, #tpu.memory_space<vmem>> -> memref<128x128xf32, #tpu.memory_space<vmem>>
      %dma_start3A_37 = arith.constant 0 : i32
      %dma_start3A_38 = tpu.memref_slice %arg10[%add3A_22, %dma_start3A_37] : memref<10112x128xf32, #tpu.memory_space<vmem_shared>> -> memref<128x128xf32, #tpu.memory_space<vmem_shared>>
      %dma_start3A_39 = arith.constant 0 : i32
      %dma_start3A_40 = tpu.memref_slice %arg10[%add3A_22, %dma_start3A_39] : memref<10112x128xf32, #tpu.memory_space<vmem_shared>> -> memref<128x128xf32, #tpu.memory_space<vmem_shared>>
      %dma_start3A_41 = arith.constant 0 : i32
      %dma_start3A_42 = arith.constant 0 : i32
      %dma_start3A_43 = tpu.memref_slice %arg8[%dma_start3A_41, %dma_start3A_42] : memref<128x128xf32, #tpu.memory_space<vmem>> -> memref<128x128xf32, #tpu.memory_space<vmem>>
      tpu.enqueue_dma source(%dma_start3A_43 : memref<128x128xf32, #tpu.memory_space<vmem>>) target(%dma_start3A_40 : memref<128x128xf32, #tpu.memory_space<vmem_shared>>) target_semaphore(%run_scoped3A : memref<!tpu.dma_semaphore, #tpu.memory_space<semaphore_mem>>)
      %dma_wait3A = arith.constant 0 : i32
      %dma_wait3A_44 = arith.constant 0 : i32
      %dma_wait3A_45 = tpu.memref_slice %arg8[%dma_wait3A, %dma_wait3A_44] : memref<128x128xf32, #tpu.memory_space<vmem>> -> memref<128x128xf32, #tpu.memory_space<vmem>>
      %dma_wait3A_46 = arith.constant 0 : i32
      %dma_wait3A_47 = tpu.memref_slice %arg10[%add3A_22, %dma_wait3A_46] : memref<10112x128xf32, #tpu.memory_space<vmem_shared>> -> memref<128x128xf32, #tpu.memory_space<vmem_shared>>
      %dma_wait3A_48 = arith.constant 0 : i32
      %dma_wait3A_49 = tpu.memref_slice %arg10[%add3A_22, %dma_wait3A_48] : memref<10112x128xf32, #tpu.memory_space<vmem_shared>> -> memref<128x128xf32, #tpu.memory_space<vmem_shared>>
      %dma_wait3A_50 = arith.constant 0 : i32
      %dma_wait3A_51 = arith.constant 0 : i32
      %dma_wait3A_52 = tpu.memref_slice %arg8[%dma_wait3A_50, %dma_wait3A_51] : memref<128x128xf32, #tpu.memory_space<vmem>> -> memref<128x128xf32, #tpu.memory_space<vmem>>
      tpu.wait_dma2 semaphore(%run_scoped3A : memref<!tpu.dma_semaphore, #tpu.memory_space<semaphore_mem>>) src(%dma_wait3A_52 : memref<128x128xf32, #tpu.memory_space<vmem>>) dst(%dma_wait3A_49 : memref<128x128xf32, #tpu.memory_space<vmem_shared>>)
      tpu.yield
    }) : () -> ()
    %mul3A_23 = arith.constant 632 : i32
    %mul3A_24 = arith.muli %arg1, %mul3A_23 : i32
    %add3A_25 = arith.constant 512 : i32
    %add3A_26 = arith.addi %mul3A_24, %add3A_25 : i32
    "tpu.region"() ({
      %run_scoped3A = tpu.sem_alloc : memref<!tpu.dma_semaphore, #tpu.memory_space<semaphore_mem>>
      %dma_start3A = arith.constant 0 : i32
      %dma_start3A_35 = arith.constant 0 : i32
      %dma_start3A_36 = tpu.memref_slice %arg8[%dma_start3A, %dma_start3A_35] : memref<128x128xf32, #tpu.memory_space<vmem>> -> memref<120x128xf32, #tpu.memory_space<vmem>>
      %dma_start3A_37 = arith.constant 0 : i32
      %dma_start3A_38 = tpu.memref_slice %arg10[%add3A_26, %dma_start3A_37] : memref<10112x128xf32, #tpu.memory_space<vmem_shared>> -> memref<120x128xf32, #tpu.memory_space<vmem_shared>>
      %dma_start3A_39 = arith.constant 0 : i32
      %dma_start3A_40 = tpu.memref_slice %arg10[%add3A_26, %dma_start3A_39] : memref<10112x128xf32, #tpu.memory_space<vmem_shared>> -> memref<120x128xf32, #tpu.memory_space<vmem_shared>>
      %dma_start3A_41 = arith.constant 0 : i32
      %dma_start3A_42 = arith.constant 0 : i32
      %dma_start3A_43 = tpu.memref_slice %arg8[%dma_start3A_41, %dma_start3A_42] : memref<128x128xf32, #tpu.memory_space<vmem>> -> memref<120x128xf32, #tpu.memory_space<vmem>>
      tpu.enqueue_dma source(%dma_start3A_43 : memref<120x128xf32, #tpu.memory_space<vmem>>) target(%dma_start3A_40 : memref<120x128xf32, #tpu.memory_space<vmem_shared>>) target_semaphore(%run_scoped3A : memref<!tpu.dma_semaphore, #tpu.memory_space<semaphore_mem>>)
      %dma_wait3A = arith.constant 0 : i32
      %dma_wait3A_44 = arith.constant 0 : i32
      %dma_wait3A_45 = tpu.memref_slice %arg8[%dma_wait3A, %dma_wait3A_44] : memref<128x128xf32, #tpu.memory_space<vmem>> -> memref<120x128xf32, #tpu.memory_space<vmem>>
      %dma_wait3A_46 = arith.constant 0 : i32
      %dma_wait3A_47 = tpu.memref_slice %arg10[%add3A_26, %dma_wait3A_46] : memref<10112x128xf32, #tpu.memory_space<vmem_shared>> -> memref<120x128xf32, #tpu.memory_space<vmem_shared>>
      %dma_wait3A_48 = arith.constant 0 : i32
      %dma_wait3A_49 = tpu.memref_slice %arg10[%add3A_26, %dma_wait3A_48] : memref<10112x128xf32, #tpu.memory_space<vmem_shared>> -> memref<120x128xf32, #tpu.memory_space<vmem_shared>>
      %dma_wait3A_50 = arith.constant 0 : i32
      %dma_wait3A_51 = arith.constant 0 : i32
      %dma_wait3A_52 = tpu.memref_slice %arg8[%dma_wait3A_50, %dma_wait3A_51] : memref<128x128xf32, #tpu.memory_space<vmem>> -> memref<120x128xf32, #tpu.memory_space<vmem>>
      tpu.wait_dma2 semaphore(%run_scoped3A : memref<!tpu.dma_semaphore, #tpu.memory_space<semaphore_mem>>) src(%dma_wait3A_52 : memref<120x128xf32, #tpu.memory_space<vmem>>) dst(%dma_wait3A_49 : memref<120x128xf32, #tpu.memory_space<vmem_shared>>)
      tpu.yield
    }) : () -> ()
    %barrier3A = arith.constant 0 : index
    tpu.barrier barrier_id(%barrier3A)
    %eq3A = arith.constant 0 : i32
    %eq3A_27 = arith.cmpi eq, %arg0, %eq3A : i32
    %convert_element_type3A = arith.extui %eq3A_27 : i1 to i32
    %cond3A = arith.constant 0 : i32
    %cond3A_28 = arith.cmpi ne, %convert_element_type3A, %cond3A : i32
    %cond3A_29 = scf.if %cond3A_28 -> (i32) {
      %run_scoped3A = arith.constant 0 : i32
      "tpu.region"() ({
        %run_scoped3A_161 = tpu.sem_alloc : memref<!tpu.dma_semaphore, #tpu.memory_space<semaphore_mem>>
        %dma_start3A_162 = arith.constant 0 : i32
        %dma_start3A_163 = arith.constant 0 : i32
        %dma_start3A_164 = tpu.memref_slice %arg3[%add3A, %run_scoped3A, %dma_start3A_162, %dma_start3A_163] : memref<32x2x56x128xi32, #tpu.memory_space<hbm>> -> memref<1x1x56x128xi32, #tpu.memory_space<hbm>>
        %dma_start3A_165 = tpu.memref_squeeze %dma_start3A_164 : memref<1x1x56x128xi32, #tpu.memory_space<hbm>> -> memref<56x128xi32, #tpu.memory_space<hbm>>
        %dma_start3A_166 = arith.constant 0 : i32
        %dma_start3A_167 = arith.constant 0 : i32
        %dma_start3A_168 = tpu.memref_slice %arg3[%add3A, %run_scoped3A, %dma_start3A_166, %dma_start3A_167] : memref<32x2x56x128xi32, #tpu.memory_space<hbm>> -> memref<1x1x56x128xi32, #tpu.memory_space<hbm>>
        %dma_start3A_169 = tpu.memref_squeeze %dma_start3A_168 : memref<1x1x56x128xi32, #tpu.memory_space<hbm>> -> memref<56x128xi32, #tpu.memory_space<hbm>>
        tpu.enqueue_dma source(%dma_start3A_169 : memref<56x128xi32, #tpu.memory_space<hbm>>) target(%arg6 : memref<56x128xi32, #tpu.memory_space<vmem>>) target_semaphore(%run_scoped3A_161 : memref<!tpu.dma_semaphore, #tpu.memory_space<semaphore_mem>>)
        %dma_wait3A_170 = arith.constant 0 : i32
        %dma_wait3A_171 = arith.constant 0 : i32
        %dma_wait3A_172 = tpu.memref_slice %arg3[%add3A, %run_scoped3A, %dma_wait3A_170, %dma_wait3A_171] : memref<32x2x56x128xi32, #tpu.memory_space<hbm>> -> memref<1x1x56x128xi32, #tpu.memory_space<hbm>>
        %dma_wait3A_173 = tpu.memref_squeeze %dma_wait3A_172 : memref<1x1x56x128xi32, #tpu.memory_space<hbm>> -> memref<56x128xi32, #tpu.memory_space<hbm>>
        %dma_wait3A_174 = arith.constant 0 : i32
        %dma_wait3A_175 = arith.constant 0 : i32
        %dma_wait3A_176 = tpu.memref_slice %arg3[%add3A, %run_scoped3A, %dma_wait3A_174, %dma_wait3A_175] : memref<32x2x56x128xi32, #tpu.memory_space<hbm>> -> memref<1x1x56x128xi32, #tpu.memory_space<hbm>>
        %dma_wait3A_177 = tpu.memref_squeeze %dma_wait3A_176 : memref<1x1x56x128xi32, #tpu.memory_space<hbm>> -> memref<56x128xi32, #tpu.memory_space<hbm>>
        tpu.wait_dma2 semaphore(%run_scoped3A_161 : memref<!tpu.dma_semaphore, #tpu.memory_space<semaphore_mem>>) src(%dma_wait3A_177 : memref<56x128xi32, #tpu.memory_space<hbm>>) dst(%arg6 : memref<56x128xi32, #tpu.memory_space<vmem>>)
        tpu.yield
      }) : () -> ()
      %run_scoped3A_35 = arith.constant 0 : i32
      "tpu.region"() ({
        %run_scoped3A_161 = tpu.sem_alloc : memref<!tpu.dma_semaphore, #tpu.memory_space<semaphore_mem>>
        %dma_start3A_162 = arith.constant 0 : i32
        %dma_start3A_163 = arith.constant 0 : i32
        %dma_start3A_164 = tpu.memref_slice %arg4[%add3A, %run_scoped3A_35, %dma_start3A_162, %dma_start3A_163] : memref<32x2x56x128xi32, #tpu.memory_space<hbm>> -> memref<1x1x56x128xi32, #tpu.memory_space<hbm>>
        %dma_start3A_165 = tpu.memref_squeeze %dma_start3A_164 : memref<1x1x56x128xi32, #tpu.memory_space<hbm>> -> memref<56x128xi32, #tpu.memory_space<hbm>>
        %dma_start3A_166 = arith.constant 0 : i32
        %dma_start3A_167 = arith.constant 0 : i32
        %dma_start3A_168 = tpu.memref_slice %arg4[%add3A, %run_scoped3A_35, %dma_start3A_166, %dma_start3A_167] : memref<32x2x56x128xi32, #tpu.memory_space<hbm>> -> memref<1x1x56x128xi32, #tpu.memory_space<hbm>>
        %dma_start3A_169 = tpu.memref_squeeze %dma_start3A_168 : memref<1x1x56x128xi32, #tpu.memory_space<hbm>> -> memref<56x128xi32, #tpu.memory_space<hbm>>
        tpu.enqueue_dma source(%dma_start3A_169 : memref<56x128xi32, #tpu.memory_space<hbm>>) target(%arg7 : memref<56x128xi32, #tpu.memory_space<vmem>>) target_semaphore(%run_scoped3A_161 : memref<!tpu.dma_semaphore, #tpu.memory_space<semaphore_mem>>)
        %dma_wait3A_170 = arith.constant 0 : i32
        %dma_wait3A_171 = arith.constant 0 : i32
        %dma_wait3A_172 = tpu.memref_slice %arg4[%add3A, %run_scoped3A_35, %dma_wait3A_170, %dma_wait3A_171] : memref<32x2x56x128xi32, #tpu.memory_space<hbm>> -> memref<1x1x56x128xi32, #tpu.memory_space<hbm>>
        %dma_wait3A_173 = tpu.memref_squeeze %dma_wait3A_172 : memref<1x1x56x128xi32, #tpu.memory_space<hbm>> -> memref<56x128xi32, #tpu.memory_space<hbm>>
        %dma_wait3A_174 = arith.constant 0 : i32
        %dma_wait3A_175 = arith.constant 0 : i32
        %dma_wait3A_176 = tpu.memref_slice %arg4[%add3A, %run_scoped3A_35, %dma_wait3A_174, %dma_wait3A_175] : memref<32x2x56x128xi32, #tpu.memory_space<hbm>> -> memref<1x1x56x128xi32, #tpu.memory_space<hbm>>
        %dma_wait3A_177 = tpu.memref_squeeze %dma_wait3A_176 : memref<1x1x56x128xi32, #tpu.memory_space<hbm>> -> memref<56x128xi32, #tpu.memory_space<hbm>>
        tpu.wait_dma2 semaphore(%run_scoped3A_161 : memref<!tpu.dma_semaphore, #tpu.memory_space<semaphore_mem>>) src(%dma_wait3A_177 : memref<56x128xi32, #tpu.memory_space<hbm>>) dst(%arg7 : memref<56x128xi32, #tpu.memory_space<vmem>>)
        tpu.yield
      }) : () -> ()
      %dma_start3A = arith.constant 0 : i32
      %dma_start3A_36 = arith.constant 0 : i32
      %dma_start3A_37 = tpu.memref_slice %arg6[%dma_start3A, %dma_start3A_36] : memref<56x128xi32, #tpu.memory_space<vmem>> -> memref<1x128xi32, #tpu.memory_space<vmem>>
      %dma_start3A_38 = tpu.memref_squeeze %dma_start3A_37 : memref<1x128xi32, #tpu.memory_space<vmem>> -> memref<128xi32, #tpu.memory_space<vmem>>
      %dma_start3A_39 = arith.constant 0 : i32
      %dma_start3A_40 = arith.constant 0 : i32
      %dma_start3A_41 = tpu.memref_slice %arg2[%dma_start3A_39, %dma_start3A_40] : memref<10240x128xf32, #tpu.memory_space<hbm>> -> memref<10240x128xf32, #tpu.memory_space<hbm>>
      tpu.enqueue_indirect_dma source(%dma_start3A_41 : memref<10240x128xf32, #tpu.memory_space<hbm>>) target(%arg8 : memref<128x128xf32, #tpu.memory_space<vmem>>) offsets(%dma_start3A_38 : memref<128xi32, #tpu.memory_space<vmem>>) semaphore(%arg11 : memref<!tpu.dma_semaphore, #tpu.memory_space<semaphore_mem>>)
      %dma_start3A_42 = arith.constant 1 : i32
      %dma_start3A_43 = arith.constant 0 : i32
      %dma_start3A_44 = tpu.memref_slice %arg6[%dma_start3A_42, %dma_start3A_43] : memref<56x128xi32, #tpu.memory_space<vmem>> -> memref<1x128xi32, #tpu.memory_space<vmem>>
      %dma_start3A_45 = tpu.memref_squeeze %dma_start3A_44 : memref<1x128xi32, #tpu.memory_space<vmem>> -> memref<128xi32, #tpu.memory_space<vmem>>
      %dma_start3A_46 = arith.constant 0 : i32
      %dma_start3A_47 = arith.constant 0 : i32
      %dma_start3A_48 = tpu.memref_slice %arg2[%dma_start3A_46, %dma_start3A_47] : memref<10240x128xf32, #tpu.memory_space<hbm>> -> memref<10240x128xf32, #tpu.memory_space<hbm>>
      tpu.enqueue_indirect_dma source(%dma_start3A_48 : memref<10240x128xf32, #tpu.memory_space<hbm>>) target(%arg9 : memref<128x128xf32, #tpu.memory_space<vmem>>) offsets(%dma_start3A_45 : memref<128xi32, #tpu.memory_space<vmem>>) semaphore(%arg12 : memref<!tpu.dma_semaphore, #tpu.memory_space<semaphore_mem>>)
      %scan3A_49 = arith.constant 0 : i32
      %scan3A_50 = arith.constant 0 : i32
      %scan3A_51 = arith.constant 27 : i32
      %scan3A_52 = arith.addi %scan3A_50, %scan3A_51 : i32
      %scan3A_53 = arith.constant 1 : i32
      scf.for %scan3A_161 = %scan3A_50 to %scan3A_52 step %scan3A_53  : i32 {
        %mul3A_162 = arith.constant 2 : i32
        %mul3A_163 = arith.muli %mul3A_162, %scan3A_161 : i32
        %add3A_164 = arith.constant 1 : i32
        %add3A_165 = arith.addi %mul3A_163, %add3A_164 : i32
        %dma_wait3A_166 = arith.constant 0 : i32
        %dma_wait3A_167 = tpu.memref_slice %arg6[%mul3A_163, %dma_wait3A_166] : memref<56x128xi32, #tpu.memory_space<vmem>> -> memref<1x128xi32, #tpu.memory_space<vmem>>
        %dma_wait3A_168 = tpu.memref_squeeze %dma_wait3A_167 : memref<1x128xi32, #tpu.memory_space<vmem>> -> memref<128xi32, #tpu.memory_space<vmem>>
        %dma_wait3A_169 = arith.constant 0 : i32
        %dma_wait3A_170 = arith.constant 0 : i32
        %dma_wait3A_171 = tpu.memref_slice %arg2[%dma_wait3A_169, %dma_wait3A_170] : memref<10240x128xf32, #tpu.memory_space<hbm>> -> memref<10240x128xf32, #tpu.memory_space<hbm>>
        tpu.wait_indirect_dma semaphore(%arg11 : memref<!tpu.dma_semaphore, #tpu.memory_space<semaphore_mem>>) src(%dma_wait3A_171 : memref<10240x128xf32, #tpu.memory_space<hbm>>) dst(%arg8 : memref<128x128xf32, #tpu.memory_space<vmem>>)
        %dma_start3A_172 = arith.constant 0 : i32
        %dma_start3A_173 = tpu.memref_slice %arg7[%mul3A_163, %dma_start3A_172] : memref<56x128xi32, #tpu.memory_space<vmem>> -> memref<1x128xi32, #tpu.memory_space<vmem>>
        %dma_start3A_174 = tpu.memref_squeeze %dma_start3A_173 : memref<1x128xi32, #tpu.memory_space<vmem>> -> memref<128xi32, #tpu.memory_space<vmem>>
        %dma_start3A_175 = arith.constant 0 : i32
        %dma_start3A_176 = arith.constant 0 : i32
        %dma_start3A_177 = tpu.memref_slice %arg10[%dma_start3A_175, %dma_start3A_176] : memref<10112x128xf32, #tpu.memory_space<vmem_shared>> -> memref<10112x128xf32, #tpu.memory_space<vmem_shared>>
        tpu.enqueue_indirect_dma source(%arg8 : memref<128x128xf32, #tpu.memory_space<vmem>>) target(%dma_start3A_177 : memref<10112x128xf32, #tpu.memory_space<vmem_shared>>) offsets(%dma_start3A_174 : memref<128xi32, #tpu.memory_space<vmem>>) semaphore(%arg13 : memref<!tpu.dma_semaphore, #tpu.memory_space<semaphore_mem>>) {add = true}
        %dma_wait3A_178 = arith.constant 0 : i32
        %dma_wait3A_179 = tpu.memref_slice %arg6[%add3A_165, %dma_wait3A_178] : memref<56x128xi32, #tpu.memory_space<vmem>> -> memref<1x128xi32, #tpu.memory_space<vmem>>
        %dma_wait3A_180 = tpu.memref_squeeze %dma_wait3A_179 : memref<1x128xi32, #tpu.memory_space<vmem>> -> memref<128xi32, #tpu.memory_space<vmem>>
        %dma_wait3A_181 = arith.constant 0 : i32
        %dma_wait3A_182 = arith.constant 0 : i32
        %dma_wait3A_183 = tpu.memref_slice %arg2[%dma_wait3A_181, %dma_wait3A_182] : memref<10240x128xf32, #tpu.memory_space<hbm>> -> memref<10240x128xf32, #tpu.memory_space<hbm>>
        tpu.wait_indirect_dma semaphore(%arg12 : memref<!tpu.dma_semaphore, #tpu.memory_space<semaphore_mem>>) src(%dma_wait3A_183 : memref<10240x128xf32, #tpu.memory_space<hbm>>) dst(%arg9 : memref<128x128xf32, #tpu.memory_space<vmem>>)
        %dma_start3A_184 = arith.constant 0 : i32
        %dma_start3A_185 = tpu.memref_slice %arg7[%add3A_165, %dma_start3A_184] : memref<56x128xi32, #tpu.memory_space<vmem>> -> memref<1x128xi32, #tpu.memory_space<vmem>>
        %dma_start3A_186 = tpu.memref_squeeze %dma_start3A_185 : memref<1x128xi32, #tpu.memory_space<vmem>> -> memref<128xi32, #tpu.memory_space<vmem>>
        %dma_start3A_187 = arith.constant 0 : i32
        %dma_start3A_188 = arith.constant 0 : i32
        %dma_start3A_189 = tpu.memref_slice %arg10[%dma_start3A_187, %dma_start3A_188] : memref<10112x128xf32, #tpu.memory_space<vmem_shared>> -> memref<10112x128xf32, #tpu.memory_space<vmem_shared>>
        tpu.enqueue_indirect_dma source(%arg9 : memref<128x128xf32, #tpu.memory_space<vmem>>) target(%dma_start3A_189 : memref<10112x128xf32, #tpu.memory_space<vmem_shared>>) offsets(%dma_start3A_186 : memref<128xi32, #tpu.memory_space<vmem>>) semaphore(%arg14 : memref<!tpu.dma_semaphore, #tpu.memory_space<semaphore_mem>>) {add = true}
        %dma_wait3A_190 = arith.constant 0 : i32
        %dma_wait3A_191 = tpu.memref_slice %arg7[%mul3A_163, %dma_wait3A_190] : memref<56x128xi32, #tpu.memory_space<vmem>> -> memref<1x128xi32, #tpu.memory_space<vmem>>
        %dma_wait3A_192 = tpu.memref_squeeze %dma_wait3A_191 : memref<1x128xi32, #tpu.memory_space<vmem>> -> memref<128xi32, #tpu.memory_space<vmem>>
        %dma_wait3A_193 = arith.constant 0 : i32
        %dma_wait3A_194 = arith.constant 0 : i32
        %dma_wait3A_195 = tpu.memref_slice %arg10[%dma_wait3A_193, %dma_wait3A_194] : memref<10112x128xf32, #tpu.memory_space<vmem_shared>> -> memref<10112x128xf32, #tpu.memory_space<vmem_shared>>
        tpu.wait_indirect_dma semaphore(%arg13 : memref<!tpu.dma_semaphore, #tpu.memory_space<semaphore_mem>>) src(%arg8 : memref<128x128xf32, #tpu.memory_space<vmem>>) dst(%dma_wait3A_195 : memref<10112x128xf32, #tpu.memory_space<vmem_shared>>)
        %add3A_196 = arith.constant 2 : i32
        %add3A_197 = arith.addi %mul3A_163, %add3A_196 : i32
        %dma_start3A_198 = arith.constant 0 : i32
        %dma_start3A_199 = tpu.memref_slice %arg6[%add3A_197, %dma_start3A_198] : memref<56x128xi32, #tpu.memory_space<vmem>> -> memref<1x128xi32, #tpu.memory_space<vmem>>
        %dma_start3A_200 = tpu.memref_squeeze %dma_start3A_199 : memref<1x128xi32, #tpu.memory_space<vmem>> -> memref<128xi32, #tpu.memory_space<vmem>>
        %dma_start3A_201 = arith.constant 0 : i32
        %dma_start3A_202 = arith.constant 0 : i32
        %dma_start3A_203 = tpu.memref_slice %arg2[%dma_start3A_201, %dma_start3A_202] : memref<10240x128xf32, #tpu.memory_space<hbm>> -> memref<10240x128xf32, #tpu.memory_space<hbm>>
        tpu.enqueue_indirect_dma source(%dma_start3A_203 : memref<10240x128xf32, #tpu.memory_space<hbm>>) target(%arg8 : memref<128x128xf32, #tpu.memory_space<vmem>>) offsets(%dma_start3A_200 : memref<128xi32, #tpu.memory_space<vmem>>) semaphore(%arg11 : memref<!tpu.dma_semaphore, #tpu.memory_space<semaphore_mem>>)
        %dma_wait3A_204 = arith.constant 0 : i32
        %dma_wait3A_205 = tpu.memref_slice %arg7[%add3A_165, %dma_wait3A_204] : memref<56x128xi32, #tpu.memory_space<vmem>> -> memref<1x128xi32, #tpu.memory_space<vmem>>
        %dma_wait3A_206 = tpu.memref_squeeze %dma_wait3A_205 : memref<1x128xi32, #tpu.memory_space<vmem>> -> memref<128xi32, #tpu.memory_space<vmem>>
        %dma_wait3A_207 = arith.constant 0 : i32
        %dma_wait3A_208 = arith.constant 0 : i32
        %dma_wait3A_209 = tpu.memref_slice %arg10[%dma_wait3A_207, %dma_wait3A_208] : memref<10112x128xf32, #tpu.memory_space<vmem_shared>> -> memref<10112x128xf32, #tpu.memory_space<vmem_shared>>
        tpu.wait_indirect_dma semaphore(%arg14 : memref<!tpu.dma_semaphore, #tpu.memory_space<semaphore_mem>>) src(%arg9 : memref<128x128xf32, #tpu.memory_space<vmem>>) dst(%dma_wait3A_209 : memref<10112x128xf32, #tpu.memory_space<vmem_shared>>)
        %add3A_210 = arith.constant 2 : i32
        %add3A_211 = arith.addi %add3A_165, %add3A_210 : i32
        %dma_start3A_212 = arith.constant 0 : i32
        %dma_start3A_213 = tpu.memref_slice %arg6[%add3A_211, %dma_start3A_212] : memref<56x128xi32, #tpu.memory_space<vmem>> -> memref<1x128xi32, #tpu.memory_space<vmem>>
        %dma_start3A_214 = tpu.memref_squeeze %dma_start3A_213 : memref<1x128xi32, #tpu.memory_space<vmem>> -> memref<128xi32, #tpu.memory_space<vmem>>
        %dma_start3A_215 = arith.constant 0 : i32
        %dma_start3A_216 = arith.constant 0 : i32
        %dma_start3A_217 = tpu.memref_slice %arg2[%dma_start3A_215, %dma_start3A_216] : memref<10240x128xf32, #tpu.memory_space<hbm>> -> memref<10240x128xf32, #tpu.memory_space<hbm>>
        tpu.enqueue_indirect_dma source(%dma_start3A_217 : memref<10240x128xf32, #tpu.memory_space<hbm>>) target(%arg9 : memref<128x128xf32, #tpu.memory_space<vmem>>) offsets(%dma_start3A_214 : memref<128xi32, #tpu.memory_space<vmem>>) semaphore(%arg12 : memref<!tpu.dma_semaphore, #tpu.memory_space<semaphore_mem>>)
      }
      %scan3A_54 = arith.constant 27 : i32
      %dma_wait3A = arith.constant 54 : i32
      %dma_wait3A_55 = arith.constant 0 : i32
      %dma_wait3A_56 = tpu.memref_slice %arg6[%dma_wait3A, %dma_wait3A_55] : memref<56x128xi32, #tpu.memory_space<vmem>> -> memref<1x128xi32, #tpu.memory_space<vmem>>
      %dma_wait3A_57 = tpu.memref_squeeze %dma_wait3A_56 : memref<1x128xi32, #tpu.memory_space<vmem>> -> memref<128xi32, #tpu.memory_space<vmem>>
      %dma_wait3A_58 = arith.constant 0 : i32
      %dma_wait3A_59 = arith.constant 0 : i32
      %dma_wait3A_60 = tpu.memref_slice %arg2[%dma_wait3A_58, %dma_wait3A_59] : memref<10240x128xf32, #tpu.memory_space<hbm>> -> memref<10240x128xf32, #tpu.memory_space<hbm>>
      tpu.wait_indirect_dma semaphore(%arg11 : memref<!tpu.dma_semaphore, #tpu.memory_space<semaphore_mem>>) src(%dma_wait3A_60 : memref<10240x128xf32, #tpu.memory_space<hbm>>) dst(%arg8 : memref<128x128xf32, #tpu.memory_space<vmem>>)
      %dma_start3A_61 = arith.constant 54 : i32
      %dma_start3A_62 = arith.constant 0 : i32
      %dma_start3A_63 = tpu.memref_slice %arg7[%dma_start3A_61, %dma_start3A_62] : memref<56x128xi32, #tpu.memory_space<vmem>> -> memref<1x128xi32, #tpu.memory_space<vmem>>
      %dma_start3A_64 = tpu.memref_squeeze %dma_start3A_63 : memref<1x128xi32, #tpu.memory_space<vmem>> -> memref<128xi32, #tpu.memory_space<vmem>>
      %dma_start3A_65 = arith.constant 0 : i32
      %dma_start3A_66 = arith.constant 0 : i32
      %dma_start3A_67 = tpu.memref_slice %arg10[%dma_start3A_65, %dma_start3A_66] : memref<10112x128xf32, #tpu.memory_space<vmem_shared>> -> memref<10112x128xf32, #tpu.memory_space<vmem_shared>>
      tpu.enqueue_indirect_dma source(%arg8 : memref<128x128xf32, #tpu.memory_space<vmem>>) target(%dma_start3A_67 : memref<10112x128xf32, #tpu.memory_space<vmem_shared>>) offsets(%dma_start3A_64 : memref<128xi32, #tpu.memory_space<vmem>>) semaphore(%arg13 : memref<!tpu.dma_semaphore, #tpu.memory_space<semaphore_mem>>) {add = true}
      %dma_wait3A_68 = arith.constant 55 : i32
      %dma_wait3A_69 = arith.constant 0 : i32
      %dma_wait3A_70 = tpu.memref_slice %arg6[%dma_wait3A_68, %dma_wait3A_69] : memref<56x128xi32, #tpu.memory_space<vmem>> -> memref<1x128xi32, #tpu.memory_space<vmem>>
      %dma_wait3A_71 = tpu.memref_squeeze %dma_wait3A_70 : memref<1x128xi32, #tpu.memory_space<vmem>> -> memref<128xi32, #tpu.memory_space<vmem>>
      %dma_wait3A_72 = arith.constant 0 : i32
      %dma_wait3A_73 = arith.constant 0 : i32
      %dma_wait3A_74 = tpu.memref_slice %arg2[%dma_wait3A_72, %dma_wait3A_73] : memref<10240x128xf32, #tpu.memory_space<hbm>> -> memref<10240x128xf32, #tpu.memory_space<hbm>>
      tpu.wait_indirect_dma semaphore(%arg12 : memref<!tpu.dma_semaphore, #tpu.memory_space<semaphore_mem>>) src(%dma_wait3A_74 : memref<10240x128xf32, #tpu.memory_space<hbm>>) dst(%arg9 : memref<128x128xf32, #tpu.memory_space<vmem>>)
      %dma_start3A_75 = arith.constant 55 : i32
      %dma_start3A_76 = arith.constant 0 : i32
      %dma_start3A_77 = tpu.memref_slice %arg7[%dma_start3A_75, %dma_start3A_76] : memref<56x128xi32, #tpu.memory_space<vmem>> -> memref<1x128xi32, #tpu.memory_space<vmem>>
      %dma_start3A_78 = tpu.memref_squeeze %dma_start3A_77 : memref<1x128xi32, #tpu.memory_space<vmem>> -> memref<128xi32, #tpu.memory_space<vmem>>
      %dma_start3A_79 = arith.constant 0 : i32
      %dma_start3A_80 = arith.constant 0 : i32
      %dma_start3A_81 = tpu.memref_slice %arg10[%dma_start3A_79, %dma_start3A_80] : memref<10112x128xf32, #tpu.memory_space<vmem_shared>> -> memref<10112x128xf32, #tpu.memory_space<vmem_shared>>
      tpu.enqueue_indirect_dma source(%arg9 : memref<128x128xf32, #tpu.memory_space<vmem>>) target(%dma_start3A_81 : memref<10112x128xf32, #tpu.memory_space<vmem_shared>>) offsets(%dma_start3A_78 : memref<128xi32, #tpu.memory_space<vmem>>) semaphore(%arg14 : memref<!tpu.dma_semaphore, #tpu.memory_space<semaphore_mem>>) {add = true}
      %dma_wait3A_82 = arith.constant 54 : i32
      %dma_wait3A_83 = arith.constant 0 : i32
      %dma_wait3A_84 = tpu.memref_slice %arg7[%dma_wait3A_82, %dma_wait3A_83] : memref<56x128xi32, #tpu.memory_space<vmem>> -> memref<1x128xi32, #tpu.memory_space<vmem>>
      %dma_wait3A_85 = tpu.memref_squeeze %dma_wait3A_84 : memref<1x128xi32, #tpu.memory_space<vmem>> -> memref<128xi32, #tpu.memory_space<vmem>>
      %dma_wait3A_86 = arith.constant 0 : i32
      %dma_wait3A_87 = arith.constant 0 : i32
      %dma_wait3A_88 = tpu.memref_slice %arg10[%dma_wait3A_86, %dma_wait3A_87] : memref<10112x128xf32, #tpu.memory_space<vmem_shared>> -> memref<10112x128xf32, #tpu.memory_space<vmem_shared>>
      tpu.wait_indirect_dma semaphore(%arg13 : memref<!tpu.dma_semaphore, #tpu.memory_space<semaphore_mem>>) src(%arg8 : memref<128x128xf32, #tpu.memory_space<vmem>>) dst(%dma_wait3A_88 : memref<10112x128xf32, #tpu.memory_space<vmem_shared>>)
      %dma_wait3A_89 = arith.constant 55 : i32
      %dma_wait3A_90 = arith.constant 0 : i32
      %dma_wait3A_91 = tpu.memref_slice %arg7[%dma_wait3A_89, %dma_wait3A_90] : memref<56x128xi32, #tpu.memory_space<vmem>> -> memref<1x128xi32, #tpu.memory_space<vmem>>
      %dma_wait3A_92 = tpu.memref_squeeze %dma_wait3A_91 : memref<1x128xi32, #tpu.memory_space<vmem>> -> memref<128xi32, #tpu.memory_space<vmem>>
      %dma_wait3A_93 = arith.constant 0 : i32
      %dma_wait3A_94 = arith.constant 0 : i32
      %dma_wait3A_95 = tpu.memref_slice %arg10[%dma_wait3A_93, %dma_wait3A_94] : memref<10112x128xf32, #tpu.memory_space<vmem_shared>> -> memref<10112x128xf32, #tpu.memory_space<vmem_shared>>
      tpu.wait_indirect_dma semaphore(%arg14 : memref<!tpu.dma_semaphore, #tpu.memory_space<semaphore_mem>>) src(%arg9 : memref<128x128xf32, #tpu.memory_space<vmem>>) dst(%dma_wait3A_95 : memref<10112x128xf32, #tpu.memory_space<vmem_shared>>)
      %run_scoped3A_96 = arith.constant 1 : i32
      "tpu.region"() ({
        %run_scoped3A_161 = tpu.sem_alloc : memref<!tpu.dma_semaphore, #tpu.memory_space<semaphore_mem>>
        %dma_start3A_162 = arith.constant 0 : i32
        %dma_start3A_163 = arith.constant 0 : i32
        %dma_start3A_164 = tpu.memref_slice %arg3[%add3A, %run_scoped3A_96, %dma_start3A_162, %dma_start3A_163] : memref<32x2x56x128xi32, #tpu.memory_space<hbm>> -> memref<1x1x56x128xi32, #tpu.memory_space<hbm>>
        %dma_start3A_165 = tpu.memref_squeeze %dma_start3A_164 : memref<1x1x56x128xi32, #tpu.memory_space<hbm>> -> memref<56x128xi32, #tpu.memory_space<hbm>>
        %dma_start3A_166 = arith.constant 0 : i32
        %dma_start3A_167 = arith.constant 0 : i32
        %dma_start3A_168 = tpu.memref_slice %arg3[%add3A, %run_scoped3A_96, %dma_start3A_166, %dma_start3A_167] : memref<32x2x56x128xi32, #tpu.memory_space<hbm>> -> memref<1x1x56x128xi32, #tpu.memory_space<hbm>>
        %dma_start3A_169 = tpu.memref_squeeze %dma_start3A_168 : memref<1x1x56x128xi32, #tpu.memory_space<hbm>> -> memref<56x128xi32, #tpu.memory_space<hbm>>
        tpu.enqueue_dma source(%dma_start3A_169 : memref<56x128xi32, #tpu.memory_space<hbm>>) target(%arg6 : memref<56x128xi32, #tpu.memory_space<vmem>>) target_semaphore(%run_scoped3A_161 : memref<!tpu.dma_semaphore, #tpu.memory_space<semaphore_mem>>)
        %dma_wait3A_170 = arith.constant 0 : i32
        %dma_wait3A_171 = arith.constant 0 : i32
        %dma_wait3A_172 = tpu.memref_slice %arg3[%add3A, %run_scoped3A_96, %dma_wait3A_170, %dma_wait3A_171] : memref<32x2x56x128xi32, #tpu.memory_space<hbm>> -> memref<1x1x56x128xi32, #tpu.memory_space<hbm>>
        %dma_wait3A_173 = tpu.memref_squeeze %dma_wait3A_172 : memref<1x1x56x128xi32, #tpu.memory_space<hbm>> -> memref<56x128xi32, #tpu.memory_space<hbm>>
        %dma_wait3A_174 = arith.constant 0 : i32
        %dma_wait3A_175 = arith.constant 0 : i32
        %dma_wait3A_176 = tpu.memref_slice %arg3[%add3A, %run_scoped3A_96, %dma_wait3A_174, %dma_wait3A_175] : memref<32x2x56x128xi32, #tpu.memory_space<hbm>> -> memref<1x1x56x128xi32, #tpu.memory_space<hbm>>
        %dma_wait3A_177 = tpu.memref_squeeze %dma_wait3A_176 : memref<1x1x56x128xi32, #tpu.memory_space<hbm>> -> memref<56x128xi32, #tpu.memory_space<hbm>>
        tpu.wait_dma2 semaphore(%run_scoped3A_161 : memref<!tpu.dma_semaphore, #tpu.memory_space<semaphore_mem>>) src(%dma_wait3A_177 : memref<56x128xi32, #tpu.memory_space<hbm>>) dst(%arg6 : memref<56x128xi32, #tpu.memory_space<vmem>>)
        tpu.yield
      }) : () -> ()
      %run_scoped3A_97 = arith.constant 1 : i32
      "tpu.region"() ({
        %run_scoped3A_161 = tpu.sem_alloc : memref<!tpu.dma_semaphore, #tpu.memory_space<semaphore_mem>>
        %dma_start3A_162 = arith.constant 0 : i32
        %dma_start3A_163 = arith.constant 0 : i32
        %dma_start3A_164 = tpu.memref_slice %arg4[%add3A, %run_scoped3A_97, %dma_start3A_162, %dma_start3A_163] : memref<32x2x56x128xi32, #tpu.memory_space<hbm>> -> memref<1x1x56x128xi32, #tpu.memory_space<hbm>>
        %dma_start3A_165 = tpu.memref_squeeze %dma_start3A_164 : memref<1x1x56x128xi32, #tpu.memory_space<hbm>> -> memref<56x128xi32, #tpu.memory_space<hbm>>
        %dma_start3A_166 = arith.constant 0 : i32
        %dma_start3A_167 = arith.constant 0 : i32
        %dma_start3A_168 = tpu.memref_slice %arg4[%add3A, %run_scoped3A_97, %dma_start3A_166, %dma_start3A_167] : memref<32x2x56x128xi32, #tpu.memory_space<hbm>> -> memref<1x1x56x128xi32, #tpu.memory_space<hbm>>
        %dma_start3A_169 = tpu.memref_squeeze %dma_start3A_168 : memref<1x1x56x128xi32, #tpu.memory_space<hbm>> -> memref<56x128xi32, #tpu.memory_space<hbm>>
        tpu.enqueue_dma source(%dma_start3A_169 : memref<56x128xi32, #tpu.memory_space<hbm>>) target(%arg7 : memref<56x128xi32, #tpu.memory_space<vmem>>) target_semaphore(%run_scoped3A_161 : memref<!tpu.dma_semaphore, #tpu.memory_space<semaphore_mem>>)
        %dma_wait3A_170 = arith.constant 0 : i32
        %dma_wait3A_171 = arith.constant 0 : i32
        %dma_wait3A_172 = tpu.memref_slice %arg4[%add3A, %run_scoped3A_97, %dma_wait3A_170, %dma_wait3A_171] : memref<32x2x56x128xi32, #tpu.memory_space<hbm>> -> memref<1x1x56x128xi32, #tpu.memory_space<hbm>>
        %dma_wait3A_173 = tpu.memref_squeeze %dma_wait3A_172 : memref<1x1x56x128xi32, #tpu.memory_space<hbm>> -> memref<56x128xi32, #tpu.memory_space<hbm>>
        %dma_wait3A_174 = arith.constant 0 : i32
        %dma_wait3A_175 = arith.constant 0 : i32
        %dma_wait3A_176 = tpu.memref_slice %arg4[%add3A, %run_scoped3A_97, %dma_wait3A_174, %dma_wait3A_175] : memref<32x2x56x128xi32, #tpu.memory_space<hbm>> -> memref<1x1x56x128xi32, #tpu.memory_space<hbm>>
        %dma_wait3A_177 = tpu.memref_squeeze %dma_wait3A_176 : memref<1x1x56x128xi32, #tpu.memory_space<hbm>> -> memref<56x128xi32, #tpu.memory_space<hbm>>
        tpu.wait_dma2 semaphore(%run_scoped3A_161 : memref<!tpu.dma_semaphore, #tpu.memory_space<semaphore_mem>>) src(%dma_wait3A_177 : memref<56x128xi32, #tpu.memory_space<hbm>>) dst(%arg7 : memref<56x128xi32, #tpu.memory_space<vmem>>)
        tpu.yield
      }) : () -> ()
      %dma_start3A_98 = arith.constant 0 : i32
      %dma_start3A_99 = arith.constant 0 : i32
      %dma_start3A_100 = tpu.memref_slice %arg6[%dma_start3A_98, %dma_start3A_99] : memref<56x128xi32, #tpu.memory_space<vmem>> -> memref<1x128xi32, #tpu.memory_space<vmem>>
      %dma_start3A_101 = tpu.memref_squeeze %dma_start3A_100 : memref<1x128xi32, #tpu.memory_space<vmem>> -> memref<128xi32, #tpu.memory_space<vmem>>
      %dma_start3A_102 = arith.constant 0 : i32
      %dma_start3A_103 = arith.constant 0 : i32
      %dma_start3A_104 = tpu.memref_slice %arg2[%dma_start3A_102, %dma_start3A_103] : memref<10240x128xf32, #tpu.memory_space<hbm>> -> memref<10240x128xf32, #tpu.memory_space<hbm>>
      tpu.enqueue_indirect_dma source(%dma_start3A_104 : memref<10240x128xf32, #tpu.memory_space<hbm>>) target(%arg8 : memref<128x128xf32, #tpu.memory_space<vmem>>) offsets(%dma_start3A_101 : memref<128xi32, #tpu.memory_space<vmem>>) semaphore(%arg11 : memref<!tpu.dma_semaphore, #tpu.memory_space<semaphore_mem>>)
      %dma_start3A_105 = arith.constant 1 : i32
      %dma_start3A_106 = arith.constant 0 : i32
      %dma_start3A_107 = tpu.memref_slice %arg6[%dma_start3A_105, %dma_start3A_106] : memref<56x128xi32, #tpu.memory_space<vmem>> -> memref<1x128xi32, #tpu.memory_space<vmem>>
      %dma_start3A_108 = tpu.memref_squeeze %dma_start3A_107 : memref<1x128xi32, #tpu.memory_space<vmem>> -> memref<128xi32, #tpu.memory_space<vmem>>
      %dma_start3A_109 = arith.constant 0 : i32
      %dma_start3A_110 = arith.constant 0 : i32
      %dma_start3A_111 = tpu.memref_slice %arg2[%dma_start3A_109, %dma_start3A_110] : memref<10240x128xf32, #tpu.memory_space<hbm>> -> memref<10240x128xf32, #tpu.memory_space<hbm>>
      tpu.enqueue_indirect_dma source(%dma_start3A_111 : memref<10240x128xf32, #tpu.memory_space<hbm>>) target(%arg9 : memref<128x128xf32, #tpu.memory_space<vmem>>) offsets(%dma_start3A_108 : memref<128xi32, #tpu.memory_space<vmem>>) semaphore(%arg12 : memref<!tpu.dma_semaphore, #tpu.memory_space<semaphore_mem>>)
      %scan3A_112 = arith.constant 0 : i32
      %scan3A_113 = arith.constant 0 : i32
      %scan3A_114 = arith.constant 27 : i32
      %scan3A_115 = arith.addi %scan3A_113, %scan3A_114 : i32
      %scan3A_116 = arith.constant 1 : i32
      scf.for %scan3A_161 = %scan3A_113 to %scan3A_115 step %scan3A_116  : i32 {
        %mul3A_162 = arith.constant 2 : i32
        %mul3A_163 = arith.muli %mul3A_162, %scan3A_161 : i32
        %add3A_164 = arith.constant 1 : i32
        %add3A_165 = arith.addi %mul3A_163, %add3A_164 : i32
        %dma_wait3A_166 = arith.constant 0 : i32
        %dma_wait3A_167 = tpu.memref_slice %arg6[%mul3A_163, %dma_wait3A_166] : memref<56x128xi32, #tpu.memory_space<vmem>> -> memref<1x128xi32, #tpu.memory_space<vmem>>
        %dma_wait3A_168 = tpu.memref_squeeze %dma_wait3A_167 : memref<1x128xi32, #tpu.memory_space<vmem>> -> memref<128xi32, #tpu.memory_space<vmem>>
        %dma_wait3A_169 = arith.constant 0 : i32
        %dma_wait3A_170 = arith.constant 0 : i32
        %dma_wait3A_171 = tpu.memref_slice %arg2[%dma_wait3A_169, %dma_wait3A_170] : memref<10240x128xf32, #tpu.memory_space<hbm>> -> memref<10240x128xf32, #tpu.memory_space<hbm>>
        tpu.wait_indirect_dma semaphore(%arg11 : memref<!tpu.dma_semaphore, #tpu.memory_space<semaphore_mem>>) src(%dma_wait3A_171 : memref<10240x128xf32, #tpu.memory_space<hbm>>) dst(%arg8 : memref<128x128xf32, #tpu.memory_space<vmem>>)
        %dma_start3A_172 = arith.constant 0 : i32
        %dma_start3A_173 = tpu.memref_slice %arg7[%mul3A_163, %dma_start3A_172] : memref<56x128xi32, #tpu.memory_space<vmem>> -> memref<1x128xi32, #tpu.memory_space<vmem>>
        %dma_start3A_174 = tpu.memref_squeeze %dma_start3A_173 : memref<1x128xi32, #tpu.memory_space<vmem>> -> memref<128xi32, #tpu.memory_space<vmem>>
        %dma_start3A_175 = arith.constant 0 : i32
        %dma_start3A_176 = arith.constant 0 : i32
        %dma_start3A_177 = tpu.memref_slice %arg10[%dma_start3A_175, %dma_start3A_176] : memref<10112x128xf32, #tpu.memory_space<vmem_shared>> -> memref<10112x128xf32, #tpu.memory_space<vmem_shared>>
        tpu.enqueue_indirect_dma source(%arg8 : memref<128x128xf32, #tpu.memory_space<vmem>>) target(%dma_start3A_177 : memref<10112x128xf32, #tpu.memory_space<vmem_shared>>) offsets(%dma_start3A_174 : memref<128xi32, #tpu.memory_space<vmem>>) semaphore(%arg13 : memref<!tpu.dma_semaphore, #tpu.memory_space<semaphore_mem>>) {add = true}
        %dma_wait3A_178 = arith.constant 0 : i32
        %dma_wait3A_179 = tpu.memref_slice %arg6[%add3A_165, %dma_wait3A_178] : memref<56x128xi32, #tpu.memory_space<vmem>> -> memref<1x128xi32, #tpu.memory_space<vmem>>
        %dma_wait3A_180 = tpu.memref_squeeze %dma_wait3A_179 : memref<1x128xi32, #tpu.memory_space<vmem>> -> memref<128xi32, #tpu.memory_space<vmem>>
        %dma_wait3A_181 = arith.constant 0 : i32
        %dma_wait3A_182 = arith.constant 0 : i32
        %dma_wait3A_183 = tpu.memref_slice %arg2[%dma_wait3A_181, %dma_wait3A_182] : memref<10240x128xf32, #tpu.memory_space<hbm>> -> memref<10240x128xf32, #tpu.memory_space<hbm>>
        tpu.wait_indirect_dma semaphore(%arg12 : memref<!tpu.dma_semaphore, #tpu.memory_space<semaphore_mem>>) src(%dma_wait3A_183 : memref<10240x128xf32, #tpu.memory_space<hbm>>) dst(%arg9 : memref<128x128xf32, #tpu.memory_space<vmem>>)
        %dma_start3A_184 = arith.constant 0 : i32
        %dma_start3A_185 = tpu.memref_slice %arg7[%add3A_165, %dma_start3A_184] : memref<56x128xi32, #tpu.memory_space<vmem>> -> memref<1x128xi32, #tpu.memory_space<vmem>>
        %dma_start3A_186 = tpu.memref_squeeze %dma_start3A_185 : memref<1x128xi32, #tpu.memory_space<vmem>> -> memref<128xi32, #tpu.memory_space<vmem>>
        %dma_start3A_187 = arith.constant 0 : i32
        %dma_start3A_188 = arith.constant 0 : i32
        %dma_start3A_189 = tpu.memref_slice %arg10[%dma_start3A_187, %dma_start3A_188] : memref<10112x128xf32, #tpu.memory_space<vmem_shared>> -> memref<10112x128xf32, #tpu.memory_space<vmem_shared>>
        tpu.enqueue_indirect_dma source(%arg9 : memref<128x128xf32, #tpu.memory_space<vmem>>) target(%dma_start3A_189 : memref<10112x128xf32, #tpu.memory_space<vmem_shared>>) offsets(%dma_start3A_186 : memref<128xi32, #tpu.memory_space<vmem>>) semaphore(%arg14 : memref<!tpu.dma_semaphore, #tpu.memory_space<semaphore_mem>>) {add = true}
        %dma_wait3A_190 = arith.constant 0 : i32
        %dma_wait3A_191 = tpu.memref_slice %arg7[%mul3A_163, %dma_wait3A_190] : memref<56x128xi32, #tpu.memory_space<vmem>> -> memref<1x128xi32, #tpu.memory_space<vmem>>
        %dma_wait3A_192 = tpu.memref_squeeze %dma_wait3A_191 : memref<1x128xi32, #tpu.memory_space<vmem>> -> memref<128xi32, #tpu.memory_space<vmem>>
        %dma_wait3A_193 = arith.constant 0 : i32
        %dma_wait3A_194 = arith.constant 0 : i32
        %dma_wait3A_195 = tpu.memref_slice %arg10[%dma_wait3A_193, %dma_wait3A_194] : memref<10112x128xf32, #tpu.memory_space<vmem_shared>> -> memref<10112x128xf32, #tpu.memory_space<vmem_shared>>
        tpu.wait_indirect_dma semaphore(%arg13 : memref<!tpu.dma_semaphore, #tpu.memory_space<semaphore_mem>>) src(%arg8 : memref<128x128xf32, #tpu.memory_space<vmem>>) dst(%dma_wait3A_195 : memref<10112x128xf32, #tpu.memory_space<vmem_shared>>)
        %add3A_196 = arith.constant 2 : i32
        %add3A_197 = arith.addi %mul3A_163, %add3A_196 : i32
        %dma_start3A_198 = arith.constant 0 : i32
        %dma_start3A_199 = tpu.memref_slice %arg6[%add3A_197, %dma_start3A_198] : memref<56x128xi32, #tpu.memory_space<vmem>> -> memref<1x128xi32, #tpu.memory_space<vmem>>
        %dma_start3A_200 = tpu.memref_squeeze %dma_start3A_199 : memref<1x128xi32, #tpu.memory_space<vmem>> -> memref<128xi32, #tpu.memory_space<vmem>>
        %dma_start3A_201 = arith.constant 0 : i32
        %dma_start3A_202 = arith.constant 0 : i32
        %dma_start3A_203 = tpu.memref_slice %arg2[%dma_start3A_201, %dma_start3A_202] : memref<10240x128xf32, #tpu.memory_space<hbm>> -> memref<10240x128xf32, #tpu.memory_space<hbm>>
        tpu.enqueue_indirect_dma source(%dma_start3A_203 : memref<10240x128xf32, #tpu.memory_space<hbm>>) target(%arg8 : memref<128x128xf32, #tpu.memory_space<vmem>>) offsets(%dma_start3A_200 : memref<128xi32, #tpu.memory_space<vmem>>) semaphore(%arg11 : memref<!tpu.dma_semaphore, #tpu.memory_space<semaphore_mem>>)
        %dma_wait3A_204 = arith.constant 0 : i32
        %dma_wait3A_205 = tpu.memref_slice %arg7[%add3A_165, %dma_wait3A_204] : memref<56x128xi32, #tpu.memory_space<vmem>> -> memref<1x128xi32, #tpu.memory_space<vmem>>
        %dma_wait3A_206 = tpu.memref_squeeze %dma_wait3A_205 : memref<1x128xi32, #tpu.memory_space<vmem>> -> memref<128xi32, #tpu.memory_space<vmem>>
        %dma_wait3A_207 = arith.constant 0 : i32
        %dma_wait3A_208 = arith.constant 0 : i32
        %dma_wait3A_209 = tpu.memref_slice %arg10[%dma_wait3A_207, %dma_wait3A_208] : memref<10112x128xf32, #tpu.memory_space<vmem_shared>> -> memref<10112x128xf32, #tpu.memory_space<vmem_shared>>
        tpu.wait_indirect_dma semaphore(%arg14 : memref<!tpu.dma_semaphore, #tpu.memory_space<semaphore_mem>>) src(%arg9 : memref<128x128xf32, #tpu.memory_space<vmem>>) dst(%dma_wait3A_209 : memref<10112x128xf32, #tpu.memory_space<vmem_shared>>)
        %add3A_210 = arith.constant 2 : i32
        %add3A_211 = arith.addi %add3A_165, %add3A_210 : i32
        %dma_start3A_212 = arith.constant 0 : i32
        %dma_start3A_213 = tpu.memref_slice %arg6[%add3A_211, %dma_start3A_212] : memref<56x128xi32, #tpu.memory_space<vmem>> -> memref<1x128xi32, #tpu.memory_space<vmem>>
        %dma_start3A_214 = tpu.memref_squeeze %dma_start3A_213 : memref<1x128xi32, #tpu.memory_space<vmem>> -> memref<128xi32, #tpu.memory_space<vmem>>
        %dma_start3A_215 = arith.constant 0 : i32
        %dma_start3A_216 = arith.constant 0 : i32
        %dma_start3A_217 = tpu.memref_slice %arg2[%dma_start3A_215, %dma_start3A_216] : memref<10240x128xf32, #tpu.memory_space<hbm>> -> memref<10240x128xf32, #tpu.memory_space<hbm>>
        tpu.enqueue_indirect_dma source(%dma_start3A_217 : memref<10240x128xf32, #tpu.memory_space<hbm>>) target(%arg9 : memref<128x128xf32, #tpu.memory_space<vmem>>) offsets(%dma_start3A_214 : memref<128xi32, #tpu.memory_space<vmem>>) semaphore(%arg12 : memref<!tpu.dma_semaphore, #tpu.memory_space<semaphore_mem>>)
      }
      %scan3A_117 = arith.constant 27 : i32
      %dma_wait3A_118 = arith.constant 54 : i32
      %dma_wait3A_119 = arith.constant 0 : i32
      %dma_wait3A_120 = tpu.memref_slice %arg6[%dma_wait3A_118, %dma_wait3A_119] : memref<56x128xi32, #tpu.memory_space<vmem>> -> memref<1x128xi32, #tpu.memory_space<vmem>>
      %dma_wait3A_121 = tpu.memref_squeeze %dma_wait3A_120 : memref<1x128xi32, #tpu.memory_space<vmem>> -> memref<128xi32, #tpu.memory_space<vmem>>
      %dma_wait3A_122 = arith.constant 0 : i32
      %dma_wait3A_123 = arith.constant 0 : i32
      %dma_wait3A_124 = tpu.memref_slice %arg2[%dma_wait3A_122, %dma_wait3A_123] : memref<10240x128xf32, #tpu.memory_space<hbm>> -> memref<10240x128xf32, #tpu.memory_space<hbm>>
      tpu.wait_indirect_dma semaphore(%arg11 : memref<!tpu.dma_semaphore, #tpu.memory_space<semaphore_mem>>) src(%dma_wait3A_124 : memref<10240x128xf32, #tpu.memory_space<hbm>>) dst(%arg8 : memref<128x128xf32, #tpu.memory_space<vmem>>)
      %dma_start3A_125 = arith.constant 54 : i32
      %dma_start3A_126 = arith.constant 0 : i32
      %dma_start3A_127 = tpu.memref_slice %arg7[%dma_start3A_125, %dma_start3A_126] : memref<56x128xi32, #tpu.memory_space<vmem>> -> memref<1x128xi32, #tpu.memory_space<vmem>>
      %dma_start3A_128 = tpu.memref_squeeze %dma_start3A_127 : memref<1x128xi32, #tpu.memory_space<vmem>> -> memref<128xi32, #tpu.memory_space<vmem>>
      %dma_start3A_129 = arith.constant 0 : i32
      %dma_start3A_130 = arith.constant 0 : i32
      %dma_start3A_131 = tpu.memref_slice %arg10[%dma_start3A_129, %dma_start3A_130] : memref<10112x128xf32, #tpu.memory_space<vmem_shared>> -> memref<10112x128xf32, #tpu.memory_space<vmem_shared>>
      tpu.enqueue_indirect_dma source(%arg8 : memref<128x128xf32, #tpu.memory_space<vmem>>) target(%dma_start3A_131 : memref<10112x128xf32, #tpu.memory_space<vmem_shared>>) offsets(%dma_start3A_128 : memref<128xi32, #tpu.memory_space<vmem>>) semaphore(%arg13 : memref<!tpu.dma_semaphore, #tpu.memory_space<semaphore_mem>>) {add = true}
      %dma_wait3A_132 = arith.constant 55 : i32
      %dma_wait3A_133 = arith.constant 0 : i32
      %dma_wait3A_134 = tpu.memref_slice %arg6[%dma_wait3A_132, %dma_wait3A_133] : memref<56x128xi32, #tpu.memory_space<vmem>> -> memref<1x128xi32, #tpu.memory_space<vmem>>
      %dma_wait3A_135 = tpu.memref_squeeze %dma_wait3A_134 : memref<1x128xi32, #tpu.memory_space<vmem>> -> memref<128xi32, #tpu.memory_space<vmem>>
      %dma_wait3A_136 = arith.constant 0 : i32
      %dma_wait3A_137 = arith.constant 0 : i32
      %dma_wait3A_138 = tpu.memref_slice %arg2[%dma_wait3A_136, %dma_wait3A_137] : memref<10240x128xf32, #tpu.memory_space<hbm>> -> memref<10240x128xf32, #tpu.memory_space<hbm>>
      tpu.wait_indirect_dma semaphore(%arg12 : memref<!tpu.dma_semaphore, #tpu.memory_space<semaphore_mem>>) src(%dma_wait3A_138 : memref<10240x128xf32, #tpu.memory_space<hbm>>) dst(%arg9 : memref<128x128xf32, #tpu.memory_space<vmem>>)
      %dma_start3A_139 = arith.constant 55 : i32
      %dma_start3A_140 = arith.constant 0 : i32
      %dma_start3A_141 = tpu.memref_slice %arg7[%dma_start3A_139, %dma_start3A_140] : memref<56x128xi32, #tpu.memory_space<vmem>> -> memref<1x128xi32, #tpu.memory_space<vmem>>
      %dma_start3A_142 = tpu.memref_squeeze %dma_start3A_141 : memref<1x128xi32, #tpu.memory_space<vmem>> -> memref<128xi32, #tpu.memory_space<vmem>>
      %dma_start3A_143 = arith.constant 0 : i32
      %dma_start3A_144 = arith.constant 0 : i32
      %dma_start3A_145 = tpu.memref_slice %arg10[%dma_start3A_143, %dma_start3A_144] : memref<10112x128xf32, #tpu.memory_space<vmem_shared>> -> memref<10112x128xf32, #tpu.memory_space<vmem_shared>>
      tpu.enqueue_indirect_dma source(%arg9 : memref<128x128xf32, #tpu.memory_space<vmem>>) target(%dma_start3A_145 : memref<10112x128xf32, #tpu.memory_space<vmem_shared>>) offsets(%dma_start3A_142 : memref<128xi32, #tpu.memory_space<vmem>>) semaphore(%arg14 : memref<!tpu.dma_semaphore, #tpu.memory_space<semaphore_mem>>) {add = true}
      %dma_wait3A_146 = arith.constant 54 : i32
      %dma_wait3A_147 = arith.constant 0 : i32
      %dma_wait3A_148 = tpu.memref_slice %arg7[%dma_wait3A_146, %dma_wait3A_147] : memref<56x128xi32, #tpu.memory_space<vmem>> -> memref<1x128xi32, #tpu.memory_space<vmem>>
      %dma_wait3A_149 = tpu.memref_squeeze %dma_wait3A_148 : memref<1x128xi32, #tpu.memory_space<vmem>> -> memref<128xi32, #tpu.memory_space<vmem>>
      %dma_wait3A_150 = arith.constant 0 : i32
      %dma_wait3A_151 = arith.constant 0 : i32
      %dma_wait3A_152 = tpu.memref_slice %arg10[%dma_wait3A_150, %dma_wait3A_151] : memref<10112x128xf32, #tpu.memory_space<vmem_shared>> -> memref<10112x128xf32, #tpu.memory_space<vmem_shared>>
      tpu.wait_indirect_dma semaphore(%arg13 : memref<!tpu.dma_semaphore, #tpu.memory_space<semaphore_mem>>) src(%arg8 : memref<128x128xf32, #tpu.memory_space<vmem>>) dst(%dma_wait3A_152 : memref<10112x128xf32, #tpu.memory_space<vmem_shared>>)
      %dma_wait3A_153 = arith.constant 55 : i32
      %dma_wait3A_154 = arith.constant 0 : i32
      %dma_wait3A_155 = tpu.memref_slice %arg7[%dma_wait3A_153, %dma_wait3A_154] : memref<56x128xi32, #tpu.memory_space<vmem>> -> memref<1x128xi32, #tpu.memory_space<vmem>>
      %dma_wait3A_156 = tpu.memref_squeeze %dma_wait3A_155 : memref<1x128xi32, #tpu.memory_space<vmem>> -> memref<128xi32, #tpu.memory_space<vmem>>
      %dma_wait3A_157 = arith.constant 0 : i32
      %dma_wait3A_158 = arith.constant 0 : i32
      %dma_wait3A_159 = tpu.memref_slice %arg10[%dma_wait3A_157, %dma_wait3A_158] : memref<10112x128xf32, #tpu.memory_space<vmem_shared>> -> memref<10112x128xf32, #tpu.memory_space<vmem_shared>>
      tpu.wait_indirect_dma semaphore(%arg14 : memref<!tpu.dma_semaphore, #tpu.memory_space<semaphore_mem>>) src(%arg9 : memref<128x128xf32, #tpu.memory_space<vmem>>) dst(%dma_wait3A_159 : memref<10112x128xf32, #tpu.memory_space<vmem_shared>>)
      %cond3A_160 = arith.constant 0 : i32
      scf.yield %cond3A_160 : i32
    } else {
      %run_scoped3A = arith.constant 0 : i32
      "tpu.region"() ({
        %run_scoped3A_51 = tpu.sem_alloc : memref<!tpu.dma_semaphore, #tpu.memory_space<semaphore_mem>>
        %dma_start3A = arith.constant 0 : i32
        %dma_start3A_52 = arith.constant 0 : i32
        %dma_start3A_53 = tpu.memref_slice %arg3[%add3A, %run_scoped3A, %dma_start3A, %dma_start3A_52] : memref<32x2x56x128xi32, #tpu.memory_space<hbm>> -> memref<1x1x56x128xi32, #tpu.memory_space<hbm>>
        %dma_start3A_54 = tpu.memref_squeeze %dma_start3A_53 : memref<1x1x56x128xi32, #tpu.memory_space<hbm>> -> memref<56x128xi32, #tpu.memory_space<hbm>>
        %dma_start3A_55 = arith.constant 0 : i32
        %dma_start3A_56 = arith.constant 0 : i32
        %dma_start3A_57 = tpu.memref_slice %arg3[%add3A, %run_scoped3A, %dma_start3A_55, %dma_start3A_56] : memref<32x2x56x128xi32, #tpu.memory_space<hbm>> -> memref<1x1x56x128xi32, #tpu.memory_space<hbm>>
        %dma_start3A_58 = tpu.memref_squeeze %dma_start3A_57 : memref<1x1x56x128xi32, #tpu.memory_space<hbm>> -> memref<56x128xi32, #tpu.memory_space<hbm>>
        tpu.enqueue_dma source(%dma_start3A_58 : memref<56x128xi32, #tpu.memory_space<hbm>>) target(%arg6 : memref<56x128xi32, #tpu.memory_space<vmem>>) target_semaphore(%run_scoped3A_51 : memref<!tpu.dma_semaphore, #tpu.memory_space<semaphore_mem>>)
        %dma_wait3A = arith.constant 0 : i32
        %dma_wait3A_59 = arith.constant 0 : i32
        %dma_wait3A_60 = tpu.memref_slice %arg3[%add3A, %run_scoped3A, %dma_wait3A, %dma_wait3A_59] : memref<32x2x56x128xi32, #tpu.memory_space<hbm>> -> memref<1x1x56x128xi32, #tpu.memory_space<hbm>>
        %dma_wait3A_61 = tpu.memref_squeeze %dma_wait3A_60 : memref<1x1x56x128xi32, #tpu.memory_space<hbm>> -> memref<56x128xi32, #tpu.memory_space<hbm>>
        %dma_wait3A_62 = arith.constant 0 : i32
        %dma_wait3A_63 = arith.constant 0 : i32
        %dma_wait3A_64 = tpu.memref_slice %arg3[%add3A, %run_scoped3A, %dma_wait3A_62, %dma_wait3A_63] : memref<32x2x56x128xi32, #tpu.memory_space<hbm>> -> memref<1x1x56x128xi32, #tpu.memory_space<hbm>>
        %dma_wait3A_65 = tpu.memref_squeeze %dma_wait3A_64 : memref<1x1x56x128xi32, #tpu.memory_space<hbm>> -> memref<56x128xi32, #tpu.memory_space<hbm>>
        tpu.wait_dma2 semaphore(%run_scoped3A_51 : memref<!tpu.dma_semaphore, #tpu.memory_space<semaphore_mem>>) src(%dma_wait3A_65 : memref<56x128xi32, #tpu.memory_space<hbm>>) dst(%arg6 : memref<56x128xi32, #tpu.memory_space<vmem>>)
        tpu.yield
      }) : () -> ()
      %run_scoped3A_35 = arith.constant 0 : i32
      "tpu.region"() ({
        %run_scoped3A_51 = tpu.sem_alloc : memref<!tpu.dma_semaphore, #tpu.memory_space<semaphore_mem>>
        %dma_start3A = arith.constant 0 : i32
        %dma_start3A_52 = arith.constant 0 : i32
        %dma_start3A_53 = tpu.memref_slice %arg4[%add3A, %run_scoped3A_35, %dma_start3A, %dma_start3A_52] : memref<32x2x56x128xi32, #tpu.memory_space<hbm>> -> memref<1x1x56x128xi32, #tpu.memory_space<hbm>>
        %dma_start3A_54 = tpu.memref_squeeze %dma_start3A_53 : memref<1x1x56x128xi32, #tpu.memory_space<hbm>> -> memref<56x128xi32, #tpu.memory_space<hbm>>
        %dma_start3A_55 = arith.constant 0 : i32
        %dma_start3A_56 = arith.constant 0 : i32
        %dma_start3A_57 = tpu.memref_slice %arg4[%add3A, %run_scoped3A_35, %dma_start3A_55, %dma_start3A_56] : memref<32x2x56x128xi32, #tpu.memory_space<hbm>> -> memref<1x1x56x128xi32, #tpu.memory_space<hbm>>
        %dma_start3A_58 = tpu.memref_squeeze %dma_start3A_57 : memref<1x1x56x128xi32, #tpu.memory_space<hbm>> -> memref<56x128xi32, #tpu.memory_space<hbm>>
        tpu.enqueue_dma source(%dma_start3A_58 : memref<56x128xi32, #tpu.memory_space<hbm>>) target(%arg7 : memref<56x128xi32, #tpu.memory_space<vmem>>) target_semaphore(%run_scoped3A_51 : memref<!tpu.dma_semaphore, #tpu.memory_space<semaphore_mem>>)
        %dma_wait3A = arith.constant 0 : i32
        %dma_wait3A_59 = arith.constant 0 : i32
        %dma_wait3A_60 = tpu.memref_slice %arg4[%add3A, %run_scoped3A_35, %dma_wait3A, %dma_wait3A_59] : memref<32x2x56x128xi32, #tpu.memory_space<hbm>> -> memref<1x1x56x128xi32, #tpu.memory_space<hbm>>
        %dma_wait3A_61 = tpu.memref_squeeze %dma_wait3A_60 : memref<1x1x56x128xi32, #tpu.memory_space<hbm>> -> memref<56x128xi32, #tpu.memory_space<hbm>>
        %dma_wait3A_62 = arith.constant 0 : i32
        %dma_wait3A_63 = arith.constant 0 : i32
        %dma_wait3A_64 = tpu.memref_slice %arg4[%add3A, %run_scoped3A_35, %dma_wait3A_62, %dma_wait3A_63] : memref<32x2x56x128xi32, #tpu.memory_space<hbm>> -> memref<1x1x56x128xi32, #tpu.memory_space<hbm>>
        %dma_wait3A_65 = tpu.memref_squeeze %dma_wait3A_64 : memref<1x1x56x128xi32, #tpu.memory_space<hbm>> -> memref<56x128xi32, #tpu.memory_space<hbm>>
        tpu.wait_dma2 semaphore(%run_scoped3A_51 : memref<!tpu.dma_semaphore, #tpu.memory_space<semaphore_mem>>) src(%dma_wait3A_65 : memref<56x128xi32, #tpu.memory_space<hbm>>) dst(%arg7 : memref<56x128xi32, #tpu.memory_space<vmem>>)
        tpu.yield
      }) : () -> ()
      %scan3A_36 = arith.constant 0 : i32
      %scan3A_37 = arith.constant 0 : i32
      %scan3A_38 = arith.constant 23 : i32
      %scan3A_39 = arith.addi %scan3A_37, %scan3A_38 : i32
      %scan3A_40 = arith.constant 1 : i32
      scf.for %scan3A_51 = %scan3A_37 to %scan3A_39 step %scan3A_40  : i32 {
        %dma_start3A = arith.constant 0 : i32
        %dma_start3A_52 = tpu.memref_slice %arg6[%scan3A_51, %dma_start3A] : memref<56x128xi32, #tpu.memory_space<vmem>> -> memref<1x128xi32, #tpu.memory_space<vmem>>
        %dma_start3A_53 = tpu.memref_squeeze %dma_start3A_52 : memref<1x128xi32, #tpu.memory_space<vmem>> -> memref<128xi32, #tpu.memory_space<vmem>>
        %dma_start3A_54 = arith.constant 0 : i32
        %dma_start3A_55 = arith.constant 0 : i32
        %dma_start3A_56 = tpu.memref_slice %arg2[%dma_start3A_54, %dma_start3A_55] : memref<10240x128xf32, #tpu.memory_space<hbm>> -> memref<10240x128xf32, #tpu.memory_space<hbm>>
        tpu.enqueue_indirect_dma source(%dma_start3A_56 : memref<10240x128xf32, #tpu.memory_space<hbm>>) target(%arg8 : memref<128x128xf32, #tpu.memory_space<vmem>>) offsets(%dma_start3A_53 : memref<128xi32, #tpu.memory_space<vmem>>) semaphore(%arg11 : memref<!tpu.dma_semaphore, #tpu.memory_space<semaphore_mem>>)
        %dma_wait3A = arith.constant 0 : i32
        %dma_wait3A_57 = tpu.memref_slice %arg6[%scan3A_51, %dma_wait3A] : memref<56x128xi32, #tpu.memory_space<vmem>> -> memref<1x128xi32, #tpu.memory_space<vmem>>
        %dma_wait3A_58 = tpu.memref_squeeze %dma_wait3A_57 : memref<1x128xi32, #tpu.memory_space<vmem>> -> memref<128xi32, #tpu.memory_space<vmem>>
        %dma_wait3A_59 = arith.constant 0 : i32
        %dma_wait3A_60 = arith.constant 0 : i32
        %dma_wait3A_61 = tpu.memref_slice %arg2[%dma_wait3A_59, %dma_wait3A_60] : memref<10240x128xf32, #tpu.memory_space<hbm>> -> memref<10240x128xf32, #tpu.memory_space<hbm>>
        tpu.wait_indirect_dma semaphore(%arg11 : memref<!tpu.dma_semaphore, #tpu.memory_space<semaphore_mem>>) src(%dma_wait3A_61 : memref<10240x128xf32, #tpu.memory_space<hbm>>) dst(%arg8 : memref<128x128xf32, #tpu.memory_space<vmem>>)
        "tpu.region"() ({
          %run_scoped3A_62 = tpu.sem_alloc : memref<!tpu.dma_semaphore, #tpu.memory_space<semaphore_mem>>
          %dma_start3A_63 = arith.constant 0 : i32
          %dma_start3A_64 = tpu.memref_slice %arg7[%scan3A_51, %dma_start3A_63] : memref<56x128xi32, #tpu.memory_space<vmem>> -> memref<1x128xi32, #tpu.memory_space<vmem>>
          %dma_start3A_65 = tpu.memref_squeeze %dma_start3A_64 : memref<1x128xi32, #tpu.memory_space<vmem>> -> memref<128xi32, #tpu.memory_space<vmem>>
          %dma_start3A_66 = arith.constant 0 : i32
          %dma_start3A_67 = arith.constant 0 : i32
          %dma_start3A_68 = tpu.memref_slice %arg10[%dma_start3A_66, %dma_start3A_67] : memref<10112x128xf32, #tpu.memory_space<vmem_shared>> -> memref<10112x128xf32, #tpu.memory_space<vmem_shared>>
          tpu.enqueue_indirect_dma source(%arg8 : memref<128x128xf32, #tpu.memory_space<vmem>>) target(%dma_start3A_68 : memref<10112x128xf32, #tpu.memory_space<vmem_shared>>) offsets(%dma_start3A_65 : memref<128xi32, #tpu.memory_space<vmem>>) semaphore(%run_scoped3A_62 : memref<!tpu.dma_semaphore, #tpu.memory_space<semaphore_mem>>) {add = true}
          %dma_wait3A_69 = arith.constant 0 : i32
          %dma_wait3A_70 = tpu.memref_slice %arg7[%scan3A_51, %dma_wait3A_69] : memref<56x128xi32, #tpu.memory_space<vmem>> -> memref<1x128xi32, #tpu.memory_space<vmem>>
          %dma_wait3A_71 = tpu.memref_squeeze %dma_wait3A_70 : memref<1x128xi32, #tpu.memory_space<vmem>> -> memref<128xi32, #tpu.memory_space<vmem>>
          %dma_wait3A_72 = arith.constant 0 : i32
          %dma_wait3A_73 = arith.constant 0 : i32
          %dma_wait3A_74 = tpu.memref_slice %arg10[%dma_wait3A_72, %dma_wait3A_73] : memref<10112x128xf32, #tpu.memory_space<vmem_shared>> -> memref<10112x128xf32, #tpu.memory_space<vmem_shared>>
          tpu.wait_indirect_dma semaphore(%run_scoped3A_62 : memref<!tpu.dma_semaphore, #tpu.memory_space<semaphore_mem>>) src(%arg8 : memref<128x128xf32, #tpu.memory_space<vmem>>) dst(%dma_wait3A_74 : memref<10112x128xf32, #tpu.memory_space<vmem_shared>>)
          tpu.yield
        }) : () -> ()
      }
      %scan3A_41 = arith.constant 23 : i32
      %run_scoped3A_42 = arith.constant 1 : i32
      "tpu.region"() ({
        %run_scoped3A_51 = tpu.sem_alloc : memref<!tpu.dma_semaphore, #tpu.memory_space<semaphore_mem>>
        %dma_start3A = arith.constant 0 : i32
        %dma_start3A_52 = arith.constant 0 : i32
        %dma_start3A_53 = tpu.memref_slice %arg3[%add3A, %run_scoped3A_42, %dma_start3A, %dma_start3A_52] : memref<32x2x56x128xi32, #tpu.memory_space<hbm>> -> memref<1x1x56x128xi32, #tpu.memory_space<hbm>>
        %dma_start3A_54 = tpu.memref_squeeze %dma_start3A_53 : memref<1x1x56x128xi32, #tpu.memory_space<hbm>> -> memref<56x128xi32, #tpu.memory_space<hbm>>
        %dma_start3A_55 = arith.constant 0 : i32
        %dma_start3A_56 = arith.constant 0 : i32
        %dma_start3A_57 = tpu.memref_slice %arg3[%add3A, %run_scoped3A_42, %dma_start3A_55, %dma_start3A_56] : memref<32x2x56x128xi32, #tpu.memory_space<hbm>> -> memref<1x1x56x128xi32, #tpu.memory_space<hbm>>
        %dma_start3A_58 = tpu.memref_squeeze %dma_start3A_57 : memref<1x1x56x128xi32, #tpu.memory_space<hbm>> -> memref<56x128xi32, #tpu.memory_space<hbm>>
        tpu.enqueue_dma source(%dma_start3A_58 : memref<56x128xi32, #tpu.memory_space<hbm>>) target(%arg6 : memref<56x128xi32, #tpu.memory_space<vmem>>) target_semaphore(%run_scoped3A_51 : memref<!tpu.dma_semaphore, #tpu.memory_space<semaphore_mem>>)
        %dma_wait3A = arith.constant 0 : i32
        %dma_wait3A_59 = arith.constant 0 : i32
        %dma_wait3A_60 = tpu.memref_slice %arg3[%add3A, %run_scoped3A_42, %dma_wait3A, %dma_wait3A_59] : memref<32x2x56x128xi32, #tpu.memory_space<hbm>> -> memref<1x1x56x128xi32, #tpu.memory_space<hbm>>
        %dma_wait3A_61 = tpu.memref_squeeze %dma_wait3A_60 : memref<1x1x56x128xi32, #tpu.memory_space<hbm>> -> memref<56x128xi32, #tpu.memory_space<hbm>>
        %dma_wait3A_62 = arith.constant 0 : i32
        %dma_wait3A_63 = arith.constant 0 : i32
        %dma_wait3A_64 = tpu.memref_slice %arg3[%add3A, %run_scoped3A_42, %dma_wait3A_62, %dma_wait3A_63] : memref<32x2x56x128xi32, #tpu.memory_space<hbm>> -> memref<1x1x56x128xi32, #tpu.memory_space<hbm>>
        %dma_wait3A_65 = tpu.memref_squeeze %dma_wait3A_64 : memref<1x1x56x128xi32, #tpu.memory_space<hbm>> -> memref<56x128xi32, #tpu.memory_space<hbm>>
        tpu.wait_dma2 semaphore(%run_scoped3A_51 : memref<!tpu.dma_semaphore, #tpu.memory_space<semaphore_mem>>) src(%dma_wait3A_65 : memref<56x128xi32, #tpu.memory_space<hbm>>) dst(%arg6 : memref<56x128xi32, #tpu.memory_space<vmem>>)
        tpu.yield
      }) : () -> ()
      %run_scoped3A_43 = arith.constant 1 : i32
      "tpu.region"() ({
        %run_scoped3A_51 = tpu.sem_alloc : memref<!tpu.dma_semaphore, #tpu.memory_space<semaphore_mem>>
        %dma_start3A = arith.constant 0 : i32
        %dma_start3A_52 = arith.constant 0 : i32
        %dma_start3A_53 = tpu.memref_slice %arg4[%add3A, %run_scoped3A_43, %dma_start3A, %dma_start3A_52] : memref<32x2x56x128xi32, #tpu.memory_space<hbm>> -> memref<1x1x56x128xi32, #tpu.memory_space<hbm>>
        %dma_start3A_54 = tpu.memref_squeeze %dma_start3A_53 : memref<1x1x56x128xi32, #tpu.memory_space<hbm>> -> memref<56x128xi32, #tpu.memory_space<hbm>>
        %dma_start3A_55 = arith.constant 0 : i32
        %dma_start3A_56 = arith.constant 0 : i32
        %dma_start3A_57 = tpu.memref_slice %arg4[%add3A, %run_scoped3A_43, %dma_start3A_55, %dma_start3A_56] : memref<32x2x56x128xi32, #tpu.memory_space<hbm>> -> memref<1x1x56x128xi32, #tpu.memory_space<hbm>>
        %dma_start3A_58 = tpu.memref_squeeze %dma_start3A_57 : memref<1x1x56x128xi32, #tpu.memory_space<hbm>> -> memref<56x128xi32, #tpu.memory_space<hbm>>
        tpu.enqueue_dma source(%dma_start3A_58 : memref<56x128xi32, #tpu.memory_space<hbm>>) target(%arg7 : memref<56x128xi32, #tpu.memory_space<vmem>>) target_semaphore(%run_scoped3A_51 : memref<!tpu.dma_semaphore, #tpu.memory_space<semaphore_mem>>)
        %dma_wait3A = arith.constant 0 : i32
        %dma_wait3A_59 = arith.constant 0 : i32
        %dma_wait3A_60 = tpu.memref_slice %arg4[%add3A, %run_scoped3A_43, %dma_wait3A, %dma_wait3A_59] : memref<32x2x56x128xi32, #tpu.memory_space<hbm>> -> memref<1x1x56x128xi32, #tpu.memory_space<hbm>>
        %dma_wait3A_61 = tpu.memref_squeeze %dma_wait3A_60 : memref<1x1x56x128xi32, #tpu.memory_space<hbm>> -> memref<56x128xi32, #tpu.memory_space<hbm>>
        %dma_wait3A_62 = arith.constant 0 : i32
        %dma_wait3A_63 = arith.constant 0 : i32
        %dma_wait3A_64 = tpu.memref_slice %arg4[%add3A, %run_scoped3A_43, %dma_wait3A_62, %dma_wait3A_63] : memref<32x2x56x128xi32, #tpu.memory_space<hbm>> -> memref<1x1x56x128xi32, #tpu.memory_space<hbm>>
        %dma_wait3A_65 = tpu.memref_squeeze %dma_wait3A_64 : memref<1x1x56x128xi32, #tpu.memory_space<hbm>> -> memref<56x128xi32, #tpu.memory_space<hbm>>
        tpu.wait_dma2 semaphore(%run_scoped3A_51 : memref<!tpu.dma_semaphore, #tpu.memory_space<semaphore_mem>>) src(%dma_wait3A_65 : memref<56x128xi32, #tpu.memory_space<hbm>>) dst(%arg7 : memref<56x128xi32, #tpu.memory_space<vmem>>)
        tpu.yield
      }) : () -> ()
      %scan3A_44 = arith.constant 0 : i32
      %scan3A_45 = arith.constant 0 : i32
      %scan3A_46 = arith.constant 23 : i32
      %scan3A_47 = arith.addi %scan3A_45, %scan3A_46 : i32
      %scan3A_48 = arith.constant 1 : i32
      scf.for %scan3A_51 = %scan3A_45 to %scan3A_47 step %scan3A_48  : i32 {
        %dma_start3A = arith.constant 0 : i32
        %dma_start3A_52 = tpu.memref_slice %arg6[%scan3A_51, %dma_start3A] : memref<56x128xi32, #tpu.memory_space<vmem>> -> memref<1x128xi32, #tpu.memory_space<vmem>>
        %dma_start3A_53 = tpu.memref_squeeze %dma_start3A_52 : memref<1x128xi32, #tpu.memory_space<vmem>> -> memref<128xi32, #tpu.memory_space<vmem>>
        %dma_start3A_54 = arith.constant 0 : i32
        %dma_start3A_55 = arith.constant 0 : i32
        %dma_start3A_56 = tpu.memref_slice %arg2[%dma_start3A_54, %dma_start3A_55] : memref<10240x128xf32, #tpu.memory_space<hbm>> -> memref<10240x128xf32, #tpu.memory_space<hbm>>
        tpu.enqueue_indirect_dma source(%dma_start3A_56 : memref<10240x128xf32, #tpu.memory_space<hbm>>) target(%arg8 : memref<128x128xf32, #tpu.memory_space<vmem>>) offsets(%dma_start3A_53 : memref<128xi32, #tpu.memory_space<vmem>>) semaphore(%arg11 : memref<!tpu.dma_semaphore, #tpu.memory_space<semaphore_mem>>)
        %dma_wait3A = arith.constant 0 : i32
        %dma_wait3A_57 = tpu.memref_slice %arg6[%scan3A_51, %dma_wait3A] : memref<56x128xi32, #tpu.memory_space<vmem>> -> memref<1x128xi32, #tpu.memory_space<vmem>>
        %dma_wait3A_58 = tpu.memref_squeeze %dma_wait3A_57 : memref<1x128xi32, #tpu.memory_space<vmem>> -> memref<128xi32, #tpu.memory_space<vmem>>
        %dma_wait3A_59 = arith.constant 0 : i32
        %dma_wait3A_60 = arith.constant 0 : i32
        %dma_wait3A_61 = tpu.memref_slice %arg2[%dma_wait3A_59, %dma_wait3A_60] : memref<10240x128xf32, #tpu.memory_space<hbm>> -> memref<10240x128xf32, #tpu.memory_space<hbm>>
        tpu.wait_indirect_dma semaphore(%arg11 : memref<!tpu.dma_semaphore, #tpu.memory_space<semaphore_mem>>) src(%dma_wait3A_61 : memref<10240x128xf32, #tpu.memory_space<hbm>>) dst(%arg8 : memref<128x128xf32, #tpu.memory_space<vmem>>)
        "tpu.region"() ({
          %run_scoped3A_62 = tpu.sem_alloc : memref<!tpu.dma_semaphore, #tpu.memory_space<semaphore_mem>>
          %dma_start3A_63 = arith.constant 0 : i32
          %dma_start3A_64 = tpu.memref_slice %arg7[%scan3A_51, %dma_start3A_63] : memref<56x128xi32, #tpu.memory_space<vmem>> -> memref<1x128xi32, #tpu.memory_space<vmem>>
          %dma_start3A_65 = tpu.memref_squeeze %dma_start3A_64 : memref<1x128xi32, #tpu.memory_space<vmem>> -> memref<128xi32, #tpu.memory_space<vmem>>
          %dma_start3A_66 = arith.constant 0 : i32
          %dma_start3A_67 = arith.constant 0 : i32
          %dma_start3A_68 = tpu.memref_slice %arg10[%dma_start3A_66, %dma_start3A_67] : memref<10112x128xf32, #tpu.memory_space<vmem_shared>> -> memref<10112x128xf32, #tpu.memory_space<vmem_shared>>
          tpu.enqueue_indirect_dma source(%arg8 : memref<128x128xf32, #tpu.memory_space<vmem>>) target(%dma_start3A_68 : memref<10112x128xf32, #tpu.memory_space<vmem_shared>>) offsets(%dma_start3A_65 : memref<128xi32, #tpu.memory_space<vmem>>) semaphore(%run_scoped3A_62 : memref<!tpu.dma_semaphore, #tpu.memory_space<semaphore_mem>>) {add = true}
          %dma_wait3A_69 = arith.constant 0 : i32
          %dma_wait3A_70 = tpu.memref_slice %arg7[%scan3A_51, %dma_wait3A_69] : memref<56x128xi32, #tpu.memory_space<vmem>> -> memref<1x128xi32, #tpu.memory_space<vmem>>
          %dma_wait3A_71 = tpu.memref_squeeze %dma_wait3A_70 : memref<1x128xi32, #tpu.memory_space<vmem>> -> memref<128xi32, #tpu.memory_space<vmem>>
          %dma_wait3A_72 = arith.constant 0 : i32
          %dma_wait3A_73 = arith.constant 0 : i32
          %dma_wait3A_74 = tpu.memref_slice %arg10[%dma_wait3A_72, %dma_wait3A_73] : memref<10112x128xf32, #tpu.memory_space<vmem_shared>> -> memref<10112x128xf32, #tpu.memory_space<vmem_shared>>
          tpu.wait_indirect_dma semaphore(%run_scoped3A_62 : memref<!tpu.dma_semaphore, #tpu.memory_space<semaphore_mem>>) src(%arg8 : memref<128x128xf32, #tpu.memory_space<vmem>>) dst(%dma_wait3A_74 : memref<10112x128xf32, #tpu.memory_space<vmem_shared>>)
          tpu.yield
        }) : () -> ()
      }
      %scan3A_49 = arith.constant 23 : i32
      %cond3A_50 = arith.constant 0 : i32
      scf.yield %cond3A_50 : i32
    }
    %barrier3A_30 = arith.constant 0 : index
    tpu.barrier barrier_id(%barrier3A_30)
    %mul3A_31 = arith.constant 632 : i32
    %mul3A_32 = arith.muli %arg1, %mul3A_31 : i32
    %mul3A_33 = arith.constant 632 : i32
    %mul3A_34 = arith.muli %arg1, %mul3A_33 : i32
    "tpu.region"() ({
      %run_scoped3A = tpu.sem_alloc : memref<!tpu.dma_semaphore, #tpu.memory_space<semaphore_mem>>
      %dma_start3A = arith.constant 0 : i32
      %dma_start3A_35 = tpu.memref_slice %arg5[%arg0, %mul3A_34, %dma_start3A] : memref<2x10240x128xf32, #tpu.memory_space<hbm>> -> memref<1x632x128xf32, #tpu.memory_space<hbm>>
      %dma_start3A_36 = tpu.memref_squeeze %dma_start3A_35 : memref<1x632x128xf32, #tpu.memory_space<hbm>> -> memref<632x128xf32, #tpu.memory_space<hbm>>
      %dma_start3A_37 = arith.constant 0 : i32
      %dma_start3A_38 = tpu.memref_slice %arg10[%mul3A_32, %dma_start3A_37] : memref<10112x128xf32, #tpu.memory_space<vmem_shared>> -> memref<632x128xf32, #tpu.memory_space<vmem_shared>>
      tpu.enqueue_dma source(%dma_start3A_38 : memref<632x128xf32, #tpu.memory_space<vmem_shared>>) target(%dma_start3A_36 : memref<632x128xf32, #tpu.memory_space<hbm>>) target_semaphore(%run_scoped3A : memref<!tpu.dma_semaphore, #tpu.memory_space<semaphore_mem>>)
      %dma_wait3A = arith.constant 0 : i32
      %dma_wait3A_39 = tpu.memref_slice %arg5[%arg0, %mul3A_34, %dma_wait3A] : memref<2x10240x128xf32, #tpu.memory_space<hbm>> -> memref<1x632x128xf32, #tpu.memory_space<hbm>>
      %dma_wait3A_40 = tpu.memref_squeeze %dma_wait3A_39 : memref<1x632x128xf32, #tpu.memory_space<hbm>> -> memref<632x128xf32, #tpu.memory_space<hbm>>
      %dma_wait3A_41 = arith.constant 0 : i32
      %dma_wait3A_42 = tpu.memref_slice %arg10[%mul3A_32, %dma_wait3A_41] : memref<10112x128xf32, #tpu.memory_space<vmem_shared>> -> memref<632x128xf32, #tpu.memory_space<vmem_shared>>
      tpu.wait_dma2 semaphore(%run_scoped3A : memref<!tpu.dma_semaphore, #tpu.memory_space<semaphore_mem>>) src(%dma_wait3A_42 : memref<632x128xf32, #tpu.memory_space<vmem_shared>>) dst(%dma_wait3A_40 : memref<632x128xf32, #tpu.memory_space<hbm>>)
      tpu.yield
    }) : () -> ()
    return
  }
}

#map = affine_map<(d0, d1) -> (0, 0)>
#map1 = affine_map<(d0, d1) -> (0, 0, 0, 0)>
#map2 = affine_map<(d0, d1) -> (0, 0, 0)>
module attributes {stable_mosaic.version = 14 : i64} {
  func.func @_agg_body(%arg0: i32, %arg1: i32, %arg2: memref<10240x128xf32, #tpu.memory_space<hbm>>, %arg3: memref<32x2x56x128xi32, #tpu.memory_space<hbm>>, %arg4: memref<32x2x56x128xi32, #tpu.memory_space<hbm>>, %arg5: memref<2x10240x128xf32, #tpu.memory_space<hbm>>, %arg6: memref<56x128xi32, #tpu.memory_space<vmem>>, %arg7: memref<56x128xi32, #tpu.memory_space<vmem>>, %arg8: memref<128x128xf32, #tpu.memory_space<vmem>>, %arg9: memref<128x128xf32, #tpu.memory_space<vmem>>, %arg10: memref<10112x128xf32, #tpu.memory_space<vmem_shared>>, %arg11: memref<!tpu.dma_semaphore, #tpu.memory_space<semaphore_mem>>, %arg12: memref<!tpu.dma_semaphore, #tpu.memory_space<semaphore_mem>>, %arg13: memref<!tpu.dma_semaphore, #tpu.memory_space<semaphore_mem>>, %arg14: memref<!tpu.dma_semaphore, #tpu.memory_space<semaphore_mem>>) attributes {dimension_semantics = [#tpu.dimension_semantics<core_parallel>, #tpu.dimension_semantics<subcore_parallel>], iteration_bounds = array<i64: 2, 16>, scalar_prefetch = 0 : i64, scratch_operands = 9 : i64, tpu.core_type = #tpu.core_type<sc_vector_subcore>, window_params = [{transform_indices = #map}, {transform_indices = #map1}, {transform_indices = #map1}, {transform_indices = #map2}]} {
    %mul3A = arith.constant 2 : i32
    %mul3A_0 = arith.muli %arg1, %mul3A : i32
    %add3A = arith.addi %mul3A_0, %arg0 : i32
    %broadcast_in_dim3A = arith.constant 0.000000e+00 : f32
    %broadcast_in_dim3A_1 = vector.broadcast %broadcast_in_dim3A : f32 to vector<16xf32>
    %scan3A = arith.constant 0 : i32
    %scan3A_2 = arith.constant 0 : i32
    %scan3A_3 = arith.constant 1024 : i32
    %scan3A_4 = arith.addi %scan3A_2, %scan3A_3 : i32
    %scan3A_5 = arith.constant 1 : i32
    scf.for %scan3A_35 = %scan3A_2 to %scan3A_4 step %scan3A_5  : i32 {
      %jit3A = arith.constant 8 : i32
      %div3A = arith.divsi %scan3A_35, %jit3A : i32
      %sign3A = arith.constant 0 : i32
      %sign3A_36 = arith.cmpi sgt, %scan3A_35, %sign3A : i32
      %sign3A_37 = arith.extui %sign3A_36 : i1 to i32
      %sign3A_38 = arith.constant 0 : i32
      %sign3A_39 = arith.cmpi slt, %scan3A_35, %sign3A_38 : i32
      %sign3A_40 = arith.extui %sign3A_39 : i1 to i32
      %sign3A_41 = arith.subi %sign3A_37, %sign3A_40 : i32
      %sign3A_42 = arith.constant 0 : i32
      %sign3A_43 = arith.cmpi sgt, %jit3A, %sign3A_42 : i32
      %sign3A_44 = arith.extui %sign3A_43 : i1 to i32
      %sign3A_45 = arith.constant 0 : i32
      %sign3A_46 = arith.cmpi slt, %jit3A, %sign3A_45 : i32
      %sign3A_47 = arith.extui %sign3A_46 : i1 to i32
      %sign3A_48 = arith.subi %sign3A_44, %sign3A_47 : i32
      %ne3A = arith.cmpi ne, %sign3A_41, %sign3A_48 : i32
      %rem3A = arith.remsi %scan3A_35, %jit3A : i32
      %ne3A_49 = arith.constant 0 : i32
      %ne3A_50 = arith.cmpi ne, %rem3A, %ne3A_49 : i32
      %and3A = arith.andi %ne3A, %ne3A_50 : i1
      %sub3A = arith.constant 1 : i32
      %sub3A_51 = arith.subi %div3A, %sub3A : i32
      %select_n3A = arith.select %and3A, %sub3A_51, %div3A : i32
      %jit3A_52 = arith.constant 8 : i32
      %eq3A_53 = arith.constant 0 : i32
      %eq3A_54 = arith.cmpi eq, %jit3A_52, %eq3A_53 : i32
      %jit3A_55 = arith.constant 1 : i32
      %select_n3A_56 = arith.select %eq3A_54, %jit3A_55, %jit3A_52 : i32
      %rem3A_57 = arith.remsi %scan3A_35, %select_n3A_56 : i32
      %ne3A_58 = arith.constant 0 : i32
      %ne3A_59 = arith.cmpi ne, %rem3A_57, %ne3A_58 : i32
      %lt3A = arith.constant 0 : i32
      %lt3A_60 = arith.cmpi slt, %rem3A_57, %lt3A : i32
      %lt3A_61 = arith.constant 0 : i32
      %lt3A_62 = arith.cmpi slt, %select_n3A_56, %lt3A_61 : i32
      %ne3A_63 = arith.xori %lt3A_60, %lt3A_62 : i1
      %and3A_64 = arith.andi %ne3A_63, %ne3A_59 : i1
      %add3A_65 = arith.addi %rem3A_57, %select_n3A_56 : i32
      %select_n3A_66 = arith.select %and3A_64, %add3A_65, %rem3A_57 : i32
      %mul3A_67 = arith.constant 16 : i32
      %mul3A_68 = arith.muli %select_n3A_66, %mul3A_67 : i32
      %swap3A = arith.index_cast %select_n3A : i32 to index
      %swap3A_69 = arith.index_cast %mul3A_68 : i32 to index
      %swap3A_70 = tpu.vector_load %arg8[%swap3A, %swap3A_69] {strides = array<i32>} : memref<128x128xf32, #tpu.memory_space<vmem>>, vector<1x16xf32>,
      %swap3A_71 = vector.shape_cast %swap3A_70 : vector<1x16xf32> to vector<16xf32>
      %swap3A_72 = vector.shape_cast %broadcast_in_dim3A_1 : vector<16xf32> to vector<1x16xf32>
      tpu.vector_store %arg8[%swap3A, %swap3A_69], %swap3A_72 {strides = array<i32>} : memref<128x128xf32, #tpu.memory_space<vmem>>, vector<1x16xf32>,
    }
    %scan3A_6 = arith.constant 1024 : i32
    %mul3A_7 = arith.constant 632 : i32
    %mul3A_8 = arith.muli %arg1, %mul3A_7 : i32
    %add3A_9 = arith.constant 0 : i32
    %add3A_10 = arith.addi %mul3A_8, %add3A_9 : i32
    "tpu.region"() ({
      %run_scoped3A = tpu.sem_alloc : memref<!tpu.dma_semaphore, #tpu.memory_space<semaphore_mem>>
      %dma_start3A = arith.constant 0 : i32
      %dma_start3A_35 = arith.constant 0 : i32
      %dma_start3A_36 = tpu.memref_slice %arg8[%dma_start3A, %dma_start3A_35] : memref<128x128xf32, #tpu.memory_space<vmem>> -> memref<128x128xf32, #tpu.memory_space<vmem>>
      %dma_start3A_37 = arith.constant 0 : i32
      %dma_start3A_38 = tpu.memref_slice %arg10[%add3A_10, %dma_start3A_37] : memref<10112x128xf32, #tpu.memory_space<vmem_shared>> -> memref<128x128xf32, #tpu.memory_space<vmem_shared>>
      %dma_start3A_39 = arith.constant 0 : i32
      %dma_start3A_40 = tpu.memref_slice %arg10[%add3A_10, %dma_start3A_39] : memref<10112x128xf32, #tpu.memory_space<vmem_shared>> -> memref<128x128xf32, #tpu.memory_space<vmem_shared>>
      %dma_start3A_41 = arith.constant 0 : i32
      %dma_start3A_42 = arith.constant 0 : i32
      %dma_start3A_43 = tpu.memref_slice %arg8[%dma_start3A_41, %dma_start3A_42] : memref<128x128xf32, #tpu.memory_space<vmem>> -> memref<128x128xf32, #tpu.memory_space<vmem>>
      tpu.enqueue_dma source(%dma_start3A_43 : memref<128x128xf32, #tpu.memory_space<vmem>>) target(%dma_start3A_40 : memref<128x128xf32, #tpu.memory_space<vmem_shared>>) target_semaphore(%run_scoped3A : memref<!tpu.dma_semaphore, #tpu.memory_space<semaphore_mem>>)
      %dma_wait3A = arith.constant 0 : i32
      %dma_wait3A_44 = arith.constant 0 : i32
      %dma_wait3A_45 = tpu.memref_slice %arg8[%dma_wait3A, %dma_wait3A_44] : memref<128x128xf32, #tpu.memory_space<vmem>> -> memref<128x128xf32, #tpu.memory_space<vmem>>
      %dma_wait3A_46 = arith.constant 0 : i32
      %dma_wait3A_47 = tpu.memref_slice %arg10[%add3A_10, %dma_wait3A_46] : memref<10112x128xf32, #tpu.memory_space<vmem_shared>> -> memref<128x128xf32, #tpu.memory_space<vmem_shared>>
      %dma_wait3A_48 = arith.constant 0 : i32
      %dma_wait3A_49 = tpu.memref_slice %arg10[%add3A_10, %dma_wait3A_48] : memref<10112x128xf32, #tpu.memory_space<vmem_shared>> -> memref<128x128xf32, #tpu.memory_space<vmem_shared>>
      %dma_wait3A_50 = arith.constant 0 : i32
      %dma_wait3A_51 = arith.constant 0 : i32
      %dma_wait3A_52 = tpu.memref_slice %arg8[%dma_wait3A_50, %dma_wait3A_51] : memref<128x128xf32, #tpu.memory_space<vmem>> -> memref<128x128xf32, #tpu.memory_space<vmem>>
      tpu.wait_dma2 semaphore(%run_scoped3A : memref<!tpu.dma_semaphore, #tpu.memory_space<semaphore_mem>>) src(%dma_wait3A_52 : memref<128x128xf32, #tpu.memory_space<vmem>>) dst(%dma_wait3A_49 : memref<128x128xf32, #tpu.memory_space<vmem_shared>>)
      tpu.yield
    }) : () -> ()
    %mul3A_11 = arith.constant 632 : i32
    %mul3A_12 = arith.muli %arg1, %mul3A_11 : i32
    %add3A_13 = arith.constant 128 : i32
    %add3A_14 = arith.addi %mul3A_12, %add3A_13 : i32
    "tpu.region"() ({
      %run_scoped3A = tpu.sem_alloc : memref<!tpu.dma_semaphore, #tpu.memory_space<semaphore_mem>>
      %dma_start3A = arith.constant 0 : i32
      %dma_start3A_35 = arith.constant 0 : i32
      %dma_start3A_36 = tpu.memref_slice %arg8[%dma_start3A, %dma_start3A_35] : memref<128x128xf32, #tpu.memory_space<vmem>> -> memref<128x128xf32, #tpu.memory_space<vmem>>
      %dma_start3A_37 = arith.constant 0 : i32
      %dma_start3A_38 = tpu.memref_slice %arg10[%add3A_14, %dma_start3A_37] : memref<10112x128xf32, #tpu.memory_space<vmem_shared>> -> memref<128x128xf32, #tpu.memory_space<vmem_shared>>
      %dma_start3A_39 = arith.constant 0 : i32
      %dma_start3A_40 = tpu.memref_slice %arg10[%add3A_14, %dma_start3A_39] : memref<10112x128xf32, #tpu.memory_space<vmem_shared>> -> memref<128x128xf32, #tpu.memory_space<vmem_shared>>
      %dma_start3A_41 = arith.constant 0 : i32
      %dma_start3A_42 = arith.constant 0 : i32
      %dma_start3A_43 = tpu.memref_slice %arg8[%dma_start3A_41, %dma_start3A_42] : memref<128x128xf32, #tpu.memory_space<vmem>> -> memref<128x128xf32, #tpu.memory_space<vmem>>
      tpu.enqueue_dma source(%dma_start3A_43 : memref<128x128xf32, #tpu.memory_space<vmem>>) target(%dma_start3A_40 : memref<128x128xf32, #tpu.memory_space<vmem_shared>>) target_semaphore(%run_scoped3A : memref<!tpu.dma_semaphore, #tpu.memory_space<semaphore_mem>>)
      %dma_wait3A = arith.constant 0 : i32
      %dma_wait3A_44 = arith.constant 0 : i32
      %dma_wait3A_45 = tpu.memref_slice %arg8[%dma_wait3A, %dma_wait3A_44] : memref<128x128xf32, #tpu.memory_space<vmem>> -> memref<128x128xf32, #tpu.memory_space<vmem>>
      %dma_wait3A_46 = arith.constant 0 : i32
      %dma_wait3A_47 = tpu.memref_slice %arg10[%add3A_14, %dma_wait3A_46] : memref<10112x128xf32, #tpu.memory_space<vmem_shared>> -> memref<128x128xf32, #tpu.memory_space<vmem_shared>>
      %dma_wait3A_48 = arith.constant 0 : i32
      %dma_wait3A_49 = tpu.memref_slice %arg10[%add3A_14, %dma_wait3A_48] : memref<10112x128xf32, #tpu.memory_space<vmem_shared>> -> memref<128x128xf32, #tpu.memory_space<vmem_shared>>
      %dma_wait3A_50 = arith.constant 0 : i32
      %dma_wait3A_51 = arith.constant 0 : i32
      %dma_wait3A_52 = tpu.memref_slice %arg8[%dma_wait3A_50, %dma_wait3A_51] : memref<128x128xf32, #tpu.memory_space<vmem>> -> memref<128x128xf32, #tpu.memory_space<vmem>>
      tpu.wait_dma2 semaphore(%run_scoped3A : memref<!tpu.dma_semaphore, #tpu.memory_space<semaphore_mem>>) src(%dma_wait3A_52 : memref<128x128xf32, #tpu.memory_space<vmem>>) dst(%dma_wait3A_49 : memref<128x128xf32, #tpu.memory_space<vmem_shared>>)
      tpu.yield
    }) : () -> ()
    %mul3A_15 = arith.constant 632 : i32
    %mul3A_16 = arith.muli %arg1, %mul3A_15 : i32
    %add3A_17 = arith.constant 256 : i32
    %add3A_18 = arith.addi %mul3A_16, %add3A_17 : i32
    "tpu.region"() ({
      %run_scoped3A = tpu.sem_alloc : memref<!tpu.dma_semaphore, #tpu.memory_space<semaphore_mem>>
      %dma_start3A = arith.constant 0 : i32
      %dma_start3A_35 = arith.constant 0 : i32
      %dma_start3A_36 = tpu.memref_slice %arg8[%dma_start3A, %dma_start3A_35] : memref<128x128xf32, #tpu.memory_space<vmem>> -> memref<128x128xf32, #tpu.memory_space<vmem>>
      %dma_start3A_37 = arith.constant 0 : i32
      %dma_start3A_38 = tpu.memref_slice %arg10[%add3A_18, %dma_start3A_37] : memref<10112x128xf32, #tpu.memory_space<vmem_shared>> -> memref<128x128xf32, #tpu.memory_space<vmem_shared>>
      %dma_start3A_39 = arith.constant 0 : i32
      %dma_start3A_40 = tpu.memref_slice %arg10[%add3A_18, %dma_start3A_39] : memref<10112x128xf32, #tpu.memory_space<vmem_shared>> -> memref<128x128xf32, #tpu.memory_space<vmem_shared>>
      %dma_start3A_41 = arith.constant 0 : i32
      %dma_start3A_42 = arith.constant 0 : i32
      %dma_start3A_43 = tpu.memref_slice %arg8[%dma_start3A_41, %dma_start3A_42] : memref<128x128xf32, #tpu.memory_space<vmem>> -> memref<128x128xf32, #tpu.memory_space<vmem>>
      tpu.enqueue_dma source(%dma_start3A_43 : memref<128x128xf32, #tpu.memory_space<vmem>>) target(%dma_start3A_40 : memref<128x128xf32, #tpu.memory_space<vmem_shared>>) target_semaphore(%run_scoped3A : memref<!tpu.dma_semaphore, #tpu.memory_space<semaphore_mem>>)
      %dma_wait3A = arith.constant 0 : i32
      %dma_wait3A_44 = arith.constant 0 : i32
      %dma_wait3A_45 = tpu.memref_slice %arg8[%dma_wait3A, %dma_wait3A_44] : memref<128x128xf32, #tpu.memory_space<vmem>> -> memref<128x128xf32, #tpu.memory_space<vmem>>
      %dma_wait3A_46 = arith.constant 0 : i32
      %dma_wait3A_47 = tpu.memref_slice %arg10[%add3A_18, %dma_wait3A_46] : memref<10112x128xf32, #tpu.memory_space<vmem_shared>> -> memref<128x128xf32, #tpu.memory_space<vmem_shared>>
      %dma_wait3A_48 = arith.constant 0 : i32
      %dma_wait3A_49 = tpu.memref_slice %arg10[%add3A_18, %dma_wait3A_48] : memref<10112x128xf32, #tpu.memory_space<vmem_shared>> -> memref<128x128xf32, #tpu.memory_space<vmem_shared>>
      %dma_wait3A_50 = arith.constant 0 : i32
      %dma_wait3A_51 = arith.constant 0 : i32
      %dma_wait3A_52 = tpu.memref_slice %arg8[%dma_wait3A_50, %dma_wait3A_51] : memref<128x128xf32, #tpu.memory_space<vmem>> -> memref<128x128xf32, #tpu.memory_space<vmem>>
      tpu.wait_dma2 semaphore(%run_scoped3A : memref<!tpu.dma_semaphore, #tpu.memory_space<semaphore_mem>>) src(%dma_wait3A_52 : memref<128x128xf32, #tpu.memory_space<vmem>>) dst(%dma_wait3A_49 : memref<128x128xf32, #tpu.memory_space<vmem_shared>>)
      tpu.yield
    }) : () -> ()
    %mul3A_19 = arith.constant 632 : i32
    %mul3A_20 = arith.muli %arg1, %mul3A_19 : i32
    %add3A_21 = arith.constant 384 : i32
    %add3A_22 = arith.addi %mul3A_20, %add3A_21 : i32
    "tpu.region"() ({
      %run_scoped3A = tpu.sem_alloc : memref<!tpu.dma_semaphore, #tpu.memory_space<semaphore_mem>>
      %dma_start3A = arith.constant 0 : i32
      %dma_start3A_35 = arith.constant 0 : i32
      %dma_start3A_36 = tpu.memref_slice %arg8[%dma_start3A, %dma_start3A_35] : memref<128x128xf32, #tpu.memory_space<vmem>> -> memref<128x128xf32, #tpu.memory_space<vmem>>
      %dma_start3A_37 = arith.constant 0 : i32
      %dma_start3A_38 = tpu.memref_slice %arg10[%add3A_22, %dma_start3A_37] : memref<10112x128xf32, #tpu.memory_space<vmem_shared>> -> memref<128x128xf32, #tpu.memory_space<vmem_shared>>
      %dma_start3A_39 = arith.constant 0 : i32
      %dma_start3A_40 = tpu.memref_slice %arg10[%add3A_22, %dma_start3A_39] : memref<10112x128xf32, #tpu.memory_space<vmem_shared>> -> memref<128x128xf32, #tpu.memory_space<vmem_shared>>
      %dma_start3A_41 = arith.constant 0 : i32
      %dma_start3A_42 = arith.constant 0 : i32
      %dma_start3A_43 = tpu.memref_slice %arg8[%dma_start3A_41, %dma_start3A_42] : memref<128x128xf32, #tpu.memory_space<vmem>> -> memref<128x128xf32, #tpu.memory_space<vmem>>
      tpu.enqueue_dma source(%dma_start3A_43 : memref<128x128xf32, #tpu.memory_space<vmem>>) target(%dma_start3A_40 : memref<128x128xf32, #tpu.memory_space<vmem_shared>>) target_semaphore(%run_scoped3A : memref<!tpu.dma_semaphore, #tpu.memory_space<semaphore_mem>>)
      %dma_wait3A = arith.constant 0 : i32
      %dma_wait3A_44 = arith.constant 0 : i32
      %dma_wait3A_45 = tpu.memref_slice %arg8[%dma_wait3A, %dma_wait3A_44] : memref<128x128xf32, #tpu.memory_space<vmem>> -> memref<128x128xf32, #tpu.memory_space<vmem>>
      %dma_wait3A_46 = arith.constant 0 : i32
      %dma_wait3A_47 = tpu.memref_slice %arg10[%add3A_22, %dma_wait3A_46] : memref<10112x128xf32, #tpu.memory_space<vmem_shared>> -> memref<128x128xf32, #tpu.memory_space<vmem_shared>>
      %dma_wait3A_48 = arith.constant 0 : i32
      %dma_wait3A_49 = tpu.memref_slice %arg10[%add3A_22, %dma_wait3A_48] : memref<10112x128xf32, #tpu.memory_space<vmem_shared>> -> memref<128x128xf32, #tpu.memory_space<vmem_shared>>
      %dma_wait3A_50 = arith.constant 0 : i32
      %dma_wait3A_51 = arith.constant 0 : i32
      %dma_wait3A_52 = tpu.memref_slice %arg8[%dma_wait3A_50, %dma_wait3A_51] : memref<128x128xf32, #tpu.memory_space<vmem>> -> memref<128x128xf32, #tpu.memory_space<vmem>>
      tpu.wait_dma2 semaphore(%run_scoped3A : memref<!tpu.dma_semaphore, #tpu.memory_space<semaphore_mem>>) src(%dma_wait3A_52 : memref<128x128xf32, #tpu.memory_space<vmem>>) dst(%dma_wait3A_49 : memref<128x128xf32, #tpu.memory_space<vmem_shared>>)
      tpu.yield
    }) : () -> ()
    %mul3A_23 = arith.constant 632 : i32
    %mul3A_24 = arith.muli %arg1, %mul3A_23 : i32
    %add3A_25 = arith.constant 512 : i32
    %add3A_26 = arith.addi %mul3A_24, %add3A_25 : i32
    "tpu.region"() ({
      %run_scoped3A = tpu.sem_alloc : memref<!tpu.dma_semaphore, #tpu.memory_space<semaphore_mem>>
      %dma_start3A = arith.constant 0 : i32
      %dma_start3A_35 = arith.constant 0 : i32
      %dma_start3A_36 = tpu.memref_slice %arg8[%dma_start3A, %dma_start3A_35] : memref<128x128xf32, #tpu.memory_space<vmem>> -> memref<120x128xf32, #tpu.memory_space<vmem>>
      %dma_start3A_37 = arith.constant 0 : i32
      %dma_start3A_38 = tpu.memref_slice %arg10[%add3A_26, %dma_start3A_37] : memref<10112x128xf32, #tpu.memory_space<vmem_shared>> -> memref<120x128xf32, #tpu.memory_space<vmem_shared>>
      %dma_start3A_39 = arith.constant 0 : i32
      %dma_start3A_40 = tpu.memref_slice %arg10[%add3A_26, %dma_start3A_39] : memref<10112x128xf32, #tpu.memory_space<vmem_shared>> -> memref<120x128xf32, #tpu.memory_space<vmem_shared>>
      %dma_start3A_41 = arith.constant 0 : i32
      %dma_start3A_42 = arith.constant 0 : i32
      %dma_start3A_43 = tpu.memref_slice %arg8[%dma_start3A_41, %dma_start3A_42] : memref<128x128xf32, #tpu.memory_space<vmem>> -> memref<120x128xf32, #tpu.memory_space<vmem>>
      tpu.enqueue_dma source(%dma_start3A_43 : memref<120x128xf32, #tpu.memory_space<vmem>>) target(%dma_start3A_40 : memref<120x128xf32, #tpu.memory_space<vmem_shared>>) target_semaphore(%run_scoped3A : memref<!tpu.dma_semaphore, #tpu.memory_space<semaphore_mem>>)
      %dma_wait3A = arith.constant 0 : i32
      %dma_wait3A_44 = arith.constant 0 : i32
      %dma_wait3A_45 = tpu.memref_slice %arg8[%dma_wait3A, %dma_wait3A_44] : memref<128x128xf32, #tpu.memory_space<vmem>> -> memref<120x128xf32, #tpu.memory_space<vmem>>
      %dma_wait3A_46 = arith.constant 0 : i32
      %dma_wait3A_47 = tpu.memref_slice %arg10[%add3A_26, %dma_wait3A_46] : memref<10112x128xf32, #tpu.memory_space<vmem_shared>> -> memref<120x128xf32, #tpu.memory_space<vmem_shared>>
      %dma_wait3A_48 = arith.constant 0 : i32
      %dma_wait3A_49 = tpu.memref_slice %arg10[%add3A_26, %dma_wait3A_48] : memref<10112x128xf32, #tpu.memory_space<vmem_shared>> -> memref<120x128xf32, #tpu.memory_space<vmem_shared>>
      %dma_wait3A_50 = arith.constant 0 : i32
      %dma_wait3A_51 = arith.constant 0 : i32
      %dma_wait3A_52 = tpu.memref_slice %arg8[%dma_wait3A_50, %dma_wait3A_51] : memref<128x128xf32, #tpu.memory_space<vmem>> -> memref<120x128xf32, #tpu.memory_space<vmem>>
      tpu.wait_dma2 semaphore(%run_scoped3A : memref<!tpu.dma_semaphore, #tpu.memory_space<semaphore_mem>>) src(%dma_wait3A_52 : memref<120x128xf32, #tpu.memory_space<vmem>>) dst(%dma_wait3A_49 : memref<120x128xf32, #tpu.memory_space<vmem_shared>>)
      tpu.yield
    }) : () -> ()
    %barrier3A = arith.constant 0 : index
    tpu.barrier barrier_id(%barrier3A)
    %eq3A = arith.constant 0 : i32
    %eq3A_27 = arith.cmpi eq, %arg0, %eq3A : i32
    %convert_element_type3A = arith.extui %eq3A_27 : i1 to i32
    %cond3A = arith.constant 0 : i32
    %cond3A_28 = arith.cmpi ne, %convert_element_type3A, %cond3A : i32
    %cond3A_29 = scf.if %cond3A_28 -> (i32) {
      %run_scoped3A = arith.constant 0 : i32
      "tpu.region"() ({
        %run_scoped3A_161 = tpu.sem_alloc : memref<!tpu.dma_semaphore, #tpu.memory_space<semaphore_mem>>
        %dma_start3A_162 = arith.constant 0 : i32
        %dma_start3A_163 = arith.constant 0 : i32
        %dma_start3A_164 = tpu.memref_slice %arg3[%add3A, %run_scoped3A, %dma_start3A_162, %dma_start3A_163] : memref<32x2x56x128xi32, #tpu.memory_space<hbm>> -> memref<1x1x56x128xi32, #tpu.memory_space<hbm>>
        %dma_start3A_165 = tpu.memref_squeeze %dma_start3A_164 : memref<1x1x56x128xi32, #tpu.memory_space<hbm>> -> memref<56x128xi32, #tpu.memory_space<hbm>>
        %dma_start3A_166 = arith.constant 0 : i32
        %dma_start3A_167 = arith.constant 0 : i32
        %dma_start3A_168 = tpu.memref_slice %arg3[%add3A, %run_scoped3A, %dma_start3A_166, %dma_start3A_167] : memref<32x2x56x128xi32, #tpu.memory_space<hbm>> -> memref<1x1x56x128xi32, #tpu.memory_space<hbm>>
        %dma_start3A_169 = tpu.memref_squeeze %dma_start3A_168 : memref<1x1x56x128xi32, #tpu.memory_space<hbm>> -> memref<56x128xi32, #tpu.memory_space<hbm>>
        tpu.enqueue_dma source(%dma_start3A_169 : memref<56x128xi32, #tpu.memory_space<hbm>>) target(%arg6 : memref<56x128xi32, #tpu.memory_space<vmem>>) target_semaphore(%run_scoped3A_161 : memref<!tpu.dma_semaphore, #tpu.memory_space<semaphore_mem>>)
        %dma_wait3A_170 = arith.constant 0 : i32
        %dma_wait3A_171 = arith.constant 0 : i32
        %dma_wait3A_172 = tpu.memref_slice %arg3[%add3A, %run_scoped3A, %dma_wait3A_170, %dma_wait3A_171] : memref<32x2x56x128xi32, #tpu.memory_space<hbm>> -> memref<1x1x56x128xi32, #tpu.memory_space<hbm>>
        %dma_wait3A_173 = tpu.memref_squeeze %dma_wait3A_172 : memref<1x1x56x128xi32, #tpu.memory_space<hbm>> -> memref<56x128xi32, #tpu.memory_space<hbm>>
        %dma_wait3A_174 = arith.constant 0 : i32
        %dma_wait3A_175 = arith.constant 0 : i32
        %dma_wait3A_176 = tpu.memref_slice %arg3[%add3A, %run_scoped3A, %dma_wait3A_174, %dma_wait3A_175] : memref<32x2x56x128xi32, #tpu.memory_space<hbm>> -> memref<1x1x56x128xi32, #tpu.memory_space<hbm>>
        %dma_wait3A_177 = tpu.memref_squeeze %dma_wait3A_176 : memref<1x1x56x128xi32, #tpu.memory_space<hbm>> -> memref<56x128xi32, #tpu.memory_space<hbm>>
        tpu.wait_dma2 semaphore(%run_scoped3A_161 : memref<!tpu.dma_semaphore, #tpu.memory_space<semaphore_mem>>) src(%dma_wait3A_177 : memref<56x128xi32, #tpu.memory_space<hbm>>) dst(%arg6 : memref<56x128xi32, #tpu.memory_space<vmem>>)
        tpu.yield
      }) : () -> ()
      %run_scoped3A_35 = arith.constant 0 : i32
      "tpu.region"() ({
        %run_scoped3A_161 = tpu.sem_alloc : memref<!tpu.dma_semaphore, #tpu.memory_space<semaphore_mem>>
        %dma_start3A_162 = arith.constant 0 : i32
        %dma_start3A_163 = arith.constant 0 : i32
        %dma_start3A_164 = tpu.memref_slice %arg4[%add3A, %run_scoped3A_35, %dma_start3A_162, %dma_start3A_163] : memref<32x2x56x128xi32, #tpu.memory_space<hbm>> -> memref<1x1x56x128xi32, #tpu.memory_space<hbm>>
        %dma_start3A_165 = tpu.memref_squeeze %dma_start3A_164 : memref<1x1x56x128xi32, #tpu.memory_space<hbm>> -> memref<56x128xi32, #tpu.memory_space<hbm>>
        %dma_start3A_166 = arith.constant 0 : i32
        %dma_start3A_167 = arith.constant 0 : i32
        %dma_start3A_168 = tpu.memref_slice %arg4[%add3A, %run_scoped3A_35, %dma_start3A_166, %dma_start3A_167] : memref<32x2x56x128xi32, #tpu.memory_space<hbm>> -> memref<1x1x56x128xi32, #tpu.memory_space<hbm>>
        %dma_start3A_169 = tpu.memref_squeeze %dma_start3A_168 : memref<1x1x56x128xi32, #tpu.memory_space<hbm>> -> memref<56x128xi32, #tpu.memory_space<hbm>>
        tpu.enqueue_dma source(%dma_start3A_169 : memref<56x128xi32, #tpu.memory_space<hbm>>) target(%arg7 : memref<56x128xi32, #tpu.memory_space<vmem>>) target_semaphore(%run_scoped3A_161 : memref<!tpu.dma_semaphore, #tpu.memory_space<semaphore_mem>>)
        %dma_wait3A_170 = arith.constant 0 : i32
        %dma_wait3A_171 = arith.constant 0 : i32
        %dma_wait3A_172 = tpu.memref_slice %arg4[%add3A, %run_scoped3A_35, %dma_wait3A_170, %dma_wait3A_171] : memref<32x2x56x128xi32, #tpu.memory_space<hbm>> -> memref<1x1x56x128xi32, #tpu.memory_space<hbm>>
        %dma_wait3A_173 = tpu.memref_squeeze %dma_wait3A_172 : memref<1x1x56x128xi32, #tpu.memory_space<hbm>> -> memref<56x128xi32, #tpu.memory_space<hbm>>
        %dma_wait3A_174 = arith.constant 0 : i32
        %dma_wait3A_175 = arith.constant 0 : i32
        %dma_wait3A_176 = tpu.memref_slice %arg4[%add3A, %run_scoped3A_35, %dma_wait3A_174, %dma_wait3A_175] : memref<32x2x56x128xi32, #tpu.memory_space<hbm>> -> memref<1x1x56x128xi32, #tpu.memory_space<hbm>>
        %dma_wait3A_177 = tpu.memref_squeeze %dma_wait3A_176 : memref<1x1x56x128xi32, #tpu.memory_space<hbm>> -> memref<56x128xi32, #tpu.memory_space<hbm>>
        tpu.wait_dma2 semaphore(%run_scoped3A_161 : memref<!tpu.dma_semaphore, #tpu.memory_space<semaphore_mem>>) src(%dma_wait3A_177 : memref<56x128xi32, #tpu.memory_space<hbm>>) dst(%arg7 : memref<56x128xi32, #tpu.memory_space<vmem>>)
        tpu.yield
      }) : () -> ()
      %dma_start3A = arith.constant 0 : i32
      %dma_start3A_36 = arith.constant 0 : i32
      %dma_start3A_37 = tpu.memref_slice %arg6[%dma_start3A, %dma_start3A_36] : memref<56x128xi32, #tpu.memory_space<vmem>> -> memref<1x128xi32, #tpu.memory_space<vmem>>
      %dma_start3A_38 = tpu.memref_squeeze %dma_start3A_37 : memref<1x128xi32, #tpu.memory_space<vmem>> -> memref<128xi32, #tpu.memory_space<vmem>>
      %dma_start3A_39 = arith.constant 0 : i32
      %dma_start3A_40 = arith.constant 0 : i32
      %dma_start3A_41 = tpu.memref_slice %arg2[%dma_start3A_39, %dma_start3A_40] : memref<10240x128xf32, #tpu.memory_space<hbm>> -> memref<10240x128xf32, #tpu.memory_space<hbm>>
      tpu.enqueue_indirect_dma source(%dma_start3A_41 : memref<10240x128xf32, #tpu.memory_space<hbm>>) target(%arg8 : memref<128x128xf32, #tpu.memory_space<vmem>>) offsets(%dma_start3A_38 : memref<128xi32, #tpu.memory_space<vmem>>) semaphore(%arg11 : memref<!tpu.dma_semaphore, #tpu.memory_space<semaphore_mem>>)
      %dma_start3A_42 = arith.constant 1 : i32
      %dma_start3A_43 = arith.constant 0 : i32
      %dma_start3A_44 = tpu.memref_slice %arg6[%dma_start3A_42, %dma_start3A_43] : memref<56x128xi32, #tpu.memory_space<vmem>> -> memref<1x128xi32, #tpu.memory_space<vmem>>
      %dma_start3A_45 = tpu.memref_squeeze %dma_start3A_44 : memref<1x128xi32, #tpu.memory_space<vmem>> -> memref<128xi32, #tpu.memory_space<vmem>>
      %dma_start3A_46 = arith.constant 0 : i32
      %dma_start3A_47 = arith.constant 0 : i32
      %dma_start3A_48 = tpu.memref_slice %arg2[%dma_start3A_46, %dma_start3A_47] : memref<10240x128xf32, #tpu.memory_space<hbm>> -> memref<10240x128xf32, #tpu.memory_space<hbm>>
      tpu.enqueue_indirect_dma source(%dma_start3A_48 : memref<10240x128xf32, #tpu.memory_space<hbm>>) target(%arg9 : memref<128x128xf32, #tpu.memory_space<vmem>>) offsets(%dma_start3A_45 : memref<128xi32, #tpu.memory_space<vmem>>) semaphore(%arg12 : memref<!tpu.dma_semaphore, #tpu.memory_space<semaphore_mem>>)
      %scan3A_49 = arith.constant 0 : i32
      %scan3A_50 = arith.constant 0 : i32
      %scan3A_51 = arith.constant 27 : i32
      %scan3A_52 = arith.addi %scan3A_50, %scan3A_51 : i32
      %scan3A_53 = arith.constant 1 : i32
      scf.for %scan3A_161 = %scan3A_50 to %scan3A_52 step %scan3A_53  : i32 {
        %mul3A_162 = arith.constant 2 : i32
        %mul3A_163 = arith.muli %mul3A_162, %scan3A_161 : i32
        %add3A_164 = arith.constant 1 : i32
        %add3A_165 = arith.addi %mul3A_163, %add3A_164 : i32
        %dma_wait3A_166 = arith.constant 0 : i32
        %dma_wait3A_167 = tpu.memref_slice %arg6[%mul3A_163, %dma_wait3A_166] : memref<56x128xi32, #tpu.memory_space<vmem>> -> memref<1x128xi32, #tpu.memory_space<vmem>>
        %dma_wait3A_168 = tpu.memref_squeeze %dma_wait3A_167 : memref<1x128xi32, #tpu.memory_space<vmem>> -> memref<128xi32, #tpu.memory_space<vmem>>
        %dma_wait3A_169 = arith.constant 0 : i32
        %dma_wait3A_170 = arith.constant 0 : i32
        %dma_wait3A_171 = tpu.memref_slice %arg2[%dma_wait3A_169, %dma_wait3A_170] : memref<10240x128xf32, #tpu.memory_space<hbm>> -> memref<10240x128xf32, #tpu.memory_space<hbm>>
        tpu.wait_indirect_dma semaphore(%arg11 : memref<!tpu.dma_semaphore, #tpu.memory_space<semaphore_mem>>) src(%dma_wait3A_171 : memref<10240x128xf32, #tpu.memory_space<hbm>>) dst(%arg8 : memref<128x128xf32, #tpu.memory_space<vmem>>)
        %dma_start3A_172 = arith.constant 0 : i32
        %dma_start3A_173 = tpu.memref_slice %arg7[%mul3A_163, %dma_start3A_172] : memref<56x128xi32, #tpu.memory_space<vmem>> -> memref<1x128xi32, #tpu.memory_space<vmem>>
        %dma_start3A_174 = tpu.memref_squeeze %dma_start3A_173 : memref<1x128xi32, #tpu.memory_space<vmem>> -> memref<128xi32, #tpu.memory_space<vmem>>
        %dma_start3A_175 = arith.constant 0 : i32
        %dma_start3A_176 = arith.constant 0 : i32
        %dma_start3A_177 = tpu.memref_slice %arg10[%dma_start3A_175, %dma_start3A_176] : memref<10112x128xf32, #tpu.memory_space<vmem_shared>> -> memref<10112x128xf32, #tpu.memory_space<vmem_shared>>
        tpu.enqueue_indirect_dma source(%arg8 : memref<128x128xf32, #tpu.memory_space<vmem>>) target(%dma_start3A_177 : memref<10112x128xf32, #tpu.memory_space<vmem_shared>>) offsets(%dma_start3A_174 : memref<128xi32, #tpu.memory_space<vmem>>) semaphore(%arg13 : memref<!tpu.dma_semaphore, #tpu.memory_space<semaphore_mem>>) {add = true}
        %dma_wait3A_178 = arith.constant 0 : i32
        %dma_wait3A_179 = tpu.memref_slice %arg6[%add3A_165, %dma_wait3A_178] : memref<56x128xi32, #tpu.memory_space<vmem>> -> memref<1x128xi32, #tpu.memory_space<vmem>>
        %dma_wait3A_180 = tpu.memref_squeeze %dma_wait3A_179 : memref<1x128xi32, #tpu.memory_space<vmem>> -> memref<128xi32, #tpu.memory_space<vmem>>
        %dma_wait3A_181 = arith.constant 0 : i32
        %dma_wait3A_182 = arith.constant 0 : i32
        %dma_wait3A_183 = tpu.memref_slice %arg2[%dma_wait3A_181, %dma_wait3A_182] : memref<10240x128xf32, #tpu.memory_space<hbm>> -> memref<10240x128xf32, #tpu.memory_space<hbm>>
        tpu.wait_indirect_dma semaphore(%arg12 : memref<!tpu.dma_semaphore, #tpu.memory_space<semaphore_mem>>) src(%dma_wait3A_183 : memref<10240x128xf32, #tpu.memory_space<hbm>>) dst(%arg9 : memref<128x128xf32, #tpu.memory_space<vmem>>)
        %dma_start3A_184 = arith.constant 0 : i32
        %dma_start3A_185 = tpu.memref_slice %arg7[%add3A_165, %dma_start3A_184] : memref<56x128xi32, #tpu.memory_space<vmem>> -> memref<1x128xi32, #tpu.memory_space<vmem>>
        %dma_start3A_186 = tpu.memref_squeeze %dma_start3A_185 : memref<1x128xi32, #tpu.memory_space<vmem>> -> memref<128xi32, #tpu.memory_space<vmem>>
        %dma_start3A_187 = arith.constant 0 : i32
        %dma_start3A_188 = arith.constant 0 : i32
        %dma_start3A_189 = tpu.memref_slice %arg10[%dma_start3A_187, %dma_start3A_188] : memref<10112x128xf32, #tpu.memory_space<vmem_shared>> -> memref<10112x128xf32, #tpu.memory_space<vmem_shared>>
        tpu.enqueue_indirect_dma source(%arg9 : memref<128x128xf32, #tpu.memory_space<vmem>>) target(%dma_start3A_189 : memref<10112x128xf32, #tpu.memory_space<vmem_shared>>) offsets(%dma_start3A_186 : memref<128xi32, #tpu.memory_space<vmem>>) semaphore(%arg14 : memref<!tpu.dma_semaphore, #tpu.memory_space<semaphore_mem>>) {add = true}
        %dma_wait3A_190 = arith.constant 0 : i32
        %dma_wait3A_191 = tpu.memref_slice %arg7[%mul3A_163, %dma_wait3A_190] : memref<56x128xi32, #tpu.memory_space<vmem>> -> memref<1x128xi32, #tpu.memory_space<vmem>>
        %dma_wait3A_192 = tpu.memref_squeeze %dma_wait3A_191 : memref<1x128xi32, #tpu.memory_space<vmem>> -> memref<128xi32, #tpu.memory_space<vmem>>
        %dma_wait3A_193 = arith.constant 0 : i32
        %dma_wait3A_194 = arith.constant 0 : i32
        %dma_wait3A_195 = tpu.memref_slice %arg10[%dma_wait3A_193, %dma_wait3A_194] : memref<10112x128xf32, #tpu.memory_space<vmem_shared>> -> memref<10112x128xf32, #tpu.memory_space<vmem_shared>>
        tpu.wait_indirect_dma semaphore(%arg13 : memref<!tpu.dma_semaphore, #tpu.memory_space<semaphore_mem>>) src(%arg8 : memref<128x128xf32, #tpu.memory_space<vmem>>) dst(%dma_wait3A_195 : memref<10112x128xf32, #tpu.memory_space<vmem_shared>>)
        %add3A_196 = arith.constant 2 : i32
        %add3A_197 = arith.addi %mul3A_163, %add3A_196 : i32
        %dma_start3A_198 = arith.constant 0 : i32
        %dma_start3A_199 = tpu.memref_slice %arg6[%add3A_197, %dma_start3A_198] : memref<56x128xi32, #tpu.memory_space<vmem>> -> memref<1x128xi32, #tpu.memory_space<vmem>>
        %dma_start3A_200 = tpu.memref_squeeze %dma_start3A_199 : memref<1x128xi32, #tpu.memory_space<vmem>> -> memref<128xi32, #tpu.memory_space<vmem>>
        %dma_start3A_201 = arith.constant 0 : i32
        %dma_start3A_202 = arith.constant 0 : i32
        %dma_start3A_203 = tpu.memref_slice %arg2[%dma_start3A_201, %dma_start3A_202] : memref<10240x128xf32, #tpu.memory_space<hbm>> -> memref<10240x128xf32, #tpu.memory_space<hbm>>
        tpu.enqueue_indirect_dma source(%dma_start3A_203 : memref<10240x128xf32, #tpu.memory_space<hbm>>) target(%arg8 : memref<128x128xf32, #tpu.memory_space<vmem>>) offsets(%dma_start3A_200 : memref<128xi32, #tpu.memory_space<vmem>>) semaphore(%arg11 : memref<!tpu.dma_semaphore, #tpu.memory_space<semaphore_mem>>)
        %dma_wait3A_204 = arith.constant 0 : i32
        %dma_wait3A_205 = tpu.memref_slice %arg7[%add3A_165, %dma_wait3A_204] : memref<56x128xi32, #tpu.memory_space<vmem>> -> memref<1x128xi32, #tpu.memory_space<vmem>>
        %dma_wait3A_206 = tpu.memref_squeeze %dma_wait3A_205 : memref<1x128xi32, #tpu.memory_space<vmem>> -> memref<128xi32, #tpu.memory_space<vmem>>
        %dma_wait3A_207 = arith.constant 0 : i32
        %dma_wait3A_208 = arith.constant 0 : i32
        %dma_wait3A_209 = tpu.memref_slice %arg10[%dma_wait3A_207, %dma_wait3A_208] : memref<10112x128xf32, #tpu.memory_space<vmem_shared>> -> memref<10112x128xf32, #tpu.memory_space<vmem_shared>>
        tpu.wait_indirect_dma semaphore(%arg14 : memref<!tpu.dma_semaphore, #tpu.memory_space<semaphore_mem>>) src(%arg9 : memref<128x128xf32, #tpu.memory_space<vmem>>) dst(%dma_wait3A_209 : memref<10112x128xf32, #tpu.memory_space<vmem_shared>>)
        %add3A_210 = arith.constant 2 : i32
        %add3A_211 = arith.addi %add3A_165, %add3A_210 : i32
        %dma_start3A_212 = arith.constant 0 : i32
        %dma_start3A_213 = tpu.memref_slice %arg6[%add3A_211, %dma_start3A_212] : memref<56x128xi32, #tpu.memory_space<vmem>> -> memref<1x128xi32, #tpu.memory_space<vmem>>
        %dma_start3A_214 = tpu.memref_squeeze %dma_start3A_213 : memref<1x128xi32, #tpu.memory_space<vmem>> -> memref<128xi32, #tpu.memory_space<vmem>>
        %dma_start3A_215 = arith.constant 0 : i32
        %dma_start3A_216 = arith.constant 0 : i32
        %dma_start3A_217 = tpu.memref_slice %arg2[%dma_start3A_215, %dma_start3A_216] : memref<10240x128xf32, #tpu.memory_space<hbm>> -> memref<10240x128xf32, #tpu.memory_space<hbm>>
        tpu.enqueue_indirect_dma source(%dma_start3A_217 : memref<10240x128xf32, #tpu.memory_space<hbm>>) target(%arg9 : memref<128x128xf32, #tpu.memory_space<vmem>>) offsets(%dma_start3A_214 : memref<128xi32, #tpu.memory_space<vmem>>) semaphore(%arg12 : memref<!tpu.dma_semaphore, #tpu.memory_space<semaphore_mem>>)
      }
      %scan3A_54 = arith.constant 27 : i32
      %dma_wait3A = arith.constant 54 : i32
      %dma_wait3A_55 = arith.constant 0 : i32
      %dma_wait3A_56 = tpu.memref_slice %arg6[%dma_wait3A, %dma_wait3A_55] : memref<56x128xi32, #tpu.memory_space<vmem>> -> memref<1x128xi32, #tpu.memory_space<vmem>>
      %dma_wait3A_57 = tpu.memref_squeeze %dma_wait3A_56 : memref<1x128xi32, #tpu.memory_space<vmem>> -> memref<128xi32, #tpu.memory_space<vmem>>
      %dma_wait3A_58 = arith.constant 0 : i32
      %dma_wait3A_59 = arith.constant 0 : i32
      %dma_wait3A_60 = tpu.memref_slice %arg2[%dma_wait3A_58, %dma_wait3A_59] : memref<10240x128xf32, #tpu.memory_space<hbm>> -> memref<10240x128xf32, #tpu.memory_space<hbm>>
      tpu.wait_indirect_dma semaphore(%arg11 : memref<!tpu.dma_semaphore, #tpu.memory_space<semaphore_mem>>) src(%dma_wait3A_60 : memref<10240x128xf32, #tpu.memory_space<hbm>>) dst(%arg8 : memref<128x128xf32, #tpu.memory_space<vmem>>)
      %dma_start3A_61 = arith.constant 54 : i32
      %dma_start3A_62 = arith.constant 0 : i32
      %dma_start3A_63 = tpu.memref_slice %arg7[%dma_start3A_61, %dma_start3A_62] : memref<56x128xi32, #tpu.memory_space<vmem>> -> memref<1x128xi32, #tpu.memory_space<vmem>>
      %dma_start3A_64 = tpu.memref_squeeze %dma_start3A_63 : memref<1x128xi32, #tpu.memory_space<vmem>> -> memref<128xi32, #tpu.memory_space<vmem>>
      %dma_start3A_65 = arith.constant 0 : i32
      %dma_start3A_66 = arith.constant 0 : i32
      %dma_start3A_67 = tpu.memref_slice %arg10[%dma_start3A_65, %dma_start3A_66] : memref<10112x128xf32, #tpu.memory_space<vmem_shared>> -> memref<10112x128xf32, #tpu.memory_space<vmem_shared>>
      tpu.enqueue_indirect_dma source(%arg8 : memref<128x128xf32, #tpu.memory_space<vmem>>) target(%dma_start3A_67 : memref<10112x128xf32, #tpu.memory_space<vmem_shared>>) offsets(%dma_start3A_64 : memref<128xi32, #tpu.memory_space<vmem>>) semaphore(%arg13 : memref<!tpu.dma_semaphore, #tpu.memory_space<semaphore_mem>>) {add = true}
      %dma_wait3A_68 = arith.constant 55 : i32
      %dma_wait3A_69 = arith.constant 0 : i32
      %dma_wait3A_70 = tpu.memref_slice %arg6[%dma_wait3A_68, %dma_wait3A_69] : memref<56x128xi32, #tpu.memory_space<vmem>> -> memref<1x128xi32, #tpu.memory_space<vmem>>
      %dma_wait3A_71 = tpu.memref_squeeze %dma_wait3A_70 : memref<1x128xi32, #tpu.memory_space<vmem>> -> memref<128xi32, #tpu.memory_space<vmem>>
      %dma_wait3A_72 = arith.constant 0 : i32
      %dma_wait3A_73 = arith.constant 0 : i32
      %dma_wait3A_74 = tpu.memref_slice %arg2[%dma_wait3A_72, %dma_wait3A_73] : memref<10240x128xf32, #tpu.memory_space<hbm>> -> memref<10240x128xf32, #tpu.memory_space<hbm>>
      tpu.wait_indirect_dma semaphore(%arg12 : memref<!tpu.dma_semaphore, #tpu.memory_space<semaphore_mem>>) src(%dma_wait3A_74 : memref<10240x128xf32, #tpu.memory_space<hbm>>) dst(%arg9 : memref<128x128xf32, #tpu.memory_space<vmem>>)
      %dma_start3A_75 = arith.constant 55 : i32
      %dma_start3A_76 = arith.constant 0 : i32
      %dma_start3A_77 = tpu.memref_slice %arg7[%dma_start3A_75, %dma_start3A_76] : memref<56x128xi32, #tpu.memory_space<vmem>> -> memref<1x128xi32, #tpu.memory_space<vmem>>
      %dma_start3A_78 = tpu.memref_squeeze %dma_start3A_77 : memref<1x128xi32, #tpu.memory_space<vmem>> -> memref<128xi32, #tpu.memory_space<vmem>>
      %dma_start3A_79 = arith.constant 0 : i32
      %dma_start3A_80 = arith.constant 0 : i32
      %dma_start3A_81 = tpu.memref_slice %arg10[%dma_start3A_79, %dma_start3A_80] : memref<10112x128xf32, #tpu.memory_space<vmem_shared>> -> memref<10112x128xf32, #tpu.memory_space<vmem_shared>>
      tpu.enqueue_indirect_dma source(%arg9 : memref<128x128xf32, #tpu.memory_space<vmem>>) target(%dma_start3A_81 : memref<10112x128xf32, #tpu.memory_space<vmem_shared>>) offsets(%dma_start3A_78 : memref<128xi32, #tpu.memory_space<vmem>>) semaphore(%arg14 : memref<!tpu.dma_semaphore, #tpu.memory_space<semaphore_mem>>) {add = true}
      %dma_wait3A_82 = arith.constant 54 : i32
      %dma_wait3A_83 = arith.constant 0 : i32
      %dma_wait3A_84 = tpu.memref_slice %arg7[%dma_wait3A_82, %dma_wait3A_83] : memref<56x128xi32, #tpu.memory_space<vmem>> -> memref<1x128xi32, #tpu.memory_space<vmem>>
      %dma_wait3A_85 = tpu.memref_squeeze %dma_wait3A_84 : memref<1x128xi32, #tpu.memory_space<vmem>> -> memref<128xi32, #tpu.memory_space<vmem>>
      %dma_wait3A_86 = arith.constant 0 : i32
      %dma_wait3A_87 = arith.constant 0 : i32
      %dma_wait3A_88 = tpu.memref_slice %arg10[%dma_wait3A_86, %dma_wait3A_87] : memref<10112x128xf32, #tpu.memory_space<vmem_shared>> -> memref<10112x128xf32, #tpu.memory_space<vmem_shared>>
      tpu.wait_indirect_dma semaphore(%arg13 : memref<!tpu.dma_semaphore, #tpu.memory_space<semaphore_mem>>) src(%arg8 : memref<128x128xf32, #tpu.memory_space<vmem>>) dst(%dma_wait3A_88 : memref<10112x128xf32, #tpu.memory_space<vmem_shared>>)
      %dma_wait3A_89 = arith.constant 55 : i32
      %dma_wait3A_90 = arith.constant 0 : i32
      %dma_wait3A_91 = tpu.memref_slice %arg7[%dma_wait3A_89, %dma_wait3A_90] : memref<56x128xi32, #tpu.memory_space<vmem>> -> memref<1x128xi32, #tpu.memory_space<vmem>>
      %dma_wait3A_92 = tpu.memref_squeeze %dma_wait3A_91 : memref<1x128xi32, #tpu.memory_space<vmem>> -> memref<128xi32, #tpu.memory_space<vmem>>
      %dma_wait3A_93 = arith.constant 0 : i32
      %dma_wait3A_94 = arith.constant 0 : i32
      %dma_wait3A_95 = tpu.memref_slice %arg10[%dma_wait3A_93, %dma_wait3A_94] : memref<10112x128xf32, #tpu.memory_space<vmem_shared>> -> memref<10112x128xf32, #tpu.memory_space<vmem_shared>>
      tpu.wait_indirect_dma semaphore(%arg14 : memref<!tpu.dma_semaphore, #tpu.memory_space<semaphore_mem>>) src(%arg9 : memref<128x128xf32, #tpu.memory_space<vmem>>) dst(%dma_wait3A_95 : memref<10112x128xf32, #tpu.memory_space<vmem_shared>>)
      %run_scoped3A_96 = arith.constant 1 : i32
      "tpu.region"() ({
        %run_scoped3A_161 = tpu.sem_alloc : memref<!tpu.dma_semaphore, #tpu.memory_space<semaphore_mem>>
        %dma_start3A_162 = arith.constant 0 : i32
        %dma_start3A_163 = arith.constant 0 : i32
        %dma_start3A_164 = tpu.memref_slice %arg3[%add3A, %run_scoped3A_96, %dma_start3A_162, %dma_start3A_163] : memref<32x2x56x128xi32, #tpu.memory_space<hbm>> -> memref<1x1x56x128xi32, #tpu.memory_space<hbm>>
        %dma_start3A_165 = tpu.memref_squeeze %dma_start3A_164 : memref<1x1x56x128xi32, #tpu.memory_space<hbm>> -> memref<56x128xi32, #tpu.memory_space<hbm>>
        %dma_start3A_166 = arith.constant 0 : i32
        %dma_start3A_167 = arith.constant 0 : i32
        %dma_start3A_168 = tpu.memref_slice %arg3[%add3A, %run_scoped3A_96, %dma_start3A_166, %dma_start3A_167] : memref<32x2x56x128xi32, #tpu.memory_space<hbm>> -> memref<1x1x56x128xi32, #tpu.memory_space<hbm>>
        %dma_start3A_169 = tpu.memref_squeeze %dma_start3A_168 : memref<1x1x56x128xi32, #tpu.memory_space<hbm>> -> memref<56x128xi32, #tpu.memory_space<hbm>>
        tpu.enqueue_dma source(%dma_start3A_169 : memref<56x128xi32, #tpu.memory_space<hbm>>) target(%arg6 : memref<56x128xi32, #tpu.memory_space<vmem>>) target_semaphore(%run_scoped3A_161 : memref<!tpu.dma_semaphore, #tpu.memory_space<semaphore_mem>>)
        %dma_wait3A_170 = arith.constant 0 : i32
        %dma_wait3A_171 = arith.constant 0 : i32
        %dma_wait3A_172 = tpu.memref_slice %arg3[%add3A, %run_scoped3A_96, %dma_wait3A_170, %dma_wait3A_171] : memref<32x2x56x128xi32, #tpu.memory_space<hbm>> -> memref<1x1x56x128xi32, #tpu.memory_space<hbm>>
        %dma_wait3A_173 = tpu.memref_squeeze %dma_wait3A_172 : memref<1x1x56x128xi32, #tpu.memory_space<hbm>> -> memref<56x128xi32, #tpu.memory_space<hbm>>
        %dma_wait3A_174 = arith.constant 0 : i32
        %dma_wait3A_175 = arith.constant 0 : i32
        %dma_wait3A_176 = tpu.memref_slice %arg3[%add3A, %run_scoped3A_96, %dma_wait3A_174, %dma_wait3A_175] : memref<32x2x56x128xi32, #tpu.memory_space<hbm>> -> memref<1x1x56x128xi32, #tpu.memory_space<hbm>>
        %dma_wait3A_177 = tpu.memref_squeeze %dma_wait3A_176 : memref<1x1x56x128xi32, #tpu.memory_space<hbm>> -> memref<56x128xi32, #tpu.memory_space<hbm>>
        tpu.wait_dma2 semaphore(%run_scoped3A_161 : memref<!tpu.dma_semaphore, #tpu.memory_space<semaphore_mem>>) src(%dma_wait3A_177 : memref<56x128xi32, #tpu.memory_space<hbm>>) dst(%arg6 : memref<56x128xi32, #tpu.memory_space<vmem>>)
        tpu.yield
      }) : () -> ()
      %run_scoped3A_97 = arith.constant 1 : i32
      "tpu.region"() ({
        %run_scoped3A_161 = tpu.sem_alloc : memref<!tpu.dma_semaphore, #tpu.memory_space<semaphore_mem>>
        %dma_start3A_162 = arith.constant 0 : i32
        %dma_start3A_163 = arith.constant 0 : i32
        %dma_start3A_164 = tpu.memref_slice %arg4[%add3A, %run_scoped3A_97, %dma_start3A_162, %dma_start3A_163] : memref<32x2x56x128xi32, #tpu.memory_space<hbm>> -> memref<1x1x56x128xi32, #tpu.memory_space<hbm>>
        %dma_start3A_165 = tpu.memref_squeeze %dma_start3A_164 : memref<1x1x56x128xi32, #tpu.memory_space<hbm>> -> memref<56x128xi32, #tpu.memory_space<hbm>>
        %dma_start3A_166 = arith.constant 0 : i32
        %dma_start3A_167 = arith.constant 0 : i32
        %dma_start3A_168 = tpu.memref_slice %arg4[%add3A, %run_scoped3A_97, %dma_start3A_166, %dma_start3A_167] : memref<32x2x56x128xi32, #tpu.memory_space<hbm>> -> memref<1x1x56x128xi32, #tpu.memory_space<hbm>>
        %dma_start3A_169 = tpu.memref_squeeze %dma_start3A_168 : memref<1x1x56x128xi32, #tpu.memory_space<hbm>> -> memref<56x128xi32, #tpu.memory_space<hbm>>
        tpu.enqueue_dma source(%dma_start3A_169 : memref<56x128xi32, #tpu.memory_space<hbm>>) target(%arg7 : memref<56x128xi32, #tpu.memory_space<vmem>>) target_semaphore(%run_scoped3A_161 : memref<!tpu.dma_semaphore, #tpu.memory_space<semaphore_mem>>)
        %dma_wait3A_170 = arith.constant 0 : i32
        %dma_wait3A_171 = arith.constant 0 : i32
        %dma_wait3A_172 = tpu.memref_slice %arg4[%add3A, %run_scoped3A_97, %dma_wait3A_170, %dma_wait3A_171] : memref<32x2x56x128xi32, #tpu.memory_space<hbm>> -> memref<1x1x56x128xi32, #tpu.memory_space<hbm>>
        %dma_wait3A_173 = tpu.memref_squeeze %dma_wait3A_172 : memref<1x1x56x128xi32, #tpu.memory_space<hbm>> -> memref<56x128xi32, #tpu.memory_space<hbm>>
        %dma_wait3A_174 = arith.constant 0 : i32
        %dma_wait3A_175 = arith.constant 0 : i32
        %dma_wait3A_176 = tpu.memref_slice %arg4[%add3A, %run_scoped3A_97, %dma_wait3A_174, %dma_wait3A_175] : memref<32x2x56x128xi32, #tpu.memory_space<hbm>> -> memref<1x1x56x128xi32, #tpu.memory_space<hbm>>
        %dma_wait3A_177 = tpu.memref_squeeze %dma_wait3A_176 : memref<1x1x56x128xi32, #tpu.memory_space<hbm>> -> memref<56x128xi32, #tpu.memory_space<hbm>>
        tpu.wait_dma2 semaphore(%run_scoped3A_161 : memref<!tpu.dma_semaphore, #tpu.memory_space<semaphore_mem>>) src(%dma_wait3A_177 : memref<56x128xi32, #tpu.memory_space<hbm>>) dst(%arg7 : memref<56x128xi32, #tpu.memory_space<vmem>>)
        tpu.yield
      }) : () -> ()
      %dma_start3A_98 = arith.constant 0 : i32
      %dma_start3A_99 = arith.constant 0 : i32
      %dma_start3A_100 = tpu.memref_slice %arg6[%dma_start3A_98, %dma_start3A_99] : memref<56x128xi32, #tpu.memory_space<vmem>> -> memref<1x128xi32, #tpu.memory_space<vmem>>
      %dma_start3A_101 = tpu.memref_squeeze %dma_start3A_100 : memref<1x128xi32, #tpu.memory_space<vmem>> -> memref<128xi32, #tpu.memory_space<vmem>>
      %dma_start3A_102 = arith.constant 0 : i32
      %dma_start3A_103 = arith.constant 0 : i32
      %dma_start3A_104 = tpu.memref_slice %arg2[%dma_start3A_102, %dma_start3A_103] : memref<10240x128xf32, #tpu.memory_space<hbm>> -> memref<10240x128xf32, #tpu.memory_space<hbm>>
      tpu.enqueue_indirect_dma source(%dma_start3A_104 : memref<10240x128xf32, #tpu.memory_space<hbm>>) target(%arg8 : memref<128x128xf32, #tpu.memory_space<vmem>>) offsets(%dma_start3A_101 : memref<128xi32, #tpu.memory_space<vmem>>) semaphore(%arg11 : memref<!tpu.dma_semaphore, #tpu.memory_space<semaphore_mem>>)
      %dma_start3A_105 = arith.constant 1 : i32
      %dma_start3A_106 = arith.constant 0 : i32
      %dma_start3A_107 = tpu.memref_slice %arg6[%dma_start3A_105, %dma_start3A_106] : memref<56x128xi32, #tpu.memory_space<vmem>> -> memref<1x128xi32, #tpu.memory_space<vmem>>
      %dma_start3A_108 = tpu.memref_squeeze %dma_start3A_107 : memref<1x128xi32, #tpu.memory_space<vmem>> -> memref<128xi32, #tpu.memory_space<vmem>>
      %dma_start3A_109 = arith.constant 0 : i32
      %dma_start3A_110 = arith.constant 0 : i32
      %dma_start3A_111 = tpu.memref_slice %arg2[%dma_start3A_109, %dma_start3A_110] : memref<10240x128xf32, #tpu.memory_space<hbm>> -> memref<10240x128xf32, #tpu.memory_space<hbm>>
      tpu.enqueue_indirect_dma source(%dma_start3A_111 : memref<10240x128xf32, #tpu.memory_space<hbm>>) target(%arg9 : memref<128x128xf32, #tpu.memory_space<vmem>>) offsets(%dma_start3A_108 : memref<128xi32, #tpu.memory_space<vmem>>) semaphore(%arg12 : memref<!tpu.dma_semaphore, #tpu.memory_space<semaphore_mem>>)
      %scan3A_112 = arith.constant 0 : i32
      %scan3A_113 = arith.constant 0 : i32
      %scan3A_114 = arith.constant 27 : i32
      %scan3A_115 = arith.addi %scan3A_113, %scan3A_114 : i32
      %scan3A_116 = arith.constant 1 : i32
      scf.for %scan3A_161 = %scan3A_113 to %scan3A_115 step %scan3A_116  : i32 {
        %mul3A_162 = arith.constant 2 : i32
        %mul3A_163 = arith.muli %mul3A_162, %scan3A_161 : i32
        %add3A_164 = arith.constant 1 : i32
        %add3A_165 = arith.addi %mul3A_163, %add3A_164 : i32
        %dma_wait3A_166 = arith.constant 0 : i32
        %dma_wait3A_167 = tpu.memref_slice %arg6[%mul3A_163, %dma_wait3A_166] : memref<56x128xi32, #tpu.memory_space<vmem>> -> memref<1x128xi32, #tpu.memory_space<vmem>>
        %dma_wait3A_168 = tpu.memref_squeeze %dma_wait3A_167 : memref<1x128xi32, #tpu.memory_space<vmem>> -> memref<128xi32, #tpu.memory_space<vmem>>
        %dma_wait3A_169 = arith.constant 0 : i32
        %dma_wait3A_170 = arith.constant 0 : i32
        %dma_wait3A_171 = tpu.memref_slice %arg2[%dma_wait3A_169, %dma_wait3A_170] : memref<10240x128xf32, #tpu.memory_space<hbm>> -> memref<10240x128xf32, #tpu.memory_space<hbm>>
        tpu.wait_indirect_dma semaphore(%arg11 : memref<!tpu.dma_semaphore, #tpu.memory_space<semaphore_mem>>) src(%dma_wait3A_171 : memref<10240x128xf32, #tpu.memory_space<hbm>>) dst(%arg8 : memref<128x128xf32, #tpu.memory_space<vmem>>)
        %dma_start3A_172 = arith.constant 0 : i32
        %dma_start3A_173 = tpu.memref_slice %arg7[%mul3A_163, %dma_start3A_172] : memref<56x128xi32, #tpu.memory_space<vmem>> -> memref<1x128xi32, #tpu.memory_space<vmem>>
        %dma_start3A_174 = tpu.memref_squeeze %dma_start3A_173 : memref<1x128xi32, #tpu.memory_space<vmem>> -> memref<128xi32, #tpu.memory_space<vmem>>
        %dma_start3A_175 = arith.constant 0 : i32
        %dma_start3A_176 = arith.constant 0 : i32
        %dma_start3A_177 = tpu.memref_slice %arg10[%dma_start3A_175, %dma_start3A_176] : memref<10112x128xf32, #tpu.memory_space<vmem_shared>> -> memref<10112x128xf32, #tpu.memory_space<vmem_shared>>
        tpu.enqueue_indirect_dma source(%arg8 : memref<128x128xf32, #tpu.memory_space<vmem>>) target(%dma_start3A_177 : memref<10112x128xf32, #tpu.memory_space<vmem_shared>>) offsets(%dma_start3A_174 : memref<128xi32, #tpu.memory_space<vmem>>) semaphore(%arg13 : memref<!tpu.dma_semaphore, #tpu.memory_space<semaphore_mem>>) {add = true}
        %dma_wait3A_178 = arith.constant 0 : i32
        %dma_wait3A_179 = tpu.memref_slice %arg6[%add3A_165, %dma_wait3A_178] : memref<56x128xi32, #tpu.memory_space<vmem>> -> memref<1x128xi32, #tpu.memory_space<vmem>>
        %dma_wait3A_180 = tpu.memref_squeeze %dma_wait3A_179 : memref<1x128xi32, #tpu.memory_space<vmem>> -> memref<128xi32, #tpu.memory_space<vmem>>
        %dma_wait3A_181 = arith.constant 0 : i32
        %dma_wait3A_182 = arith.constant 0 : i32
        %dma_wait3A_183 = tpu.memref_slice %arg2[%dma_wait3A_181, %dma_wait3A_182] : memref<10240x128xf32, #tpu.memory_space<hbm>> -> memref<10240x128xf32, #tpu.memory_space<hbm>>
        tpu.wait_indirect_dma semaphore(%arg12 : memref<!tpu.dma_semaphore, #tpu.memory_space<semaphore_mem>>) src(%dma_wait3A_183 : memref<10240x128xf32, #tpu.memory_space<hbm>>) dst(%arg9 : memref<128x128xf32, #tpu.memory_space<vmem>>)
        %dma_start3A_184 = arith.constant 0 : i32
        %dma_start3A_185 = tpu.memref_slice %arg7[%add3A_165, %dma_start3A_184] : memref<56x128xi32, #tpu.memory_space<vmem>> -> memref<1x128xi32, #tpu.memory_space<vmem>>
        %dma_start3A_186 = tpu.memref_squeeze %dma_start3A_185 : memref<1x128xi32, #tpu.memory_space<vmem>> -> memref<128xi32, #tpu.memory_space<vmem>>
        %dma_start3A_187 = arith.constant 0 : i32
        %dma_start3A_188 = arith.constant 0 : i32
        %dma_start3A_189 = tpu.memref_slice %arg10[%dma_start3A_187, %dma_start3A_188] : memref<10112x128xf32, #tpu.memory_space<vmem_shared>> -> memref<10112x128xf32, #tpu.memory_space<vmem_shared>>
        tpu.enqueue_indirect_dma source(%arg9 : memref<128x128xf32, #tpu.memory_space<vmem>>) target(%dma_start3A_189 : memref<10112x128xf32, #tpu.memory_space<vmem_shared>>) offsets(%dma_start3A_186 : memref<128xi32, #tpu.memory_space<vmem>>) semaphore(%arg14 : memref<!tpu.dma_semaphore, #tpu.memory_space<semaphore_mem>>) {add = true}
        %dma_wait3A_190 = arith.constant 0 : i32
        %dma_wait3A_191 = tpu.memref_slice %arg7[%mul3A_163, %dma_wait3A_190] : memref<56x128xi32, #tpu.memory_space<vmem>> -> memref<1x128xi32, #tpu.memory_space<vmem>>
        %dma_wait3A_192 = tpu.memref_squeeze %dma_wait3A_191 : memref<1x128xi32, #tpu.memory_space<vmem>> -> memref<128xi32, #tpu.memory_space<vmem>>
        %dma_wait3A_193 = arith.constant 0 : i32
        %dma_wait3A_194 = arith.constant 0 : i32
        %dma_wait3A_195 = tpu.memref_slice %arg10[%dma_wait3A_193, %dma_wait3A_194] : memref<10112x128xf32, #tpu.memory_space<vmem_shared>> -> memref<10112x128xf32, #tpu.memory_space<vmem_shared>>
        tpu.wait_indirect_dma semaphore(%arg13 : memref<!tpu.dma_semaphore, #tpu.memory_space<semaphore_mem>>) src(%arg8 : memref<128x128xf32, #tpu.memory_space<vmem>>) dst(%dma_wait3A_195 : memref<10112x128xf32, #tpu.memory_space<vmem_shared>>)
        %add3A_196 = arith.constant 2 : i32
        %add3A_197 = arith.addi %mul3A_163, %add3A_196 : i32
        %dma_start3A_198 = arith.constant 0 : i32
        %dma_start3A_199 = tpu.memref_slice %arg6[%add3A_197, %dma_start3A_198] : memref<56x128xi32, #tpu.memory_space<vmem>> -> memref<1x128xi32, #tpu.memory_space<vmem>>
        %dma_start3A_200 = tpu.memref_squeeze %dma_start3A_199 : memref<1x128xi32, #tpu.memory_space<vmem>> -> memref<128xi32, #tpu.memory_space<vmem>>
        %dma_start3A_201 = arith.constant 0 : i32
        %dma_start3A_202 = arith.constant 0 : i32
        %dma_start3A_203 = tpu.memref_slice %arg2[%dma_start3A_201, %dma_start3A_202] : memref<10240x128xf32, #tpu.memory_space<hbm>> -> memref<10240x128xf32, #tpu.memory_space<hbm>>
        tpu.enqueue_indirect_dma source(%dma_start3A_203 : memref<10240x128xf32, #tpu.memory_space<hbm>>) target(%arg8 : memref<128x128xf32, #tpu.memory_space<vmem>>) offsets(%dma_start3A_200 : memref<128xi32, #tpu.memory_space<vmem>>) semaphore(%arg11 : memref<!tpu.dma_semaphore, #tpu.memory_space<semaphore_mem>>)
        %dma_wait3A_204 = arith.constant 0 : i32
        %dma_wait3A_205 = tpu.memref_slice %arg7[%add3A_165, %dma_wait3A_204] : memref<56x128xi32, #tpu.memory_space<vmem>> -> memref<1x128xi32, #tpu.memory_space<vmem>>
        %dma_wait3A_206 = tpu.memref_squeeze %dma_wait3A_205 : memref<1x128xi32, #tpu.memory_space<vmem>> -> memref<128xi32, #tpu.memory_space<vmem>>
        %dma_wait3A_207 = arith.constant 0 : i32
        %dma_wait3A_208 = arith.constant 0 : i32
        %dma_wait3A_209 = tpu.memref_slice %arg10[%dma_wait3A_207, %dma_wait3A_208] : memref<10112x128xf32, #tpu.memory_space<vmem_shared>> -> memref<10112x128xf32, #tpu.memory_space<vmem_shared>>
        tpu.wait_indirect_dma semaphore(%arg14 : memref<!tpu.dma_semaphore, #tpu.memory_space<semaphore_mem>>) src(%arg9 : memref<128x128xf32, #tpu.memory_space<vmem>>) dst(%dma_wait3A_209 : memref<10112x128xf32, #tpu.memory_space<vmem_shared>>)
        %add3A_210 = arith.constant 2 : i32
        %add3A_211 = arith.addi %add3A_165, %add3A_210 : i32
        %dma_start3A_212 = arith.constant 0 : i32
        %dma_start3A_213 = tpu.memref_slice %arg6[%add3A_211, %dma_start3A_212] : memref<56x128xi32, #tpu.memory_space<vmem>> -> memref<1x128xi32, #tpu.memory_space<vmem>>
        %dma_start3A_214 = tpu.memref_squeeze %dma_start3A_213 : memref<1x128xi32, #tpu.memory_space<vmem>> -> memref<128xi32, #tpu.memory_space<vmem>>
        %dma_start3A_215 = arith.constant 0 : i32
        %dma_start3A_216 = arith.constant 0 : i32
        %dma_start3A_217 = tpu.memref_slice %arg2[%dma_start3A_215, %dma_start3A_216] : memref<10240x128xf32, #tpu.memory_space<hbm>> -> memref<10240x128xf32, #tpu.memory_space<hbm>>
        tpu.enqueue_indirect_dma source(%dma_start3A_217 : memref<10240x128xf32, #tpu.memory_space<hbm>>) target(%arg9 : memref<128x128xf32, #tpu.memory_space<vmem>>) offsets(%dma_start3A_214 : memref<128xi32, #tpu.memory_space<vmem>>) semaphore(%arg12 : memref<!tpu.dma_semaphore, #tpu.memory_space<semaphore_mem>>)
      }
      %scan3A_117 = arith.constant 27 : i32
      %dma_wait3A_118 = arith.constant 54 : i32
      %dma_wait3A_119 = arith.constant 0 : i32
      %dma_wait3A_120 = tpu.memref_slice %arg6[%dma_wait3A_118, %dma_wait3A_119] : memref<56x128xi32, #tpu.memory_space<vmem>> -> memref<1x128xi32, #tpu.memory_space<vmem>>
      %dma_wait3A_121 = tpu.memref_squeeze %dma_wait3A_120 : memref<1x128xi32, #tpu.memory_space<vmem>> -> memref<128xi32, #tpu.memory_space<vmem>>
      %dma_wait3A_122 = arith.constant 0 : i32
      %dma_wait3A_123 = arith.constant 0 : i32
      %dma_wait3A_124 = tpu.memref_slice %arg2[%dma_wait3A_122, %dma_wait3A_123] : memref<10240x128xf32, #tpu.memory_space<hbm>> -> memref<10240x128xf32, #tpu.memory_space<hbm>>
      tpu.wait_indirect_dma semaphore(%arg11 : memref<!tpu.dma_semaphore, #tpu.memory_space<semaphore_mem>>) src(%dma_wait3A_124 : memref<10240x128xf32, #tpu.memory_space<hbm>>) dst(%arg8 : memref<128x128xf32, #tpu.memory_space<vmem>>)
      %dma_start3A_125 = arith.constant 54 : i32
      %dma_start3A_126 = arith.constant 0 : i32
      %dma_start3A_127 = tpu.memref_slice %arg7[%dma_start3A_125, %dma_start3A_126] : memref<56x128xi32, #tpu.memory_space<vmem>> -> memref<1x128xi32, #tpu.memory_space<vmem>>
      %dma_start3A_128 = tpu.memref_squeeze %dma_start3A_127 : memref<1x128xi32, #tpu.memory_space<vmem>> -> memref<128xi32, #tpu.memory_space<vmem>>
      %dma_start3A_129 = arith.constant 0 : i32
      %dma_start3A_130 = arith.constant 0 : i32
      %dma_start3A_131 = tpu.memref_slice %arg10[%dma_start3A_129, %dma_start3A_130] : memref<10112x128xf32, #tpu.memory_space<vmem_shared>> -> memref<10112x128xf32, #tpu.memory_space<vmem_shared>>
      tpu.enqueue_indirect_dma source(%arg8 : memref<128x128xf32, #tpu.memory_space<vmem>>) target(%dma_start3A_131 : memref<10112x128xf32, #tpu.memory_space<vmem_shared>>) offsets(%dma_start3A_128 : memref<128xi32, #tpu.memory_space<vmem>>) semaphore(%arg13 : memref<!tpu.dma_semaphore, #tpu.memory_space<semaphore_mem>>) {add = true}
      %dma_wait3A_132 = arith.constant 55 : i32
      %dma_wait3A_133 = arith.constant 0 : i32
      %dma_wait3A_134 = tpu.memref_slice %arg6[%dma_wait3A_132, %dma_wait3A_133] : memref<56x128xi32, #tpu.memory_space<vmem>> -> memref<1x128xi32, #tpu.memory_space<vmem>>
      %dma_wait3A_135 = tpu.memref_squeeze %dma_wait3A_134 : memref<1x128xi32, #tpu.memory_space<vmem>> -> memref<128xi32, #tpu.memory_space<vmem>>
      %dma_wait3A_136 = arith.constant 0 : i32
      %dma_wait3A_137 = arith.constant 0 : i32
      %dma_wait3A_138 = tpu.memref_slice %arg2[%dma_wait3A_136, %dma_wait3A_137] : memref<10240x128xf32, #tpu.memory_space<hbm>> -> memref<10240x128xf32, #tpu.memory_space<hbm>>
      tpu.wait_indirect_dma semaphore(%arg12 : memref<!tpu.dma_semaphore, #tpu.memory_space<semaphore_mem>>) src(%dma_wait3A_138 : memref<10240x128xf32, #tpu.memory_space<hbm>>) dst(%arg9 : memref<128x128xf32, #tpu.memory_space<vmem>>)
      %dma_start3A_139 = arith.constant 55 : i32
      %dma_start3A_140 = arith.constant 0 : i32
      %dma_start3A_141 = tpu.memref_slice %arg7[%dma_start3A_139, %dma_start3A_140] : memref<56x128xi32, #tpu.memory_space<vmem>> -> memref<1x128xi32, #tpu.memory_space<vmem>>
      %dma_start3A_142 = tpu.memref_squeeze %dma_start3A_141 : memref<1x128xi32, #tpu.memory_space<vmem>> -> memref<128xi32, #tpu.memory_space<vmem>>
      %dma_start3A_143 = arith.constant 0 : i32
      %dma_start3A_144 = arith.constant 0 : i32
      %dma_start3A_145 = tpu.memref_slice %arg10[%dma_start3A_143, %dma_start3A_144] : memref<10112x128xf32, #tpu.memory_space<vmem_shared>> -> memref<10112x128xf32, #tpu.memory_space<vmem_shared>>
      tpu.enqueue_indirect_dma source(%arg9 : memref<128x128xf32, #tpu.memory_space<vmem>>) target(%dma_start3A_145 : memref<10112x128xf32, #tpu.memory_space<vmem_shared>>) offsets(%dma_start3A_142 : memref<128xi32, #tpu.memory_space<vmem>>) semaphore(%arg14 : memref<!tpu.dma_semaphore, #tpu.memory_space<semaphore_mem>>) {add = true}
      %dma_wait3A_146 = arith.constant 54 : i32
      %dma_wait3A_147 = arith.constant 0 : i32
      %dma_wait3A_148 = tpu.memref_slice %arg7[%dma_wait3A_146, %dma_wait3A_147] : memref<56x128xi32, #tpu.memory_space<vmem>> -> memref<1x128xi32, #tpu.memory_space<vmem>>
      %dma_wait3A_149 = tpu.memref_squeeze %dma_wait3A_148 : memref<1x128xi32, #tpu.memory_space<vmem>> -> memref<128xi32, #tpu.memory_space<vmem>>
      %dma_wait3A_150 = arith.constant 0 : i32
      %dma_wait3A_151 = arith.constant 0 : i32
      %dma_wait3A_152 = tpu.memref_slice %arg10[%dma_wait3A_150, %dma_wait3A_151] : memref<10112x128xf32, #tpu.memory_space<vmem_shared>> -> memref<10112x128xf32, #tpu.memory_space<vmem_shared>>
      tpu.wait_indirect_dma semaphore(%arg13 : memref<!tpu.dma_semaphore, #tpu.memory_space<semaphore_mem>>) src(%arg8 : memref<128x128xf32, #tpu.memory_space<vmem>>) dst(%dma_wait3A_152 : memref<10112x128xf32, #tpu.memory_space<vmem_shared>>)
      %dma_wait3A_153 = arith.constant 55 : i32
      %dma_wait3A_154 = arith.constant 0 : i32
      %dma_wait3A_155 = tpu.memref_slice %arg7[%dma_wait3A_153, %dma_wait3A_154] : memref<56x128xi32, #tpu.memory_space<vmem>> -> memref<1x128xi32, #tpu.memory_space<vmem>>
      %dma_wait3A_156 = tpu.memref_squeeze %dma_wait3A_155 : memref<1x128xi32, #tpu.memory_space<vmem>> -> memref<128xi32, #tpu.memory_space<vmem>>
      %dma_wait3A_157 = arith.constant 0 : i32
      %dma_wait3A_158 = arith.constant 0 : i32
      %dma_wait3A_159 = tpu.memref_slice %arg10[%dma_wait3A_157, %dma_wait3A_158] : memref<10112x128xf32, #tpu.memory_space<vmem_shared>> -> memref<10112x128xf32, #tpu.memory_space<vmem_shared>>
      tpu.wait_indirect_dma semaphore(%arg14 : memref<!tpu.dma_semaphore, #tpu.memory_space<semaphore_mem>>) src(%arg9 : memref<128x128xf32, #tpu.memory_space<vmem>>) dst(%dma_wait3A_159 : memref<10112x128xf32, #tpu.memory_space<vmem_shared>>)
      %cond3A_160 = arith.constant 0 : i32
      scf.yield %cond3A_160 : i32
    } else {
      %run_scoped3A = arith.constant 0 : i32
      "tpu.region"() ({
        %run_scoped3A_51 = tpu.sem_alloc : memref<!tpu.dma_semaphore, #tpu.memory_space<semaphore_mem>>
        %dma_start3A = arith.constant 0 : i32
        %dma_start3A_52 = arith.constant 0 : i32
        %dma_start3A_53 = tpu.memref_slice %arg3[%add3A, %run_scoped3A, %dma_start3A, %dma_start3A_52] : memref<32x2x56x128xi32, #tpu.memory_space<hbm>> -> memref<1x1x56x128xi32, #tpu.memory_space<hbm>>
        %dma_start3A_54 = tpu.memref_squeeze %dma_start3A_53 : memref<1x1x56x128xi32, #tpu.memory_space<hbm>> -> memref<56x128xi32, #tpu.memory_space<hbm>>
        %dma_start3A_55 = arith.constant 0 : i32
        %dma_start3A_56 = arith.constant 0 : i32
        %dma_start3A_57 = tpu.memref_slice %arg3[%add3A, %run_scoped3A, %dma_start3A_55, %dma_start3A_56] : memref<32x2x56x128xi32, #tpu.memory_space<hbm>> -> memref<1x1x56x128xi32, #tpu.memory_space<hbm>>
        %dma_start3A_58 = tpu.memref_squeeze %dma_start3A_57 : memref<1x1x56x128xi32, #tpu.memory_space<hbm>> -> memref<56x128xi32, #tpu.memory_space<hbm>>
        tpu.enqueue_dma source(%dma_start3A_58 : memref<56x128xi32, #tpu.memory_space<hbm>>) target(%arg6 : memref<56x128xi32, #tpu.memory_space<vmem>>) target_semaphore(%run_scoped3A_51 : memref<!tpu.dma_semaphore, #tpu.memory_space<semaphore_mem>>)
        %dma_wait3A = arith.constant 0 : i32
        %dma_wait3A_59 = arith.constant 0 : i32
        %dma_wait3A_60 = tpu.memref_slice %arg3[%add3A, %run_scoped3A, %dma_wait3A, %dma_wait3A_59] : memref<32x2x56x128xi32, #tpu.memory_space<hbm>> -> memref<1x1x56x128xi32, #tpu.memory_space<hbm>>
        %dma_wait3A_61 = tpu.memref_squeeze %dma_wait3A_60 : memref<1x1x56x128xi32, #tpu.memory_space<hbm>> -> memref<56x128xi32, #tpu.memory_space<hbm>>
        %dma_wait3A_62 = arith.constant 0 : i32
        %dma_wait3A_63 = arith.constant 0 : i32
        %dma_wait3A_64 = tpu.memref_slice %arg3[%add3A, %run_scoped3A, %dma_wait3A_62, %dma_wait3A_63] : memref<32x2x56x128xi32, #tpu.memory_space<hbm>> -> memref<1x1x56x128xi32, #tpu.memory_space<hbm>>
        %dma_wait3A_65 = tpu.memref_squeeze %dma_wait3A_64 : memref<1x1x56x128xi32, #tpu.memory_space<hbm>> -> memref<56x128xi32, #tpu.memory_space<hbm>>
        tpu.wait_dma2 semaphore(%run_scoped3A_51 : memref<!tpu.dma_semaphore, #tpu.memory_space<semaphore_mem>>) src(%dma_wait3A_65 : memref<56x128xi32, #tpu.memory_space<hbm>>) dst(%arg6 : memref<56x128xi32, #tpu.memory_space<vmem>>)
        tpu.yield
      }) : () -> ()
      %run_scoped3A_35 = arith.constant 0 : i32
      "tpu.region"() ({
        %run_scoped3A_51 = tpu.sem_alloc : memref<!tpu.dma_semaphore, #tpu.memory_space<semaphore_mem>>
        %dma_start3A = arith.constant 0 : i32
        %dma_start3A_52 = arith.constant 0 : i32
        %dma_start3A_53 = tpu.memref_slice %arg4[%add3A, %run_scoped3A_35, %dma_start3A, %dma_start3A_52] : memref<32x2x56x128xi32, #tpu.memory_space<hbm>> -> memref<1x1x56x128xi32, #tpu.memory_space<hbm>>
        %dma_start3A_54 = tpu.memref_squeeze %dma_start3A_53 : memref<1x1x56x128xi32, #tpu.memory_space<hbm>> -> memref<56x128xi32, #tpu.memory_space<hbm>>
        %dma_start3A_55 = arith.constant 0 : i32
        %dma_start3A_56 = arith.constant 0 : i32
        %dma_start3A_57 = tpu.memref_slice %arg4[%add3A, %run_scoped3A_35, %dma_start3A_55, %dma_start3A_56] : memref<32x2x56x128xi32, #tpu.memory_space<hbm>> -> memref<1x1x56x128xi32, #tpu.memory_space<hbm>>
        %dma_start3A_58 = tpu.memref_squeeze %dma_start3A_57 : memref<1x1x56x128xi32, #tpu.memory_space<hbm>> -> memref<56x128xi32, #tpu.memory_space<hbm>>
        tpu.enqueue_dma source(%dma_start3A_58 : memref<56x128xi32, #tpu.memory_space<hbm>>) target(%arg7 : memref<56x128xi32, #tpu.memory_space<vmem>>) target_semaphore(%run_scoped3A_51 : memref<!tpu.dma_semaphore, #tpu.memory_space<semaphore_mem>>)
        %dma_wait3A = arith.constant 0 : i32
        %dma_wait3A_59 = arith.constant 0 : i32
        %dma_wait3A_60 = tpu.memref_slice %arg4[%add3A, %run_scoped3A_35, %dma_wait3A, %dma_wait3A_59] : memref<32x2x56x128xi32, #tpu.memory_space<hbm>> -> memref<1x1x56x128xi32, #tpu.memory_space<hbm>>
        %dma_wait3A_61 = tpu.memref_squeeze %dma_wait3A_60 : memref<1x1x56x128xi32, #tpu.memory_space<hbm>> -> memref<56x128xi32, #tpu.memory_space<hbm>>
        %dma_wait3A_62 = arith.constant 0 : i32
        %dma_wait3A_63 = arith.constant 0 : i32
        %dma_wait3A_64 = tpu.memref_slice %arg4[%add3A, %run_scoped3A_35, %dma_wait3A_62, %dma_wait3A_63] : memref<32x2x56x128xi32, #tpu.memory_space<hbm>> -> memref<1x1x56x128xi32, #tpu.memory_space<hbm>>
        %dma_wait3A_65 = tpu.memref_squeeze %dma_wait3A_64 : memref<1x1x56x128xi32, #tpu.memory_space<hbm>> -> memref<56x128xi32, #tpu.memory_space<hbm>>
        tpu.wait_dma2 semaphore(%run_scoped3A_51 : memref<!tpu.dma_semaphore, #tpu.memory_space<semaphore_mem>>) src(%dma_wait3A_65 : memref<56x128xi32, #tpu.memory_space<hbm>>) dst(%arg7 : memref<56x128xi32, #tpu.memory_space<vmem>>)
        tpu.yield
      }) : () -> ()
      %scan3A_36 = arith.constant 0 : i32
      %scan3A_37 = arith.constant 0 : i32
      %scan3A_38 = arith.constant 23 : i32
      %scan3A_39 = arith.addi %scan3A_37, %scan3A_38 : i32
      %scan3A_40 = arith.constant 1 : i32
      scf.for %scan3A_51 = %scan3A_37 to %scan3A_39 step %scan3A_40  : i32 {
        %dma_start3A = arith.constant 0 : i32
        %dma_start3A_52 = tpu.memref_slice %arg6[%scan3A_51, %dma_start3A] : memref<56x128xi32, #tpu.memory_space<vmem>> -> memref<1x128xi32, #tpu.memory_space<vmem>>
        %dma_start3A_53 = tpu.memref_squeeze %dma_start3A_52 : memref<1x128xi32, #tpu.memory_space<vmem>> -> memref<128xi32, #tpu.memory_space<vmem>>
        %dma_start3A_54 = arith.constant 0 : i32
        %dma_start3A_55 = arith.constant 0 : i32
        %dma_start3A_56 = tpu.memref_slice %arg2[%dma_start3A_54, %dma_start3A_55] : memref<10240x128xf32, #tpu.memory_space<hbm>> -> memref<10240x128xf32, #tpu.memory_space<hbm>>
        tpu.enqueue_indirect_dma source(%dma_start3A_56 : memref<10240x128xf32, #tpu.memory_space<hbm>>) target(%arg8 : memref<128x128xf32, #tpu.memory_space<vmem>>) offsets(%dma_start3A_53 : memref<128xi32, #tpu.memory_space<vmem>>) semaphore(%arg11 : memref<!tpu.dma_semaphore, #tpu.memory_space<semaphore_mem>>)
        %dma_wait3A = arith.constant 0 : i32
        %dma_wait3A_57 = tpu.memref_slice %arg6[%scan3A_51, %dma_wait3A] : memref<56x128xi32, #tpu.memory_space<vmem>> -> memref<1x128xi32, #tpu.memory_space<vmem>>
        %dma_wait3A_58 = tpu.memref_squeeze %dma_wait3A_57 : memref<1x128xi32, #tpu.memory_space<vmem>> -> memref<128xi32, #tpu.memory_space<vmem>>
        %dma_wait3A_59 = arith.constant 0 : i32
        %dma_wait3A_60 = arith.constant 0 : i32
        %dma_wait3A_61 = tpu.memref_slice %arg2[%dma_wait3A_59, %dma_wait3A_60] : memref<10240x128xf32, #tpu.memory_space<hbm>> -> memref<10240x128xf32, #tpu.memory_space<hbm>>
        tpu.wait_indirect_dma semaphore(%arg11 : memref<!tpu.dma_semaphore, #tpu.memory_space<semaphore_mem>>) src(%dma_wait3A_61 : memref<10240x128xf32, #tpu.memory_space<hbm>>) dst(%arg8 : memref<128x128xf32, #tpu.memory_space<vmem>>)
        "tpu.region"() ({
          %run_scoped3A_62 = tpu.sem_alloc : memref<!tpu.dma_semaphore, #tpu.memory_space<semaphore_mem>>
          %dma_start3A_63 = arith.constant 0 : i32
          %dma_start3A_64 = tpu.memref_slice %arg7[%scan3A_51, %dma_start3A_63] : memref<56x128xi32, #tpu.memory_space<vmem>> -> memref<1x128xi32, #tpu.memory_space<vmem>>
          %dma_start3A_65 = tpu.memref_squeeze %dma_start3A_64 : memref<1x128xi32, #tpu.memory_space<vmem>> -> memref<128xi32, #tpu.memory_space<vmem>>
          %dma_start3A_66 = arith.constant 0 : i32
          %dma_start3A_67 = arith.constant 0 : i32
          %dma_start3A_68 = tpu.memref_slice %arg10[%dma_start3A_66, %dma_start3A_67] : memref<10112x128xf32, #tpu.memory_space<vmem_shared>> -> memref<10112x128xf32, #tpu.memory_space<vmem_shared>>
          tpu.enqueue_indirect_dma source(%arg8 : memref<128x128xf32, #tpu.memory_space<vmem>>) target(%dma_start3A_68 : memref<10112x128xf32, #tpu.memory_space<vmem_shared>>) offsets(%dma_start3A_65 : memref<128xi32, #tpu.memory_space<vmem>>) semaphore(%run_scoped3A_62 : memref<!tpu.dma_semaphore, #tpu.memory_space<semaphore_mem>>) {add = true}
          %dma_wait3A_69 = arith.constant 0 : i32
          %dma_wait3A_70 = tpu.memref_slice %arg7[%scan3A_51, %dma_wait3A_69] : memref<56x128xi32, #tpu.memory_space<vmem>> -> memref<1x128xi32, #tpu.memory_space<vmem>>
          %dma_wait3A_71 = tpu.memref_squeeze %dma_wait3A_70 : memref<1x128xi32, #tpu.memory_space<vmem>> -> memref<128xi32, #tpu.memory_space<vmem>>
          %dma_wait3A_72 = arith.constant 0 : i32
          %dma_wait3A_73 = arith.constant 0 : i32
          %dma_wait3A_74 = tpu.memref_slice %arg10[%dma_wait3A_72, %dma_wait3A_73] : memref<10112x128xf32, #tpu.memory_space<vmem_shared>> -> memref<10112x128xf32, #tpu.memory_space<vmem_shared>>
          tpu.wait_indirect_dma semaphore(%run_scoped3A_62 : memref<!tpu.dma_semaphore, #tpu.memory_space<semaphore_mem>>) src(%arg8 : memref<128x128xf32, #tpu.memory_space<vmem>>) dst(%dma_wait3A_74 : memref<10112x128xf32, #tpu.memory_space<vmem_shared>>)
          tpu.yield
        }) : () -> ()
      }
      %scan3A_41 = arith.constant 23 : i32
      %run_scoped3A_42 = arith.constant 1 : i32
      "tpu.region"() ({
        %run_scoped3A_51 = tpu.sem_alloc : memref<!tpu.dma_semaphore, #tpu.memory_space<semaphore_mem>>
        %dma_start3A = arith.constant 0 : i32
        %dma_start3A_52 = arith.constant 0 : i32
        %dma_start3A_53 = tpu.memref_slice %arg3[%add3A, %run_scoped3A_42, %dma_start3A, %dma_start3A_52] : memref<32x2x56x128xi32, #tpu.memory_space<hbm>> -> memref<1x1x56x128xi32, #tpu.memory_space<hbm>>
        %dma_start3A_54 = tpu.memref_squeeze %dma_start3A_53 : memref<1x1x56x128xi32, #tpu.memory_space<hbm>> -> memref<56x128xi32, #tpu.memory_space<hbm>>
        %dma_start3A_55 = arith.constant 0 : i32
        %dma_start3A_56 = arith.constant 0 : i32
        %dma_start3A_57 = tpu.memref_slice %arg3[%add3A, %run_scoped3A_42, %dma_start3A_55, %dma_start3A_56] : memref<32x2x56x128xi32, #tpu.memory_space<hbm>> -> memref<1x1x56x128xi32, #tpu.memory_space<hbm>>
        %dma_start3A_58 = tpu.memref_squeeze %dma_start3A_57 : memref<1x1x56x128xi32, #tpu.memory_space<hbm>> -> memref<56x128xi32, #tpu.memory_space<hbm>>
        tpu.enqueue_dma source(%dma_start3A_58 : memref<56x128xi32, #tpu.memory_space<hbm>>) target(%arg6 : memref<56x128xi32, #tpu.memory_space<vmem>>) target_semaphore(%run_scoped3A_51 : memref<!tpu.dma_semaphore, #tpu.memory_space<semaphore_mem>>)
        %dma_wait3A = arith.constant 0 : i32
        %dma_wait3A_59 = arith.constant 0 : i32
        %dma_wait3A_60 = tpu.memref_slice %arg3[%add3A, %run_scoped3A_42, %dma_wait3A, %dma_wait3A_59] : memref<32x2x56x128xi32, #tpu.memory_space<hbm>> -> memref<1x1x56x128xi32, #tpu.memory_space<hbm>>
        %dma_wait3A_61 = tpu.memref_squeeze %dma_wait3A_60 : memref<1x1x56x128xi32, #tpu.memory_space<hbm>> -> memref<56x128xi32, #tpu.memory_space<hbm>>
        %dma_wait3A_62 = arith.constant 0 : i32
        %dma_wait3A_63 = arith.constant 0 : i32
        %dma_wait3A_64 = tpu.memref_slice %arg3[%add3A, %run_scoped3A_42, %dma_wait3A_62, %dma_wait3A_63] : memref<32x2x56x128xi32, #tpu.memory_space<hbm>> -> memref<1x1x56x128xi32, #tpu.memory_space<hbm>>
        %dma_wait3A_65 = tpu.memref_squeeze %dma_wait3A_64 : memref<1x1x56x128xi32, #tpu.memory_space<hbm>> -> memref<56x128xi32, #tpu.memory_space<hbm>>
        tpu.wait_dma2 semaphore(%run_scoped3A_51 : memref<!tpu.dma_semaphore, #tpu.memory_space<semaphore_mem>>) src(%dma_wait3A_65 : memref<56x128xi32, #tpu.memory_space<hbm>>) dst(%arg6 : memref<56x128xi32, #tpu.memory_space<vmem>>)
        tpu.yield
      }) : () -> ()
      %run_scoped3A_43 = arith.constant 1 : i32
      "tpu.region"() ({
        %run_scoped3A_51 = tpu.sem_alloc : memref<!tpu.dma_semaphore, #tpu.memory_space<semaphore_mem>>
        %dma_start3A = arith.constant 0 : i32
        %dma_start3A_52 = arith.constant 0 : i32
        %dma_start3A_53 = tpu.memref_slice %arg4[%add3A, %run_scoped3A_43, %dma_start3A, %dma_start3A_52] : memref<32x2x56x128xi32, #tpu.memory_space<hbm>> -> memref<1x1x56x128xi32, #tpu.memory_space<hbm>>
        %dma_start3A_54 = tpu.memref_squeeze %dma_start3A_53 : memref<1x1x56x128xi32, #tpu.memory_space<hbm>> -> memref<56x128xi32, #tpu.memory_space<hbm>>
        %dma_start3A_55 = arith.constant 0 : i32
        %dma_start3A_56 = arith.constant 0 : i32
        %dma_start3A_57 = tpu.memref_slice %arg4[%add3A, %run_scoped3A_43, %dma_start3A_55, %dma_start3A_56] : memref<32x2x56x128xi32, #tpu.memory_space<hbm>> -> memref<1x1x56x128xi32, #tpu.memory_space<hbm>>
        %dma_start3A_58 = tpu.memref_squeeze %dma_start3A_57 : memref<1x1x56x128xi32, #tpu.memory_space<hbm>> -> memref<56x128xi32, #tpu.memory_space<hbm>>
        tpu.enqueue_dma source(%dma_start3A_58 : memref<56x128xi32, #tpu.memory_space<hbm>>) target(%arg7 : memref<56x128xi32, #tpu.memory_space<vmem>>) target_semaphore(%run_scoped3A_51 : memref<!tpu.dma_semaphore, #tpu.memory_space<semaphore_mem>>)
        %dma_wait3A = arith.constant 0 : i32
        %dma_wait3A_59 = arith.constant 0 : i32
        %dma_wait3A_60 = tpu.memref_slice %arg4[%add3A, %run_scoped3A_43, %dma_wait3A, %dma_wait3A_59] : memref<32x2x56x128xi32, #tpu.memory_space<hbm>> -> memref<1x1x56x128xi32, #tpu.memory_space<hbm>>
        %dma_wait3A_61 = tpu.memref_squeeze %dma_wait3A_60 : memref<1x1x56x128xi32, #tpu.memory_space<hbm>> -> memref<56x128xi32, #tpu.memory_space<hbm>>
        %dma_wait3A_62 = arith.constant 0 : i32
        %dma_wait3A_63 = arith.constant 0 : i32
        %dma_wait3A_64 = tpu.memref_slice %arg4[%add3A, %run_scoped3A_43, %dma_wait3A_62, %dma_wait3A_63] : memref<32x2x56x128xi32, #tpu.memory_space<hbm>> -> memref<1x1x56x128xi32, #tpu.memory_space<hbm>>
        %dma_wait3A_65 = tpu.memref_squeeze %dma_wait3A_64 : memref<1x1x56x128xi32, #tpu.memory_space<hbm>> -> memref<56x128xi32, #tpu.memory_space<hbm>>
        tpu.wait_dma2 semaphore(%run_scoped3A_51 : memref<!tpu.dma_semaphore, #tpu.memory_space<semaphore_mem>>) src(%dma_wait3A_65 : memref<56x128xi32, #tpu.memory_space<hbm>>) dst(%arg7 : memref<56x128xi32, #tpu.memory_space<vmem>>)
        tpu.yield
      }) : () -> ()
      %scan3A_44 = arith.constant 0 : i32
      %scan3A_45 = arith.constant 0 : i32
      %scan3A_46 = arith.constant 23 : i32
      %scan3A_47 = arith.addi %scan3A_45, %scan3A_46 : i32
      %scan3A_48 = arith.constant 1 : i32
      scf.for %scan3A_51 = %scan3A_45 to %scan3A_47 step %scan3A_48  : i32 {
        %dma_start3A = arith.constant 0 : i32
        %dma_start3A_52 = tpu.memref_slice %arg6[%scan3A_51, %dma_start3A] : memref<56x128xi32, #tpu.memory_space<vmem>> -> memref<1x128xi32, #tpu.memory_space<vmem>>
        %dma_start3A_53 = tpu.memref_squeeze %dma_start3A_52 : memref<1x128xi32, #tpu.memory_space<vmem>> -> memref<128xi32, #tpu.memory_space<vmem>>
        %dma_start3A_54 = arith.constant 0 : i32
        %dma_start3A_55 = arith.constant 0 : i32
        %dma_start3A_56 = tpu.memref_slice %arg2[%dma_start3A_54, %dma_start3A_55] : memref<10240x128xf32, #tpu.memory_space<hbm>> -> memref<10240x128xf32, #tpu.memory_space<hbm>>
        tpu.enqueue_indirect_dma source(%dma_start3A_56 : memref<10240x128xf32, #tpu.memory_space<hbm>>) target(%arg8 : memref<128x128xf32, #tpu.memory_space<vmem>>) offsets(%dma_start3A_53 : memref<128xi32, #tpu.memory_space<vmem>>) semaphore(%arg11 : memref<!tpu.dma_semaphore, #tpu.memory_space<semaphore_mem>>)
        %dma_wait3A = arith.constant 0 : i32
        %dma_wait3A_57 = tpu.memref_slice %arg6[%scan3A_51, %dma_wait3A] : memref<56x128xi32, #tpu.memory_space<vmem>> -> memref<1x128xi32, #tpu.memory_space<vmem>>
        %dma_wait3A_58 = tpu.memref_squeeze %dma_wait3A_57 : memref<1x128xi32, #tpu.memory_space<vmem>> -> memref<128xi32, #tpu.memory_space<vmem>>
        %dma_wait3A_59 = arith.constant 0 : i32
        %dma_wait3A_60 = arith.constant 0 : i32
        %dma_wait3A_61 = tpu.memref_slice %arg2[%dma_wait3A_59, %dma_wait3A_60] : memref<10240x128xf32, #tpu.memory_space<hbm>> -> memref<10240x128xf32, #tpu.memory_space<hbm>>
        tpu.wait_indirect_dma semaphore(%arg11 : memref<!tpu.dma_semaphore, #tpu.memory_space<semaphore_mem>>) src(%dma_wait3A_61 : memref<10240x128xf32, #tpu.memory_space<hbm>>) dst(%arg8 : memref<128x128xf32, #tpu.memory_space<vmem>>)
        "tpu.region"() ({
          %run_scoped3A_62 = tpu.sem_alloc : memref<!tpu.dma_semaphore, #tpu.memory_space<semaphore_mem>>
          %dma_start3A_63 = arith.constant 0 : i32
          %dma_start3A_64 = tpu.memref_slice %arg7[%scan3A_51, %dma_start3A_63] : memref<56x128xi32, #tpu.memory_space<vmem>> -> memref<1x128xi32, #tpu.memory_space<vmem>>
          %dma_start3A_65 = tpu.memref_squeeze %dma_start3A_64 : memref<1x128xi32, #tpu.memory_space<vmem>> -> memref<128xi32, #tpu.memory_space<vmem>>
          %dma_start3A_66 = arith.constant 0 : i32
          %dma_start3A_67 = arith.constant 0 : i32
          %dma_start3A_68 = tpu.memref_slice %arg10[%dma_start3A_66, %dma_start3A_67] : memref<10112x128xf32, #tpu.memory_space<vmem_shared>> -> memref<10112x128xf32, #tpu.memory_space<vmem_shared>>
          tpu.enqueue_indirect_dma source(%arg8 : memref<128x128xf32, #tpu.memory_space<vmem>>) target(%dma_start3A_68 : memref<10112x128xf32, #tpu.memory_space<vmem_shared>>) offsets(%dma_start3A_65 : memref<128xi32, #tpu.memory_space<vmem>>) semaphore(%run_scoped3A_62 : memref<!tpu.dma_semaphore, #tpu.memory_space<semaphore_mem>>) {add = true}
          %dma_wait3A_69 = arith.constant 0 : i32
          %dma_wait3A_70 = tpu.memref_slice %arg7[%scan3A_51, %dma_wait3A_69] : memref<56x128xi32, #tpu.memory_space<vmem>> -> memref<1x128xi32, #tpu.memory_space<vmem>>
          %dma_wait3A_71 = tpu.memref_squeeze %dma_wait3A_70 : memref<1x128xi32, #tpu.memory_space<vmem>> -> memref<128xi32, #tpu.memory_space<vmem>>
          %dma_wait3A_72 = arith.constant 0 : i32
          %dma_wait3A_73 = arith.constant 0 : i32
          %dma_wait3A_74 = tpu.memref_slice %arg10[%dma_wait3A_72, %dma_wait3A_73] : memref<10112x128xf32, #tpu.memory_space<vmem_shared>> -> memref<10112x128xf32, #tpu.memory_space<vmem_shared>>
          tpu.wait_indirect_dma semaphore(%run_scoped3A_62 : memref<!tpu.dma_semaphore, #tpu.memory_space<semaphore_mem>>) src(%arg8 : memref<128x128xf32, #tpu.memory_space<vmem>>) dst(%dma_wait3A_74 : memref<10112x128xf32, #tpu.memory_space<vmem_shared>>)
          tpu.yield
        }) : () -> ()
      }
      %scan3A_49 = arith.constant 23 : i32
      %cond3A_50 = arith.constant 0 : i32
      scf.yield %cond3A_50 : i32
    }
    %barrier3A_30 = arith.constant 0 : index
    tpu.barrier barrier_id(%barrier3A_30)
    %mul3A_31 = arith.constant 632 : i32
    %mul3A_32 = arith.muli %arg1, %mul3A_31 : i32
    %mul3A_33 = arith.constant 632 : i32
    %mul3A_34 = arith.muli %arg1, %mul3A_33 : i32
    "tpu.region"() ({
      %run_scoped3A = tpu.sem_alloc : memref<!tpu.dma_semaphore, #tpu.memory_space<semaphore_mem>>
      %dma_start3A = arith.constant 0 : i32
      %dma_start3A_35 = tpu.memref_slice %arg5[%arg0, %mul3A_34, %dma_start3A] : memref<2x10240x128xf32, #tpu.memory_space<hbm>> -> memref<1x632x128xf32, #tpu.memory_space<hbm>>
      %dma_start3A_36 = tpu.memref_squeeze %dma_start3A_35 : memref<1x632x128xf32, #tpu.memory_space<hbm>> -> memref<632x128xf32, #tpu.memory_space<hbm>>
      %dma_start3A_37 = arith.constant 0 : i32
      %dma_start3A_38 = tpu.memref_slice %arg10[%mul3A_32, %dma_start3A_37] : memref<10112x128xf32, #tpu.memory_space<vmem_shared>> -> memref<632x128xf32, #tpu.memory_space<vmem_shared>>
      tpu.enqueue_dma source(%dma_start3A_38 : memref<632x128xf32, #tpu.memory_space<vmem_shared>>) target(%dma_start3A_36 : memref<632x128xf32, #tpu.memory_space<hbm>>) target_semaphore(%run_scoped3A : memref<!tpu.dma_semaphore, #tpu.memory_space<semaphore_mem>>)
      %dma_wait3A = arith.constant 0 : i32
      %dma_wait3A_39 = tpu.memref_slice %arg5[%arg0, %mul3A_34, %dma_wait3A] : memref<2x10240x128xf32, #tpu.memory_space<hbm>> -> memref<1x632x128xf32, #tpu.memory_space<hbm>>
      %dma_wait3A_40 = tpu.memref_squeeze %dma_wait3A_39 : memref<1x632x128xf32, #tpu.memory_space<hbm>> -> memref<632x128xf32, #tpu.memory_space<hbm>>
      %dma_wait3A_41 = arith.constant 0 : i32
      %dma_wait3A_42 = tpu.memref_slice %arg10[%mul3A_32, %dma_wait3A_41] : memref<10112x128xf32, #tpu.memory_space<vmem_shared>> -> memref<632x128xf32, #tpu.memory_space<vmem_shared>>
      tpu.wait_dma2 semaphore(%run_scoped3A : memref<!tpu.dma_semaphore, #tpu.memory_space<semaphore_mem>>) src(%dma_wait3A_42 : memref<632x128xf32, #tpu.memory_space<vmem_shared>>) dst(%dma_wait3A_40 : memref<632x128xf32, #tpu.memory_space<hbm>>)
      tpu.yield
    }) : () -> ()
    return
  }
}

module attributes {stable_mosaic.version = 14 : i64} {
  func.func @_dense_body(%arg0: i32, %arg1: memref<2048x128xf32, #tpu.memory_space<vmem>>, %arg2: memref<2x2048x128xf32, #tpu.memory_space<vmem>>, %arg3: memref<2x2048x128xf32, #tpu.memory_space<vmem>>, %arg4: memref<128x128xf32, #tpu.memory_space<vmem>>, %arg5: memref<128x128xf32, #tpu.memory_space<vmem>>, %arg6: memref<1x128xf32, #tpu.memory_space<vmem>>, %arg7: memref<1x128xf32, #tpu.memory_space<vmem>>, %arg8: memref<1x128xf32, #tpu.memory_space<vmem>>, %arg9: memref<2048x128xf32, #tpu.memory_space<vmem>>) attributes {dimension_semantics = [#tpu.dimension_semantics<arbitrary>], iteration_bounds = array<i64: 5>, scalar_prefetch = 0 : i64, scratch_operands = 0 : i64, tpu.core_type = #tpu.core_type<tc>, window_params = [{transform_indices = @transform_0, window_bounds = array<i64: 2048, 128>}, {transform_indices = @transform_1, window_bounds = array<i64: 2, 2048, 128>}, {transform_indices = @transform_2, window_bounds = array<i64: 2, 2048, 128>}, {pipeline_mode = #tpu.pipeline_mode<synchronous>, transform_indices = @transform_3, window_bounds = array<i64: 128, 128>}, {pipeline_mode = #tpu.pipeline_mode<synchronous>, transform_indices = @transform_4, window_bounds = array<i64: 128, 128>}, {pipeline_mode = #tpu.pipeline_mode<synchronous>, transform_indices = @transform_5, window_bounds = array<i64: 1, 128>}, {pipeline_mode = #tpu.pipeline_mode<synchronous>, transform_indices = @transform_6, window_bounds = array<i64: 1, 128>}, {pipeline_mode = #tpu.pipeline_mode<synchronous>, transform_indices = @transform_7, window_bounds = array<i64: 1, 128>}, {transform_indices = @transform_8, window_bounds = array<i64: 2048, 128>}]} {
    %get3A = arith.constant 0 : index
    %get3A_0 = arith.constant 0 : index
    %get3A_1 = arith.constant 0 : index
    %get3A_2 = vector.load %arg3[%get3A, %get3A_0, %get3A_1] : memref<2x2048x128xf32, #tpu.memory_space<vmem>>, vector<1x2048x1xf32>
    %get3A_3 = vector.shape_cast %get3A_2 : vector<1x2048x1xf32> to vector<2048xf32>
    %get3A_4 = arith.constant 1 : index
    %get3A_5 = arith.constant 0 : index
    %get3A_6 = arith.constant 0 : index
    %get3A_7 = vector.load %arg3[%get3A_4, %get3A_5, %get3A_6] : memref<2x2048x128xf32, #tpu.memory_space<vmem>>, vector<1x2048x1xf32>
    %get3A_8 = vector.shape_cast %get3A_7 : vector<1x2048x1xf32> to vector<2048xf32>
    %add3A = arith.addf %get3A_3, %get3A_8 : vector<2048xf32>
    %add3A_9 = arith.constant 1.000000e+00 : f32
    %add3A_10 = vector.broadcast %add3A_9 : f32 to vector<2048xf32>
    %add3A_11 = arith.addf %add3A, %add3A_10 : vector<2048xf32>
    %get3A_12 = arith.constant 0 : index
    %get3A_13 = arith.constant 0 : index
    %get3A_14 = arith.constant 0 : index
    %get3A_15 = vector.load %arg2[%get3A_12, %get3A_13, %get3A_14] : memref<2x2048x128xf32, #tpu.memory_space<vmem>>, vector<1x2048x128xf32>
    %get3A_16 = vector.shape_cast %get3A_15 : vector<1x2048x128xf32> to vector<2048x128xf32>
    %get3A_17 = arith.constant 1 : index
    %get3A_18 = arith.constant 0 : index
    %get3A_19 = arith.constant 0 : index
    %get3A_20 = vector.load %arg2[%get3A_17, %get3A_18, %get3A_19] : memref<2x2048x128xf32, #tpu.memory_space<vmem>>, vector<1x2048x128xf32>
    %get3A_21 = vector.shape_cast %get3A_20 : vector<1x2048x128xf32> to vector<2048x128xf32>
    %add3A_22 = arith.addf %get3A_16, %get3A_21 : vector<2048x128xf32>
    %get3A_23 = arith.constant 0 : index
    %get3A_24 = arith.constant 0 : index
    %get3A_25 = vector.load %arg1[%get3A_23, %get3A_24] : memref<2048x128xf32, #tpu.memory_space<vmem>>, vector<2048x128xf32>
    %add3A_26 = arith.addf %add3A_22, %get3A_25 : vector<2048x128xf32>
    %broadcast_in_dim3A = vector.shape_cast %add3A_11 : vector<2048xf32> to vector<2048x1xf32>
    %div3A = vector.broadcast %broadcast_in_dim3A : vector<2048x1xf32> to vector<2048x128xf32>
    %div3A_27 = arith.divf %add3A_26, %div3A : vector<2048x128xf32>
    %get3A_28 = arith.constant 0 : index
    %get3A_29 = arith.constant 0 : index
    %get3A_30 = vector.load %arg1[%get3A_28, %get3A_29] : memref<2048x128xf32, #tpu.memory_space<vmem>>, vector<2048x128xf32>
    %get3A_31 = arith.constant 0 : index
    %get3A_32 = arith.constant 0 : index
    %get3A_33 = vector.load %arg4[%get3A_31, %get3A_32] : memref<128x128xf32, #tpu.memory_space<vmem>>, vector<128x128xf32>
    %dot_general3A = arith.constant dense<0.000000e+00> : vector<2048x128xf32>
    %dot_general3A_34 = tpu.matmul %get3A_30, %get3A_33, %dot_general3A {dimension_numbers = #tpu.dot_dimension_numbers<[1], [0], [0], [1], [0, 0, 1, 1], [], []>, transpose_lhs_hint = false} : vector<2048x128xf32>, vector<128x128xf32>, vector<2048x128xf32> -> vector<2048x128xf32>
    %get3A_35 = arith.constant 0 : index
    %get3A_36 = arith.constant 0 : index
    %get3A_37 = vector.load %arg5[%get3A_35, %get3A_36] : memref<128x128xf32, #tpu.memory_space<vmem>>, vector<128x128xf32>
    %dot_general3A_38 = arith.constant dense<0.000000e+00> : vector<2048x128xf32>
    %dot_general3A_39 = tpu.matmul %div3A_27, %get3A_37, %dot_general3A_38 {dimension_numbers = #tpu.dot_dimension_numbers<[1], [0], [0], [1], [0, 0, 1, 1], [], []>, transpose_lhs_hint = false} : vector<2048x128xf32>, vector<128x128xf32>, vector<2048x128xf32> -> vector<2048x128xf32>
    %add3A_40 = arith.addf %dot_general3A_34, %dot_general3A_39 : vector<2048x128xf32>
    %get3A_41 = arith.constant 0 : index
    %get3A_42 = arith.constant 0 : index
    %get3A_43 = vector.load %arg6[%get3A_41, %get3A_42] : memref<1x128xf32, #tpu.memory_space<vmem>>, vector<1x128xf32>
    %add3A_44 = vector.broadcast %get3A_43 : vector<1x128xf32> to vector<2048x128xf32>
    %add3A_45 = arith.addf %add3A_40, %add3A_44 : vector<2048x128xf32>
    %reduce_sum3A = arith.constant dense<0.000000e+00> : vector<2048xf32>
    %reduce_sum3A_46 = vector.multi_reduction <add>, %add3A_45, %reduce_sum3A [1] : vector<2048x128xf32> to vector<2048xf32>
    %broadcast_in_dim3A_47 = vector.shape_cast %reduce_sum3A_46 : vector<2048xf32> to vector<2048x1xf32>
    %div3A_48 = arith.constant 1.280000e+02 : f32
    %div3A_49 = vector.broadcast %div3A_48 : f32 to vector<2048x1xf32>
    %div3A_50 = arith.divf %broadcast_in_dim3A_47, %div3A_49 : vector<2048x1xf32>
    %sub3A = vector.broadcast %div3A_50 : vector<2048x1xf32> to vector<2048x128xf32>
    %sub3A_51 = arith.subf %add3A_45, %sub3A : vector<2048x128xf32>
    %mul3A = arith.mulf %sub3A_51, %sub3A_51 : vector<2048x128xf32>
    %reduce_sum3A_52 = arith.constant dense<0.000000e+00> : vector<2048xf32>
    %reduce_sum3A_53 = vector.multi_reduction <add>, %mul3A, %reduce_sum3A_52 [1] : vector<2048x128xf32> to vector<2048xf32>
    %broadcast_in_dim3A_54 = vector.shape_cast %reduce_sum3A_53 : vector<2048xf32> to vector<2048x1xf32>
    %div3A_55 = arith.constant 1.280000e+02 : f32
    %div3A_56 = vector.broadcast %div3A_55 : f32 to vector<2048x1xf32>
    %div3A_57 = arith.divf %broadcast_in_dim3A_54, %div3A_56 : vector<2048x1xf32>
    %add3A_58 = arith.constant 9.99999974E-6 : f32
    %add3A_59 = vector.broadcast %add3A_58 : f32 to vector<2048x1xf32>
    %add3A_60 = arith.addf %div3A_57, %add3A_59 : vector<2048x1xf32>
    %rsqrt3A = math.rsqrt %add3A_60 : vector<2048x1xf32>
    %mul3A_61 = vector.broadcast %rsqrt3A : vector<2048x1xf32> to vector<2048x128xf32>
    %mul3A_62 = arith.mulf %sub3A_51, %mul3A_61 : vector<2048x128xf32>
    %get3A_63 = arith.constant 0 : index
    %get3A_64 = arith.constant 0 : index
    %get3A_65 = vector.load %arg7[%get3A_63, %get3A_64] : memref<1x128xf32, #tpu.memory_space<vmem>>, vector<1x128xf32>
    %mul3A_66 = vector.broadcast %get3A_65 : vector<1x128xf32> to vector<2048x128xf32>
    %mul3A_67 = arith.mulf %mul3A_62, %mul3A_66 : vector<2048x128xf32>
    %get3A_68 = arith.constant 0 : index
    %get3A_69 = arith.constant 0 : index
    %get3A_70 = vector.load %arg8[%get3A_68, %get3A_69] : memref<1x128xf32, #tpu.memory_space<vmem>>, vector<1x128xf32>
    %add3A_71 = vector.broadcast %get3A_70 : vector<1x128xf32> to vector<2048x128xf32>
    %add3A_72 = arith.addf %mul3A_67, %add3A_71 : vector<2048x128xf32>
    %gt3A = arith.constant 0.000000e+00 : f32
    %gt3A_73 = vector.broadcast %gt3A : f32 to vector<2048x128xf32>
    %gt3A_74 = arith.cmpf ogt, %add3A_72, %gt3A_73 : vector<2048x128xf32>
    %min3A = arith.constant 0.000000e+00 : f32
    %min3A_75 = vector.broadcast %min3A : f32 to vector<2048x128xf32>
    %min3A_76 = arith.minimumf %add3A_72, %min3A_75 : vector<2048x128xf32>
    %exp3A = math.exp %min3A_76 : vector<2048x128xf32>
    %sub3A_77 = arith.constant 1.000000e+00 : f32
    %sub3A_78 = vector.broadcast %sub3A_77 : f32 to vector<2048x128xf32>
    %sub3A_79 = arith.subf %exp3A, %sub3A_78 : vector<2048x128xf32>
    %select_n3A = arith.select %gt3A_74, %add3A_72, %sub3A_79 : vector<2048x128xi1>, vector<2048x128xf32>
    %swap3A = arith.constant 0 : index
    %swap3A_80 = arith.constant 0 : index
    %swap3A_81 = vector.load %arg9[%swap3A, %swap3A_80] : memref<2048x128xf32, #tpu.memory_space<vmem>>, vector<2048x128xf32>
    tpu.vector_store %arg9[%swap3A, %swap3A_80], %select_n3A {strides = array<i32>} : memref<2048x128xf32, #tpu.memory_space<vmem>>, vector<2048x128xf32>,
    return
  }
  func.func @transform_0(%arg0: i32) -> (i32, i32) {
    %c0_i32 = arith.constant 0 : i32
    %c0_i32_0 = arith.constant 0 : i32
    return %arg0, %c0_i32 : i32, i32
  }
  func.func @transform_1(%arg0: i32) -> (i32, i32, i32) {
    %c0_i32 = arith.constant 0 : i32
    %c0_i32_0 = arith.constant 0 : i32
    %c0_i32_1 = arith.constant 0 : i32
    return %c0_i32, %arg0, %c0_i32_0 : i32, i32, i32
  }
  func.func @transform_2(%arg0: i32) -> (i32, i32, i32) {
    %c0_i32 = arith.constant 0 : i32
    %c0_i32_0 = arith.constant 0 : i32
    %c0_i32_1 = arith.constant 0 : i32
    return %c0_i32, %arg0, %c0_i32_0 : i32, i32, i32
  }
  func.func @transform_3(%arg0: i32) -> (i32, i32) {
    %c0_i32 = arith.constant 0 : i32
    %c0_i32_0 = arith.constant 0 : i32
    %c0_i32_1 = arith.constant 0 : i32
    return %c0_i32, %c0_i32_0 : i32, i32
  }
  func.func @transform_4(%arg0: i32) -> (i32, i32) {
    %c0_i32 = arith.constant 0 : i32
    %c0_i32_0 = arith.constant 0 : i32
    %c0_i32_1 = arith.constant 0 : i32
    return %c0_i32, %c0_i32_0 : i32, i32
  }
  func.func @transform_5(%arg0: i32) -> (i32, i32) {
    %c0_i32 = arith.constant 0 : i32
    %c0_i32_0 = arith.constant 0 : i32
    %c0_i32_1 = arith.constant 0 : i32
    return %c0_i32, %c0_i32_0 : i32, i32
  }
  func.func @transform_6(%arg0: i32) -> (i32, i32) {
    %c0_i32 = arith.constant 0 : i32
    %c0_i32_0 = arith.constant 0 : i32
    %c0_i32_1 = arith.constant 0 : i32
    return %c0_i32, %c0_i32_0 : i32, i32
  }
  func.func @transform_7(%arg0: i32) -> (i32, i32) {
    %c0_i32 = arith.constant 0 : i32
    %c0_i32_0 = arith.constant 0 : i32
    %c0_i32_1 = arith.constant 0 : i32
    return %c0_i32, %c0_i32_0 : i32, i32
  }
  func.func @transform_8(%arg0: i32) -> (i32, i32) {
    %c0_i32 = arith.constant 0 : i32
    %c0_i32_0 = arith.constant 0 : i32
    return %arg0, %c0_i32 : i32, i32
  }
}

</mosaic_0001>

<sc_bundles>
// kernel: kernel.12.cloned.1.call-start
scs
__scs_entry_jumppad:
0x0: {  	(pc) =	sbr.rel $0x88, $3  }
0x1: {  	(tag) =	ssettag $0x0;
	lr =	simm.s32 $0x1  }
0x2: {  	[smem:$0x3F90] =	sst lr;
	_ =	strace $0xD0000000  }
0x3: {  	_ = 	snop  }
0x4: {  	_ = 	snop  }
0x5: {  	_ = 	snop  }
0x6: {  	_ = 	snop  }
0x7: {  	_ = 	snop  }
__scs_overlays_trampoline_lowered:
0x8: {  	[smem:$0x3F9F] =	sst s0  }
0x9: {  	[smem:$0x3FA0] =	sst s1  }
0xa: {  	[smem:$0x3FA1] =	sst s2  }
0xb: {  	[smem:$0x3FA2] =	sst s3  }
0xc: {  	[smem:$0x3FA3] =	sst s4  }
0xd: {  	[smem:$0x3FA4] =	sst s5  }
0xe: {  	[smem:$0x3FA5] =	sst s6  }
0xf: {  	[smem:$0x3FA6] =	sst s7  }
0x10: {  	[smem:$0x3FA7] =	sst s8  }
0x11: {  	[smem:$0x3FA8] =	sst s9;
	s0 =	simm.s32 @!p0 $0x0  }
0x12: {  	s1 =	sld [smem:$0x3F8E];
	s0 =	simm.s32 @p0 $0x1  }
0x13: {  	[smem:$0x3FA9] =	sst s0;
	s0 =	simm.s32 @!p1 $0x0  }
0x14: {  	s2 =	sld [smem:$0x3F8D];
	s0 =	simm.s32 @p1 $0x1  }
0x15: {  	[smem:$0x3FAA] =	sst s0;
	s0 =	simm.s32 @!p2 $0x0  }
0x16: {  	s3 =	sld [smem:$0x3FDB];
	s0 =	simm.s32 @p2 $0x1  }
0x17: {  	s4 =	simm.s32 $0x1BF5;
	[smem:$0x3FAC] =	sst s0  }
0x18: {  	s0 =	sld [smem:$0x3F8F];
	_ =	swait.ge [sflag:s4], $0x0  }
0x19: {  	s7 =	sld [smem:$0x3F90]  }
0x1a: {  	s8 =	sadd.s32 $0xFFFFE003, lr  }
0x1b: {  	s9 =	sadd.s32 $0xFFFFFEF7, lr;
	s5 =	simm.s32 $0xFFFFFFFF;
	p2 =	slt.u32 s8, $0xFFFFF086  }
0x1c: {  	p1 =	slt.u32 s9, $0xF7A;
	s5 =	simm.s32 @!p2 $0x0  }
0x1d: {  	s5 =	simm.s32 @p1 $0x1;
	p0 =	seq.s32 s7, s2  }
0x1e: {  	s7 =	smul.u32 @!p0 $0xF7A, s2;
	p2 =	seq.s32 @!p0 s5, $0x0  }
0x1f: {  	s9 =	smul.u32 $0xF7A, s1;
	s8 =	simm.s32 @!p0 $0x1BF5;
	p2 =	por !p2, p0  }
0x20: {  	[sflag:s8] =	ssyncset.s32 @!p0 $0xFFFFF086;
	s6 =	sadd.s32 @!p0 s3, s7;
	s7 =	simm.s32 @!p0 $0x108  }
0x21: {  	s3 =	sadd.s32 s3, s9;
	s6 =	sadd.s32 @!p0 $0x88, s6;
	s7 =	simm.s32 @p2 $0x1082  }
0x22: {  	[simem:s7], [sflag:s8] =	dma.local @!p0 [hbm:s6], $0xF7A  }
0x23: {  	s9 =	sor.u32 $0xD0000000, s2;
	s6 =	simm.s32 $0x108;
	_ =	swait.ge @!p0 [sflag:s8], $0x0  }
0x24: {  	s3 =	sadd.s32 $0x88, s3;
	s6 =	simm.s32 @!p1 $0x1082;
	[sflag:s4] =	ssyncset.s32 $0xFFFFF086  }
0x25: {  	[simem:s6], [sflag:s4] =	dma.local [hbm:s3], $0xF7A  }
0x26: {  	[smem:$0x3F90] =	sst s1;
	(tag) =	ssettag s2;
	_ =	strace s9  }
0x27: {  	s1 =	sld [smem:$0x3FA0]  }
0x28: {  	s2 =	sld [smem:$0x3FA1]  }
0x29: {  	s4 =	sld [smem:$0x3FA3]  }
0x2a: {  	p0 =	seq.s32 s5, $0x0;
	s5 =	sld [smem:$0x3FA4]  }
0x2b: {  	s6 =	sld [smem:$0x3FA5]  }
0x2c: {  	s7 =	sld [smem:$0x3FA6]  }
0x2d: {  	s3 =	simm.s32 $0x108;
	s8 =	sld [smem:$0x3FA7]  }
0x2e: {  	s3 =	simm.s32 @!p0 $0x1082;
	s9 =	sld [smem:$0x3FA8]  }
0x2f: {  	lr =	sadd.s32 s0, s3;
	s0 =	sld [smem:$0x3F9F]  }
0x30: {  	s3 =	sld [smem:$0x3FA2]  }
0x31: {  	[smem:$0x3FAB] =	sst s10  }
0x32: {  	s10 =	sld [smem:$0x3FA9];
	_ =	sdelay $0x3  }
0x33: {  	p0 =	seq.s32 s10, $0x1;
	s10 =	sld [smem:$0x3FAB];
	_ =	sdelay $0x3  }
0x34: {  	[smem:$0x3FAB] =	sst s10  }
0x35: {  	s10 =	sld [smem:$0x3FAA];
	_ =	sdelay $0x3  }
0x36: {  	p1 =	seq.s32 s10, $0x1;
	s10 =	sld [smem:$0x3FAB];
	_ =	sdelay $0x3  }
0x37: {  	[smem:$0x3FAB] =	sst s10  }
0x38: {  	s10 =	sld [smem:$0x3FAC]  }
0x39: {  	_ = 	snop;
	(pc) =	sbr.ind lr, $3  }
0x3a: {  	_ = 	snop  }
0x3b: {  	_ = 	snop  }
0x3c: {  	p2 =	seq.s32 s10, $0x1;
	s10 =	sld [smem:$0x3FAB]  }
0x3d: {  	_ =	shalt  }
0x3e: {  	_ =	shalt  }
0x3f: {  	_ =	shalt  }
0x40: {  	_ =	shalt  }
0x41: {  	_ =	shalt  }
0x42: {  	_ =	shalt  }
0x43: {  	_ =	shalt  }
0x44: {  	_ =	shalt  }
0x45: {  	_ =	shalt  }
0x46: {  	_ =	shalt  }
0x47: {  	_ =	shalt  }
0x48: {  	_ =	shalt  }
0x49: {  	_ =	shalt  }
0x4a: {  	_ =	shalt  }
0x4b: {  	_ =	shalt  }
0x4c: {  	_ =	shalt  }
0x4d: {  	_ =	shalt  }
0x4e: {  	_ =	shalt  }
0x4f: {  	_ =	shalt  }
0x50: {  	_ =	shalt  }
0x51: {  	_ =	shalt  }
0x52: {  	_ =	shalt  }
0x53: {  	_ =	shalt  }
0x54: {  	_ =	shalt  }
0x55: {  	_ =	shalt  }
0x56: {  	_ =	shalt  }
0x57: {  	_ =	shalt  }
0x58: {  	_ =	shalt  }
0x59: {  	_ =	shalt  }
0x5a: {  	_ =	shalt  }
0x5b: {  	_ =	shalt  }
0x5c: {  	_ =	shalt  }
0x5d: {  	_ =	shalt  }
0x5e: {  	_ =	shalt  }
0x5f: {  	_ =	shalt  }
0x60: {  	_ =	shalt  }
0x61: {  	_ =	shalt  }
0x62: {  	_ =	shalt  }
0x63: {  	_ =	shalt  }
0x64: {  	_ =	shalt  }
0x65: {  	_ =	shalt  }
0x66: {  	_ =	shalt  }
0x67: {  	_ =	shalt  }
0x68: {  	_ =	shalt  }
0x69: {  	_ =	shalt  }
0x6a: {  	_ =	shalt  }
0x6b: {  	_ =	shalt  }
0x6c: {  	_ =	shalt  }
0x6d: {  	_ =	shalt  }
0x6e: {  	_ =	shalt  }
0x6f: {  	_ =	shalt  }
0x70: {  	_ =	shalt  }
0x71: {  	_ =	shalt  }
0x72: {  	_ =	shalt  }
0x73: {  	_ =	shalt  }
0x74: {  	_ =	shalt  }
0x75: {  	_ =	shalt  }
0x76: {  	_ =	shalt  }
0x77: {  	_ =	shalt  }
0x78: {  	_ =	shalt  }
0x79: {  	_ =	shalt  }
0x7a: {  	_ =	shalt  }
0x7b: {  	_ =	shalt  }
0x7c: {  	_ =	shalt  }
0x7d: {  	_ =	shalt  }
0x7e: {  	_ =	shalt  }
0x7f: {  	_ =	shalt  }
0x80: {  	_ =	shalt  }
0x81: {  	_ =	shalt  }
0x82: {  	_ =	shalt  }
0x83: {  	_ =	shalt  }
0x84: {  	_ =	shalt  }
0x85: {  	_ =	shalt  }
0x86: {  	_ =	shalt  }
0x87: {  	_ =	shalt  }
.Lfunc_end0:
.L_simem_size_0:
called_computation.1_lowered:
.L_overlay_start_0:
0x88: {  	s2 =	sld [smem:$0x3FD9]  }
0x89: {  	s3 =	sld [smem:$0x3FFE];
	_ =	sdelay $0x1  }
0x8a: {  	s1 =	srdreg.scid  }
0x8b: {  	s0 =	sand.u32 $0x1, s1  }
0x8c: {  	s17 =	sshll.u32 s0, $0xA;
	s2 =	sadd.s32 s3, s2  }
0x8d: {  	s2 =	sadd.s32 s2, s17  }
0x8e: {  	[smem:$0x3FB7] =	sst s2  }
0x8f: {  	_ = 	snop  }
0x90: {  	s2 =	sld [smem:$0x3FD0];
	(tm) =	ssettm $0x1  }
0x91: {  	s18 =	sld [smem:$0x3FFB];
	_ =	sdelay $0x3  }
0x92: {  	_ =	strace s18  }
0x93: {  	s3 =	sld [smem:$0x3FFC];
	_ =	sdelay $0x3  }
0x94: {  	_ =	strace s3  }
0x95: {  	s3 =	sld [smem:$0x3FFD];
	_ =	sdelay $0x3  }
0x96: {  	_ =	strace s3  }
0x97: {  	_ =	strace $0x8FFFFFFF  }
0x98: {  	s19 =	sld [smem:$0x3FDB];
	_ =	sdelay $0x1  }
0x99: {  	s4 =	simm.s32 $_scs_section_size  }
0x9a: {  	s5 =	simm.s32 $_size__tile_overlayer_lowered;
	s6 =	simm.s32 $_tile_overlayer_lowered  }
0x9b: {  	s22 =	simm.s32 $0x1BFF;
	s21 =	sshll.u32 s6, $0x1;
	s3 =	sadd.s32 s4, s19  }
0x9c: {  	s7 =	simm.s32 $0x0;
	s20 =	sshll.u32 s5, $0x1;
	s5 =	sadd.s32 s21, s3  }
0x9d: {  	[timem:s7], [sflag:s22] =	dma.local [hbm:s5], s20  }
0x9e: {  	_ =	swait.ge [sflag:s22], s20  }
0x9f: {  	s4 =	ssub.s32 $0x0, s20;
	[sflag:s22] =	ssyncset.done $0x0  }
0xa0: {  	[sflag:s22] =	ssyncadd.s32 s4;
	_ =	sdelay $0x1  }
0xa1: {  	s23 =	simm.s32 $0x1B8B  }
0xa2: {  	_ =	swait.ge [sflag:s23], $0x1  }
0xa3: {  	[sflag:s23] =	ssyncset.done $0x0  }
0xa4: {  	s25 =	simm.s32 $0x1B8E;
	s24 =	sld [smem:$0x3FFE];
	[sflag:s23] =	ssyncadd.s32 $0xFFFFFFFF  }
0xa5: {  	s26 =	simm.s32 $execute0_lowered;
	[smem:$0x3FD2] =	sst s25  }
0xa6: {  	s5 =	sshll.u32 s26, $0x1;
	_ =	strace $0x80000046;
	[dreg:$0x1] =	wrdreg $0xFFFFFFFF  }
0xa7: {  	s28 =	simm.s32 $_size_execute0_lowered;
	s3 =	sadd.s32 s3, s5;
	[dreg:$0x0] =	wrdreg $0x0  }
0xa8: {  	s5 =	sshll.u32 s28, $0x1;
	[dreg:$0x2] =	wrdreg s3  }
0xa9: {  	[dreg:$0x3] =	wrdreg s5  }
0xaa: {  	[dreg:$0x4] =	wrdreg $0xC0  }
0xab: {  	_ =	task [dreg:s7], $0x5FFFF  }
0xac: {  	[dreg:$0x1] =	wrdreg $0xFFFFFFFF  }
0xad: {  	[dreg:$0x0] =	wrdreg $0x60  }
0xae: {  	[dreg:$0x2] =	wrdreg s24  }
0xaf: {  	[dreg:$0x3] =	wrdreg s2  }
0xb0: {  	[dreg:$0x4] =	wrdreg $0xB8000  }
0xb1: {  	[dreg:$0x5] =	wrdreg $0xA  }
0xb2: {  	_ =	task.clear_ibuf [dreg:s7], $0x6FFFF;
	_ =	strace $0x90000046  }
0xb3: {  	s29 =	simm.s32 $0xA;
	_ =	strace $0x80000048  }
0xb4: {  	_ =	swait.ge [sflag:s29], $0x1  }
0xb5: {  	[sflag:s29] =	ssyncadd.s32 $0xFFFFFFFF  }
0xb6: {  	_ =	strace $0x90000048  }
0xb7: {  	_ =	sfence  }
0xb8: {  	s30 =	sld [smem:$0x0];
	_ =	sdelay $0x2  }
0xb9: {  	s31 =	sshll.u32 s1, $0xD;
	s1 =	sshrl.u32 s1, $0x2  }
0xba: {  	s3 =	sand.u32 $0x4000, s31;
	s1 =	sadd.s32 s1, s30  }
0xbb: {  	s0 =	sor.u32 s3, s0;
	s1 =	sshll.u32 s1, $0x11  }
0xbc: {  	s0 =	sor.u32 s1, s0  }
0xbd: {  	s0 =	sadd.s32 $0x8F2B, s0  }
0xbe: {  	[sflag:s0] =	ssyncadd.remote.s32 $0x1  }
0xbf: {  	_ =	sfence.sel $0xFFFF  }
0xc0: {  	[dreg:$0x0] =	wrdreg $0xFFFFFFFF;
	(pc) =	sbr.abs _section_cstart, $3  }
0xc1: {  	[dreg:$0x1] =	wrdreg $0xFFFFFFFF  }
0xc2: {  	_ =	task.clear_ibuf [dreg:s7], $0x2FFFF;
	_ =	strace $0x9FFFFFFF  }
0xc3: {  	(tm) =	ssettm $0x7FFFFFFF  }
tec
execute0_lowered:
.L_overlay_start_1:
0x0: {  	(tag) =	ssettag $0x1  }
0x1: {  	s6 =	rddreg [dreg:$0x0]  }
0x2: {  	s12 =	rddreg [dreg:$0x1]  }
0x3: {  	s1 =	rddreg [dreg:$0x2]  }
0x4: {  	s2 =	srdreg.scid;
	s3 =	simm.s32 $0x0;
	s18 =	simm.s32 $0x1C00  }
0x5: {  	s19 =	simm.s32 $0x80;
	s20 =	simm.s32 $0x7800;
	s21 =	simm.s32 $0x1  }
0x6: {  	s22 =	simm.s32 $0x2;
	s23 =	simm.s32 $0x3;
	s24 =	simm.s32 $0x4  }
0x7: {  	s25 =	simm.s32 $0x3700;
	s16 =	sand.u32 $0x1, s2;
	s2 =	stileid.u32  }
0x8: {  	s28 =	simm.s32 $0x0;
	[smem:$0x7FF] =	sst s3;
	s5 =	smul.u32 $0x140000, s16  }
0x9: {  	s4 =	sadd.s32 $0x12A00, s6;
	s13 =	sadd.s32 $0x4A00, s6;
	s7 =	smul.u32 $0x13C00, s2  }
0xa: {  	_ =	strace $0x80000047;
	s26 =	smul.u32 $0x4F000, s2;
	s29 =	sshll.u32 s2, $0x1  }
0xb: {  	s9 =	ssub.s32 $0x2, s16;
	p0 =	sne.s32 s16, $0x0;
	s10 =	sor.u32 s16, s29  }
0xc: {  	s31 =	sshrl.u32 s9, $0x1;
	s16 =	simm.s32 $0x3800;
	s5 =	sadd.s32 s7, s5  }
0xd: {  	s30 =	sshrl.u32 s26, $0x2;
	s10 =	smul.u32 $0x3800, s10;
	s15 =	ssub.s32 s9, s31  }
0xe: {  	s26 =	simm.s32 $0x3780;
	s8 =	sshrl.u32 s5, $0x3;
	s5 =	sadd.s32 s30, s1  }
.Ltmp0:
0xf: {  	s15 =	smax.u32 s15, $0x1;
	s14 =	sadd.s32 s8, s6;
	(pc) =	sbr.rel .LBB2_1-.Ltmp0, $4  }
0x10: {  	s6 =	sadd.s32 $0x4000, s5;
	s7 =	sadd.s32 $0x8000, s5;
	s11 =	sshrl.u32 s10, $0x3  }
0x11: {  	s8 =	sadd.s32 $0xC000, s5;
	s9 =	sadd.s32 $0x10000, s5;
	s10 =	sadd.s32 s12, s11  }
0x12: {  	s17 =	sadd.s32 $0x380, s11;
	s11 =	sadd.s32 s13, s11;
	s14 =	sadd.s32 $0x3AA00, s14  }
0x13: {  	v0 =	vimm.f32 $0.0e+00;
	s12 =	sadd.s32 s12, s17;
	s13 =	sadd.s32 s13, s17;
	s17 =	simm.s32 $0x5  }
.LBB2_13:
0x14: {  	s0 =	sshra.s32 s29, $0x2;
	[sflag:s17] =	ssyncadd.s32 $0xFFFFC000  }
0x15: {  	[tilespmem:s16], [sflag:$0x1] =	stream.indirect.gather [hbm4b:s4+s19], $0x80, s0, s19, $0xb8;
	[tilespmem:$0x1F400] =	vst v63  }
0x16: {  	_ =	swait.ge [sflag:s21], $0x4000  }
0x17: {  	[sflag:s21] =	ssyncset.done $0x0  }
0x18: {  	s0 =	sadd.s32 $0x1C00, s0;
	[sflag:s21] =	ssyncadd.s32 $0xFFFFC000  }
0x19: {  	[spmem:s1] =	stream.indirect.scatter.add.f32 [tilespmem:s16], [sflag:$0x5], $0x80, s0, s19, $0xb8;
	[tilespmem:$0x1F400] =	vst v63  }
0x1a: {  	_ =	swait.ge [sflag:s17], $0x4000  }
0x1b: {  	[sflag:s17] =	ssyncset.done $0x0  }
0x1c: {  	[sflag:s17] =	ssyncadd.s32 $0xFFFFC000  }
.LBB2_14:
0x1d: {  	s28 =	sadd.s32 $0x1, s28  }
0x1e: {  	s0 =	sshll.u32 s2, $0x6;
	[bflag:$0x0] =	sbarrier.arrive $0xFFFF;
	p1 =	sne.s32 s28, s15  }
.Ltmp1:
0x1f: {  	s29 =	sshrl.u32 s5, $0x3;
	s0 =	sor.u32 $0x1C05, s0;
	(pc) =	sbr.rel @!p1 .LBB2_15-.Ltmp1, $4  }
0x20: {  	[hbm:s14], [sflag:s0] =	dma.local [spmem:s29], $0x2780  }
0x21: {  	_ =	swait.ge [sflag:s17], $0x2780  }
0x22: {  	[sflag:s17] =	ssyncset.done $0x0  }
0x23: {  	[sflag:s17] =	ssyncadd.s32 $0xFFFFD880  }
.LBB2_1:
0x24: {  	s29 =	sand.u32 $0xFE00, s3  }
0x25: {  	s30 =	sand.u32 $0x70, s3;
	s31 =	sshrl.u32 s29, $0x2  }
0x26: {  	s29 =	simm.s32 $0x40;
	s31 =	sor.u32 s30, s31;
	s30 =	simm.s32 $0x0  }
.LBB2_2:
0x27: {  	p1 =	sne.s32 s29, $0xFFC0  }
0x28: {  	[tilespmem:s31+$0x3800] =	vst v0;
	s30 =	sadd.s32 $0x10, s30;
	s31 =	smov.u32 s29;
	s29 =	sadd.s32 $0x40, s29  }
.Ltmp2:
0x29: {  	(pc) =	sbr.rel @p1 .LBB2_2-.Ltmp2, $4  }
0x2a: {  	_ = 	snop  }
0x2b: {  	s31 =	sand.u32 $0xFE00, s31  }
0x2c: {  	s0 =	sand.u32 $0x70, s30;
	s31 =	sshrl.u32 s31, $0x2  }
0x2d: {  	s31 =	sor.u32 s0, s31  }
0x2e: {  	[tilespmem:s31+$0x3800] =	vst v0  }
0x2f: {  	[spmem:s5] =	stream.linear.scatter [tilespmem:s16], [sflag:$0x5], $0x4000, $0x38;
	[tilespmem:$0x1F400] =	vst v63  }
0x30: {  	_ =	swait.ge [sflag:s17], $0x4000  }
0x31: {  	[sflag:s17] =	ssyncset.done $0x0  }
0x32: {  	[sflag:s17] =	ssyncadd.s32 $0xFFFFC000  }
0x33: {  	[spmem:s6] =	stream.linear.scatter [tilespmem:s16], [sflag:$0x5], $0x4000, $0x38;
	[tilespmem:$0x1F400] =	vst v63  }
0x34: {  	_ =	swait.ge [sflag:s17], $0x4000  }
0x35: {  	[sflag:s17] =	ssyncset.done $0x0  }
0x36: {  	[sflag:s17] =	ssyncadd.s32 $0xFFFFC000  }
0x37: {  	[spmem:s7] =	stream.linear.scatter [tilespmem:s16], [sflag:$0x5], $0x4000, $0x38;
	[tilespmem:$0x1F400] =	vst v63  }
0x38: {  	_ =	swait.ge [sflag:s17], $0x4000  }
0x39: {  	[sflag:s17] =	ssyncset.done $0x0  }
0x3a: {  	[sflag:s17] =	ssyncadd.s32 $0xFFFFC000  }
0x3b: {  	[spmem:s8] =	stream.linear.scatter [tilespmem:s16], [sflag:$0x5], $0x4000, $0x38;
	[tilespmem:$0x1F400] =	vst v63  }
0x3c: {  	_ =	swait.ge [sflag:s17], $0x4000  }
0x3d: {  	[sflag:s17] =	ssyncset.done $0x0  }
0x3e: {  	[sflag:s17] =	ssyncadd.s32 $0xFFFFC000  }
0x3f: {  	[spmem:s9] =	stream.linear.scatter [tilespmem:s16], [sflag:$0x5], $0x3C00, $0x38;
	[tilespmem:$0x1F400] =	vst v63  }
0x40: {  	_ =	swait.ge [sflag:s17], $0x3C00  }
0x41: {  	[sflag:s17] =	ssyncset.done $0x0  }
0x42: {  	[sflag:s17] =	ssyncadd.s32 $0xFFFFC400  }
0x43: {  	s29 =	simm.s32 $0x0;
	[bflag:$0x0] =	sbarrier.arrive $0xFFFF  }
0x44: {  	[tilespmem:s29], [sflag:$0x5] =	stream.linear.gather [hbm4b:s10+s29], $0x1C00, $0x38;
	[tilespmem:$0x1F400] =	vst v63  }
0x45: {  	_ =	swait.ge [sflag:s17], $0x1C00  }
0x46: {  	[sflag:s17] =	ssyncset.done $0x0  }
.Ltmp3:
0x47: {  	[sflag:s17] =	ssyncadd.s32 $0xFFFFE400;
	(pc) =	sbr.rel @p0 .LBB2_9-.Ltmp3, $4  }
0x48: {  	[tilespmem:s18], [sflag:$0x5] =	stream.linear.gather [hbm4b:s11+s29], $0x1C00, $0x38;
	[tilespmem:$0x1F400] =	vst v63  }
0x49: {  	_ =	swait.ge [sflag:s17], $0x1C00  }
0x4a: {  	[sflag:s17] =	ssyncset.done $0x0  }
0x4b: {  	[sflag:s17] =	ssyncadd.s32 $0xFFFFE400  }
0x4c: {  	[tilespmem:s16], [sflag:$0x1] =	stream.indirect.gather [hbm4b:s4+s19], $0x80, s29, s19, $0xb8;
	[tilespmem:$0x1F400] =	vst v63  }
0x4d: {  	_ = 	snop  }
0x4e: {  	[tilespmem:s20], [sflag:$0x2] =	stream.indirect.gather [hbm4b:s4+s19], $0x80, s19, s19, $0xb8;
	[tilespmem:$0x1F400] =	vst v63  }
0x4f: {  	_ =	swait.ge [sflag:s21], $0x4000  }
0x50: {  	[sflag:s21] =	ssyncset.done $0x0  }
0x51: {  	s0 =	simm.s32 $0x1C00;
	[sflag:s21] =	ssyncadd.s32 $0xFFFFC000  }
0x52: {  	[spmem:s1] =	stream.indirect.scatter.add.f32 [tilespmem:s16], [sflag:$0x3], $0x80, s0, s19, $0xb8;
	[tilespmem:$0x1F400] =	vst v63  }
0x53: {  	_ =	swait.ge [sflag:s22], $0x4000  }
0x54: {  	[sflag:s22] =	ssyncset.done $0x0  }
0x55: {  	s31 =	simm.s32 $0x1C80;
	[sflag:s22] =	ssyncadd.s32 $0xFFFFC000  }
0x56: {  	[spmem:s1] =	stream.indirect.scatter.add.f32 [tilespmem:s20], [sflag:$0x4], $0x80, s31, s19, $0xb8;
	[tilespmem:$0x1F400] =	vst v63  }
0x57: {  	_ =	swait.ge [sflag:s23], $0x4000  }
0x58: {  	[sflag:s23] =	ssyncset.done $0x0  }
0x59: {  	s31 =	simm.s32 $0x100;
	[sflag:s23] =	ssyncadd.s32 $0xFFFFC000  }
0x5a: {  	[tilespmem:s16], [sflag:$0x1] =	stream.indirect.gather [hbm4b:s4+s19], $0x80, s31, s19, $0xb8;
	[tilespmem:$0x1F400] =	vst v63  }
0x5b: {  	_ =	swait.ge [sflag:s24], $0x4000  }
0x5c: {  	[sflag:s24] =	ssyncset.done $0x0  }
0x5d: {  	s29 =	simm.s32 $0x400;
	s30 =	simm.s32 $0x180;
	[sflag:s24] =	ssyncadd.s32 $0xFFFFC000  }
.LBB2_5:
0x5e: {  	[tilespmem:s20], [sflag:$0x2] =	stream.indirect.gather [hbm4b:s4+s19], $0x80, s30, s19, $0xb8;
	[tilespmem:$0x1F400] =	vst v63  }
0x5f: {  	s0 =	smov.u32 s29  }
0x60: {  	p1 =	sne.s32 s29, $0x6800;
	s29 =	sadd.s32 $0x400, s29;
	_ =	swait.ge [sflag:s21], $0x4000  }
0x61: {  	s0 =	sshra.s32 s0, $0x2;
	[sflag:s21] =	ssyncset.done $0x0  }
0x62: {  	s30 =	sadd.s32 $0x1C00, s0;
	[sflag:s21] =	ssyncadd.s32 $0xFFFFC000  }
0x63: {  	[spmem:s1] =	stream.indirect.scatter.add.f32 [tilespmem:s16], [sflag:$0x3], $0x80, s30, s19, $0xb8;
	[tilespmem:$0x1F400] =	vst v63  }
0x64: {  	_ =	swait.ge [sflag:s22], $0x4000  }
0x65: {  	[sflag:s22] =	ssyncset.done $0x0  }
0x66: {  	s30 =	sadd.s32 $0x1C80, s0;
	[sflag:s22] =	ssyncadd.s32 $0xFFFFC000  }
0x67: {  	[spmem:s1] =	stream.indirect.scatter.add.f32 [tilespmem:s20], [sflag:$0x4], $0x80, s30, s19, $0xb8;
	[tilespmem:$0x1F400] =	vst v63  }
0x68: {  	_ =	swait.ge [sflag:s23], $0x4000  }
0x69: {  	[sflag:s23] =	ssyncset.done $0x0  }
.Ltmp4:
0x6a: {  	s30 =	sadd.s32 $0x100, s0;
	[sflag:s23] =	ssyncadd.s32 $0xFFFFC000;
	(pc) =	sbr.rel @p1 .LBB2_5-.Ltmp4, $4  }
0x6b: {  	[tilespmem:s16], [sflag:$0x1] =	stream.indirect.gather [hbm4b:s4+s19], $0x80, s30, s19, $0xb8;
	[tilespmem:$0x1F400] =	vst v63  }
0x6c: {  	_ =	swait.ge [sflag:s24], $0x4000  }
0x6d: {  	[sflag:s24] =	ssyncset.done $0x0  }
0x6e: {  	s30 =	sadd.s32 $0x180, s0;
	[sflag:s24] =	ssyncadd.s32 $0xFFFFC000  }
0x6f: {  	[tilespmem:s20], [sflag:$0x2] =	stream.indirect.gather [hbm4b:s4+s19], $0x80, s30, s19, $0xb8;
	[tilespmem:$0x1F400] =	vst v63  }
0x70: {  	_ =	swait.ge [sflag:s21], $0x4000  }
0x71: {  	[sflag:s21] =	ssyncset.done $0x0  }
0x72: {  	[sflag:s21] =	ssyncadd.s32 $0xFFFFC000  }
0x73: {  	[spmem:s1] =	stream.indirect.scatter.add.f32 [tilespmem:s16], [sflag:$0x3], $0x80, s25, s19, $0xb8;
	[tilespmem:$0x1F400] =	vst v63  }
0x74: {  	_ =	swait.ge [sflag:s22], $0x4000  }
0x75: {  	[sflag:s22] =	ssyncset.done $0x0  }
0x76: {  	[sflag:s22] =	ssyncadd.s32 $0xFFFFC000  }
0x77: {  	[spmem:s1] =	stream.indirect.scatter.add.f32 [tilespmem:s20], [sflag:$0x4], $0x80, s26, s19, $0xb8;
	[tilespmem:$0x1F400] =	vst v63  }
0x78: {  	_ =	swait.ge [sflag:s23], $0x4000  }
0x79: {  	[sflag:s23] =	ssyncset.done $0x0  }
0x7a: {  	[sflag:s23] =	ssyncadd.s32 $0xFFFFC000  }
0x7b: {  	_ =	swait.ge [sflag:s24], $0x4000  }
0x7c: {  	[sflag:s24] =	ssyncset.done $0x0  }
0x7d: {  	s0 =	simm.s32 $0x0;
	[sflag:s24] =	ssyncadd.s32 $0xFFFFC000  }
0x7e: {  	[tilespmem:s0], [sflag:$0x5] =	stream.linear.gather [hbm4b:s12+s0], $0x1C00, $0x38;
	[tilespmem:$0x1F400] =	vst v63  }
0x7f: {  	_ =	swait.ge [sflag:s17], $0x1C00  }
0x80: {  	[sflag:s17] =	ssyncset.done $0x0  }
0x81: {  	[sflag:s17] =	ssyncadd.s32 $0xFFFFE400  }
0x82: {  	[tilespmem:s18], [sflag:$0x5] =	stream.linear.gather [hbm4b:s13+s0], $0x1C00, $0x38;
	[tilespmem:$0x1F400] =	vst v63  }
0x83: {  	_ =	swait.ge [sflag:s17], $0x1C00  }
0x84: {  	[sflag:s17] =	ssyncset.done $0x0  }
0x85: {  	[sflag:s17] =	ssyncadd.s32 $0xFFFFE400  }
0x86: {  	[tilespmem:s16], [sflag:$0x1] =	stream.indirect.gather [hbm4b:s4+s19], $0x80, s0, s19, $0xb8;
	[tilespmem:$0x1F400] =	vst v63  }
0x87: {  	_ = 	snop  }
0x88: {  	[tilespmem:s20], [sflag:$0x2] =	stream.indirect.gather [hbm4b:s4+s19], $0x80, s19, s19, $0xb8;
	[tilespmem:$0x1F400] =	vst v63  }
0x89: {  	_ =	swait.ge [sflag:s21], $0x4000  }
0x8a: {  	[sflag:s21] =	ssyncset.done $0x0  }
0x8b: {  	s31 =	simm.s32 $0x1C00;
	[sflag:s21] =	ssyncadd.s32 $0xFFFFC000  }
0x8c: {  	[spmem:s1] =	stream.indirect.scatter.add.f32 [tilespmem:s16], [sflag:$0x3], $0x80, s31, s19, $0xb8;
	[tilespmem:$0x1F400] =	vst v63  }
0x8d: {  	_ =	swait.ge [sflag:s22], $0x4000  }
0x8e: {  	[sflag:s22] =	ssyncset.done $0x0  }
0x8f: {  	s31 =	simm.s32 $0x1C80;
	[sflag:s22] =	ssyncadd.s32 $0xFFFFC000  }
0x90: {  	[spmem:s1] =	stream.indirect.scatter.add.f32 [tilespmem:s20], [sflag:$0x4], $0x80, s31, s19, $0xb8;
	[tilespmem:$0x1F400] =	vst v63  }
0x91: {  	_ =	swait.ge [sflag:s23], $0x4000  }
0x92: {  	[sflag:s23] =	ssyncset.done $0x0  }
0x93: {  	s31 =	simm.s32 $0x100;
	[sflag:s23] =	ssyncadd.s32 $0xFFFFC000  }
0x94: {  	[tilespmem:s16], [sflag:$0x1] =	stream.indirect.gather [hbm4b:s4+s19], $0x80, s31, s19, $0xb8;
	[tilespmem:$0x1F400] =	vst v63  }
0x95: {  	_ =	swait.ge [sflag:s24], $0x4000  }
0x96: {  	[sflag:s24] =	ssyncset.done $0x0  }
0x97: {  	s29 =	simm.s32 $0x400;
	s30 =	simm.s32 $0x180;
	[sflag:s24] =	ssyncadd.s32 $0xFFFFC000  }
.LBB2_7:
0x98: {  	[tilespmem:s20], [sflag:$0x2] =	stream.indirect.gather [hbm4b:s4+s19], $0x80, s30, s19, $0xb8;
	[tilespmem:$0x1F400] =	vst v63  }
0x99: {  	s0 =	smov.u32 s29  }
0x9a: {  	p1 =	sne.s32 s29, $0x6800;
	s29 =	sadd.s32 $0x400, s29;
	_ =	swait.ge [sflag:s21], $0x4000  }
0x9b: {  	s0 =	sshra.s32 s0, $0x2;
	[sflag:s21] =	ssyncset.done $0x0  }
0x9c: {  	s30 =	sadd.s32 $0x1C00, s0;
	[sflag:s21] =	ssyncadd.s32 $0xFFFFC000  }
0x9d: {  	[spmem:s1] =	stream.indirect.scatter.add.f32 [tilespmem:s16], [sflag:$0x3], $0x80, s30, s19, $0xb8;
	[tilespmem:$0x1F400] =	vst v63  }
0x9e: {  	_ =	swait.ge [sflag:s22], $0x4000  }
0x9f: {  	[sflag:s22] =	ssyncset.done $0x0  }
0xa0: {  	s30 =	sadd.s32 $0x1C80, s0;
	[sflag:s22] =	ssyncadd.s32 $0xFFFFC000  }
0xa1: {  	[spmem:s1] =	stream.indirect.scatter.add.f32 [tilespmem:s20], [sflag:$0x4], $0x80, s30, s19, $0xb8;
	[tilespmem:$0x1F400] =	vst v63  }
0xa2: {  	_ =	swait.ge [sflag:s23], $0x4000  }
0xa3: {  	[sflag:s23] =	ssyncset.done $0x0  }
.Ltmp5:
0xa4: {  	s30 =	sadd.s32 $0x100, s0;
	[sflag:s23] =	ssyncadd.s32 $0xFFFFC000;
	(pc) =	sbr.rel @p1 .LBB2_7-.Ltmp5, $4  }
0xa5: {  	[tilespmem:s16], [sflag:$0x1] =	stream.indirect.gather [hbm4b:s4+s19], $0x80, s30, s19, $0xb8;
	[tilespmem:$0x1F400] =	vst v63  }
0xa6: {  	_ =	swait.ge [sflag:s24], $0x4000  }
0xa7: {  	[sflag:s24] =	ssyncset.done $0x0  }
0xa8: {  	s30 =	sadd.s32 $0x180, s0;
	[sflag:s24] =	ssyncadd.s32 $0xFFFFC000  }
0xa9: {  	[tilespmem:s20], [sflag:$0x2] =	stream.indirect.gather [hbm4b:s4+s19], $0x80, s30, s19, $0xb8;
	[tilespmem:$0x1F400] =	vst v63  }
0xaa: {  	_ =	swait.ge [sflag:s21], $0x4000  }
0xab: {  	[sflag:s21] =	ssyncset.done $0x0  }
0xac: {  	[sflag:s21] =	ssyncadd.s32 $0xFFFFC000  }
0xad: {  	[spmem:s1] =	stream.indirect.scatter.add.f32 [tilespmem:s16], [sflag:$0x3], $0x80, s25, s19, $0xb8;
	[tilespmem:$0x1F400] =	vst v63  }
0xae: {  	_ =	swait.ge [sflag:s22], $0x4000  }
0xaf: {  	[sflag:s22] =	ssyncset.done $0x0  }
0xb0: {  	[sflag:s22] =	ssyncadd.s32 $0xFFFFC000  }
0xb1: {  	[spmem:s1] =	stream.indirect.scatter.add.f32 [tilespmem:s20], [sflag:$0x4], $0x80, s26, s19, $0xb8;
	[tilespmem:$0x1F400] =	vst v63  }
0xb2: {  	_ =	swait.ge [sflag:s23], $0x4000  }
.Ltmp6:
0xb3: {  	[sflag:s23] =	ssyncset.done $0x0;
	(pc) =	sbr.rel .LBB2_14-.Ltmp6, $4  }
0xb4: {  	[sflag:s23] =	ssyncadd.s32 $0xFFFFC000  }
0xb5: {  	_ =	swait.ge [sflag:s24], $0x4000  }
0xb6: {  	[sflag:s24] =	ssyncset.done $0x0  }
0xb7: {  	[sflag:s24] =	ssyncadd.s32 $0xFFFFC000  }
.LBB2_9:
0xb8: {  	s0 =	simm.s32 $0x0  }
0xb9: {  	[tilespmem:s16], [sflag:$0x1] =	stream.indirect.gather [hbm4b:s4+s19], $0x80, s0, s19, $0xb8;
	[tilespmem:$0x1F400] =	vst v63  }
0xba: {  	_ =	swait.ge [sflag:s21], $0x4000  }
0xbb: {  	[sflag:s21] =	ssyncset.done $0x0  }
0xbc: {  	s31 =	simm.s32 $0x1C00;
	[sflag:s21] =	ssyncadd.s32 $0xFFFFC000  }
0xbd: {  	[spmem:s1] =	stream.indirect.scatter.add.f32 [tilespmem:s16], [sflag:$0x5], $0x80, s31, s19, $0xb8;
	[tilespmem:$0x1F400] =	vst v63  }
0xbe: {  	_ =	swait.ge [sflag:s17], $0x4000  }
0xbf: {  	s29 =	simm.s32 $0x200;
	s30 =	simm.s32 $0x400;
	[sflag:s17] =	ssyncset.done $0x0  }
.LBB2_10:
0xc0: {  	s0 =	sshra.s32 s29, $0x2  }
0xc1: {  	[sflag:s17] =	ssyncadd.s32 $0xFFFFC000;
	s29 =	smov.u32 s30;
	s31 =	sadd.s32 $0x200, s30  }
0xc2: {  	[tilespmem:s16], [sflag:$0x1] =	stream.indirect.gather [hbm4b:s4+s19], $0x80, s0, s19, $0xb8;
	[tilespmem:$0x1F400] =	vst v63  }
0xc3: {  	p1 =	sne.s32 s30, $0x2C00;
	_ =	swait.ge [sflag:s21], $0x4000  }
.Ltmp7:
0xc4: {  	[sflag:s21] =	ssyncset.done $0x0;
	(pc) =	sbr.rel @p1 .LBB2_10-.Ltmp7, $4  }
0xc5: {  	s0 =	sadd.s32 $0x1C00, s0;
	[sflag:s21] =	ssyncadd.s32 $0xFFFFC000  }
0xc6: {  	[spmem:s1] =	stream.indirect.scatter.add.f32 [tilespmem:s16], [sflag:$0x5], $0x80, s0, s19, $0xb8;
	[tilespmem:$0x1F400] =	vst v63  }
0xc7: {  	_ =	swait.ge [sflag:s17], $0x4000  }
0xc8: {  	s30 =	smov.u32 s31;
	[sflag:s17] =	ssyncset.done $0x0  }
0xc9: {  	s0 =	sshra.s32 s29, $0x2;
	[sflag:s17] =	ssyncadd.s32 $0xFFFFC000  }
0xca: {  	[tilespmem:s16], [sflag:$0x1] =	stream.indirect.gather [hbm4b:s4+s19], $0x80, s0, s19, $0xb8;
	[tilespmem:$0x1F400] =	vst v63  }
0xcb: {  	_ =	swait.ge [sflag:s21], $0x4000  }
0xcc: {  	[sflag:s21] =	ssyncset.done $0x0  }
0xcd: {  	s0 =	sadd.s32 $0x1C00, s0;
	[sflag:s21] =	ssyncadd.s32 $0xFFFFC000  }
0xce: {  	[spmem:s1] =	stream.indirect.scatter.add.f32 [tilespmem:s16], [sflag:$0x5], $0x80, s0, s19, $0xb8;
	[tilespmem:$0x1F400] =	vst v63  }
0xcf: {  	_ =	swait.ge [sflag:s17], $0x4000  }
0xd0: {  	[sflag:s17] =	ssyncset.done $0x0  }
0xd1: {  	s31 =	simm.s32 $0x0;
	[sflag:s17] =	ssyncadd.s32 $0xFFFFC000  }
0xd2: {  	[tilespmem:s31], [sflag:$0x5] =	stream.linear.gather [hbm4b:s12+s31], $0x1C00, $0x38;
	[tilespmem:$0x1F400] =	vst v63  }
0xd3: {  	_ =	swait.ge [sflag:s17], $0x1C00  }
0xd4: {  	[sflag:s17] =	ssyncset.done $0x0  }
0xd5: {  	[sflag:s17] =	ssyncadd.s32 $0xFFFFE400  }
0xd6: {  	[tilespmem:s18], [sflag:$0x5] =	stream.linear.gather [hbm4b:s13+s31], $0x1C00, $0x38;
	[tilespmem:$0x1F400] =	vst v63  }
0xd7: {  	_ =	swait.ge [sflag:s17], $0x1C00  }
0xd8: {  	[sflag:s17] =	ssyncset.done $0x0  }
0xd9: {  	s31 =	simm.s32 $0x0;
	[sflag:s17] =	ssyncadd.s32 $0xFFFFE400  }
0xda: {  	[tilespmem:s16], [sflag:$0x1] =	stream.indirect.gather [hbm4b:s4+s19], $0x80, s31, s19, $0xb8;
	[tilespmem:$0x1F400] =	vst v63  }
0xdb: {  	_ =	swait.ge [sflag:s21], $0x4000  }
0xdc: {  	[sflag:s21] =	ssyncset.done $0x0  }
0xdd: {  	s31 =	simm.s32 $0x1C00;
	[sflag:s21] =	ssyncadd.s32 $0xFFFFC000  }
0xde: {  	[spmem:s1] =	stream.indirect.scatter.add.f32 [tilespmem:s16], [sflag:$0x5], $0x80, s31, s19, $0xb8;
	[tilespmem:$0x1F400] =	vst v63  }
0xdf: {  	_ =	swait.ge [sflag:s17], $0x4000  }
0xe0: {  	s29 =	simm.s32 $0x200;
	s30 =	simm.s32 $0x400;
	[sflag:s17] =	ssyncset.done $0x0  }
.LBB2_12:
0xe1: {  	s0 =	sshra.s32 s29, $0x2  }
0xe2: {  	[sflag:s17] =	ssyncadd.s32 $0xFFFFC000;
	s29 =	smov.u32 s30;
	s31 =	sadd.s32 $0x200, s30  }
0xe3: {  	[tilespmem:s16], [sflag:$0x1] =	stream.indirect.gather [hbm4b:s4+s19], $0x80, s0, s19, $0xb8;
	[tilespmem:$0x1F400] =	vst v63  }
0xe4: {  	p1 =	sne.s32 s30, $0x2C00;
	_ =	swait.ge [sflag:s21], $0x4000  }
.Ltmp8:
0xe5: {  	[sflag:s21] =	ssyncset.done $0x0;
	(pc) =	sbr.rel @p1 .LBB2_12-.Ltmp8, $4  }
0xe6: {  	s0 =	sadd.s32 $0x1C00, s0;
	[sflag:s21] =	ssyncadd.s32 $0xFFFFC000  }
0xe7: {  	[spmem:s1] =	stream.indirect.scatter.add.f32 [tilespmem:s16], [sflag:$0x5], $0x80, s0, s19, $0xb8;
	[tilespmem:$0x1F400] =	vst v63  }
0xe8: {  	_ =	swait.ge [sflag:s17], $0x4000  }
0xe9: {  	s30 =	smov.u32 s31;
	[sflag:s17] =	ssyncset.done $0x0  }
.Ltmp9:
0xea: {  	_ = 	snop;
	(pc) =	sbr.rel .LBB2_13-.Ltmp9, $1  }
0xeb: {  	_ =	sdelay $0x3  }
.LBB2_15:
0xec: {  	_ =	sfence.sel $0x180000  }
0xed: {  	[bflag:$0x0] =	sbarrier.arrive $0xFFFF  }
0xee: {  	_ =	strace $0x90000047  }
0xef: {  	[bflag:$0x2] =	sbarrier.arrive $0xFFFF  }
0xf0: {  	p0 =	sne.s32 s2, $0x0;
	s0 =	rddreg [dreg:$0x3]  }
0xf1: {  	s0 =	sadd.s32 @!p0 $0x100000, s0  }
0xf2: {  	[sflag:s0] =	ssyncadd.tile.s32 @!p0 $0x1;
	_ =	shalt  }
.Lfunc_end2:
_tile_overlayer_lowered:
.L_overlay_start_2:
0xf3: {  	(tag) =	ssettag $0x2  }
0xf4: {  	s0 =	rddreg [dreg:$0x0];
	s2 =	stileid.u32  }
0xf5: {  	s1 =	rddreg [dreg:$0x1];
	p0 =	sne.s32 s2, $0x0  }
0xf6: {  	s3 =	rddreg [dreg:$0x2];
	[bflag:$0x3] =	sbarrier.arrive $0xFFFF;
	s2 =	simm.s32 @!p0 $0x1C05  }
0xf7: {  	[timem:s3], [sflag:s2] =	dma.local @!p0 [hbm:s0], s1  }
0xf8: {  	s0 =	simm.s32 @!p0 $0x5  }
0xf9: {  	_ =	swait.ge @!p0 [sflag:s0], s1  }
0xfa: {  	s1 =	ssub.s32 @!p0 $0x0, s1;
	[sflag:s0] =	ssyncset.done @!p0 $0x0  }
0xfb: {  	[sflag:s0] =	ssyncadd.s32 @!p0 s1  }
0xfc: {  	[bflag:$0x3] =	sbarrier.arrive $0xFFFF  }
0xfd: {  	_ =	shalt  }

// kernel: kernel.15.cloned.1.call-start
scs
__scs_entry_jumppad:
0x0: {  	(pc) =	sbr.rel $0x88, $3  }
0x1: {  	(tag) =	ssettag $0x0;
	lr =	simm.s32 $0x1  }
0x2: {  	[smem:$0x3F90] =	sst lr;
	_ =	strace $0xD0000000  }
0x3: {  	_ = 	snop  }
0x4: {  	_ = 	snop  }
0x5: {  	_ = 	snop  }
0x6: {  	_ = 	snop  }
0x7: {  	_ = 	snop  }
__scs_overlays_trampoline_lowered:
0x8: {  	[smem:$0x3F9F] =	sst s0  }
0x9: {  	[smem:$0x3FA0] =	sst s1  }
0xa: {  	[smem:$0x3FA1] =	sst s2  }
0xb: {  	[smem:$0x3FA2] =	sst s3  }
0xc: {  	[smem:$0x3FA3] =	sst s4  }
0xd: {  	[smem:$0x3FA4] =	sst s5  }
0xe: {  	[smem:$0x3FA5] =	sst s6  }
0xf: {  	[smem:$0x3FA6] =	sst s7  }
0x10: {  	[smem:$0x3FA7] =	sst s8  }
0x11: {  	[smem:$0x3FA8] =	sst s9;
	s0 =	simm.s32 @!p0 $0x0  }
0x12: {  	s1 =	sld [smem:$0x3F8E];
	s0 =	simm.s32 @p0 $0x1  }
0x13: {  	[smem:$0x3FA9] =	sst s0;
	s0 =	simm.s32 @!p1 $0x0  }
0x14: {  	s2 =	sld [smem:$0x3F8D];
	s0 =	simm.s32 @p1 $0x1  }
0x15: {  	[smem:$0x3FAA] =	sst s0;
	s0 =	simm.s32 @!p2 $0x0  }
0x16: {  	s3 =	sld [smem:$0x3FDB];
	s0 =	simm.s32 @p2 $0x1  }
0x17: {  	s4 =	simm.s32 $0x1BF5;
	[smem:$0x3FAC] =	sst s0  }
0x18: {  	s0 =	sld [smem:$0x3F8F];
	_ =	swait.ge [sflag:s4], $0x0  }
0x19: {  	s7 =	sld [smem:$0x3F90]  }
0x1a: {  	s8 =	sadd.s32 $0xFFFFE003, lr  }
0x1b: {  	s9 =	sadd.s32 $0xFFFFFEF7, lr;
	s5 =	simm.s32 $0xFFFFFFFF;
	p2 =	slt.u32 s8, $0xFFFFF086  }
0x1c: {  	p1 =	slt.u32 s9, $0xF7A;
	s5 =	simm.s32 @!p2 $0x0  }
0x1d: {  	s5 =	simm.s32 @p1 $0x1;
	p0 =	seq.s32 s7, s2  }
0x1e: {  	s7 =	smul.u32 @!p0 $0xF7A, s2;
	p2 =	seq.s32 @!p0 s5, $0x0  }
0x1f: {  	s9 =	smul.u32 $0xF7A, s1;
	s8 =	simm.s32 @!p0 $0x1BF5;
	p2 =	por !p2, p0  }
0x20: {  	[sflag:s8] =	ssyncset.s32 @!p0 $0xFFFFF086;
	s6 =	sadd.s32 @!p0 s3, s7;
	s7 =	simm.s32 @!p0 $0x108  }
0x21: {  	s3 =	sadd.s32 s3, s9;
	s6 =	sadd.s32 @!p0 $0x88, s6;
	s7 =	simm.s32 @p2 $0x1082  }
0x22: {  	[simem:s7], [sflag:s8] =	dma.local @!p0 [hbm:s6], $0xF7A  }
0x23: {  	s9 =	sor.u32 $0xD0000000, s2;
	s6 =	simm.s32 $0x108;
	_ =	swait.ge @!p0 [sflag:s8], $0x0  }
0x24: {  	s3 =	sadd.s32 $0x88, s3;
	s6 =	simm.s32 @!p1 $0x1082;
	[sflag:s4] =	ssyncset.s32 $0xFFFFF086  }
0x25: {  	[simem:s6], [sflag:s4] =	dma.local [hbm:s3], $0xF7A  }
0x26: {  	[smem:$0x3F90] =	sst s1;
	(tag) =	ssettag s2;
	_ =	strace s9  }
0x27: {  	s1 =	sld [smem:$0x3FA0]  }
0x28: {  	s2 =	sld [smem:$0x3FA1]  }
0x29: {  	s4 =	sld [smem:$0x3FA3]  }
0x2a: {  	p0 =	seq.s32 s5, $0x0;
	s5 =	sld [smem:$0x3FA4]  }
0x2b: {  	s6 =	sld [smem:$0x3FA5]  }
0x2c: {  	s7 =	sld [smem:$0x3FA6]  }
0x2d: {  	s3 =	simm.s32 $0x108;
	s8 =	sld [smem:$0x3FA7]  }
0x2e: {  	s3 =	simm.s32 @!p0 $0x1082;
	s9 =	sld [smem:$0x3FA8]  }
0x2f: {  	lr =	sadd.s32 s0, s3;
	s0 =	sld [smem:$0x3F9F]  }
0x30: {  	s3 =	sld [smem:$0x3FA2]  }
0x31: {  	[smem:$0x3FAB] =	sst s10  }
0x32: {  	s10 =	sld [smem:$0x3FA9];
	_ =	sdelay $0x3  }
0x33: {  	p0 =	seq.s32 s10, $0x1;
	s10 =	sld [smem:$0x3FAB];
	_ =	sdelay $0x3  }
0x34: {  	[smem:$0x3FAB] =	sst s10  }
0x35: {  	s10 =	sld [smem:$0x3FAA];
	_ =	sdelay $0x3  }
0x36: {  	p1 =	seq.s32 s10, $0x1;
	s10 =	sld [smem:$0x3FAB];
	_ =	sdelay $0x3  }
0x37: {  	[smem:$0x3FAB] =	sst s10  }
0x38: {  	s10 =	sld [smem:$0x3FAC]  }
0x39: {  	_ = 	snop;
	(pc) =	sbr.ind lr, $3  }
0x3a: {  	_ = 	snop  }
0x3b: {  	_ = 	snop  }
0x3c: {  	p2 =	seq.s32 s10, $0x1;
	s10 =	sld [smem:$0x3FAB]  }
0x3d: {  	_ =	shalt  }
0x3e: {  	_ =	shalt  }
0x3f: {  	_ =	shalt  }
0x40: {  	_ =	shalt  }
0x41: {  	_ =	shalt  }
0x42: {  	_ =	shalt  }
0x43: {  	_ =	shalt  }
0x44: {  	_ =	shalt  }
0x45: {  	_ =	shalt  }
0x46: {  	_ =	shalt  }
0x47: {  	_ =	shalt  }
0x48: {  	_ =	shalt  }
0x49: {  	_ =	shalt  }
0x4a: {  	_ =	shalt  }
0x4b: {  	_ =	shalt  }
0x4c: {  	_ =	shalt  }
0x4d: {  	_ =	shalt  }
0x4e: {  	_ =	shalt  }
0x4f: {  	_ =	shalt  }
0x50: {  	_ =	shalt  }
0x51: {  	_ =	shalt  }
0x52: {  	_ =	shalt  }
0x53: {  	_ =	shalt  }
0x54: {  	_ =	shalt  }
0x55: {  	_ =	shalt  }
0x56: {  	_ =	shalt  }
0x57: {  	_ =	shalt  }
0x58: {  	_ =	shalt  }
0x59: {  	_ =	shalt  }
0x5a: {  	_ =	shalt  }
0x5b: {  	_ =	shalt  }
0x5c: {  	_ =	shalt  }
0x5d: {  	_ =	shalt  }
0x5e: {  	_ =	shalt  }
0x5f: {  	_ =	shalt  }
0x60: {  	_ =	shalt  }
0x61: {  	_ =	shalt  }
0x62: {  	_ =	shalt  }
0x63: {  	_ =	shalt  }
0x64: {  	_ =	shalt  }
0x65: {  	_ =	shalt  }
0x66: {  	_ =	shalt  }
0x67: {  	_ =	shalt  }
0x68: {  	_ =	shalt  }
0x69: {  	_ =	shalt  }
0x6a: {  	_ =	shalt  }
0x6b: {  	_ =	shalt  }
0x6c: {  	_ =	shalt  }
0x6d: {  	_ =	shalt  }
0x6e: {  	_ =	shalt  }
0x6f: {  	_ =	shalt  }
0x70: {  	_ =	shalt  }
0x71: {  	_ =	shalt  }
0x72: {  	_ =	shalt  }
0x73: {  	_ =	shalt  }
0x74: {  	_ =	shalt  }
0x75: {  	_ =	shalt  }
0x76: {  	_ =	shalt  }
0x77: {  	_ =	shalt  }
0x78: {  	_ =	shalt  }
0x79: {  	_ =	shalt  }
0x7a: {  	_ =	shalt  }
0x7b: {  	_ =	shalt  }
0x7c: {  	_ =	shalt  }
0x7d: {  	_ =	shalt  }
0x7e: {  	_ =	shalt  }
0x7f: {  	_ =	shalt  }
0x80: {  	_ =	shalt  }
0x81: {  	_ =	shalt  }
0x82: {  	_ =	shalt  }
0x83: {  	_ =	shalt  }
0x84: {  	_ =	shalt  }
0x85: {  	_ =	shalt  }
0x86: {  	_ =	shalt  }
0x87: {  	_ =	shalt  }
.Lfunc_end0:
.L_simem_size_0:
called_computation.2_lowered:
.L_overlay_start_0:
0x88: {  	s2 =	sld [smem:$0x3FD9]  }
0x89: {  	s3 =	sld [smem:$0x3FFE];
	_ =	sdelay $0x1  }
0x8a: {  	s1 =	srdreg.scid  }
0x8b: {  	s0 =	sand.u32 $0x1, s1  }
0x8c: {  	s17 =	sshll.u32 s0, $0xA;
	s2 =	sadd.s32 s3, s2  }
0x8d: {  	s2 =	sadd.s32 s2, s17  }
0x8e: {  	[smem:$0x3FB7] =	sst s2  }
0x8f: {  	_ = 	snop  }
0x90: {  	s2 =	sld [smem:$0x3FD0];
	(tm) =	ssettm $0x1  }
0x91: {  	s18 =	sld [smem:$0x3FFB];
	_ =	sdelay $0x3  }
0x92: {  	_ =	strace s18  }
0x93: {  	s3 =	sld [smem:$0x3FFC];
	_ =	sdelay $0x3  }
0x94: {  	_ =	strace s3  }
0x95: {  	s3 =	sld [smem:$0x3FFD];
	_ =	sdelay $0x3  }
0x96: {  	_ =	strace s3  }
0x97: {  	_ =	strace $0x8FFFFFFF  }
0x98: {  	s19 =	sld [smem:$0x3FDB];
	_ =	sdelay $0x1  }
0x99: {  	s4 =	simm.s32 $_scs_section_size  }
0x9a: {  	s5 =	simm.s32 $_size__tile_overlayer_lowered;
	s6 =	simm.s32 $_tile_overlayer_lowered  }
0x9b: {  	s22 =	simm.s32 $0x1BFF;
	s21 =	sshll.u32 s6, $0x1;
	s3 =	sadd.s32 s4, s19  }
0x9c: {  	s7 =	simm.s32 $0x0;
	s20 =	sshll.u32 s5, $0x1;
	s5 =	sadd.s32 s21, s3  }
0x9d: {  	[timem:s7], [sflag:s22] =	dma.local [hbm:s5], s20  }
0x9e: {  	_ =	swait.ge [sflag:s22], s20  }
0x9f: {  	s4 =	ssub.s32 $0x0, s20;
	[sflag:s22] =	ssyncset.done $0x0  }
0xa0: {  	[sflag:s22] =	ssyncadd.s32 s4;
	_ =	sdelay $0x1  }
0xa1: {  	s23 =	simm.s32 $0x1B8B  }
0xa2: {  	_ =	swait.ge [sflag:s23], $0x1  }
0xa3: {  	[sflag:s23] =	ssyncset.done $0x0  }
0xa4: {  	s25 =	simm.s32 $0x1B8E;
	s24 =	sld [smem:$0x3FFE];
	[sflag:s23] =	ssyncadd.s32 $0xFFFFFFFF  }
0xa5: {  	s26 =	simm.s32 $execute0_lowered;
	[smem:$0x3FD2] =	sst s25  }
0xa6: {  	s5 =	sshll.u32 s26, $0x1;
	_ =	strace $0x8000004C;
	[dreg:$0x1] =	wrdreg $0xFFFFFFFF  }
0xa7: {  	s28 =	simm.s32 $_size_execute0_lowered;
	s3 =	sadd.s32 s3, s5;
	[dreg:$0x0] =	wrdreg $0x0  }
0xa8: {  	s5 =	sshll.u32 s28, $0x1;
	[dreg:$0x2] =	wrdreg s3  }
0xa9: {  	[dreg:$0x3] =	wrdreg s5  }
0xaa: {  	[dreg:$0x4] =	wrdreg $0xC0  }
0xab: {  	_ =	task [dreg:s7], $0x5FFFF  }
0xac: {  	[dreg:$0x1] =	wrdreg $0xFFFFFFFF  }
0xad: {  	[dreg:$0x0] =	wrdreg $0x60  }
0xae: {  	[dreg:$0x2] =	wrdreg s24  }
0xaf: {  	[dreg:$0x3] =	wrdreg s2  }
0xb0: {  	[dreg:$0x4] =	wrdreg $0xB8000  }
0xb1: {  	[dreg:$0x5] =	wrdreg $0x9  }
0xb2: {  	_ =	task.clear_ibuf [dreg:s7], $0x6FFFF;
	_ =	strace $0x9000004C  }
0xb3: {  	s29 =	simm.s32 $0x9;
	_ =	strace $0x8000004E  }
0xb4: {  	_ =	swait.ge [sflag:s29], $0x1  }
0xb5: {  	[sflag:s29] =	ssyncadd.s32 $0xFFFFFFFF  }
0xb6: {  	_ =	strace $0x9000004E  }
0xb7: {  	_ =	sfence  }
0xb8: {  	s30 =	sld [smem:$0x0];
	_ =	sdelay $0x2  }
0xb9: {  	s31 =	sshll.u32 s1, $0xD;
	s1 =	sshrl.u32 s1, $0x2  }
0xba: {  	s3 =	sand.u32 $0x4000, s31;
	s1 =	sadd.s32 s1, s30  }
0xbb: {  	s0 =	sor.u32 s3, s0;
	s1 =	sshll.u32 s1, $0x11  }
0xbc: {  	s0 =	sor.u32 s1, s0  }
0xbd: {  	s0 =	sadd.s32 $0x8F2B, s0  }
0xbe: {  	[sflag:s0] =	ssyncadd.remote.s32 $0x1  }
0xbf: {  	_ =	sfence.sel $0xFFFF  }
0xc0: {  	[dreg:$0x0] =	wrdreg $0xFFFFFFFF;
	(pc) =	sbr.abs _section_cstart, $3  }
0xc1: {  	[dreg:$0x1] =	wrdreg $0xFFFFFFFF  }
0xc2: {  	_ =	task.clear_ibuf [dreg:s7], $0x2FFFF;
	_ =	strace $0x9FFFFFFF  }
0xc3: {  	(tm) =	ssettm $0x7FFFFFFF  }
tec
execute0_lowered:
.L_overlay_start_1:
0x0: {  	(tag) =	ssettag $0x1  }
0x1: {  	s6 =	rddreg [dreg:$0x0]  }
0x2: {  	s12 =	rddreg [dreg:$0x1]  }
0x3: {  	s1 =	rddreg [dreg:$0x2]  }
0x4: {  	s2 =	srdreg.scid;
	s3 =	simm.s32 $0x0;
	s18 =	simm.s32 $0x1C00  }
0x5: {  	s19 =	simm.s32 $0x80;
	s20 =	simm.s32 $0x7800;
	s21 =	simm.s32 $0x1  }
0x6: {  	s22 =	simm.s32 $0x2;
	s23 =	simm.s32 $0x3;
	s24 =	simm.s32 $0x4  }
0x7: {  	s25 =	simm.s32 $0x3700;
	s16 =	sand.u32 $0x1, s2;
	s2 =	stileid.u32  }
0x8: {  	s28 =	simm.s32 $0x0;
	[smem:$0x7FF] =	sst s3;
	s5 =	smul.u32 $0x140000, s16  }
0x9: {  	s4 =	sadd.s32 $0x12A00, s6;
	s13 =	sadd.s32 $0x4A00, s6;
	s7 =	smul.u32 $0x13C00, s2  }
0xa: {  	_ =	strace $0x8000004D;
	s26 =	smul.u32 $0x4F000, s2;
	s29 =	sshll.u32 s2, $0x1  }
0xb: {  	s9 =	ssub.s32 $0x2, s16;
	p0 =	sne.s32 s16, $0x0;
	s10 =	sor.u32 s16, s29  }
0xc: {  	s31 =	sshrl.u32 s9, $0x1;
	s16 =	simm.s32 $0x3800;
	s5 =	sadd.s32 s7, s5  }
0xd: {  	s30 =	sshrl.u32 s26, $0x2;
	s10 =	smul.u32 $0x3800, s10;
	s15 =	ssub.s32 s9, s31  }
0xe: {  	s26 =	simm.s32 $0x3780;
	s8 =	sshrl.u32 s5, $0x3;
	s5 =	sadd.s32 s30, s1  }
.Ltmp0:
0xf: {  	s15 =	smax.u32 s15, $0x1;
	s14 =	sadd.s32 s8, s6;
	(pc) =	sbr.rel .LBB2_1-.Ltmp0, $4  }
0x10: {  	s6 =	sadd.s32 $0x4000, s5;
	s7 =	sadd.s32 $0x8000, s5;
	s11 =	sshrl.u32 s10, $0x3  }
0x11: {  	s8 =	sadd.s32 $0xC000, s5;
	s9 =	sadd.s32 $0x10000, s5;
	s10 =	sadd.s32 s12, s11  }
0x12: {  	s17 =	sadd.s32 $0x380, s11;
	s11 =	sadd.s32 s13, s11;
	s14 =	sadd.s32 $0x3AA00, s14  }
0x13: {  	v0 =	vimm.f32 $0.0e+00;
	s12 =	sadd.s32 s12, s17;
	s13 =	sadd.s32 s13, s17;
	s17 =	simm.s32 $0x5  }
.LBB2_13:
0x14: {  	s0 =	sshra.s32 s29, $0x2;
	[sflag:s17] =	ssyncadd.s32 $0xFFFFC000  }
0x15: {  	[tilespmem:s16], [sflag:$0x1] =	stream.indirect.gather [hbm4b:s4+s19], $0x80, s0, s19, $0xb8;
	[tilespmem:$0x1F400] =	vst v63  }
0x16: {  	_ =	swait.ge [sflag:s21], $0x4000  }
0x17: {  	[sflag:s21] =	ssyncset.done $0x0  }
0x18: {  	s0 =	sadd.s32 $0x1C00, s0;
	[sflag:s21] =	ssyncadd.s32 $0xFFFFC000  }
0x19: {  	[spmem:s1] =	stream.indirect.scatter.add.f32 [tilespmem:s16], [sflag:$0x5], $0x80, s0, s19, $0xb8;
	[tilespmem:$0x1F400] =	vst v63  }
0x1a: {  	_ =	swait.ge [sflag:s17], $0x4000  }
0x1b: {  	[sflag:s17] =	ssyncset.done $0x0  }
0x1c: {  	[sflag:s17] =	ssyncadd.s32 $0xFFFFC000  }
.LBB2_14:
0x1d: {  	s28 =	sadd.s32 $0x1, s28  }
0x1e: {  	s0 =	sshll.u32 s2, $0x6;
	[bflag:$0x0] =	sbarrier.arrive $0xFFFF;
	p1 =	sne.s32 s28, s15  }
.Ltmp1:
0x1f: {  	s29 =	sshrl.u32 s5, $0x3;
	s0 =	sor.u32 $0x1C05, s0;
	(pc) =	sbr.rel @!p1 .LBB2_15-.Ltmp1, $4  }
0x20: {  	[hbm:s14], [sflag:s0] =	dma.local [spmem:s29], $0x2780  }
0x21: {  	_ =	swait.ge [sflag:s17], $0x2780  }
0x22: {  	[sflag:s17] =	ssyncset.done $0x0  }
0x23: {  	[sflag:s17] =	ssyncadd.s32 $0xFFFFD880  }
.LBB2_1:
0x24: {  	s29 =	sand.u32 $0xFE00, s3  }
0x25: {  	s30 =	sand.u32 $0x70, s3;
	s31 =	sshrl.u32 s29, $0x2  }
0x26: {  	s29 =	simm.s32 $0x40;
	s31 =	sor.u32 s30, s31;
	s30 =	simm.s32 $0x0  }
.LBB2_2:
0x27: {  	p1 =	sne.s32 s29, $0xFFC0  }
0x28: {  	[tilespmem:s31+$0x3800] =	vst v0;
	s30 =	sadd.s32 $0x10, s30;
	s31 =	smov.u32 s29;
	s29 =	sadd.s32 $0x40, s29  }
.Ltmp2:
0x29: {  	(pc) =	sbr.rel @p1 .LBB2_2-.Ltmp2, $4  }
0x2a: {  	_ = 	snop  }
0x2b: {  	s31 =	sand.u32 $0xFE00, s31  }
0x2c: {  	s0 =	sand.u32 $0x70, s30;
	s31 =	sshrl.u32 s31, $0x2  }
0x2d: {  	s31 =	sor.u32 s0, s31  }
0x2e: {  	[tilespmem:s31+$0x3800] =	vst v0  }
0x2f: {  	[spmem:s5] =	stream.linear.scatter [tilespmem:s16], [sflag:$0x5], $0x4000, $0x38;
	[tilespmem:$0x1F400] =	vst v63  }
0x30: {  	_ =	swait.ge [sflag:s17], $0x4000  }
0x31: {  	[sflag:s17] =	ssyncset.done $0x0  }
0x32: {  	[sflag:s17] =	ssyncadd.s32 $0xFFFFC000  }
0x33: {  	[spmem:s6] =	stream.linear.scatter [tilespmem:s16], [sflag:$0x5], $0x4000, $0x38;
	[tilespmem:$0x1F400] =	vst v63  }
0x34: {  	_ =	swait.ge [sflag:s17], $0x4000  }
0x35: {  	[sflag:s17] =	ssyncset.done $0x0  }
0x36: {  	[sflag:s17] =	ssyncadd.s32 $0xFFFFC000  }
0x37: {  	[spmem:s7] =	stream.linear.scatter [tilespmem:s16], [sflag:$0x5], $0x4000, $0x38;
	[tilespmem:$0x1F400] =	vst v63  }
0x38: {  	_ =	swait.ge [sflag:s17], $0x4000  }
0x39: {  	[sflag:s17] =	ssyncset.done $0x0  }
0x3a: {  	[sflag:s17] =	ssyncadd.s32 $0xFFFFC000  }
0x3b: {  	[spmem:s8] =	stream.linear.scatter [tilespmem:s16], [sflag:$0x5], $0x4000, $0x38;
	[tilespmem:$0x1F400] =	vst v63  }
0x3c: {  	_ =	swait.ge [sflag:s17], $0x4000  }
0x3d: {  	[sflag:s17] =	ssyncset.done $0x0  }
0x3e: {  	[sflag:s17] =	ssyncadd.s32 $0xFFFFC000  }
0x3f: {  	[spmem:s9] =	stream.linear.scatter [tilespmem:s16], [sflag:$0x5], $0x3C00, $0x38;
	[tilespmem:$0x1F400] =	vst v63  }
0x40: {  	_ =	swait.ge [sflag:s17], $0x3C00  }
0x41: {  	[sflag:s17] =	ssyncset.done $0x0  }
0x42: {  	[sflag:s17] =	ssyncadd.s32 $0xFFFFC400  }
0x43: {  	s29 =	simm.s32 $0x0;
	[bflag:$0x0] =	sbarrier.arrive $0xFFFF  }
0x44: {  	[tilespmem:s29], [sflag:$0x5] =	stream.linear.gather [hbm4b:s10+s29], $0x1C00, $0x38;
	[tilespmem:$0x1F400] =	vst v63  }
0x45: {  	_ =	swait.ge [sflag:s17], $0x1C00  }
0x46: {  	[sflag:s17] =	ssyncset.done $0x0  }
.Ltmp3:
0x47: {  	[sflag:s17] =	ssyncadd.s32 $0xFFFFE400;
	(pc) =	sbr.rel @p0 .LBB2_9-.Ltmp3, $4  }
0x48: {  	[tilespmem:s18], [sflag:$0x5] =	stream.linear.gather [hbm4b:s11+s29], $0x1C00, $0x38;
	[tilespmem:$0x1F400] =	vst v63  }
0x49: {  	_ =	swait.ge [sflag:s17], $0x1C00  }
0x4a: {  	[sflag:s17] =	ssyncset.done $0x0  }
0x4b: {  	[sflag:s17] =	ssyncadd.s32 $0xFFFFE400  }
0x4c: {  	[tilespmem:s16], [sflag:$0x1] =	stream.indirect.gather [hbm4b:s4+s19], $0x80, s29, s19, $0xb8;
	[tilespmem:$0x1F400] =	vst v63  }
0x4d: {  	_ = 	snop  }
0x4e: {  	[tilespmem:s20], [sflag:$0x2] =	stream.indirect.gather [hbm4b:s4+s19], $0x80, s19, s19, $0xb8;
	[tilespmem:$0x1F400] =	vst v63  }
0x4f: {  	_ =	swait.ge [sflag:s21], $0x4000  }
0x50: {  	[sflag:s21] =	ssyncset.done $0x0  }
0x51: {  	s0 =	simm.s32 $0x1C00;
	[sflag:s21] =	ssyncadd.s32 $0xFFFFC000  }
0x52: {  	[spmem:s1] =	stream.indirect.scatter.add.f32 [tilespmem:s16], [sflag:$0x3], $0x80, s0, s19, $0xb8;
	[tilespmem:$0x1F400] =	vst v63  }
0x53: {  	_ =	swait.ge [sflag:s22], $0x4000  }
0x54: {  	[sflag:s22] =	ssyncset.done $0x0  }
0x55: {  	s31 =	simm.s32 $0x1C80;
	[sflag:s22] =	ssyncadd.s32 $0xFFFFC000  }
0x56: {  	[spmem:s1] =	stream.indirect.scatter.add.f32 [tilespmem:s20], [sflag:$0x4], $0x80, s31, s19, $0xb8;
	[tilespmem:$0x1F400] =	vst v63  }
0x57: {  	_ =	swait.ge [sflag:s23], $0x4000  }
0x58: {  	[sflag:s23] =	ssyncset.done $0x0  }
0x59: {  	s31 =	simm.s32 $0x100;
	[sflag:s23] =	ssyncadd.s32 $0xFFFFC000  }
0x5a: {  	[tilespmem:s16], [sflag:$0x1] =	stream.indirect.gather [hbm4b:s4+s19], $0x80, s31, s19, $0xb8;
	[tilespmem:$0x1F400] =	vst v63  }
0x5b: {  	_ =	swait.ge [sflag:s24], $0x4000  }
0x5c: {  	[sflag:s24] =	ssyncset.done $0x0  }
0x5d: {  	s29 =	simm.s32 $0x400;
	s30 =	simm.s32 $0x180;
	[sflag:s24] =	ssyncadd.s32 $0xFFFFC000  }
.LBB2_5:
0x5e: {  	[tilespmem:s20], [sflag:$0x2] =	stream.indirect.gather [hbm4b:s4+s19], $0x80, s30, s19, $0xb8;
	[tilespmem:$0x1F400] =	vst v63  }
0x5f: {  	s0 =	smov.u32 s29  }
0x60: {  	p1 =	sne.s32 s29, $0x6800;
	s29 =	sadd.s32 $0x400, s29;
	_ =	swait.ge [sflag:s21], $0x4000  }
0x61: {  	s0 =	sshra.s32 s0, $0x2;
	[sflag:s21] =	ssyncset.done $0x0  }
0x62: {  	s30 =	sadd.s32 $0x1C00, s0;
	[sflag:s21] =	ssyncadd.s32 $0xFFFFC000  }
0x63: {  	[spmem:s1] =	stream.indirect.scatter.add.f32 [tilespmem:s16], [sflag:$0x3], $0x80, s30, s19, $0xb8;
	[tilespmem:$0x1F400] =	vst v63  }
0x64: {  	_ =	swait.ge [sflag:s22], $0x4000  }
0x65: {  	[sflag:s22] =	ssyncset.done $0x0  }
0x66: {  	s30 =	sadd.s32 $0x1C80, s0;
	[sflag:s22] =	ssyncadd.s32 $0xFFFFC000  }
0x67: {  	[spmem:s1] =	stream.indirect.scatter.add.f32 [tilespmem:s20], [sflag:$0x4], $0x80, s30, s19, $0xb8;
	[tilespmem:$0x1F400] =	vst v63  }
0x68: {  	_ =	swait.ge [sflag:s23], $0x4000  }
0x69: {  	[sflag:s23] =	ssyncset.done $0x0  }
.Ltmp4:
0x6a: {  	s30 =	sadd.s32 $0x100, s0;
	[sflag:s23] =	ssyncadd.s32 $0xFFFFC000;
	(pc) =	sbr.rel @p1 .LBB2_5-.Ltmp4, $4  }
0x6b: {  	[tilespmem:s16], [sflag:$0x1] =	stream.indirect.gather [hbm4b:s4+s19], $0x80, s30, s19, $0xb8;
	[tilespmem:$0x1F400] =	vst v63  }
0x6c: {  	_ =	swait.ge [sflag:s24], $0x4000  }
0x6d: {  	[sflag:s24] =	ssyncset.done $0x0  }
0x6e: {  	s30 =	sadd.s32 $0x180, s0;
	[sflag:s24] =	ssyncadd.s32 $0xFFFFC000  }
0x6f: {  	[tilespmem:s20], [sflag:$0x2] =	stream.indirect.gather [hbm4b:s4+s19], $0x80, s30, s19, $0xb8;
	[tilespmem:$0x1F400] =	vst v63  }
0x70: {  	_ =	swait.ge [sflag:s21], $0x4000  }
0x71: {  	[sflag:s21] =	ssyncset.done $0x0  }
0x72: {  	[sflag:s21] =	ssyncadd.s32 $0xFFFFC000  }
0x73: {  	[spmem:s1] =	stream.indirect.scatter.add.f32 [tilespmem:s16], [sflag:$0x3], $0x80, s25, s19, $0xb8;
	[tilespmem:$0x1F400] =	vst v63  }
0x74: {  	_ =	swait.ge [sflag:s22], $0x4000  }
0x75: {  	[sflag:s22] =	ssyncset.done $0x0  }
0x76: {  	[sflag:s22] =	ssyncadd.s32 $0xFFFFC000  }
0x77: {  	[spmem:s1] =	stream.indirect.scatter.add.f32 [tilespmem:s20], [sflag:$0x4], $0x80, s26, s19, $0xb8;
	[tilespmem:$0x1F400] =	vst v63  }
0x78: {  	_ =	swait.ge [sflag:s23], $0x4000  }
0x79: {  	[sflag:s23] =	ssyncset.done $0x0  }
0x7a: {  	[sflag:s23] =	ssyncadd.s32 $0xFFFFC000  }
0x7b: {  	_ =	swait.ge [sflag:s24], $0x4000  }
0x7c: {  	[sflag:s24] =	ssyncset.done $0x0  }
0x7d: {  	s0 =	simm.s32 $0x0;
	[sflag:s24] =	ssyncadd.s32 $0xFFFFC000  }
0x7e: {  	[tilespmem:s0], [sflag:$0x5] =	stream.linear.gather [hbm4b:s12+s0], $0x1C00, $0x38;
	[tilespmem:$0x1F400] =	vst v63  }
0x7f: {  	_ =	swait.ge [sflag:s17], $0x1C00  }
0x80: {  	[sflag:s17] =	ssyncset.done $0x0  }
0x81: {  	[sflag:s17] =	ssyncadd.s32 $0xFFFFE400  }
0x82: {  	[tilespmem:s18], [sflag:$0x5] =	stream.linear.gather [hbm4b:s13+s0], $0x1C00, $0x38;
	[tilespmem:$0x1F400] =	vst v63  }
0x83: {  	_ =	swait.ge [sflag:s17], $0x1C00  }
0x84: {  	[sflag:s17] =	ssyncset.done $0x0  }
0x85: {  	[sflag:s17] =	ssyncadd.s32 $0xFFFFE400  }
0x86: {  	[tilespmem:s16], [sflag:$0x1] =	stream.indirect.gather [hbm4b:s4+s19], $0x80, s0, s19, $0xb8;
	[tilespmem:$0x1F400] =	vst v63  }
0x87: {  	_ = 	snop  }
0x88: {  	[tilespmem:s20], [sflag:$0x2] =	stream.indirect.gather [hbm4b:s4+s19], $0x80, s19, s19, $0xb8;
	[tilespmem:$0x1F400] =	vst v63  }
0x89: {  	_ =	swait.ge [sflag:s21], $0x4000  }
0x8a: {  	[sflag:s21] =	ssyncset.done $0x0  }
0x8b: {  	s31 =	simm.s32 $0x1C00;
	[sflag:s21] =	ssyncadd.s32 $0xFFFFC000  }
0x8c: {  	[spmem:s1] =	stream.indirect.scatter.add.f32 [tilespmem:s16], [sflag:$0x3], $0x80, s31, s19, $0xb8;
	[tilespmem:$0x1F400] =	vst v63  }
0x8d: {  	_ =	swait.ge [sflag:s22], $0x4000  }
0x8e: {  	[sflag:s22] =	ssyncset.done $0x0  }
0x8f: {  	s31 =	simm.s32 $0x1C80;
	[sflag:s22] =	ssyncadd.s32 $0xFFFFC000  }
0x90: {  	[spmem:s1] =	stream.indirect.scatter.add.f32 [tilespmem:s20], [sflag:$0x4], $0x80, s31, s19, $0xb8;
	[tilespmem:$0x1F400] =	vst v63  }
0x91: {  	_ =	swait.ge [sflag:s23], $0x4000  }
0x92: {  	[sflag:s23] =	ssyncset.done $0x0  }
0x93: {  	s31 =	simm.s32 $0x100;
	[sflag:s23] =	ssyncadd.s32 $0xFFFFC000  }
0x94: {  	[tilespmem:s16], [sflag:$0x1] =	stream.indirect.gather [hbm4b:s4+s19], $0x80, s31, s19, $0xb8;
	[tilespmem:$0x1F400] =	vst v63  }
0x95: {  	_ =	swait.ge [sflag:s24], $0x4000  }
0x96: {  	[sflag:s24] =	ssyncset.done $0x0  }
0x97: {  	s29 =	simm.s32 $0x400;
	s30 =	simm.s32 $0x180;
	[sflag:s24] =	ssyncadd.s32 $0xFFFFC000  }
.LBB2_7:
0x98: {  	[tilespmem:s20], [sflag:$0x2] =	stream.indirect.gather [hbm4b:s4+s19], $0x80, s30, s19, $0xb8;
	[tilespmem:$0x1F400] =	vst v63  }
0x99: {  	s0 =	smov.u32 s29  }
0x9a: {  	p1 =	sne.s32 s29, $0x6800;
	s29 =	sadd.s32 $0x400, s29;
	_ =	swait.ge [sflag:s21], $0x4000  }
0x9b: {  	s0 =	sshra.s32 s0, $0x2;
	[sflag:s21] =	ssyncset.done $0x0  }
0x9c: {  	s30 =	sadd.s32 $0x1C00, s0;
	[sflag:s21] =	ssyncadd.s32 $0xFFFFC000  }
0x9d: {  	[spmem:s1] =	stream.indirect.scatter.add.f32 [tilespmem:s16], [sflag:$0x3], $0x80, s30, s19, $0xb8;
	[tilespmem:$0x1F400] =	vst v63  }
0x9e: {  	_ =	swait.ge [sflag:s22], $0x4000  }
0x9f: {  	[sflag:s22] =	ssyncset.done $0x0  }
0xa0: {  	s30 =	sadd.s32 $0x1C80, s0;
	[sflag:s22] =	ssyncadd.s32 $0xFFFFC000  }
0xa1: {  	[spmem:s1] =	stream.indirect.scatter.add.f32 [tilespmem:s20], [sflag:$0x4], $0x80, s30, s19, $0xb8;
	[tilespmem:$0x1F400] =	vst v63  }
0xa2: {  	_ =	swait.ge [sflag:s23], $0x4000  }
0xa3: {  	[sflag:s23] =	ssyncset.done $0x0  }
.Ltmp5:
0xa4: {  	s30 =	sadd.s32 $0x100, s0;
	[sflag:s23] =	ssyncadd.s32 $0xFFFFC000;
	(pc) =	sbr.rel @p1 .LBB2_7-.Ltmp5, $4  }
0xa5: {  	[tilespmem:s16], [sflag:$0x1] =	stream.indirect.gather [hbm4b:s4+s19], $0x80, s30, s19, $0xb8;
	[tilespmem:$0x1F400] =	vst v63  }
0xa6: {  	_ =	swait.ge [sflag:s24], $0x4000  }
0xa7: {  	[sflag:s24] =	ssyncset.done $0x0  }
0xa8: {  	s30 =	sadd.s32 $0x180, s0;
	[sflag:s24] =	ssyncadd.s32 $0xFFFFC000  }
0xa9: {  	[tilespmem:s20], [sflag:$0x2] =	stream.indirect.gather [hbm4b:s4+s19], $0x80, s30, s19, $0xb8;
	[tilespmem:$0x1F400] =	vst v63  }
0xaa: {  	_ =	swait.ge [sflag:s21], $0x4000  }
0xab: {  	[sflag:s21] =	ssyncset.done $0x0  }
0xac: {  	[sflag:s21] =	ssyncadd.s32 $0xFFFFC000  }
0xad: {  	[spmem:s1] =	stream.indirect.scatter.add.f32 [tilespmem:s16], [sflag:$0x3], $0x80, s25, s19, $0xb8;
	[tilespmem:$0x1F400] =	vst v63  }
0xae: {  	_ =	swait.ge [sflag:s22], $0x4000  }
0xaf: {  	[sflag:s22] =	ssyncset.done $0x0  }
0xb0: {  	[sflag:s22] =	ssyncadd.s32 $0xFFFFC000  }
0xb1: {  	[spmem:s1] =	stream.indirect.scatter.add.f32 [tilespmem:s20], [sflag:$0x4], $0x80, s26, s19, $0xb8;
	[tilespmem:$0x1F400] =	vst v63  }
0xb2: {  	_ =	swait.ge [sflag:s23], $0x4000  }
.Ltmp6:
0xb3: {  	[sflag:s23] =	ssyncset.done $0x0;
	(pc) =	sbr.rel .LBB2_14-.Ltmp6, $4  }
0xb4: {  	[sflag:s23] =	ssyncadd.s32 $0xFFFFC000  }
0xb5: {  	_ =	swait.ge [sflag:s24], $0x4000  }
0xb6: {  	[sflag:s24] =	ssyncset.done $0x0  }
0xb7: {  	[sflag:s24] =	ssyncadd.s32 $0xFFFFC000  }
.LBB2_9:
0xb8: {  	s0 =	simm.s32 $0x0  }
0xb9: {  	[tilespmem:s16], [sflag:$0x1] =	stream.indirect.gather [hbm4b:s4+s19], $0x80, s0, s19, $0xb8;
	[tilespmem:$0x1F400] =	vst v63  }
0xba: {  	_ =	swait.ge [sflag:s21], $0x4000  }
0xbb: {  	[sflag:s21] =	ssyncset.done $0x0  }
0xbc: {  	s31 =	simm.s32 $0x1C00;
	[sflag:s21] =	ssyncadd.s32 $0xFFFFC000  }
0xbd: {  	[spmem:s1] =	stream.indirect.scatter.add.f32 [tilespmem:s16], [sflag:$0x5], $0x80, s31, s19, $0xb8;
	[tilespmem:$0x1F400] =	vst v63  }
0xbe: {  	_ =	swait.ge [sflag:s17], $0x4000  }
0xbf: {  	s29 =	simm.s32 $0x200;
	s30 =	simm.s32 $0x400;
	[sflag:s17] =	ssyncset.done $0x0  }
.LBB2_10:
0xc0: {  	s0 =	sshra.s32 s29, $0x2  }
0xc1: {  	[sflag:s17] =	ssyncadd.s32 $0xFFFFC000;
	s29 =	smov.u32 s30;
	s31 =	sadd.s32 $0x200, s30  }
0xc2: {  	[tilespmem:s16], [sflag:$0x1] =	stream.indirect.gather [hbm4b:s4+s19], $0x80, s0, s19, $0xb8;
	[tilespmem:$0x1F400] =	vst v63  }
0xc3: {  	p1 =	sne.s32 s30, $0x2C00;
	_ =	swait.ge [sflag:s21], $0x4000  }
.Ltmp7:
0xc4: {  	[sflag:s21] =	ssyncset.done $0x0;
	(pc) =	sbr.rel @p1 .LBB2_10-.Ltmp7, $4  }
0xc5: {  	s0 =	sadd.s32 $0x1C00, s0;
	[sflag:s21] =	ssyncadd.s32 $0xFFFFC000  }
0xc6: {  	[spmem:s1] =	stream.indirect.scatter.add.f32 [tilespmem:s16], [sflag:$0x5], $0x80, s0, s19, $0xb8;
	[tilespmem:$0x1F400] =	vst v63  }
0xc7: {  	_ =	swait.ge [sflag:s17], $0x4000  }
0xc8: {  	s30 =	smov.u32 s31;
	[sflag:s17] =	ssyncset.done $0x0  }
0xc9: {  	s0 =	sshra.s32 s29, $0x2;
	[sflag:s17] =	ssyncadd.s32 $0xFFFFC000  }
0xca: {  	[tilespmem:s16], [sflag:$0x1] =	stream.indirect.gather [hbm4b:s4+s19], $0x80, s0, s19, $0xb8;
	[tilespmem:$0x1F400] =	vst v63  }
0xcb: {  	_ =	swait.ge [sflag:s21], $0x4000  }
0xcc: {  	[sflag:s21] =	ssyncset.done $0x0  }
0xcd: {  	s0 =	sadd.s32 $0x1C00, s0;
	[sflag:s21] =	ssyncadd.s32 $0xFFFFC000  }
0xce: {  	[spmem:s1] =	stream.indirect.scatter.add.f32 [tilespmem:s16], [sflag:$0x5], $0x80, s0, s19, $0xb8;
	[tilespmem:$0x1F400] =	vst v63  }
0xcf: {  	_ =	swait.ge [sflag:s17], $0x4000  }
0xd0: {  	[sflag:s17] =	ssyncset.done $0x0  }
0xd1: {  	s31 =	simm.s32 $0x0;
	[sflag:s17] =	ssyncadd.s32 $0xFFFFC000  }
0xd2: {  	[tilespmem:s31], [sflag:$0x5] =	stream.linear.gather [hbm4b:s12+s31], $0x1C00, $0x38;
	[tilespmem:$0x1F400] =	vst v63  }
0xd3: {  	_ =	swait.ge [sflag:s17], $0x1C00  }
0xd4: {  	[sflag:s17] =	ssyncset.done $0x0  }
0xd5: {  	[sflag:s17] =	ssyncadd.s32 $0xFFFFE400  }
0xd6: {  	[tilespmem:s18], [sflag:$0x5] =	stream.linear.gather [hbm4b:s13+s31], $0x1C00, $0x38;
	[tilespmem:$0x1F400] =	vst v63  }
0xd7: {  	_ =	swait.ge [sflag:s17], $0x1C00  }
0xd8: {  	[sflag:s17] =	ssyncset.done $0x0  }
0xd9: {  	s31 =	simm.s32 $0x0;
	[sflag:s17] =	ssyncadd.s32 $0xFFFFE400  }
0xda: {  	[tilespmem:s16], [sflag:$0x1] =	stream.indirect.gather [hbm4b:s4+s19], $0x80, s31, s19, $0xb8;
	[tilespmem:$0x1F400] =	vst v63  }
0xdb: {  	_ =	swait.ge [sflag:s21], $0x4000  }
0xdc: {  	[sflag:s21] =	ssyncset.done $0x0  }
0xdd: {  	s31 =	simm.s32 $0x1C00;
	[sflag:s21] =	ssyncadd.s32 $0xFFFFC000  }
0xde: {  	[spmem:s1] =	stream.indirect.scatter.add.f32 [tilespmem:s16], [sflag:$0x5], $0x80, s31, s19, $0xb8;
	[tilespmem:$0x1F400] =	vst v63  }
0xdf: {  	_ =	swait.ge [sflag:s17], $0x4000  }
0xe0: {  	s29 =	simm.s32 $0x200;
	s30 =	simm.s32 $0x400;
	[sflag:s17] =	ssyncset.done $0x0  }
.LBB2_12:
0xe1: {  	s0 =	sshra.s32 s29, $0x2  }
0xe2: {  	[sflag:s17] =	ssyncadd.s32 $0xFFFFC000;
	s29 =	smov.u32 s30;
	s31 =	sadd.s32 $0x200, s30  }
0xe3: {  	[tilespmem:s16], [sflag:$0x1] =	stream.indirect.gather [hbm4b:s4+s19], $0x80, s0, s19, $0xb8;
	[tilespmem:$0x1F400] =	vst v63  }
0xe4: {  	p1 =	sne.s32 s30, $0x2C00;
	_ =	swait.ge [sflag:s21], $0x4000  }
.Ltmp8:
0xe5: {  	[sflag:s21] =	ssyncset.done $0x0;
	(pc) =	sbr.rel @p1 .LBB2_12-.Ltmp8, $4  }
0xe6: {  	s0 =	sadd.s32 $0x1C00, s0;
	[sflag:s21] =	ssyncadd.s32 $0xFFFFC000  }
0xe7: {  	[spmem:s1] =	stream.indirect.scatter.add.f32 [tilespmem:s16], [sflag:$0x5], $0x80, s0, s19, $0xb8;
	[tilespmem:$0x1F400] =	vst v63  }
0xe8: {  	_ =	swait.ge [sflag:s17], $0x4000  }
0xe9: {  	s30 =	smov.u32 s31;
	[sflag:s17] =	ssyncset.done $0x0  }
.Ltmp9:
0xea: {  	_ = 	snop;
	(pc) =	sbr.rel .LBB2_13-.Ltmp9, $1  }
0xeb: {  	_ =	sdelay $0x3  }
.LBB2_15:
0xec: {  	_ =	sfence.sel $0x180000  }
0xed: {  	[bflag:$0x0] =	sbarrier.arrive $0xFFFF  }
0xee: {  	_ =	strace $0x9000004D  }
0xef: {  	[bflag:$0x2] =	sbarrier.arrive $0xFFFF  }
0xf0: {  	p0 =	sne.s32 s2, $0x0;
	s0 =	rddreg [dreg:$0x3]  }
0xf1: {  	s0 =	sadd.s32 @!p0 $0x100000, s0  }
0xf2: {  	[sflag:s0] =	ssyncadd.tile.s32 @!p0 $0x1;
	_ =	shalt  }
.Lfunc_end2:
_tile_overlayer_lowered:
.L_overlay_start_2:
0xf3: {  	(tag) =	ssettag $0x2  }
0xf4: {  	s0 =	rddreg [dreg:$0x0];
	s2 =	stileid.u32  }
0xf5: {  	s1 =	rddreg [dreg:$0x1];
	p0 =	sne.s32 s2, $0x0  }
0xf6: {  	s3 =	rddreg [dreg:$0x2];
	[bflag:$0x3] =	sbarrier.arrive $0xFFFF;
	s2 =	simm.s32 @!p0 $0x1C05  }
0xf7: {  	[timem:s3], [sflag:s2] =	dma.local @!p0 [hbm:s0], s1  }
0xf8: {  	s0 =	simm.s32 @!p0 $0x5  }
0xf9: {  	_ =	swait.ge @!p0 [sflag:s0], s1  }
0xfa: {  	s1 =	ssub.s32 @!p0 $0x0, s1;
	[sflag:s0] =	ssyncset.done @!p0 $0x0  }
0xfb: {  	[sflag:s0] =	ssyncadd.s32 @!p0 s1  }
0xfc: {  	[bflag:$0x3] =	sbarrier.arrive $0xFFFF  }
0xfd: {  	_ =	shalt  }

// kernel: kernel.18.cloned.1.call-start
scs
__scs_entry_jumppad:
0x0: {  	(pc) =	sbr.rel $0x88, $3  }
0x1: {  	(tag) =	ssettag $0x0;
	lr =	simm.s32 $0x1  }
0x2: {  	[smem:$0x3F90] =	sst lr;
	_ =	strace $0xD0000000  }
0x3: {  	_ = 	snop  }
0x4: {  	_ = 	snop  }
0x5: {  	_ = 	snop  }
0x6: {  	_ = 	snop  }
0x7: {  	_ = 	snop  }
__scs_overlays_trampoline_lowered:
0x8: {  	[smem:$0x3F9F] =	sst s0  }
0x9: {  	[smem:$0x3FA0] =	sst s1  }
0xa: {  	[smem:$0x3FA1] =	sst s2  }
0xb: {  	[smem:$0x3FA2] =	sst s3  }
0xc: {  	[smem:$0x3FA3] =	sst s4  }
0xd: {  	[smem:$0x3FA4] =	sst s5  }
0xe: {  	[smem:$0x3FA5] =	sst s6  }
0xf: {  	[smem:$0x3FA6] =	sst s7  }
0x10: {  	[smem:$0x3FA7] =	sst s8  }
0x11: {  	[smem:$0x3FA8] =	sst s9;
	s0 =	simm.s32 @!p0 $0x0  }
0x12: {  	s1 =	sld [smem:$0x3F8E];
	s0 =	simm.s32 @p0 $0x1  }
0x13: {  	[smem:$0x3FA9] =	sst s0;
	s0 =	simm.s32 @!p1 $0x0  }
0x14: {  	s2 =	sld [smem:$0x3F8D];
	s0 =	simm.s32 @p1 $0x1  }
0x15: {  	[smem:$0x3FAA] =	sst s0;
	s0 =	simm.s32 @!p2 $0x0  }
0x16: {  	s3 =	sld [smem:$0x3FDB];
	s0 =	simm.s32 @p2 $0x1  }
0x17: {  	s4 =	simm.s32 $0x1BF5;
	[smem:$0x3FAC] =	sst s0  }
0x18: {  	s0 =	sld [smem:$0x3F8F];
	_ =	swait.ge [sflag:s4], $0x0  }
0x19: {  	s7 =	sld [smem:$0x3F90]  }
0x1a: {  	s8 =	sadd.s32 $0xFFFFE003, lr  }
0x1b: {  	s9 =	sadd.s32 $0xFFFFFEF7, lr;
	s5 =	simm.s32 $0xFFFFFFFF;
	p2 =	slt.u32 s8, $0xFFFFF086  }
0x1c: {  	p1 =	slt.u32 s9, $0xF7A;
	s5 =	simm.s32 @!p2 $0x0  }
0x1d: {  	s5 =	simm.s32 @p1 $0x1;
	p0 =	seq.s32 s7, s2  }
0x1e: {  	s7 =	smul.u32 @!p0 $0xF7A, s2;
	p2 =	seq.s32 @!p0 s5, $0x0  }
0x1f: {  	s9 =	smul.u32 $0xF7A, s1;
	s8 =	simm.s32 @!p0 $0x1BF5;
	p2 =	por !p2, p0  }
0x20: {  	[sflag:s8] =	ssyncset.s32 @!p0 $0xFFFFF086;
	s6 =	sadd.s32 @!p0 s3, s7;
	s7 =	simm.s32 @!p0 $0x108  }
0x21: {  	s3 =	sadd.s32 s3, s9;
	s6 =	sadd.s32 @!p0 $0x88, s6;
	s7 =	simm.s32 @p2 $0x1082  }
0x22: {  	[simem:s7], [sflag:s8] =	dma.local @!p0 [hbm:s6], $0xF7A  }
0x23: {  	s9 =	sor.u32 $0xD0000000, s2;
	s6 =	simm.s32 $0x108;
	_ =	swait.ge @!p0 [sflag:s8], $0x0  }
0x24: {  	s3 =	sadd.s32 $0x88, s3;
	s6 =	simm.s32 @!p1 $0x1082;
	[sflag:s4] =	ssyncset.s32 $0xFFFFF086  }
0x25: {  	[simem:s6], [sflag:s4] =	dma.local [hbm:s3], $0xF7A  }
0x26: {  	[smem:$0x3F90] =	sst s1;
	(tag) =	ssettag s2;
	_ =	strace s9  }
0x27: {  	s1 =	sld [smem:$0x3FA0]  }
0x28: {  	s2 =	sld [smem:$0x3FA1]  }
0x29: {  	s4 =	sld [smem:$0x3FA3]  }
0x2a: {  	p0 =	seq.s32 s5, $0x0;
	s5 =	sld [smem:$0x3FA4]  }
0x2b: {  	s6 =	sld [smem:$0x3FA5]  }
0x2c: {  	s7 =	sld [smem:$0x3FA6]  }
0x2d: {  	s3 =	simm.s32 $0x108;
	s8 =	sld [smem:$0x3FA7]  }
0x2e: {  	s3 =	simm.s32 @!p0 $0x1082;
	s9 =	sld [smem:$0x3FA8]  }
0x2f: {  	lr =	sadd.s32 s0, s3;
	s0 =	sld [smem:$0x3F9F]  }
0x30: {  	s3 =	sld [smem:$0x3FA2]  }
0x31: {  	[smem:$0x3FAB] =	sst s10  }
0x32: {  	s10 =	sld [smem:$0x3FA9];
	_ =	sdelay $0x3  }
0x33: {  	p0 =	seq.s32 s10, $0x1;
	s10 =	sld [smem:$0x3FAB];
	_ =	sdelay $0x3  }
0x34: {  	[smem:$0x3FAB] =	sst s10  }
0x35: {  	s10 =	sld [smem:$0x3FAA];
	_ =	sdelay $0x3  }
0x36: {  	p1 =	seq.s32 s10, $0x1;
	s10 =	sld [smem:$0x3FAB];
	_ =	sdelay $0x3  }
0x37: {  	[smem:$0x3FAB] =	sst s10  }
0x38: {  	s10 =	sld [smem:$0x3FAC]  }
0x39: {  	_ = 	snop;
	(pc) =	sbr.ind lr, $3  }
0x3a: {  	_ = 	snop  }
0x3b: {  	_ = 	snop  }
0x3c: {  	p2 =	seq.s32 s10, $0x1;
	s10 =	sld [smem:$0x3FAB]  }
0x3d: {  	_ =	shalt  }
0x3e: {  	_ =	shalt  }
0x3f: {  	_ =	shalt  }
0x40: {  	_ =	shalt  }
0x41: {  	_ =	shalt  }
0x42: {  	_ =	shalt  }
0x43: {  	_ =	shalt  }
0x44: {  	_ =	shalt  }
0x45: {  	_ =	shalt  }
0x46: {  	_ =	shalt  }
0x47: {  	_ =	shalt  }
0x48: {  	_ =	shalt  }
0x49: {  	_ =	shalt  }
0x4a: {  	_ =	shalt  }
0x4b: {  	_ =	shalt  }
0x4c: {  	_ =	shalt  }
0x4d: {  	_ =	shalt  }
0x4e: {  	_ =	shalt  }
0x4f: {  	_ =	shalt  }
0x50: {  	_ =	shalt  }
0x51: {  	_ =	shalt  }
0x52: {  	_ =	shalt  }
0x53: {  	_ =	shalt  }
0x54: {  	_ =	shalt  }
0x55: {  	_ =	shalt  }
0x56: {  	_ =	shalt  }
0x57: {  	_ =	shalt  }
0x58: {  	_ =	shalt  }
0x59: {  	_ =	shalt  }
0x5a: {  	_ =	shalt  }
0x5b: {  	_ =	shalt  }
0x5c: {  	_ =	shalt  }
0x5d: {  	_ =	shalt  }
0x5e: {  	_ =	shalt  }
0x5f: {  	_ =	shalt  }
0x60: {  	_ =	shalt  }
0x61: {  	_ =	shalt  }
0x62: {  	_ =	shalt  }
0x63: {  	_ =	shalt  }
0x64: {  	_ =	shalt  }
0x65: {  	_ =	shalt  }
0x66: {  	_ =	shalt  }
0x67: {  	_ =	shalt  }
0x68: {  	_ =	shalt  }
0x69: {  	_ =	shalt  }
0x6a: {  	_ =	shalt  }
0x6b: {  	_ =	shalt  }
0x6c: {  	_ =	shalt  }
0x6d: {  	_ =	shalt  }
0x6e: {  	_ =	shalt  }
0x6f: {  	_ =	shalt  }
0x70: {  	_ =	shalt  }
0x71: {  	_ =	shalt  }
0x72: {  	_ =	shalt  }
0x73: {  	_ =	shalt  }
0x74: {  	_ =	shalt  }
0x75: {  	_ =	shalt  }
0x76: {  	_ =	shalt  }
0x77: {  	_ =	shalt  }
0x78: {  	_ =	shalt  }
0x79: {  	_ =	shalt  }
0x7a: {  	_ =	shalt  }
0x7b: {  	_ =	shalt  }
0x7c: {  	_ =	shalt  }
0x7d: {  	_ =	shalt  }
0x7e: {  	_ =	shalt  }
0x7f: {  	_ =	shalt  }
0x80: {  	_ =	shalt  }
0x81: {  	_ =	shalt  }
0x82: {  	_ =	shalt  }
0x83: {  	_ =	shalt  }
0x84: {  	_ =	shalt  }
0x85: {  	_ =	shalt  }
0x86: {  	_ =	shalt  }
0x87: {  	_ =	shalt  }
.Lfunc_end0:
.L_simem_size_0:
called_computation.3_lowered:
.L_overlay_start_0:
0x88: {  	s2 =	sld [smem:$0x3FD9]  }
0x89: {  	s3 =	sld [smem:$0x3FFE];
	_ =	sdelay $0x1  }
0x8a: {  	s1 =	srdreg.scid  }
0x8b: {  	s0 =	sand.u32 $0x1, s1  }
0x8c: {  	s17 =	sshll.u32 s0, $0xA;
	s2 =	sadd.s32 s3, s2  }
0x8d: {  	s2 =	sadd.s32 s2, s17  }
0x8e: {  	[smem:$0x3FB7] =	sst s2  }
0x8f: {  	_ = 	snop  }
0x90: {  	s2 =	sld [smem:$0x3FD0];
	(tm) =	ssettm $0x1  }
0x91: {  	s18 =	sld [smem:$0x3FFB];
	_ =	sdelay $0x3  }
0x92: {  	_ =	strace s18  }
0x93: {  	s3 =	sld [smem:$0x3FFC];
	_ =	sdelay $0x3  }
0x94: {  	_ =	strace s3  }
0x95: {  	s3 =	sld [smem:$0x3FFD];
	_ =	sdelay $0x3  }
0x96: {  	_ =	strace s3  }
0x97: {  	_ =	strace $0x8FFFFFFF  }
0x98: {  	s19 =	sld [smem:$0x3FDB];
	_ =	sdelay $0x1  }
0x99: {  	s4 =	simm.s32 $_scs_section_size  }
0x9a: {  	s5 =	simm.s32 $_size__tile_overlayer_lowered;
	s6 =	simm.s32 $_tile_overlayer_lowered  }
0x9b: {  	s22 =	simm.s32 $0x1BFF;
	s21 =	sshll.u32 s6, $0x1;
	s3 =	sadd.s32 s4, s19  }
0x9c: {  	s7 =	simm.s32 $0x0;
	s20 =	sshll.u32 s5, $0x1;
	s5 =	sadd.s32 s21, s3  }
0x9d: {  	[timem:s7], [sflag:s22] =	dma.local [hbm:s5], s20  }
0x9e: {  	_ =	swait.ge [sflag:s22], s20  }
0x9f: {  	s4 =	ssub.s32 $0x0, s20;
	[sflag:s22] =	ssyncset.done $0x0  }
0xa0: {  	[sflag:s22] =	ssyncadd.s32 s4;
	_ =	sdelay $0x1  }
0xa1: {  	s23 =	simm.s32 $0x1B8B  }
0xa2: {  	_ =	swait.ge [sflag:s23], $0x1  }
0xa3: {  	[sflag:s23] =	ssyncset.done $0x0  }
0xa4: {  	s25 =	simm.s32 $0x1B8E;
	s24 =	sld [smem:$0x3FFE];
	[sflag:s23] =	ssyncadd.s32 $0xFFFFFFFF  }
0xa5: {  	s26 =	simm.s32 $execute0_lowered;
	[smem:$0x3FD2] =	sst s25  }
0xa6: {  	s5 =	sshll.u32 s26, $0x1;
	_ =	strace $0x8000004F;
	[dreg:$0x1] =	wrdreg $0xFFFFFFFF  }
0xa7: {  	s28 =	simm.s32 $_size_execute0_lowered;
	s3 =	sadd.s32 s3, s5;
	[dreg:$0x0] =	wrdreg $0x0  }
0xa8: {  	s5 =	sshll.u32 s28, $0x1;
	[dreg:$0x2] =	wrdreg s3  }
0xa9: {  	[dreg:$0x3] =	wrdreg s5  }
0xaa: {  	[dreg:$0x4] =	wrdreg $0xC0  }
0xab: {  	_ =	task [dreg:s7], $0x5FFFF  }
0xac: {  	[dreg:$0x1] =	wrdreg $0xFFFFFFFF  }
0xad: {  	[dreg:$0x0] =	wrdreg $0x60  }
0xae: {  	[dreg:$0x2] =	wrdreg s24  }
0xaf: {  	[dreg:$0x3] =	wrdreg s2  }
0xb0: {  	[dreg:$0x4] =	wrdreg $0xB8000  }
0xb1: {  	[dreg:$0x5] =	wrdreg $0x9  }
0xb2: {  	_ =	task.clear_ibuf [dreg:s7], $0x6FFFF;
	_ =	strace $0x9000004F  }
0xb3: {  	s29 =	simm.s32 $0x9;
	_ =	strace $0x80000051  }
0xb4: {  	_ =	swait.ge [sflag:s29], $0x1  }
0xb5: {  	[sflag:s29] =	ssyncadd.s32 $0xFFFFFFFF  }
0xb6: {  	_ =	strace $0x90000051  }
0xb7: {  	_ =	sfence  }
0xb8: {  	s30 =	sld [smem:$0x0];
	_ =	sdelay $0x2  }
0xb9: {  	s31 =	sshll.u32 s1, $0xD;
	s1 =	sshrl.u32 s1, $0x2  }
0xba: {  	s3 =	sand.u32 $0x4000, s31;
	s1 =	sadd.s32 s1, s30  }
0xbb: {  	s0 =	sor.u32 s3, s0;
	s1 =	sshll.u32 s1, $0x11  }
0xbc: {  	s0 =	sor.u32 s1, s0  }
0xbd: {  	s0 =	sadd.s32 $0x8F2B, s0  }
0xbe: {  	[sflag:s0] =	ssyncadd.remote.s32 $0x1  }
0xbf: {  	_ =	sfence.sel $0xFFFF  }
0xc0: {  	[dreg:$0x0] =	wrdreg $0xFFFFFFFF;
	(pc) =	sbr.abs _section_cstart, $3  }
0xc1: {  	[dreg:$0x1] =	wrdreg $0xFFFFFFFF  }
0xc2: {  	_ =	task.clear_ibuf [dreg:s7], $0x2FFFF;
	_ =	strace $0x9FFFFFFF  }
0xc3: {  	(tm) =	ssettm $0x7FFFFFFF  }
tec
execute0_lowered:
.L_overlay_start_1:
0x0: {  	(tag) =	ssettag $0x1  }
0x1: {  	s6 =	rddreg [dreg:$0x0]  }
0x2: {  	s12 =	rddreg [dreg:$0x1]  }
0x3: {  	s1 =	rddreg [dreg:$0x2]  }
0x4: {  	s2 =	srdreg.scid;
	s3 =	simm.s32 $0x0;
	s18 =	simm.s32 $0x1C00  }
0x5: {  	s19 =	simm.s32 $0x80;
	s20 =	simm.s32 $0x7800;
	s21 =	simm.s32 $0x1  }
0x6: {  	s22 =	simm.s32 $0x2;
	s23 =	simm.s32 $0x3;
	s24 =	simm.s32 $0x4  }
0x7: {  	s25 =	simm.s32 $0x3700;
	s16 =	sand.u32 $0x1, s2;
	s2 =	stileid.u32  }
0x8: {  	s28 =	simm.s32 $0x0;
	[smem:$0x7FF] =	sst s3;
	s5 =	smul.u32 $0x140000, s16  }
0x9: {  	s4 =	sadd.s32 $0x12A00, s6;
	s13 =	sadd.s32 $0x4A00, s6;
	s7 =	smul.u32 $0x13C00, s2  }
0xa: {  	_ =	strace $0x80000050;
	s26 =	smul.u32 $0x4F000, s2;
	s29 =	sshll.u32 s2, $0x1  }
0xb: {  	s9 =	ssub.s32 $0x2, s16;
	p0 =	sne.s32 s16, $0x0;
	s10 =	sor.u32 s16, s29  }
0xc: {  	s31 =	sshrl.u32 s9, $0x1;
	s16 =	simm.s32 $0x3800;
	s5 =	sadd.s32 s7, s5  }
0xd: {  	s30 =	sshrl.u32 s26, $0x2;
	s10 =	smul.u32 $0x3800, s10;
	s15 =	ssub.s32 s9, s31  }
0xe: {  	s26 =	simm.s32 $0x3780;
	s8 =	sshrl.u32 s5, $0x3;
	s5 =	sadd.s32 s30, s1  }
.Ltmp0:
0xf: {  	s15 =	smax.u32 s15, $0x1;
	s14 =	sadd.s32 s8, s6;
	(pc) =	sbr.rel .LBB2_1-.Ltmp0, $4  }
0x10: {  	s6 =	sadd.s32 $0x4000, s5;
	s7 =	sadd.s32 $0x8000, s5;
	s11 =	sshrl.u32 s10, $0x3  }
0x11: {  	s8 =	sadd.s32 $0xC000, s5;
	s9 =	sadd.s32 $0x10000, s5;
	s10 =	sadd.s32 s12, s11  }
0x12: {  	s17 =	sadd.s32 $0x380, s11;
	s11 =	sadd.s32 s13, s11;
	s14 =	sadd.s32 $0x3AA00, s14  }
0x13: {  	v0 =	vimm.f32 $0.0e+00;
	s12 =	sadd.s32 s12, s17;
	s13 =	sadd.s32 s13, s17;
	s17 =	simm.s32 $0x5  }
.LBB2_13:
0x14: {  	s0 =	sshra.s32 s29, $0x2;
	[sflag:s17] =	ssyncadd.s32 $0xFFFFC000  }
0x15: {  	[tilespmem:s16], [sflag:$0x1] =	stream.indirect.gather [hbm4b:s4+s19], $0x80, s0, s19, $0xb8;
	[tilespmem:$0x1F400] =	vst v63  }
0x16: {  	_ =	swait.ge [sflag:s21], $0x4000  }
0x17: {  	[sflag:s21] =	ssyncset.done $0x0  }
0x18: {  	s0 =	sadd.s32 $0x1C00, s0;
	[sflag:s21] =	ssyncadd.s32 $0xFFFFC000  }
0x19: {  	[spmem:s1] =	stream.indirect.scatter.add.f32 [tilespmem:s16], [sflag:$0x5], $0x80, s0, s19, $0xb8;
	[tilespmem:$0x1F400] =	vst v63  }
0x1a: {  	_ =	swait.ge [sflag:s17], $0x4000  }
0x1b: {  	[sflag:s17] =	ssyncset.done $0x0  }
0x1c: {  	[sflag:s17] =	ssyncadd.s32 $0xFFFFC000  }
.LBB2_14:
0x1d: {  	s28 =	sadd.s32 $0x1, s28  }
0x1e: {  	s0 =	sshll.u32 s2, $0x6;
	[bflag:$0x0] =	sbarrier.arrive $0xFFFF;
	p1 =	sne.s32 s28, s15  }
.Ltmp1:
0x1f: {  	s29 =	sshrl.u32 s5, $0x3;
	s0 =	sor.u32 $0x1C05, s0;
	(pc) =	sbr.rel @!p1 .LBB2_15-.Ltmp1, $4  }
0x20: {  	[hbm:s14], [sflag:s0] =	dma.local [spmem:s29], $0x2780  }
0x21: {  	_ =	swait.ge [sflag:s17], $0x2780  }
0x22: {  	[sflag:s17] =	ssyncset.done $0x0  }
0x23: {  	[sflag:s17] =	ssyncadd.s32 $0xFFFFD880  }
.LBB2_1:
0x24: {  	s29 =	sand.u32 $0xFE00, s3  }
0x25: {  	s30 =	sand.u32 $0x70, s3;
	s31 =	sshrl.u32 s29, $0x2  }
0x26: {  	s29 =	simm.s32 $0x40;
	s31 =	sor.u32 s30, s31;
	s30 =	simm.s32 $0x0  }
.LBB2_2:
0x27: {  	p1 =	sne.s32 s29, $0xFFC0  }
0x28: {  	[tilespmem:s31+$0x3800] =	vst v0;
	s30 =	sadd.s32 $0x10, s30;
	s31 =	smov.u32 s29;
	s29 =	sadd.s32 $0x40, s29  }
.Ltmp2:
0x29: {  	(pc) =	sbr.rel @p1 .LBB2_2-.Ltmp2, $4  }
0x2a: {  	_ = 	snop  }
0x2b: {  	s31 =	sand.u32 $0xFE00, s31  }
0x2c: {  	s0 =	sand.u32 $0x70, s30;
	s31 =	sshrl.u32 s31, $0x2  }
0x2d: {  	s31 =	sor.u32 s0, s31  }
0x2e: {  	[tilespmem:s31+$0x3800] =	vst v0  }
0x2f: {  	[spmem:s5] =	stream.linear.scatter [tilespmem:s16], [sflag:$0x5], $0x4000, $0x38;
	[tilespmem:$0x1F400] =	vst v63  }
0x30: {  	_ =	swait.ge [sflag:s17], $0x4000  }
0x31: {  	[sflag:s17] =	ssyncset.done $0x0  }
0x32: {  	[sflag:s17] =	ssyncadd.s32 $0xFFFFC000  }
0x33: {  	[spmem:s6] =	stream.linear.scatter [tilespmem:s16], [sflag:$0x5], $0x4000, $0x38;
	[tilespmem:$0x1F400] =	vst v63  }
0x34: {  	_ =	swait.ge [sflag:s17], $0x4000  }
0x35: {  	[sflag:s17] =	ssyncset.done $0x0  }
0x36: {  	[sflag:s17] =	ssyncadd.s32 $0xFFFFC000  }
0x37: {  	[spmem:s7] =	stream.linear.scatter [tilespmem:s16], [sflag:$0x5], $0x4000, $0x38;
	[tilespmem:$0x1F400] =	vst v63  }
0x38: {  	_ =	swait.ge [sflag:s17], $0x4000  }
0x39: {  	[sflag:s17] =	ssyncset.done $0x0  }
0x3a: {  	[sflag:s17] =	ssyncadd.s32 $0xFFFFC000  }
0x3b: {  	[spmem:s8] =	stream.linear.scatter [tilespmem:s16], [sflag:$0x5], $0x4000, $0x38;
	[tilespmem:$0x1F400] =	vst v63  }
0x3c: {  	_ =	swait.ge [sflag:s17], $0x4000  }
0x3d: {  	[sflag:s17] =	ssyncset.done $0x0  }
0x3e: {  	[sflag:s17] =	ssyncadd.s32 $0xFFFFC000  }
0x3f: {  	[spmem:s9] =	stream.linear.scatter [tilespmem:s16], [sflag:$0x5], $0x3C00, $0x38;
	[tilespmem:$0x1F400] =	vst v63  }
0x40: {  	_ =	swait.ge [sflag:s17], $0x3C00  }
0x41: {  	[sflag:s17] =	ssyncset.done $0x0  }
0x42: {  	[sflag:s17] =	ssyncadd.s32 $0xFFFFC400  }
0x43: {  	s29 =	simm.s32 $0x0;
	[bflag:$0x0] =	sbarrier.arrive $0xFFFF  }
0x44: {  	[tilespmem:s29], [sflag:$0x5] =	stream.linear.gather [hbm4b:s10+s29], $0x1C00, $0x38;
	[tilespmem:$0x1F400] =	vst v63  }
0x45: {  	_ =	swait.ge [sflag:s17], $0x1C00  }
0x46: {  	[sflag:s17] =	ssyncset.done $0x0  }
.Ltmp3:
0x47: {  	[sflag:s17] =	ssyncadd.s32 $0xFFFFE400;
	(pc) =	sbr.rel @p0 .LBB2_9-.Ltmp3, $4  }
0x48: {  	[tilespmem:s18], [sflag:$0x5] =	stream.linear.gather [hbm4b:s11+s29], $0x1C00, $0x38;
	[tilespmem:$0x1F400] =	vst v63  }
0x49: {  	_ =	swait.ge [sflag:s17], $0x1C00  }
0x4a: {  	[sflag:s17] =	ssyncset.done $0x0  }
0x4b: {  	[sflag:s17] =	ssyncadd.s32 $0xFFFFE400  }
0x4c: {  	[tilespmem:s16], [sflag:$0x1] =	stream.indirect.gather [hbm4b:s4+s19], $0x80, s29, s19, $0xb8;
	[tilespmem:$0x1F400] =	vst v63  }
0x4d: {  	_ = 	snop  }
0x4e: {  	[tilespmem:s20], [sflag:$0x2] =	stream.indirect.gather [hbm4b:s4+s19], $0x80, s19, s19, $0xb8;
	[tilespmem:$0x1F400] =	vst v63  }
0x4f: {  	_ =	swait.ge [sflag:s21], $0x4000  }
0x50: {  	[sflag:s21] =	ssyncset.done $0x0  }
0x51: {  	s0 =	simm.s32 $0x1C00;
	[sflag:s21] =	ssyncadd.s32 $0xFFFFC000  }
0x52: {  	[spmem:s1] =	stream.indirect.scatter.add.f32 [tilespmem:s16], [sflag:$0x3], $0x80, s0, s19, $0xb8;
	[tilespmem:$0x1F400] =	vst v63  }
0x53: {  	_ =	swait.ge [sflag:s22], $0x4000  }
0x54: {  	[sflag:s22] =	ssyncset.done $0x0  }
0x55: {  	s31 =	simm.s32 $0x1C80;
	[sflag:s22] =	ssyncadd.s32 $0xFFFFC000  }
0x56: {  	[spmem:s1] =	stream.indirect.scatter.add.f32 [tilespmem:s20], [sflag:$0x4], $0x80, s31, s19, $0xb8;
	[tilespmem:$0x1F400] =	vst v63  }
0x57: {  	_ =	swait.ge [sflag:s23], $0x4000  }
0x58: {  	[sflag:s23] =	ssyncset.done $0x0  }
0x59: {  	s31 =	simm.s32 $0x100;
	[sflag:s23] =	ssyncadd.s32 $0xFFFFC000  }
0x5a: {  	[tilespmem:s16], [sflag:$0x1] =	stream.indirect.gather [hbm4b:s4+s19], $0x80, s31, s19, $0xb8;
	[tilespmem:$0x1F400] =	vst v63  }
0x5b: {  	_ =	swait.ge [sflag:s24], $0x4000  }
0x5c: {  	[sflag:s24] =	ssyncset.done $0x0  }
0x5d: {  	s29 =	simm.s32 $0x400;
	s30 =	simm.s32 $0x180;
	[sflag:s24] =	ssyncadd.s32 $0xFFFFC000  }
.LBB2_5:
0x5e: {  	[tilespmem:s20], [sflag:$0x2] =	stream.indirect.gather [hbm4b:s4+s19], $0x80, s30, s19, $0xb8;
	[tilespmem:$0x1F400] =	vst v63  }
0x5f: {  	s0 =	smov.u32 s29  }
0x60: {  	p1 =	sne.s32 s29, $0x6800;
	s29 =	sadd.s32 $0x400, s29;
	_ =	swait.ge [sflag:s21], $0x4000  }
0x61: {  	s0 =	sshra.s32 s0, $0x2;
	[sflag:s21] =	ssyncset.done $0x0  }
0x62: {  	s30 =	sadd.s32 $0x1C00, s0;
	[sflag:s21] =	ssyncadd.s32 $0xFFFFC000  }
0x63: {  	[spmem:s1] =	stream.indirect.scatter.add.f32 [tilespmem:s16], [sflag:$0x3], $0x80, s30, s19, $0xb8;
	[tilespmem:$0x1F400] =	vst v63  }
0x64: {  	_ =	swait.ge [sflag:s22], $0x4000  }
0x65: {  	[sflag:s22] =	ssyncset.done $0x0  }
0x66: {  	s30 =	sadd.s32 $0x1C80, s0;
	[sflag:s22] =	ssyncadd.s32 $0xFFFFC000  }
0x67: {  	[spmem:s1] =	stream.indirect.scatter.add.f32 [tilespmem:s20], [sflag:$0x4], $0x80, s30, s19, $0xb8;
	[tilespmem:$0x1F400] =	vst v63  }
0x68: {  	_ =	swait.ge [sflag:s23], $0x4000  }
0x69: {  	[sflag:s23] =	ssyncset.done $0x0  }
.Ltmp4:
0x6a: {  	s30 =	sadd.s32 $0x100, s0;
	[sflag:s23] =	ssyncadd.s32 $0xFFFFC000;
	(pc) =	sbr.rel @p1 .LBB2_5-.Ltmp4, $4  }
0x6b: {  	[tilespmem:s16], [sflag:$0x1] =	stream.indirect.gather [hbm4b:s4+s19], $0x80, s30, s19, $0xb8;
	[tilespmem:$0x1F400] =	vst v63  }
0x6c: {  	_ =	swait.ge [sflag:s24], $0x4000  }
0x6d: {  	[sflag:s24] =	ssyncset.done $0x0  }
0x6e: {  	s30 =	sadd.s32 $0x180, s0;
	[sflag:s24] =	ssyncadd.s32 $0xFFFFC000  }
0x6f: {  	[tilespmem:s20], [sflag:$0x2] =	stream.indirect.gather [hbm4b:s4+s19], $0x80, s30, s19, $0xb8;
	[tilespmem:$0x1F400] =	vst v63  }
0x70: {  	_ =	swait.ge [sflag:s21], $0x4000  }
0x71: {  	[sflag:s21] =	ssyncset.done $0x0  }
0x72: {  	[sflag:s21] =	ssyncadd.s32 $0xFFFFC000  }
0x73: {  	[spmem:s1] =	stream.indirect.scatter.add.f32 [tilespmem:s16], [sflag:$0x3], $0x80, s25, s19, $0xb8;
	[tilespmem:$0x1F400] =	vst v63  }
0x74: {  	_ =	swait.ge [sflag:s22], $0x4000  }
0x75: {  	[sflag:s22] =	ssyncset.done $0x0  }
0x76: {  	[sflag:s22] =	ssyncadd.s32 $0xFFFFC000  }
0x77: {  	[spmem:s1] =	stream.indirect.scatter.add.f32 [tilespmem:s20], [sflag:$0x4], $0x80, s26, s19, $0xb8;
	[tilespmem:$0x1F400] =	vst v63  }
0x78: {  	_ =	swait.ge [sflag:s23], $0x4000  }
0x79: {  	[sflag:s23] =	ssyncset.done $0x0  }
0x7a: {  	[sflag:s23] =	ssyncadd.s32 $0xFFFFC000  }
0x7b: {  	_ =	swait.ge [sflag:s24], $0x4000  }
0x7c: {  	[sflag:s24] =	ssyncset.done $0x0  }
0x7d: {  	s0 =	simm.s32 $0x0;
	[sflag:s24] =	ssyncadd.s32 $0xFFFFC000  }
0x7e: {  	[tilespmem:s0], [sflag:$0x5] =	stream.linear.gather [hbm4b:s12+s0], $0x1C00, $0x38;
	[tilespmem:$0x1F400] =	vst v63  }
0x7f: {  	_ =	swait.ge [sflag:s17], $0x1C00  }
0x80: {  	[sflag:s17] =	ssyncset.done $0x0  }
0x81: {  	[sflag:s17] =	ssyncadd.s32 $0xFFFFE400  }
0x82: {  	[tilespmem:s18], [sflag:$0x5] =	stream.linear.gather [hbm4b:s13+s0], $0x1C00, $0x38;
	[tilespmem:$0x1F400] =	vst v63  }
0x83: {  	_ =	swait.ge [sflag:s17], $0x1C00  }
0x84: {  	[sflag:s17] =	ssyncset.done $0x0  }
0x85: {  	[sflag:s17] =	ssyncadd.s32 $0xFFFFE400  }
0x86: {  	[tilespmem:s16], [sflag:$0x1] =	stream.indirect.gather [hbm4b:s4+s19], $0x80, s0, s19, $0xb8;
	[tilespmem:$0x1F400] =	vst v63  }
0x87: {  	_ = 	snop  }
0x88: {  	[tilespmem:s20], [sflag:$0x2] =	stream.indirect.gather [hbm4b:s4+s19], $0x80, s19, s19, $0xb8;
	[tilespmem:$0x1F400] =	vst v63  }
0x89: {  	_ =	swait.ge [sflag:s21], $0x4000  }
0x8a: {  	[sflag:s21] =	ssyncset.done $0x0  }
0x8b: {  	s31 =	simm.s32 $0x1C00;
	[sflag:s21] =	ssyncadd.s32 $0xFFFFC000  }
0x8c: {  	[spmem:s1] =	stream.indirect.scatter.add.f32 [tilespmem:s16], [sflag:$0x3], $0x80, s31, s19, $0xb8;
	[tilespmem:$0x1F400] =	vst v63  }
0x8d: {  	_ =	swait.ge [sflag:s22], $0x4000  }
0x8e: {  	[sflag:s22] =	ssyncset.done $0x0  }
0x8f: {  	s31 =	simm.s32 $0x1C80;
	[sflag:s22] =	ssyncadd.s32 $0xFFFFC000  }
0x90: {  	[spmem:s1] =	stream.indirect.scatter.add.f32 [tilespmem:s20], [sflag:$0x4], $0x80, s31, s19, $0xb8;
	[tilespmem:$0x1F400] =	vst v63  }
0x91: {  	_ =	swait.ge [sflag:s23], $0x4000  }
0x92: {  	[sflag:s23] =	ssyncset.done $0x0  }
0x93: {  	s31 =	simm.s32 $0x100;
	[sflag:s23] =	ssyncadd.s32 $0xFFFFC000  }
0x94: {  	[tilespmem:s16], [sflag:$0x1] =	stream.indirect.gather [hbm4b:s4+s19], $0x80, s31, s19, $0xb8;
	[tilespmem:$0x1F400] =	vst v63  }
0x95: {  	_ =	swait.ge [sflag:s24], $0x4000  }
0x96: {  	[sflag:s24] =	ssyncset.done $0x0  }
0x97: {  	s29 =	simm.s32 $0x400;
	s30 =	simm.s32 $0x180;
	[sflag:s24] =	ssyncadd.s32 $0xFFFFC000  }
.LBB2_7:
0x98: {  	[tilespmem:s20], [sflag:$0x2] =	stream.indirect.gather [hbm4b:s4+s19], $0x80, s30, s19, $0xb8;
	[tilespmem:$0x1F400] =	vst v63  }
0x99: {  	s0 =	smov.u32 s29  }
0x9a: {  	p1 =	sne.s32 s29, $0x6800;
	s29 =	sadd.s32 $0x400, s29;
	_ =	swait.ge [sflag:s21], $0x4000  }
0x9b: {  	s0 =	sshra.s32 s0, $0x2;
	[sflag:s21] =	ssyncset.done $0x0  }
0x9c: {  	s30 =	sadd.s32 $0x1C00, s0;
	[sflag:s21] =	ssyncadd.s32 $0xFFFFC000  }
0x9d: {  	[spmem:s1] =	stream.indirect.scatter.add.f32 [tilespmem:s16], [sflag:$0x3], $0x80, s30, s19, $0xb8;
	[tilespmem:$0x1F400] =	vst v63  }
0x9e: {  	_ =	swait.ge [sflag:s22], $0x4000  }
0x9f: {  	[sflag:s22] =	ssyncset.done $0x0  }
0xa0: {  	s30 =	sadd.s32 $0x1C80, s0;
	[sflag:s22] =	ssyncadd.s32 $0xFFFFC000  }
0xa1: {  	[spmem:s1] =	stream.indirect.scatter.add.f32 [tilespmem:s20], [sflag:$0x4], $0x80, s30, s19, $0xb8;
	[tilespmem:$0x1F400] =	vst v63  }
0xa2: {  	_ =	swait.ge [sflag:s23], $0x4000  }
0xa3: {  	[sflag:s23] =	ssyncset.done $0x0  }
.Ltmp5:
0xa4: {  	s30 =	sadd.s32 $0x100, s0;
	[sflag:s23] =	ssyncadd.s32 $0xFFFFC000;
	(pc) =	sbr.rel @p1 .LBB2_7-.Ltmp5, $4  }
0xa5: {  	[tilespmem:s16], [sflag:$0x1] =	stream.indirect.gather [hbm4b:s4+s19], $0x80, s30, s19, $0xb8;
	[tilespmem:$0x1F400] =	vst v63  }
0xa6: {  	_ =	swait.ge [sflag:s24], $0x4000  }
0xa7: {  	[sflag:s24] =	ssyncset.done $0x0  }
0xa8: {  	s30 =	sadd.s32 $0x180, s0;
	[sflag:s24] =	ssyncadd.s32 $0xFFFFC000  }
0xa9: {  	[tilespmem:s20], [sflag:$0x2] =	stream.indirect.gather [hbm4b:s4+s19], $0x80, s30, s19, $0xb8;
	[tilespmem:$0x1F400] =	vst v63  }
0xaa: {  	_ =	swait.ge [sflag:s21], $0x4000  }
0xab: {  	[sflag:s21] =	ssyncset.done $0x0  }
0xac: {  	[sflag:s21] =	ssyncadd.s32 $0xFFFFC000  }
0xad: {  	[spmem:s1] =	stream.indirect.scatter.add.f32 [tilespmem:s16], [sflag:$0x3], $0x80, s25, s19, $0xb8;
	[tilespmem:$0x1F400] =	vst v63  }
0xae: {  	_ =	swait.ge [sflag:s22], $0x4000  }
0xaf: {  	[sflag:s22] =	ssyncset.done $0x0  }
0xb0: {  	[sflag:s22] =	ssyncadd.s32 $0xFFFFC000  }
0xb1: {  	[spmem:s1] =	stream.indirect.scatter.add.f32 [tilespmem:s20], [sflag:$0x4], $0x80, s26, s19, $0xb8;
	[tilespmem:$0x1F400] =	vst v63  }
0xb2: {  	_ =	swait.ge [sflag:s23], $0x4000  }
.Ltmp6:
0xb3: {  	[sflag:s23] =	ssyncset.done $0x0;
	(pc) =	sbr.rel .LBB2_14-.Ltmp6, $4  }
0xb4: {  	[sflag:s23] =	ssyncadd.s32 $0xFFFFC000  }
0xb5: {  	_ =	swait.ge [sflag:s24], $0x4000  }
0xb6: {  	[sflag:s24] =	ssyncset.done $0x0  }
0xb7: {  	[sflag:s24] =	ssyncadd.s32 $0xFFFFC000  }
.LBB2_9:
0xb8: {  	s0 =	simm.s32 $0x0  }
0xb9: {  	[tilespmem:s16], [sflag:$0x1] =	stream.indirect.gather [hbm4b:s4+s19], $0x80, s0, s19, $0xb8;
	[tilespmem:$0x1F400] =	vst v63  }
0xba: {  	_ =	swait.ge [sflag:s21], $0x4000  }
0xbb: {  	[sflag:s21] =	ssyncset.done $0x0  }
0xbc: {  	s31 =	simm.s32 $0x1C00;
	[sflag:s21] =	ssyncadd.s32 $0xFFFFC000  }
0xbd: {  	[spmem:s1] =	stream.indirect.scatter.add.f32 [tilespmem:s16], [sflag:$0x5], $0x80, s31, s19, $0xb8;
	[tilespmem:$0x1F400] =	vst v63  }
0xbe: {  	_ =	swait.ge [sflag:s17], $0x4000  }
0xbf: {  	s29 =	simm.s32 $0x200;
	s30 =	simm.s32 $0x400;
	[sflag:s17] =	ssyncset.done $0x0  }
.LBB2_10:
0xc0: {  	s0 =	sshra.s32 s29, $0x2  }
0xc1: {  	[sflag:s17] =	ssyncadd.s32 $0xFFFFC000;
	s29 =	smov.u32 s30;
	s31 =	sadd.s32 $0x200, s30  }
0xc2: {  	[tilespmem:s16], [sflag:$0x1] =	stream.indirect.gather [hbm4b:s4+s19], $0x80, s0, s19, $0xb8;
	[tilespmem:$0x1F400] =	vst v63  }
0xc3: {  	p1 =	sne.s32 s30, $0x2C00;
	_ =	swait.ge [sflag:s21], $0x4000  }
.Ltmp7:
0xc4: {  	[sflag:s21] =	ssyncset.done $0x0;
	(pc) =	sbr.rel @p1 .LBB2_10-.Ltmp7, $4  }
0xc5: {  	s0 =	sadd.s32 $0x1C00, s0;
	[sflag:s21] =	ssyncadd.s32 $0xFFFFC000  }
0xc6: {  	[spmem:s1] =	stream.indirect.scatter.add.f32 [tilespmem:s16], [sflag:$0x5], $0x80, s0, s19, $0xb8;
	[tilespmem:$0x1F400] =	vst v63  }
0xc7: {  	_ =	swait.ge [sflag:s17], $0x4000  }
0xc8: {  	s30 =	smov.u32 s31;
	[sflag:s17] =	ssyncset.done $0x0  }
0xc9: {  	s0 =	sshra.s32 s29, $0x2;
	[sflag:s17] =	ssyncadd.s32 $0xFFFFC000  }
0xca: {  	[tilespmem:s16], [sflag:$0x1] =	stream.indirect.gather [hbm4b:s4+s19], $0x80, s0, s19, $0xb8;
	[tilespmem:$0x1F400] =	vst v63  }
0xcb: {  	_ =	swait.ge [sflag:s21], $0x4000  }
0xcc: {  	[sflag:s21] =	ssyncset.done $0x0  }
0xcd: {  	s0 =	sadd.s32 $0x1C00, s0;
	[sflag:s21] =	ssyncadd.s32 $0xFFFFC000  }
0xce: {  	[spmem:s1] =	stream.indirect.scatter.add.f32 [tilespmem:s16], [sflag:$0x5], $0x80, s0, s19, $0xb8;
	[tilespmem:$0x1F400] =	vst v63  }
0xcf: {  	_ =	swait.ge [sflag:s17], $0x4000  }
0xd0: {  	[sflag:s17] =	ssyncset.done $0x0  }
0xd1: {  	s31 =	simm.s32 $0x0;
	[sflag:s17] =	ssyncadd.s32 $0xFFFFC000  }
0xd2: {  	[tilespmem:s31], [sflag:$0x5] =	stream.linear.gather [hbm4b:s12+s31], $0x1C00, $0x38;
	[tilespmem:$0x1F400] =	vst v63  }
0xd3: {  	_ =	swait.ge [sflag:s17], $0x1C00  }
0xd4: {  	[sflag:s17] =	ssyncset.done $0x0  }
0xd5: {  	[sflag:s17] =	ssyncadd.s32 $0xFFFFE400  }
0xd6: {  	[tilespmem:s18], [sflag:$0x5] =	stream.linear.gather [hbm4b:s13+s31], $0x1C00, $0x38;
	[tilespmem:$0x1F400] =	vst v63  }
0xd7: {  	_ =	swait.ge [sflag:s17], $0x1C00  }
0xd8: {  	[sflag:s17] =	ssyncset.done $0x0  }
0xd9: {  	s31 =	simm.s32 $0x0;
	[sflag:s17] =	ssyncadd.s32 $0xFFFFE400  }
0xda: {  	[tilespmem:s16], [sflag:$0x1] =	stream.indirect.gather [hbm4b:s4+s19], $0x80, s31, s19, $0xb8;
	[tilespmem:$0x1F400] =	vst v63  }
0xdb: {  	_ =	swait.ge [sflag:s21], $0x4000  }
0xdc: {  	[sflag:s21] =	ssyncset.done $0x0  }
0xdd: {  	s31 =	simm.s32 $0x1C00;
	[sflag:s21] =	ssyncadd.s32 $0xFFFFC000  }
0xde: {  	[spmem:s1] =	stream.indirect.scatter.add.f32 [tilespmem:s16], [sflag:$0x5], $0x80, s31, s19, $0xb8;
	[tilespmem:$0x1F400] =	vst v63  }
0xdf: {  	_ =	swait.ge [sflag:s17], $0x4000  }
0xe0: {  	s29 =	simm.s32 $0x200;
	s30 =	simm.s32 $0x400;
	[sflag:s17] =	ssyncset.done $0x0  }
.LBB2_12:
0xe1: {  	s0 =	sshra.s32 s29, $0x2  }
0xe2: {  	[sflag:s17] =	ssyncadd.s32 $0xFFFFC000;
	s29 =	smov.u32 s30;
	s31 =	sadd.s32 $0x200, s30  }
0xe3: {  	[tilespmem:s16], [sflag:$0x1] =	stream.indirect.gather [hbm4b:s4+s19], $0x80, s0, s19, $0xb8;
	[tilespmem:$0x1F400] =	vst v63  }
0xe4: {  	p1 =	sne.s32 s30, $0x2C00;
	_ =	swait.ge [sflag:s21], $0x4000  }
.Ltmp8:
0xe5: {  	[sflag:s21] =	ssyncset.done $0x0;
	(pc) =	sbr.rel @p1 .LBB2_12-.Ltmp8, $4  }
0xe6: {  	s0 =	sadd.s32 $0x1C00, s0;
	[sflag:s21] =	ssyncadd.s32 $0xFFFFC000  }
0xe7: {  	[spmem:s1] =	stream.indirect.scatter.add.f32 [tilespmem:s16], [sflag:$0x5], $0x80, s0, s19, $0xb8;
	[tilespmem:$0x1F400] =	vst v63  }
0xe8: {  	_ =	swait.ge [sflag:s17], $0x4000  }
0xe9: {  	s30 =	smov.u32 s31;
	[sflag:s17] =	ssyncset.done $0x0  }
.Ltmp9:
0xea: {  	_ = 	snop;
	(pc) =	sbr.rel .LBB2_13-.Ltmp9, $1  }
0xeb: {  	_ =	sdelay $0x3  }
.LBB2_15:
0xec: {  	_ =	sfence.sel $0x180000  }
0xed: {  	[bflag:$0x0] =	sbarrier.arrive $0xFFFF  }
0xee: {  	_ =	strace $0x90000050  }
0xef: {  	[bflag:$0x2] =	sbarrier.arrive $0xFFFF  }
0xf0: {  	p0 =	sne.s32 s2, $0x0;
	s0 =	rddreg [dreg:$0x3]  }
0xf1: {  	s0 =	sadd.s32 @!p0 $0x100000, s0  }
0xf2: {  	[sflag:s0] =	ssyncadd.tile.s32 @!p0 $0x1;
	_ =	shalt  }
.Lfunc_end2:
_tile_overlayer_lowered:
.L_overlay_start_2:
0xf3: {  	(tag) =	ssettag $0x2  }
0xf4: {  	s0 =	rddreg [dreg:$0x0];
	s2 =	stileid.u32  }
0xf5: {  	s1 =	rddreg [dreg:$0x1];
	p0 =	sne.s32 s2, $0x0  }
0xf6: {  	s3 =	rddreg [dreg:$0x2];
	[bflag:$0x3] =	sbarrier.arrive $0xFFFF;
	s2 =	simm.s32 @!p0 $0x1C05  }
0xf7: {  	[timem:s3], [sflag:s2] =	dma.local @!p0 [hbm:s0], s1  }
0xf8: {  	s0 =	simm.s32 @!p0 $0x5  }
0xf9: {  	_ =	swait.ge @!p0 [sflag:s0], s1  }
0xfa: {  	s1 =	ssub.s32 @!p0 $0x0, s1;
	[sflag:s0] =	ssyncset.done @!p0 $0x0  }
0xfb: {  	[sflag:s0] =	ssyncadd.s32 @!p0 s1  }
0xfc: {  	[bflag:$0x3] =	sbarrier.arrive $0xFFFF  }
0xfd: {  	_ =	shalt  }

// kernel: kernel.9.cloned.1.call-start
scs
__scs_entry_jumppad:
0x0: {  	(pc) =	sbr.rel $0x88, $3  }
0x1: {  	(tag) =	ssettag $0x0;
	lr =	simm.s32 $0x1  }
0x2: {  	[smem:$0x3F90] =	sst lr;
	_ =	strace $0xD0000000  }
0x3: {  	_ = 	snop  }
0x4: {  	_ = 	snop  }
0x5: {  	_ = 	snop  }
0x6: {  	_ = 	snop  }
0x7: {  	_ = 	snop  }
__scs_overlays_trampoline_lowered:
0x8: {  	[smem:$0x3F9F] =	sst s0  }
0x9: {  	[smem:$0x3FA0] =	sst s1  }
0xa: {  	[smem:$0x3FA1] =	sst s2  }
0xb: {  	[smem:$0x3FA2] =	sst s3  }
0xc: {  	[smem:$0x3FA3] =	sst s4  }
0xd: {  	[smem:$0x3FA4] =	sst s5  }
0xe: {  	[smem:$0x3FA5] =	sst s6  }
0xf: {  	[smem:$0x3FA6] =	sst s7  }
0x10: {  	[smem:$0x3FA7] =	sst s8  }
0x11: {  	[smem:$0x3FA8] =	sst s9;
	s0 =	simm.s32 @!p0 $0x0  }
0x12: {  	s1 =	sld [smem:$0x3F8E];
	s0 =	simm.s32 @p0 $0x1  }
0x13: {  	[smem:$0x3FA9] =	sst s0;
	s0 =	simm.s32 @!p1 $0x0  }
0x14: {  	s2 =	sld [smem:$0x3F8D];
	s0 =	simm.s32 @p1 $0x1  }
0x15: {  	[smem:$0x3FAA] =	sst s0;
	s0 =	simm.s32 @!p2 $0x0  }
0x16: {  	s3 =	sld [smem:$0x3FDB];
	s0 =	simm.s32 @p2 $0x1  }
0x17: {  	s4 =	simm.s32 $0x1BF5;
	[smem:$0x3FAC] =	sst s0  }
0x18: {  	s0 =	sld [smem:$0x3F8F];
	_ =	swait.ge [sflag:s4], $0x0  }
0x19: {  	s7 =	sld [smem:$0x3F90]  }
0x1a: {  	s8 =	sadd.s32 $0xFFFFE003, lr  }
0x1b: {  	s9 =	sadd.s32 $0xFFFFFEF7, lr;
	s5 =	simm.s32 $0xFFFFFFFF;
	p2 =	slt.u32 s8, $0xFFFFF086  }
0x1c: {  	p1 =	slt.u32 s9, $0xF7A;
	s5 =	simm.s32 @!p2 $0x0  }
0x1d: {  	s5 =	simm.s32 @p1 $0x1;
	p0 =	seq.s32 s7, s2  }
0x1e: {  	s7 =	smul.u32 @!p0 $0xF7A, s2;
	p2 =	seq.s32 @!p0 s5, $0x0  }
0x1f: {  	s9 =	smul.u32 $0xF7A, s1;
	s8 =	simm.s32 @!p0 $0x1BF5;
	p2 =	por !p2, p0  }
0x20: {  	[sflag:s8] =	ssyncset.s32 @!p0 $0xFFFFF086;
	s6 =	sadd.s32 @!p0 s3, s7;
	s7 =	simm.s32 @!p0 $0x108  }
0x21: {  	s3 =	sadd.s32 s3, s9;
	s6 =	sadd.s32 @!p0 $0x88, s6;
	s7 =	simm.s32 @p2 $0x1082  }
0x22: {  	[simem:s7], [sflag:s8] =	dma.local @!p0 [hbm:s6], $0xF7A  }
0x23: {  	s9 =	sor.u32 $0xD0000000, s2;
	s6 =	simm.s32 $0x108;
	_ =	swait.ge @!p0 [sflag:s8], $0x0  }
0x24: {  	s3 =	sadd.s32 $0x88, s3;
	s6 =	simm.s32 @!p1 $0x1082;
	[sflag:s4] =	ssyncset.s32 $0xFFFFF086  }
0x25: {  	[simem:s6], [sflag:s4] =	dma.local [hbm:s3], $0xF7A  }
0x26: {  	[smem:$0x3F90] =	sst s1;
	(tag) =	ssettag s2;
	_ =	strace s9  }
0x27: {  	s1 =	sld [smem:$0x3FA0]  }
0x28: {  	s2 =	sld [smem:$0x3FA1]  }
0x29: {  	s4 =	sld [smem:$0x3FA3]  }
0x2a: {  	p0 =	seq.s32 s5, $0x0;
	s5 =	sld [smem:$0x3FA4]  }
0x2b: {  	s6 =	sld [smem:$0x3FA5]  }
0x2c: {  	s7 =	sld [smem:$0x3FA6]  }
0x2d: {  	s3 =	simm.s32 $0x108;
	s8 =	sld [smem:$0x3FA7]  }
0x2e: {  	s3 =	simm.s32 @!p0 $0x1082;
	s9 =	sld [smem:$0x3FA8]  }
0x2f: {  	lr =	sadd.s32 s0, s3;
	s0 =	sld [smem:$0x3F9F]  }
0x30: {  	s3 =	sld [smem:$0x3FA2]  }
0x31: {  	[smem:$0x3FAB] =	sst s10  }
0x32: {  	s10 =	sld [smem:$0x3FA9];
	_ =	sdelay $0x3  }
0x33: {  	p0 =	seq.s32 s10, $0x1;
	s10 =	sld [smem:$0x3FAB];
	_ =	sdelay $0x3  }
0x34: {  	[smem:$0x3FAB] =	sst s10  }
0x35: {  	s10 =	sld [smem:$0x3FAA];
	_ =	sdelay $0x3  }
0x36: {  	p1 =	seq.s32 s10, $0x1;
	s10 =	sld [smem:$0x3FAB];
	_ =	sdelay $0x3  }
0x37: {  	[smem:$0x3FAB] =	sst s10  }
0x38: {  	s10 =	sld [smem:$0x3FAC]  }
0x39: {  	_ = 	snop;
	(pc) =	sbr.ind lr, $3  }
0x3a: {  	_ = 	snop  }
0x3b: {  	_ = 	snop  }
0x3c: {  	p2 =	seq.s32 s10, $0x1;
	s10 =	sld [smem:$0x3FAB]  }
0x3d: {  	_ =	shalt  }
0x3e: {  	_ =	shalt  }
0x3f: {  	_ =	shalt  }
0x40: {  	_ =	shalt  }
0x41: {  	_ =	shalt  }
0x42: {  	_ =	shalt  }
0x43: {  	_ =	shalt  }
0x44: {  	_ =	shalt  }
0x45: {  	_ =	shalt  }
0x46: {  	_ =	shalt  }
0x47: {  	_ =	shalt  }
0x48: {  	_ =	shalt  }
0x49: {  	_ =	shalt  }
0x4a: {  	_ =	shalt  }
0x4b: {  	_ =	shalt  }
0x4c: {  	_ =	shalt  }
0x4d: {  	_ =	shalt  }
0x4e: {  	_ =	shalt  }
0x4f: {  	_ =	shalt  }
0x50: {  	_ =	shalt  }
0x51: {  	_ =	shalt  }
0x52: {  	_ =	shalt  }
0x53: {  	_ =	shalt  }
0x54: {  	_ =	shalt  }
0x55: {  	_ =	shalt  }
0x56: {  	_ =	shalt  }
0x57: {  	_ =	shalt  }
0x58: {  	_ =	shalt  }
0x59: {  	_ =	shalt  }
0x5a: {  	_ =	shalt  }
0x5b: {  	_ =	shalt  }
0x5c: {  	_ =	shalt  }
0x5d: {  	_ =	shalt  }
0x5e: {  	_ =	shalt  }
0x5f: {  	_ =	shalt  }
0x60: {  	_ =	shalt  }
0x61: {  	_ =	shalt  }
0x62: {  	_ =	shalt  }
0x63: {  	_ =	shalt  }
0x64: {  	_ =	shalt  }
0x65: {  	_ =	shalt  }
0x66: {  	_ =	shalt  }
0x67: {  	_ =	shalt  }
0x68: {  	_ =	shalt  }
0x69: {  	_ =	shalt  }
0x6a: {  	_ =	shalt  }
0x6b: {  	_ =	shalt  }
0x6c: {  	_ =	shalt  }
0x6d: {  	_ =	shalt  }
0x6e: {  	_ =	shalt  }
0x6f: {  	_ =	shalt  }
0x70: {  	_ =	shalt  }
0x71: {  	_ =	shalt  }
0x72: {  	_ =	shalt  }
0x73: {  	_ =	shalt  }
0x74: {  	_ =	shalt  }
0x75: {  	_ =	shalt  }
0x76: {  	_ =	shalt  }
0x77: {  	_ =	shalt  }
0x78: {  	_ =	shalt  }
0x79: {  	_ =	shalt  }
0x7a: {  	_ =	shalt  }
0x7b: {  	_ =	shalt  }
0x7c: {  	_ =	shalt  }
0x7d: {  	_ =	shalt  }
0x7e: {  	_ =	shalt  }
0x7f: {  	_ =	shalt  }
0x80: {  	_ =	shalt  }
0x81: {  	_ =	shalt  }
0x82: {  	_ =	shalt  }
0x83: {  	_ =	shalt  }
0x84: {  	_ =	shalt  }
0x85: {  	_ =	shalt  }
0x86: {  	_ =	shalt  }
0x87: {  	_ =	shalt  }
.Lfunc_end0:
.L_simem_size_0:
called_computation_lowered:
.L_overlay_start_0:
0x88: {  	s2 =	sld [smem:$0x3FD9]  }
0x89: {  	s3 =	sld [smem:$0x3FFE];
	_ =	sdelay $0x1  }
0x8a: {  	s1 =	srdreg.scid  }
0x8b: {  	s0 =	sand.u32 $0x1, s1  }
0x8c: {  	s17 =	sshll.u32 s0, $0xA;
	s2 =	sadd.s32 s3, s2  }
0x8d: {  	s2 =	sadd.s32 s2, s17  }
0x8e: {  	[smem:$0x3FB7] =	sst s2  }
0x8f: {  	_ = 	snop  }
0x90: {  	(tm) =	ssettm $0x1  }
0x91: {  	s18 =	sld [smem:$0x3FFB];
	_ =	sdelay $0x3  }
0x92: {  	_ =	strace s18  }
0x93: {  	s2 =	sld [smem:$0x3FFC];
	_ =	sdelay $0x3  }
0x94: {  	_ =	strace s2  }
0x95: {  	s2 =	sld [smem:$0x3FFD];
	_ =	sdelay $0x3  }
0x96: {  	_ =	strace s2  }
0x97: {  	_ =	strace $0x8FFFFFFF  }
0x98: {  	s19 =	sld [smem:$0x3FDB];
	_ =	sdelay $0x1  }
0x99: {  	s20 =	simm.s32 $_scs_section_size  }
0x9a: {  	s4 =	simm.s32 $_size__tile_overlayer_lowered;
	s5 =	simm.s32 $_tile_overlayer_lowered  }
0x9b: {  	s6 =	simm.s32 $0x1BFF;
	s21 =	sshll.u32 s5, $0x1;
	s3 =	sadd.s32 s20, s19  }
0x9c: {  	s22 =	simm.s32 $0x0;
	s4 =	sshll.u32 s4, $0x1;
	s5 =	sadd.s32 s21, s3  }
0x9d: {  	[timem:s22], [sflag:s6] =	dma.local [hbm:s5], s4  }
0x9e: {  	_ =	swait.ge [sflag:s6], s4  }
0x9f: {  	s4 =	ssub.s32 $0x0, s4;
	[sflag:s6] =	ssyncset.done $0x0  }
0xa0: {  	[sflag:s6] =	ssyncadd.s32 s4;
	_ =	sdelay $0x1  }
0xa1: {  	s23 =	simm.s32 $0x1B8B  }
0xa2: {  	_ =	swait.ge [sflag:s23], $0x1  }
0xa3: {  	[sflag:s23] =	ssyncset.done $0x0  }
0xa4: {  	[sflag:s23] =	ssyncadd.s32 $0xFFFFFFFF  }
0xa5: {  	s4 =	sld [smem:$0x0]  }
0xa6: {  	s5 =	sand.u32 $0xFFFFFFFE, s1  }
0xa7: {  	p0 =	sne.s32 s1, s5  }
0xa8: {  	s5 =	sshll.u32 @p0 s5, $0xE  }
0xa9: {  	s5 =	sadd.s32 @p0 $0x11B8D, s5;
	s6 =	sshll.u32 @p0 s4, $0x11  }
0xaa: {  	s5 =	sor.u32 @p0 s6, s5  }
0xab: {  	[sflag:s5] =	ssyncadd.remote.s32 @p0 $0x1;
	_ =	sdelay $0x1  }
0xac: {  	s5 =	simm.s32 @p0 $0x1B8D  }
0xad: {  	_ =	swait.eq @p0 [sflag:s5], $0x1  }
0xae: {  	[sflag:s5] =	ssyncadd.s32 @p0 $0xFFFFFFFF  }
0xaf: {  	s6 =	sshll.u32 @!p0 s1, $0xE  }
0xb0: {  	s6 =	sor.u32 @!p0 $0x4000, s6;
	s5 =	simm.s32 @!p0 $0x1B8D  }
0xb1: {  	s4 =	sshll.u32 @!p0 s4, $0x11;
	s6 =	sadd.s32 @!p0 $0x11B8D, s6;
	_ =	swait.eq @!p0 [sflag:s5], $0x1  }
0xb2: {  	s4 =	sor.u32 @!p0 s4, s6;
	[sflag:s5] =	ssyncadd.s32 @!p0 $0xFFFFFFFF  }
0xb3: {  	s25 =	simm.s32 $0x1B8E;
	s24 =	sld [smem:$0x3FFE];
	[sflag:s4] =	ssyncadd.remote.s32 @!p0 $0x1  }
0xb4: {  	s26 =	simm.s32 $execute0_lowered;
	[smem:$0x3FD2] =	sst s25  }
0xb5: {  	s5 =	sshll.u32 s26, $0x1;
	_ =	strace $0x80000049;
	[dreg:$0x1] =	wrdreg $0xFFFFFFFF  }
0xb6: {  	s28 =	simm.s32 $_size_execute0_lowered;
	s3 =	sadd.s32 s3, s5;
	[dreg:$0x0] =	wrdreg $0x0  }
0xb7: {  	s5 =	sshll.u32 s28, $0x1;
	[dreg:$0x2] =	wrdreg s3  }
0xb8: {  	[dreg:$0x3] =	wrdreg s5  }
0xb9: {  	[dreg:$0x4] =	wrdreg $0xC0  }
0xba: {  	_ =	task [dreg:s22], $0x5FFFF  }
0xbb: {  	[dreg:$0x1] =	wrdreg $0xFFFFFFFF  }
0xbc: {  	[dreg:$0x0] =	wrdreg $0x60  }
0xbd: {  	[dreg:$0x2] =	wrdreg s24  }
0xbe: {  	[dreg:$0x3] =	wrdreg $0x68000  }
0xbf: {  	[dreg:$0x4] =	wrdreg $0x9  }
0xc0: {  	_ =	task.clear_ibuf [dreg:s22], $0x5FFFF;
	_ =	strace $0x90000049  }
0xc1: {  	s29 =	simm.s32 $0x9;
	_ =	strace $0x8000004B  }
0xc2: {  	_ =	swait.ge [sflag:s29], $0x1  }
0xc3: {  	[sflag:s29] =	ssyncadd.s32 $0xFFFFFFFF  }
0xc4: {  	_ =	strace $0x9000004B  }
0xc5: {  	_ =	sfence  }
0xc6: {  	s30 =	sld [smem:$0x0];
	_ =	sdelay $0x2  }
0xc7: {  	s31 =	sshll.u32 s1, $0xD;
	s1 =	sshrl.u32 s1, $0x2  }
0xc8: {  	s4 =	sand.u32 $0x4000, s31;
	s1 =	sadd.s32 s1, s30  }
0xc9: {  	s0 =	sor.u32 s4, s0;
	s1 =	sshll.u32 s1, $0x11  }
0xca: {  	s0 =	sor.u32 s1, s0  }
0xcb: {  	s0 =	sadd.s32 $0x8F2B, s0  }
0xcc: {  	[sflag:s0] =	ssyncadd.remote.s32 $0x1  }
0xcd: {  	_ =	sfence.sel $0xFFFF  }
0xce: {  	[dreg:$0x0] =	wrdreg $0xFFFFFFFF;
	(pc) =	sbr.abs _section_cstart, $3  }
0xcf: {  	[dreg:$0x1] =	wrdreg $0xFFFFFFFF  }
0xd0: {  	_ =	task.clear_ibuf [dreg:s22], $0x2FFFF;
	_ =	strace $0x9FFFFFFF  }
0xd1: {  	(tm) =	ssettm $0x7FFFFFFF  }
tec
execute0_lowered:
.L_overlay_start_1:
0x0: {  	(tag) =	ssettag $0x1  }
0x1: {  	s1 =	srdreg.scid  }
0x2: {  	s0 =	stileid.u32;
	s5 =	rddreg [dreg:$0x0]  }
0x3: {  	s2 =	rddreg [dreg:$0x1];
	s3 =	simm.s32 $0x0;
	s13 =	simm.s32 $0x3  }
0x4: {  	s14 =	simm.s32 $0x80;
	s15 =	simm.s32 $0x1;
	s16 =	simm.s32 $0x2  }
0x5: {  	s18 =	simm.s32 $0x0;
	s4 =	sand.u32 $0x1, s1;
	s8 =	smul.u32 $0x13C00, s0  }
0x6: {  	s28 =	sshll.u32 s0, $0x1;
	[smem:$0x7FF] =	sst s3;
	s9 =	smul.u32 $0x4F000, s0  }
0x7: {  	s17 =	sshll.u32 s0, $0x6;
	s1 =	sor.u32 s4, s28;
	s7 =	smul.u32 $0x140000, s4  }
0x8: {  	s4 =	ssub.s32 $0x2, s4;
	s17 =	sor.u32 $0x1C03, s17;
	s6 =	smul.u32 $0x500, s1  }
0x9: {  	s1 =	rddreg [dreg:$0x2];
	_ =	strace $0x8000004A;
	s30 =	sshrl.u32 s4, $0x1  }
0xa: {  	s31 =	sshrl.u32 s9, $0x2;
	s29 =	sadd.s32 s8, s7;
	s12 =	ssub.s32 s4, s30  }
0xb: {  	s4 =	sadd.s32 s31, s2;
	s10 =	sadd.s32 s6, s5;
	s6 =	sshrl.u32 s29, $0x3  }
0xc: {  	s7 =	sadd.s32 $0xC000, s4;
	s8 =	sadd.s32 $0x10000, s4;
	s11 =	sadd.s32 s6, s5  }
0xd: {  	s5 =	sadd.s32 $0x4000, s4;
	s6 =	sadd.s32 $0x8000, s4;
	s9 =	sadd.s32 $0x8AA00, s10  }
0xe: {  	v0 =	vimm.f32 $0.0e+00;
	v1 =	vimm.f32 $1.000000000e+00;
	s10 =	sadd.s32 $0x94A00, s11;
	s11 =	smax.u32 s12, $0x1;
	s12 =	simm.s32 $0x2800  }
.LBB2_1:
0xf: {  	s19 =	sand.u32 $0xFE00, s3  }
0x10: {  	s20 =	sand.u32 $0x70, s3;
	s21 =	sshrl.u32 s19, $0x2  }
0x11: {  	s19 =	simm.s32 $0x40;
	s21 =	sor.u32 s20, s21;
	s20 =	simm.s32 $0x0  }
.LBB2_2:
0x12: {  	p0 =	sne.s32 s19, $0xFFC0  }
0x13: {  	[tilespmem:s21+$0x2800] =	vst v0;
	s20 =	sadd.s32 $0x10, s20;
	s21 =	smov.u32 s19;
	s19 =	sadd.s32 $0x40, s19  }
.Ltmp0:
0x14: {  	(pc) =	sbr.rel @p0 .LBB2_2-.Ltmp0, $4  }
0x15: {  	_ = 	snop  }
0x16: {  	s21 =	sand.u32 $0xFE00, s21  }
0x17: {  	s22 =	sand.u32 $0x70, s20;
	s21 =	sshrl.u32 s21, $0x2  }
0x18: {  	s21 =	sor.u32 s22, s21  }
0x19: {  	[tilespmem:s21+$0x2800] =	vst v0  }
0x1a: {  	[spmem:s4] =	stream.linear.scatter [tilespmem:s12], [sflag:$0x3], $0x4000, $0x38;
	[tilespmem:$0x1A400] =	vst v63  }
0x1b: {  	_ =	swait.ge [sflag:s13], $0x4000  }
0x1c: {  	[sflag:s13] =	ssyncset.done $0x0  }
0x1d: {  	[sflag:s13] =	ssyncadd.s32 $0xFFFFC000  }
0x1e: {  	[spmem:s5] =	stream.linear.scatter [tilespmem:s12], [sflag:$0x3], $0x4000, $0x38;
	[tilespmem:$0x1A400] =	vst v63  }
0x1f: {  	_ =	swait.ge [sflag:s13], $0x4000  }
0x20: {  	[sflag:s13] =	ssyncset.done $0x0  }
0x21: {  	[sflag:s13] =	ssyncadd.s32 $0xFFFFC000  }
0x22: {  	[spmem:s6] =	stream.linear.scatter [tilespmem:s12], [sflag:$0x3], $0x4000, $0x38;
	[tilespmem:$0x1A400] =	vst v63  }
0x23: {  	_ =	swait.ge [sflag:s13], $0x4000  }
0x24: {  	[sflag:s13] =	ssyncset.done $0x0  }
0x25: {  	[sflag:s13] =	ssyncadd.s32 $0xFFFFC000  }
0x26: {  	[spmem:s7] =	stream.linear.scatter [tilespmem:s12], [sflag:$0x3], $0x4000, $0x38;
	[tilespmem:$0x1A400] =	vst v63  }
0x27: {  	_ =	swait.ge [sflag:s13], $0x4000  }
0x28: {  	[sflag:s13] =	ssyncset.done $0x0  }
0x29: {  	s19 =	simm.s32 $0x0;
	[sflag:s13] =	ssyncadd.s32 $0xFFFFC000  }
0x2a: {  	[spmem:s8] =	stream.linear.scatter [tilespmem:s12], [sflag:$0x3], $0x3C00, $0x38;
	[tilespmem:$0x1A400] =	vst v63  }
0x2b: {  	s20 =	sand.u32 $0xFE00, s19;
	_ =	swait.ge [sflag:s13], $0x3C00  }
0x2c: {  	s31 =	sand.u32 $0x70, s19;
	s22 =	sshrl.u32 s20, $0x2;
	[sflag:s13] =	ssyncset.done $0x0  }
0x2d: {  	s20 =	simm.s32 $0x40;
	s21 =	sor.u32 s31, s22;
	[sflag:s13] =	ssyncadd.s32 $0xFFFFC400  }
.LBB2_4:
0x2e: {  	p0 =	sne.s32 s20, $0xFFC0  }
0x2f: {  	[tilespmem:s21+$0x2800] =	vst v1;
	s19 =	sadd.s32 $0x10, s19;
	s21 =	smov.u32 s20;
	s20 =	sadd.s32 $0x40, s20  }
.Ltmp1:
0x30: {  	(pc) =	sbr.rel @p0 .LBB2_4-.Ltmp1, $4  }
0x31: {  	_ = 	snop  }
0x32: {  	s21 =	sand.u32 $0xFE00, s21  }
0x33: {  	s22 =	sand.u32 $0x70, s19;
	s21 =	sshrl.u32 s21, $0x2  }
0x34: {  	s21 =	sor.u32 s22, s21  }
0x35: {  	[tilespmem:s21+$0x2800] =	vst v1  }
0x36: {  	[tilespmem:s3], [sflag:$0x3] =	stream.linear.gather [hbm4b:s9+s3], $0x2800, $0x38;
	[tilespmem:$0x1A400] =	vst v63  }
0x37: {  	_ =	swait.ge [sflag:s13], $0x2800  }
0x38: {  	[sflag:s13] =	ssyncset.done $0x0  }
0x39: {  	[sflag:s13] =	ssyncadd.s32 $0xFFFFD800  }
0x3a: {  	[bflag:$0x0] =	sbarrier.arrive $0xFFFF  }
0x3b: {  	[spmem:s2] =	stream.indirect.scatter.add.f32 [tilespmem:s12], [sflag:$0x1], $0x80, s3, s14, $0xb8;
	[tilespmem:$0x1A400] =	vst v63  }
0x3c: {  	_ = 	snop  }
0x3d: {  	[spmem:s2] =	stream.indirect.scatter.add.f32 [tilespmem:s12], [sflag:$0x2], $0x80, s14, s14, $0xb8;
	[tilespmem:$0x1A400] =	vst v63  }
0x3e: {  	_ =	swait.ge [sflag:s15], $0x4000  }
0x3f: {  	[sflag:s15] =	ssyncset.done $0x0  }
0x40: {  	s19 =	simm.s32 $0x100;
	[sflag:s15] =	ssyncadd.s32 $0xFFFFC000  }
0x41: {  	[spmem:s2] =	stream.indirect.scatter.add.f32 [tilespmem:s12], [sflag:$0x1], $0x80, s19, s14, $0xb8;
	[tilespmem:$0x1A400] =	vst v63  }
0x42: {  	_ =	swait.ge [sflag:s16], $0x4000  }
0x43: {  	[sflag:s16] =	ssyncset.done $0x0  }
0x44: {  	s20 =	simm.s32 $0x180;
	s19 =	simm.s32 $0xFFFF6800;
	[sflag:s16] =	ssyncadd.s32 $0xFFFFC000  }
.LBB2_6:
0x45: {  	[spmem:s2] =	stream.indirect.scatter.add.f32 [tilespmem:s12], [sflag:$0x2], $0x80, s20, s14, $0xb8;
	[tilespmem:$0x1A400] =	vst v63  }
0x46: {  	s20 =	smov.u32 s19  }
0x47: {  	p0 =	sne.s32 s19, $0xFFFFFC00;
	s19 =	sadd.s32 $0x400, s19;
	_ =	swait.ge [sflag:s15], $0x4000  }
0x48: {  	s20 =	sshra.s32 s20, $0x2;
	[sflag:s15] =	ssyncset.done $0x0  }
.Ltmp2:
0x49: {  	s21 =	sadd.s32 $0x2800, s20;
	[sflag:s15] =	ssyncadd.s32 $0xFFFFC000;
	(pc) =	sbr.rel @p0 .LBB2_6-.Ltmp2, $4  }
0x4a: {  	[spmem:s2] =	stream.indirect.scatter.add.f32 [tilespmem:s12], [sflag:$0x1], $0x80, s21, s14, $0xb8;
	[tilespmem:$0x1A400] =	vst v63  }
0x4b: {  	_ =	swait.ge [sflag:s16], $0x4000  }
0x4c: {  	[sflag:s16] =	ssyncset.done $0x0  }
0x4d: {  	s20 =	sadd.s32 $0x2880, s20;
	[sflag:s16] =	ssyncadd.s32 $0xFFFFC000  }
0x4e: {  	[spmem:s2] =	stream.indirect.scatter.add.f32 [tilespmem:s12], [sflag:$0x2], $0x80, s20, s14, $0xb8;
	[tilespmem:$0x1A400] =	vst v63  }
0x4f: {  	_ =	swait.ge [sflag:s15], $0x4000  }
0x50: {  	[sflag:s15] =	ssyncset.done $0x0  }
0x51: {  	[sflag:s15] =	ssyncadd.s32 $0xFFFFC000  }
0x52: {  	_ =	swait.ge [sflag:s16], $0x4000  }
0x53: {  	s18 =	sadd.s32 $0x1, s18;
	[sflag:s16] =	ssyncset.done $0x0  }
0x54: {  	p0 =	sne.s32 s18, s11;
	[sflag:s16] =	ssyncadd.s32 $0xFFFFC000  }
.Ltmp3:
0x55: {  	s19 =	sshrl.u32 s4, $0x3;
	[bflag:$0x0] =	sbarrier.arrive $0xFFFF;
	(pc) =	sbr.rel @p0 .LBB2_1-.Ltmp3, $4  }
0x56: {  	[hbm:s10], [sflag:s17] =	dma.local [spmem:s19], $0x2780  }
0x57: {  	_ =	swait.ge [sflag:s13], $0x2780  }
0x58: {  	[sflag:s13] =	ssyncset.done $0x0  }
0x59: {  	[sflag:s13] =	ssyncadd.s32 $0xFFFFD880  }
0x5a: {  	_ =	sfence.sel $0x180000  }
0x5b: {  	[bflag:$0x0] =	sbarrier.arrive $0xFFFF  }
0x5c: {  	p0 =	sne.s32 s0, $0x0;
	_ =	strace $0x9000004A  }
0x5d: {  	s0 =	sadd.s32 @!p0 $0x100000, s1;
	[bflag:$0x2] =	sbarrier.arrive $0xFFFF  }
0x5e: {  	[sflag:s0] =	ssyncadd.tile.s32 @!p0 $0x1;
	_ =	shalt  }
.Lfunc_end2:
_tile_overlayer_lowered:
.L_overlay_start_2:
0x5f: {  	(tag) =	ssettag $0x2  }
0x60: {  	s0 =	rddreg [dreg:$0x0];
	s2 =	stileid.u32  }
0x61: {  	s1 =	rddreg [dreg:$0x1];
	p0 =	sne.s32 s2, $0x0  }
0x62: {  	s3 =	rddreg [dreg:$0x2];
	[bflag:$0x3] =	sbarrier.arrive $0xFFFF;
	s2 =	simm.s32 @!p0 $0x1C03  }
0x63: {  	[timem:s3], [sflag:s2] =	dma.local @!p0 [hbm:s0], s1  }
0x64: {  	s0 =	simm.s32 @!p0 $0x3  }
0x65: {  	_ =	swait.ge @!p0 [sflag:s0], s1  }
0x66: {  	s1 =	ssub.s32 @!p0 $0x0, s1;
	[sflag:s0] =	ssyncset.done @!p0 $0x0  }
0x67: {  	[sflag:s0] =	ssyncadd.s32 @!p0 s1  }
0x68: {  	[bflag:$0x3] =	sbarrier.arrive $0xFFFF  }
0x69: {  	_ =	shalt  }

</sc_bundles>
